<compile_context>
chip_gen: v7x
topology: tpu7x:2x2x1
jax: 0.10.2.dev20260603
libtpu: 0.0.44.dev20260713+nightly
codegen_flags: <defaults>
</compile_context>

<pallas_src>
import functools

import jax
import jax.numpy as jnp
from jax import lax
from jax.experimental import pallas as pl
from jax.experimental.pallas import tpu as pltpu
from jax.experimental.pallas import tpu_sc as plsc

N = 10000
E = 320000
S = 16
F = 5
H = 128
NC = 2
NT = 16
L = 16
CH = 80
BLK = 400

_mesh = plsc.VectorSubcoreMesh(core_axis_name="c", subcore_axis_name="s")
_sc_params = pltpu.CompilerParams(use_tc_tiling_on_sc=False,
                                  needs_layout_passes=False)


def _zeros16():
    return jnp.zeros((L,), jnp.float32)



_EPT_DEG = E // (NC * NT)
_RT = 5
_RSTR = N // _RT


def _deg_body(dst_hbm, out_hbm, dst_v, deg_v, tmp_v, acc_v, deg_sh):
    cid = lax.axis_index("c")
    sid = lax.axis_index("s")
    tile = cid * NT + sid
    pltpu.sync_copy(dst_hbm.at[pl.ds(tile * _EPT_DEG, _EPT_DEG)], dst_v)

    def _zero(i, _):
        deg_v[pl.ds(i * L, L)] = _zeros16()
        return _
    lax.fori_loop(0, N // L, _zero, None)

    ones = jnp.ones((L,), jnp.float32)

    def _hist(i, _):
        idx = dst_v[pl.ds(i * L, L)]
        plsc.addupdate_scatter(deg_v, [idx], ones)
        return _
    lax.fori_loop(0, _EPT_DEG // L, _hist, None)

    pltpu.sync_copy(deg_v, deg_sh.at[sid])
    plsc.subcore_barrier()

    @pl.when(sid < _RT)
    def _reduce():
        base = sid * _RSTR
        pltpu.sync_copy(deg_sh.at[0, pl.ds(base, _RSTR)], acc_v)

        def _acc_tile(k, _):
            pltpu.sync_copy(deg_sh.at[k, pl.ds(base, _RSTR)], tmp_v)

            def _add(i, __):
                acc_v[pl.ds(i * L, L)] = acc_v[pl.ds(i * L, L)] + tmp_v[pl.ds(i * L, L)]
                return __
            lax.fori_loop(0, _RSTR // L, _add, None)
            return _
        lax.fori_loop(1, NT, _acc_tile, None)
        pltpu.sync_copy(acc_v, out_hbm.at[cid, pl.ds(base, _RSTR)])


_deg_kernel = functools.partial(
    pl.kernel,
    out_type=jax.ShapeDtypeStruct((NC, N), jnp.float32),
    mesh=_mesh,
    scratch_types=[
        pltpu.VMEM((_EPT_DEG,), jnp.int32),
        pltpu.VMEM((N,), jnp.float32),
        pltpu.VMEM((_RSTR,), jnp.float32),
        pltpu.VMEM((_RSTR,), jnp.float32),
        pltpu.VMEM_SHARED((NT, N), jnp.float32),
    ],
    compiler_params=_sc_params,
)(_deg_body)



_EPT1 = E // (NC * NT)
_NCH1 = _EPT1 // CH
_STR = N // NT
_D1 = S * F


_ZR = 125


def _agg1_body(xs_hbm, src_hbm, dst_hbm, out_hbm,
               src_v, dst_v, srcb, dstb, rows_v, zero_v, acc_sh, sem):
    cid = lax.axis_index("c")
    sid = lax.axis_index("s")
    tile = cid * NT + sid
    base_e = tile * _EPT1
    pltpu.sync_copy(src_hbm.at[pl.ds(base_e, _EPT1)], src_v)
    pltpu.sync_copy(dst_hbm.at[pl.ds(base_e, _EPT1)], dst_v)

    def _zero(i, _):
        for q in range(_D1 // L):
            zero_v[i, pl.ds(q * L, L)] = _zeros16()
        return _
    lax.fori_loop(0, _ZR, _zero, None)
    for z in range(_STR // _ZR):
        pltpu.sync_copy(zero_v, acc_sh.at[pl.ds(sid * _STR + z * _ZR, _ZR)])
    plsc.subcore_barrier()

    def _chunk(j, _):
        for q in range(CH // L):
            srcb[pl.ds(q * L, L)] = src_v[pl.ds(j * CH + q * L, L)]
            dstb[pl.ds(q * L, L)] = dst_v[pl.ds(j * CH + q * L, L)]
        pltpu.async_copy(xs_hbm.at[srcb], rows_v, sem).wait()
        pltpu.sync_copy(rows_v, acc_sh.at[dstb], add=True)
        return _
    lax.fori_loop(0, _NCH1, _chunk, None)

    plsc.subcore_barrier()
    pltpu.sync_copy(acc_sh.at[pl.ds(sid * _STR, _STR)],
                    out_hbm.at[cid, pl.ds(sid * _STR, _STR)])


_agg1_kernel = functools.partial(
    pl.kernel,
    out_type=jax.ShapeDtypeStruct((NC, N, _D1), jnp.float32),
    mesh=_mesh,
    scratch_types=[
        pltpu.VMEM((_EPT1,), jnp.int32),
        pltpu.VMEM((_EPT1,), jnp.int32),
        pltpu.VMEM((CH,), jnp.int32),
        pltpu.VMEM((CH,), jnp.int32),
        pltpu.VMEM((CH, _D1), jnp.float32),
        pltpu.VMEM((_ZR, _D1), jnp.float32),
        pltpu.VMEM_SHARED((N, _D1), jnp.float32),
        pltpu.SemaphoreType.DMA,
    ],
    compiler_params=_sc_params,
)(_agg1_body)



_EPT2 = E // NT
_NCH2 = _EPT2 // CH
_SPC = S // NC


_PKSH = 14
_PKMSK = (1 << _PKSH) - 1


_NCHP = 252
_TRASH = N


def _agg2_body(h1s_hbm, pk_hbm, out_hbm,
               srcb0, srcb1, srcb2, dstb0, dstb1, dstb2,
               pkb0, pkb1, pkb2, rows_v,
               acc_sh, g0, g1, g2, s0, s1, s2, k0, k1, k2):
    cid = lax.axis_index("c")
    sid = lax.axis_index("s")
    base_e = sid * _EPT2
    srcbs = (srcb0, srcb1, srcb2)
    dstbs = (dstb0, dstb1, dstb2)
    pkbs = (pkb0, pkb1, pkb2)
    gsems = (g0, g1, g2)
    ssems = (s0, s1, s2)
    ksems = (k0, k1, k2)

    def _pk_off(c):
        return base_e + jnp.minimum(c * CH, _EPT2 - CH)

    def _issue_pk(p, c):
        pltpu.async_copy(pk_hbm.at[pl.ds(_pk_off(c), CH)], pkbs[p], ksems[p])

    def _wait_pk(p, c):
        pltpu.make_async_copy(pk_hbm.at[pl.ds(_pk_off(c), CH)], pkbs[p],
                              ksems[p]).wait()

    def _fill(p, c, shift):
        iota = lax.iota(jnp.int32, L)
        for q in range(CH // L):
            v = pkbs[p][pl.ds(q * L, L)]
            lane = c * CH + q * L + iota
            valid = lane < _EPT2
            srcbs[p][pl.ds(q * L, L)] = (v >> _PKSH) + shift
            dstbs[p][pl.ds(q * L, L)] = jnp.where(valid, v & _PKMSK, _TRASH)

    def _issue_g(p):
        pltpu.async_copy(h1s_hbm.at[srcbs[p]], rows_v.at[p], gsems[p])

    def _wait_g(p):
        pltpu.make_async_copy(h1s_hbm.at[srcbs[p]], rows_v.at[p],
                              gsems[p]).wait()

    def _issue_s(p):
        pltpu.async_copy(rows_v.at[p], acc_sh.at[dstbs[p]], ssems[p], add=True)

    def _wait_s(p):
        pltpu.make_async_copy(rows_v.at[p], acc_sh.at[dstbs[p]],
                              ssems[p]).wait()

    def _zero_rows0():
        def _z(i, _):
            for q in range(H // L):
                rows_v[0, i, pl.ds(q * L, L)] = _zeros16()
            return _
        lax.fori_loop(0, CH, _z, None)

    def _zero_stripe():
        base = sid * _STR
        for z in range(_STR // CH):
            pltpu.sync_copy(rows_v.at[0], acc_sh.at[pl.ds(base + z * CH, CH)])
        rem = _STR - (_STR // CH) * CH
        if rem:
            pltpu.sync_copy(rows_v.at[0, pl.ds(0, rem)],
                            acc_sh.at[pl.ds(base + (_STR // CH) * CH, rem)])

    _zero_rows0()

    def _slice(s_loc, _):
        shift = (cid * _SPC + s_loc) * N
        _zero_stripe()
        plsc.subcore_barrier()

        for p in range(3):
            _issue_pk(p, p)

        def _tri(j, __):
            for p in range(3):
                c = 3 * j + p
                prev = (p + 2) % 3
                if p == 0:
                    @pl.when(j > 0)
                    def _wg():
                        _wait_g(prev)
                        _issue_s(prev)
                else:
                    _wait_g(prev)
                    _issue_s(prev)
                _wait_pk(p, c)

                @pl.when(j > 0)
                def _ws():
                    _wait_s(p)
                _fill(p, c, shift)
                _issue_g(p)
                _issue_pk(p, c + 3)
            return __
        lax.fori_loop(0, _NCHP // 3, _tri, None)

        _wait_g(2)
        _issue_s(2)
        _wait_s(0)
        _wait_s(1)
        _wait_s(2)
        for p in range(3):
            _wait_pk(p, _NCHP + p)

        plsc.subcore_barrier()
        pltpu.sync_copy(acc_sh.at[pl.ds(sid * _STR, _STR)],
                        out_hbm.at[cid * _SPC + s_loc, pl.ds(sid * _STR, _STR)])
        _zero_rows0()
        return _
    lax.fori_loop(0, _SPC, _slice, None)


_agg2_kernel = functools.partial(
    pl.kernel,
    out_type=jax.ShapeDtypeStruct((S, N, H), jnp.float32),
    mesh=_mesh,
    scratch_types=[
        pltpu.VMEM((CH,), jnp.int32),
        pltpu.VMEM((CH,), jnp.int32),
        pltpu.VMEM((CH,), jnp.int32),
        pltpu.VMEM((CH,), jnp.int32),
        pltpu.VMEM((CH,), jnp.int32),
        pltpu.VMEM((CH,), jnp.int32),
        pltpu.VMEM((CH,), jnp.int32),
        pltpu.VMEM((CH,), jnp.int32),
        pltpu.VMEM((CH,), jnp.int32),
        pltpu.VMEM((3, CH, H), jnp.float32),
        pltpu.VMEM_SHARED((N + L, H), jnp.float32),
        pltpu.SemaphoreType.DMA,
        pltpu.SemaphoreType.DMA,
        pltpu.SemaphoreType.DMA,
        pltpu.SemaphoreType.DMA,
        pltpu.SemaphoreType.DMA,
        pltpu.SemaphoreType.DMA,
        pltpu.SemaphoreType.DMA,
        pltpu.SemaphoreType.DMA,
        pltpu.SemaphoreType.DMA,
    ],
    compiler_params=_sc_params,
)(_agg2_body)




def _tc1_body(agg_ref, xs_ref, dinv_ref, wbd_ref, bt_ref, out_ref):
    dinv = dinv_ref[...]
    pre = dinv * (agg_ref[0] + agg_ref[1] + xs_ref[...])
    val = jnp.dot(pre, wbd_ref[...], preferred_element_type=jnp.float32,
                precision=lax.Precision.HIGHEST)
    val = dinv * jnp.maximum(val + bt_ref[...], 0.0)
    for s in range(S):
        out_ref[s] = val[:, s * H:(s + 1) * H]


def _tc1(agg1, xs, dinv2d, wbd, bt):
    return pl.pallas_call(
        _tc1_body,
        grid=(N // BLK,),
        in_specs=[
            pl.BlockSpec((NC, BLK, _D1), lambda i: (0, i, 0)),
            pl.BlockSpec((BLK, _D1), lambda i: (i, 0)),
            pl.BlockSpec((BLK, 1), lambda i: (i, 0)),
            pl.BlockSpec((_D1, S * H), lambda i: (0, 0)),
            pl.BlockSpec((1, S * H), lambda i: (0, 0)),
        ],
        out_specs=pl.BlockSpec((S, BLK, H), lambda i: (0, i, 0)),
        out_shape=jax.ShapeDtypeStruct((S, N, H), jnp.float32),
    )(agg1, xs, dinv2d, wbd, bt)




def _tc2_body(agg2_ref, h1s_ref, dinv_ref, w2_ref, b2_ref, wih_ref, whh_ref,
              bsum_ref, wd1_ref, bd1_ref, wd2_ref, bd2_ref, out_ref):
    dinv = dinv_ref[...]
    w2 = w2_ref[...]
    b2 = b2_ref[...]
    h2 = []
    for s in range(S):
        pre = dinv * (agg2_ref[s] + h1s_ref[s])
        g = jnp.dot(pre, w2, preferred_element_type=jnp.float32,
                precision=lax.Precision.HIGHEST) + b2
        h2.append(jnp.maximum(g, 0.0))

    wih = wih_ref[...]
    whh = whh_ref[...]
    bsum = bsum_ref[...]
    for b in range(2):
        h = jnp.zeros((BLK, H), jnp.float32)
        c = jnp.zeros((BLK, H), jnp.float32)
        for t in range(S // 2):
            xt = h2[b * (S // 2) + t]
            g = (jnp.dot(xt, wih, preferred_element_type=jnp.float32,
                precision=lax.Precision.HIGHEST)
                 + jnp.dot(h, whh, preferred_element_type=jnp.float32,
                precision=lax.Precision.HIGHEST) + bsum)
            i_g = jax.nn.sigmoid(g[:, :H])
            f_g = jax.nn.sigmoid(g[:, H:2 * H])
            g_g = jnp.tanh(g[:, 2 * H:3 * H])
            o_g = jax.nn.sigmoid(g[:, 3 * H:])
            c = f_g * c + i_g * g_g
            h = o_g * jnp.tanh(c)
        d = jnp.maximum(
            jnp.dot(h, wd1_ref[...], preferred_element_type=jnp.float32,
                precision=lax.Precision.HIGHEST)
            + bd1_ref[...], 0.0)
        p = jnp.dot(d, wd2_ref[...], preferred_element_type=jnp.float32,
                precision=lax.Precision.HIGHEST) + bd2_ref[...]
        out_ref[:, b:b + 1] = p


def _tc2(agg2, h1s, dinv2d, w2, b2r, wihT, whhT, bsum, wd1, bd1r, wd2, bd2r):
    return pl.pallas_call(
        _tc2_body,
        grid=(N // BLK,),
        in_specs=[
            pl.BlockSpec((S, BLK, H), lambda i: (0, i, 0)),
            pl.BlockSpec((S, BLK, H), lambda i: (0, i, 0)),
            pl.BlockSpec((BLK, 1), lambda i: (i, 0)),
            pl.BlockSpec((H, H), lambda i: (0, 0)),
            pl.BlockSpec((1, H), lambda i: (0, 0)),
            pl.BlockSpec((H, 4 * H), lambda i: (0, 0)),
            pl.BlockSpec((H, 4 * H), lambda i: (0, 0)),
            pl.BlockSpec((1, 4 * H), lambda i: (0, 0)),
            pl.BlockSpec((H, H // 2), lambda i: (0, 0)),
            pl.BlockSpec((1, H // 2), lambda i: (0, 0)),
            pl.BlockSpec((H // 2, 1), lambda i: (0, 0)),
            pl.BlockSpec((1, 1), lambda i: (0, 0)),
        ],
        out_specs=pl.BlockSpec((BLK, 2), lambda i: (i, 0)),
        out_shape=jax.ShapeDtypeStruct((N, 2), jnp.float32),
    )(agg2, h1s, dinv2d, w2, b2r, wihT, whhT, bsum, wd1, bd1r, wd2, bd2r)




def kernel(x, edge_index, W1, b1, W2, b2, W_ih, W_hh, b_ih, b_hh,
           Wd1, bd1, Wd2, bd2):
    src = edge_index[0]
    dst = edge_index[1]

    deg_parts = _deg_kernel(dst)
    deg = deg_parts[0] + deg_parts[1] + 1.0
    dinv = lax.rsqrt(deg)

    xp = jnp.transpose(x, (2, 0, 1, 3)).reshape(N, _D1)
    xs = xp * dinv[:, None]

    agg1 = _agg1_kernel(xs, src, dst)

    dinv2d = dinv[:, None]
    wbd = jnp.kron(jnp.eye(S, dtype=jnp.float32), W1)
    bt = jnp.tile(b1, S)[None, :]
    h1s = _tc1(agg1, xs, dinv2d, wbd, bt)

    pk = (src << _PKSH) | dst
    agg2 = _agg2_kernel(h1s.reshape(S * N, H), pk)

    out_t = _tc2(agg2, h1s, dinv2d, W2, b2[None, :], W_ih.T, W_hh.T,
                 (b_ih + b_hh)[None, :], Wd1, bd1[None, :], Wd2, bd2[None, :])
    return out_t.T

# --- scband reference (transcript-rebuilt; emitter-appended) ---
"""Pipeline reference for scband-hybrid-stgnn-54924041781321 (READ-ONLY COPY).

The authoritative reference and input builder live on the scoring server;
editing this copy changes nothing except your own understanding.
"""

import jax, jax.numpy as jnp
import numpy as np

B, W_WIN, N, F_IN, H, E = 2, 8, 10000, 5, 128, 320000

def setup_inputs(seed: int = 0):
    key = jax.random.key(seed)
    ks = jax.random.split(key, 14)
    x = jax.random.normal(ks[0], (B, W_WIN, N, F_IN), dtype=jnp.float32)
    edge_index = jax.random.randint(ks[1], (2, E), 0, N, dtype=jnp.int32)
    s_in = 1.0 / np.sqrt(F_IN)
    s_h = 1.0 / np.sqrt(H)
    W1 = jax.random.normal(ks[2], (F_IN, H), dtype=jnp.float32) * s_in
    b1 = jnp.zeros((H,), dtype=jnp.float32)
    W2 = jax.random.normal(ks[3], (H, H), dtype=jnp.float32) * s_h
    b2 = jnp.zeros((H,), dtype=jnp.float32)
    W_ih = jax.random.normal(ks[4], (4 * H, H), dtype=jnp.float32) * s_h
    W_hh = jax.random.normal(ks[5], (4 * H, H), dtype=jnp.float32) * s_h
    b_ih = jax.random.normal(ks[6], (4 * H,), dtype=jnp.float32) * s_h
    b_hh = jax.random.normal(ks[7], (4 * H,), dtype=jnp.float32) * s_h
    Wd1 = jax.random.normal(ks[8], (H, H // 2), dtype=jnp.float32) * s_h
    bd1 = jnp.zeros((H // 2,), dtype=jnp.float32)
    Wd2 = jax.random.normal(ks[9], (H // 2, 1), dtype=jnp.float32) * (1.0 / np.sqrt(H // 2))
    bd2 = jnp.zeros((1,), dtype=jnp.float32)
    return {"x": x, "edge_index": edge_index, "W1": W1, "b1": b1, "W2": W2, "b2": b2,
            "W_ih": W_ih, "W_hh": W_hh, "b_ih": b_ih, "b_hh": b_hh,
            "Wd1": Wd1, "bd1": bd1, "Wd2": Wd2, "bd2": bd2}

def _gcn_norm(edge_index, n):
    loop = jnp.arange(n, dtype=edge_index.dtype)
    src = jnp.concatenate([edge_index[0], loop])
    dst = jnp.concatenate([edge_index[1], loop])
    deg = jnp.zeros((n,), jnp.float32).at[dst].add(1.0)
    dinv = jnp.where(deg > 0, 1.0 / jnp.sqrt(deg), 0.0)
    norm = dinv[src] * dinv[dst]
    return src, dst, norm

def _gcn_layer(h, src, dst, norm, Wm, bm, n):
    hl = h @ Wm
    msg = hl[src] * norm[:, None]
    out = jnp.zeros((n, hl.shape[1]), hl.dtype).at[dst].add(msg)
    return out + bm

def _forward(x, edge_index, W1, b1, W2, b2, W_ih, W_hh, b_ih, b_hh, Wd1, bd1, Wd2, bd2):
    Bv, Wv, Nv, Fv = x.shape
    src, dst, norm = _gcn_norm(edge_index, Nv)
    embs = []
    for b in range(Bv):
        per_t = []
        for t in range(Wv):
            h = jax.nn.relu(_gcn_layer(x[b, t], src, dst, norm, W1, b1, Nv))
            h = jax.nn.relu(_gcn_layer(h, src, dst, norm, W2, b2, Nv))
            per_t.append(h)
        embs.append(jnp.stack(per_t, 0))
    h_all = jnp.stack(embs, 0)
    seq = jnp.transpose(h_all, (0, 2, 1, 3)).reshape(Bv * Nv, Wv, h_all.shape[-1])
    Hh = W_hh.shape[1]
    h_t = jnp.zeros((Bv * Nv, Hh), seq.dtype)
    c_t = jnp.zeros((Bv * Nv, Hh), seq.dtype)
    for t in range(Wv):
        gates = seq[:, t] @ W_ih.T + b_ih + h_t @ W_hh.T + b_hh
        i_g = jax.nn.sigmoid(gates[:, :Hh])
        f_g = jax.nn.sigmoid(gates[:, Hh:2 * Hh])
        g_g = jnp.tanh(gates[:, 2 * Hh:3 * Hh])
        o_g = jax.nn.sigmoid(gates[:, 3 * Hh:])
        c_t = f_g * c_t + i_g * g_g
        h_t = o_g * jnp.tanh(c_t)
    d = jax.nn.relu(h_t @ Wd1 + bd1)
    p = d @ Wd2 + bd2
    return p.squeeze(-1).reshape(Bv, Nv)

def reference(x, edge_index, W1, b1, W2, b2, W_ih, W_hh, b_ih, b_hh, Wd1, bd1, Wd2, bd2):
    return _forward(x, edge_index, W1, b1, W2, b2, W_ih, W_hh, b_ih, b_hh, Wd1, bd1, Wd2, bd2)

if __name__ == "__main__":
    import jax
    _d = setup_inputs()
    print(jax.jit(kernel)(*tuple(_d.values())))

</pallas_src>

<mosaic_0001>
#map = affine_map<(d0, d1) -> (0, 0)>
#map1 = affine_map<(d0, d1) -> (0)>
#map2 = affine_map<(d0, d1) -> (0, 0, 0)>
module attributes {stable_mosaic.version = 14 : i64} {
  func.func @_agg2_body(%arg0: i32, %arg1: i32, %arg2: memref<160000x128xf32, #tpu.memory_space<hbm>>, %arg3: memref<320000xi32, #tpu.memory_space<hbm>>, %arg4: memref<16x10000x128xf32, #tpu.memory_space<hbm>>, %arg5: memref<80xi32, #tpu.memory_space<vmem>>, %arg6: memref<80xi32, #tpu.memory_space<vmem>>, %arg7: memref<80xi32, #tpu.memory_space<vmem>>, %arg8: memref<80xi32, #tpu.memory_space<vmem>>, %arg9: memref<80xi32, #tpu.memory_space<vmem>>, %arg10: memref<80xi32, #tpu.memory_space<vmem>>, %arg11: memref<80xi32, #tpu.memory_space<vmem>>, %arg12: memref<80xi32, #tpu.memory_space<vmem>>, %arg13: memref<80xi32, #tpu.memory_space<vmem>>, %arg14: memref<3x80x128xf32, #tpu.memory_space<vmem>>, %arg15: memref<10016x128xf32, #tpu.memory_space<vmem_shared>>, %arg16: memref<!tpu.dma_semaphore, #tpu.memory_space<semaphore_mem>>, %arg17: memref<!tpu.dma_semaphore, #tpu.memory_space<semaphore_mem>>, %arg18: memref<!tpu.dma_semaphore, #tpu.memory_space<semaphore_mem>>, %arg19: memref<!tpu.dma_semaphore, #tpu.memory_space<semaphore_mem>>, %arg20: memref<!tpu.dma_semaphore, #tpu.memory_space<semaphore_mem>>, %arg21: memref<!tpu.dma_semaphore, #tpu.memory_space<semaphore_mem>>, %arg22: memref<!tpu.dma_semaphore, #tpu.memory_space<semaphore_mem>>, %arg23: memref<!tpu.dma_semaphore, #tpu.memory_space<semaphore_mem>>, %arg24: memref<!tpu.dma_semaphore, #tpu.memory_space<semaphore_mem>>) attributes {dimension_semantics = [#tpu.dimension_semantics<core_parallel>, #tpu.dimension_semantics<subcore_parallel>], iteration_bounds = array<i64: 2, 16>, scalar_prefetch = 0 : i64, scratch_operands = 20 : i64, tpu.core_type = #tpu.core_type<sc_vector_subcore>, window_params = [{transform_indices = #map}, {transform_indices = #map1}, {transform_indices = #map2}]} {
    %mul3A = arith.constant 20000 : i32
    %mul3A_0 = arith.muli %arg1, %mul3A : i32
    %scan3A = arith.constant 0 : i32
    %scan3A_1 = arith.constant 80 : i32
    %scan3A_2 = arith.addi %scan3A, %scan3A_1 : i32
    %scan3A_3 = arith.constant 1 : i32
    scf.for %scan3A_10 = %scan3A to %scan3A_2 step %scan3A_3  : i32 {
      %broadcast_in_dim3A = arith.constant 0.000000e+00 : f32
      %broadcast_in_dim3A_11 = vector.broadcast %broadcast_in_dim3A : f32 to vector<16xf32>
      %swap3A = arith.constant 0 : i32
      %swap3A_12 = arith.index_cast %swap3A : i32 to index
      %swap3A_13 = arith.index_cast %scan3A_10 : i32 to index
      %swap3A_14 = arith.constant 0 : index
      %swap3A_15 = tpu.vector_load %arg14[%swap3A_12, %swap3A_13, %swap3A_14] {strides = array<i32>} : memref<3x80x128xf32, #tpu.memory_space<vmem>>, vector<16xf32>,
      tpu.vector_store %arg14[%swap3A_12, %swap3A_13, %swap3A_14], %broadcast_in_dim3A_11 {strides = array<i32>} : memref<3x80x128xf32, #tpu.memory_space<vmem>>, vector<16xf32>,
      %broadcast_in_dim3A_16 = arith.constant 0.000000e+00 : f32
      %broadcast_in_dim3A_17 = vector.broadcast %broadcast_in_dim3A_16 : f32 to vector<16xf32>
      %swap3A_18 = arith.constant 0 : i32
      %swap3A_19 = arith.index_cast %swap3A_18 : i32 to index
      %swap3A_20 = arith.index_cast %scan3A_10 : i32 to index
      %swap3A_21 = arith.constant 16 : index
      %swap3A_22 = tpu.vector_load %arg14[%swap3A_19, %swap3A_20, %swap3A_21] {strides = array<i32>} : memref<3x80x128xf32, #tpu.memory_space<vmem>>, vector<16xf32>,
      tpu.vector_store %arg14[%swap3A_19, %swap3A_20, %swap3A_21], %broadcast_in_dim3A_17 {strides = array<i32>} : memref<3x80x128xf32, #tpu.memory_space<vmem>>, vector<16xf32>,
      %broadcast_in_dim3A_23 = arith.constant 0.000000e+00 : f32
      %broadcast_in_dim3A_24 = vector.broadcast %broadcast_in_dim3A_23 : f32 to vector<16xf32>
      %swap3A_25 = arith.constant 0 : i32
      %swap3A_26 = arith.index_cast %swap3A_25 : i32 to index
      %swap3A_27 = arith.index_cast %scan3A_10 : i32 to index
      %swap3A_28 = arith.constant 32 : index
      %swap3A_29 = tpu.vector_load %arg14[%swap3A_26, %swap3A_27, %swap3A_28] {strides = array<i32>} : memref<3x80x128xf32, #tpu.memory_space<vmem>>, vector<16xf32>,
      tpu.vector_store %arg14[%swap3A_26, %swap3A_27, %swap3A_28], %broadcast_in_dim3A_24 {strides = array<i32>} : memref<3x80x128xf32, #tpu.memory_space<vmem>>, vector<16xf32>,
      %broadcast_in_dim3A_30 = arith.constant 0.000000e+00 : f32
      %broadcast_in_dim3A_31 = vector.broadcast %broadcast_in_dim3A_30 : f32 to vector<16xf32>
      %swap3A_32 = arith.constant 0 : i32
      %swap3A_33 = arith.index_cast %swap3A_32 : i32 to index
      %swap3A_34 = arith.index_cast %scan3A_10 : i32 to index
      %swap3A_35 = arith.constant 48 : index
      %swap3A_36 = tpu.vector_load %arg14[%swap3A_33, %swap3A_34, %swap3A_35] {strides = array<i32>} : memref<3x80x128xf32, #tpu.memory_space<vmem>>, vector<16xf32>,
      tpu.vector_store %arg14[%swap3A_33, %swap3A_34, %swap3A_35], %broadcast_in_dim3A_31 {strides = array<i32>} : memref<3x80x128xf32, #tpu.memory_space<vmem>>, vector<16xf32>,
      %broadcast_in_dim3A_37 = arith.constant 0.000000e+00 : f32
      %broadcast_in_dim3A_38 = vector.broadcast %broadcast_in_dim3A_37 : f32 to vector<16xf32>
      %swap3A_39 = arith.constant 0 : i32
      %swap3A_40 = arith.index_cast %swap3A_39 : i32 to index
      %swap3A_41 = arith.index_cast %scan3A_10 : i32 to index
      %swap3A_42 = arith.constant 64 : index
      %swap3A_43 = tpu.vector_load %arg14[%swap3A_40, %swap3A_41, %swap3A_42] {strides = array<i32>} : memref<3x80x128xf32, #tpu.memory_space<vmem>>, vector<16xf32>,
      tpu.vector_store %arg14[%swap3A_40, %swap3A_41, %swap3A_42], %broadcast_in_dim3A_38 {strides = array<i32>} : memref<3x80x128xf32, #tpu.memory_space<vmem>>, vector<16xf32>,
      %broadcast_in_dim3A_44 = arith.constant 0.000000e+00 : f32
      %broadcast_in_dim3A_45 = vector.broadcast %broadcast_in_dim3A_44 : f32 to vector<16xf32>
      %swap3A_46 = arith.constant 0 : i32
      %swap3A_47 = arith.index_cast %swap3A_46 : i32 to index
      %swap3A_48 = arith.index_cast %scan3A_10 : i32 to index
      %swap3A_49 = arith.constant 80 : index
      %swap3A_50 = tpu.vector_load %arg14[%swap3A_47, %swap3A_48, %swap3A_49] {strides = array<i32>} : memref<3x80x128xf32, #tpu.memory_space<vmem>>, vector<16xf32>,
      tpu.vector_store %arg14[%swap3A_47, %swap3A_48, %swap3A_49], %broadcast_in_dim3A_45 {strides = array<i32>} : memref<3x80x128xf32, #tpu.memory_space<vmem>>, vector<16xf32>,
      %broadcast_in_dim3A_51 = arith.constant 0.000000e+00 : f32
      %broadcast_in_dim3A_52 = vector.broadcast %broadcast_in_dim3A_51 : f32 to vector<16xf32>
      %swap3A_53 = arith.constant 0 : i32
      %swap3A_54 = arith.index_cast %swap3A_53 : i32 to index
      %swap3A_55 = arith.index_cast %scan3A_10 : i32 to index
      %swap3A_56 = arith.constant 96 : index
      %swap3A_57 = tpu.vector_load %arg14[%swap3A_54, %swap3A_55, %swap3A_56] {strides = array<i32>} : memref<3x80x128xf32, #tpu.memory_space<vmem>>, vector<16xf32>,
      tpu.vector_store %arg14[%swap3A_54, %swap3A_55, %swap3A_56], %broadcast_in_dim3A_52 {strides = array<i32>} : memref<3x80x128xf32, #tpu.memory_space<vmem>>, vector<16xf32>,
      %broadcast_in_dim3A_58 = arith.constant 0.000000e+00 : f32
      %broadcast_in_dim3A_59 = vector.broadcast %broadcast_in_dim3A_58 : f32 to vector<16xf32>
      %swap3A_60 = arith.constant 0 : i32
      %swap3A_61 = arith.index_cast %swap3A_60 : i32 to index
      %swap3A_62 = arith.index_cast %scan3A_10 : i32 to index
      %swap3A_63 = arith.constant 112 : index
      %swap3A_64 = tpu.vector_load %arg14[%swap3A_61, %swap3A_62, %swap3A_63] {strides = array<i32>} : memref<3x80x128xf32, #tpu.memory_space<vmem>>, vector<16xf32>,
      tpu.vector_store %arg14[%swap3A_61, %swap3A_62, %swap3A_63], %broadcast_in_dim3A_59 {strides = array<i32>} : memref<3x80x128xf32, #tpu.memory_space<vmem>>, vector<16xf32>,
    }
    %scan3A_4 = arith.constant 80 : i32
    %scan3A_5 = arith.constant 0 : i32
    %scan3A_6 = arith.constant 8 : i32
    %scan3A_7 = arith.addi %scan3A_5, %scan3A_6 : i32
    %scan3A_8 = arith.constant 1 : i32
    scf.for %scan3A_10 = %scan3A_5 to %scan3A_7 step %scan3A_8  : i32 {
      %mul3A_11 = arith.constant 8 : i32
      %mul3A_12 = arith.muli %arg0, %mul3A_11 : i32
      %add3A = arith.addi %mul3A_12, %scan3A_10 : i32
      %mul3A_13 = arith.constant 10000 : i32
      %mul3A_14 = arith.muli %add3A, %mul3A_13 : i32
      %mul3A_15 = arith.constant 625 : i32
      %mul3A_16 = arith.muli %arg1, %mul3A_15 : i32
      %add3A_17 = arith.constant 0 : i32
      %add3A_18 = arith.addi %mul3A_16, %add3A_17 : i32
      %run_scoped3A = arith.constant 0 : i32
      "tpu.region"() ({
        %run_scoped3A_131 = tpu.sem_alloc : memref<!tpu.dma_semaphore, #tpu.memory_space<semaphore_mem>>
        %dma_start3A_132 = arith.constant 0 : i32
        %dma_start3A_133 = arith.constant 0 : i32
        %dma_start3A_134 = tpu.memref_slice %arg14[%run_scoped3A, %dma_start3A_132, %dma_start3A_133] : memref<3x80x128xf32, #tpu.memory_space<vmem>> -> memref<1x80x128xf32, #tpu.memory_space<vmem>>
        %dma_start3A_135 = tpu.memref_squeeze %dma_start3A_134 : memref<1x80x128xf32, #tpu.memory_space<vmem>> -> memref<80x128xf32, #tpu.memory_space<vmem>>
        %dma_start3A_136 = arith.constant 0 : i32
        %dma_start3A_137 = tpu.memref_slice %arg15[%add3A_18, %dma_start3A_136] : memref<10016x128xf32, #tpu.memory_space<vmem_shared>> -> memref<80x128xf32, #tpu.memory_space<vmem_shared>>
        %dma_start3A_138 = arith.constant 0 : i32
        %dma_start3A_139 = tpu.memref_slice %arg15[%add3A_18, %dma_start3A_138] : memref<10016x128xf32, #tpu.memory_space<vmem_shared>> -> memref<80x128xf32, #tpu.memory_space<vmem_shared>>
        %dma_start3A_140 = arith.constant 0 : i32
        %dma_start3A_141 = arith.constant 0 : i32
        %dma_start3A_142 = tpu.memref_slice %arg14[%run_scoped3A, %dma_start3A_140, %dma_start3A_141] : memref<3x80x128xf32, #tpu.memory_space<vmem>> -> memref<1x80x128xf32, #tpu.memory_space<vmem>>
        %dma_start3A_143 = tpu.memref_squeeze %dma_start3A_142 : memref<1x80x128xf32, #tpu.memory_space<vmem>> -> memref<80x128xf32, #tpu.memory_space<vmem>>
        tpu.enqueue_dma source(%dma_start3A_143 : memref<80x128xf32, #tpu.memory_space<vmem>>) target(%dma_start3A_139 : memref<80x128xf32, #tpu.memory_space<vmem_shared>>) target_semaphore(%run_scoped3A_131 : memref<!tpu.dma_semaphore, #tpu.memory_space<semaphore_mem>>)
        %dma_wait3A_144 = arith.constant 0 : i32
        %dma_wait3A_145 = arith.constant 0 : i32
        %dma_wait3A_146 = tpu.memref_slice %arg14[%run_scoped3A, %dma_wait3A_144, %dma_wait3A_145] : memref<3x80x128xf32, #tpu.memory_space<vmem>> -> memref<1x80x128xf32, #tpu.memory_space<vmem>>
        %dma_wait3A_147 = tpu.memref_squeeze %dma_wait3A_146 : memref<1x80x128xf32, #tpu.memory_space<vmem>> -> memref<80x128xf32, #tpu.memory_space<vmem>>
        %dma_wait3A_148 = arith.constant 0 : i32
        %dma_wait3A_149 = tpu.memref_slice %arg15[%add3A_18, %dma_wait3A_148] : memref<10016x128xf32, #tpu.memory_space<vmem_shared>> -> memref<80x128xf32, #tpu.memory_space<vmem_shared>>
        %dma_wait3A_150 = arith.constant 0 : i32
        %dma_wait3A_151 = tpu.memref_slice %arg15[%add3A_18, %dma_wait3A_150] : memref<10016x128xf32, #tpu.memory_space<vmem_shared>> -> memref<80x128xf32, #tpu.memory_space<vmem_shared>>
        %dma_wait3A_152 = arith.constant 0 : i32
        %dma_wait3A_153 = arith.constant 0 : i32
        %dma_wait3A_154 = tpu.memref_slice %arg14[%run_scoped3A, %dma_wait3A_152, %dma_wait3A_153] : memref<3x80x128xf32, #tpu.memory_space<vmem>> -> memref<1x80x128xf32, #tpu.memory_space<vmem>>
        %dma_wait3A_155 = tpu.memref_squeeze %dma_wait3A_154 : memref<1x80x128xf32, #tpu.memory_space<vmem>> -> memref<80x128xf32, #tpu.memory_space<vmem>>
        tpu.wait_dma2 semaphore(%run_scoped3A_131 : memref<!tpu.dma_semaphore, #tpu.memory_space<semaphore_mem>>) src(%dma_wait3A_155 : memref<80x128xf32, #tpu.memory_space<vmem>>) dst(%dma_wait3A_151 : memref<80x128xf32, #tpu.memory_space<vmem_shared>>)
        tpu.yield
      }) : () -> ()
      %add3A_19 = arith.constant 80 : i32
      %add3A_20 = arith.addi %mul3A_16, %add3A_19 : i32
      %run_scoped3A_21 = arith.constant 0 : i32
      "tpu.region"() ({
        %run_scoped3A_131 = tpu.sem_alloc : memref<!tpu.dma_semaphore, #tpu.memory_space<semaphore_mem>>
        %dma_start3A_132 = arith.constant 0 : i32
        %dma_start3A_133 = arith.constant 0 : i32
        %dma_start3A_134 = tpu.memref_slice %arg14[%run_scoped3A_21, %dma_start3A_132, %dma_start3A_133] : memref<3x80x128xf32, #tpu.memory_space<vmem>> -> memref<1x80x128xf32, #tpu.memory_space<vmem>>
        %dma_start3A_135 = tpu.memref_squeeze %dma_start3A_134 : memref<1x80x128xf32, #tpu.memory_space<vmem>> -> memref<80x128xf32, #tpu.memory_space<vmem>>
        %dma_start3A_136 = arith.constant 0 : i32
        %dma_start3A_137 = tpu.memref_slice %arg15[%add3A_20, %dma_start3A_136] : memref<10016x128xf32, #tpu.memory_space<vmem_shared>> -> memref<80x128xf32, #tpu.memory_space<vmem_shared>>
        %dma_start3A_138 = arith.constant 0 : i32
        %dma_start3A_139 = tpu.memref_slice %arg15[%add3A_20, %dma_start3A_138] : memref<10016x128xf32, #tpu.memory_space<vmem_shared>> -> memref<80x128xf32, #tpu.memory_space<vmem_shared>>
        %dma_start3A_140 = arith.constant 0 : i32
        %dma_start3A_141 = arith.constant 0 : i32
        %dma_start3A_142 = tpu.memref_slice %arg14[%run_scoped3A_21, %dma_start3A_140, %dma_start3A_141] : memref<3x80x128xf32, #tpu.memory_space<vmem>> -> memref<1x80x128xf32, #tpu.memory_space<vmem>>
        %dma_start3A_143 = tpu.memref_squeeze %dma_start3A_142 : memref<1x80x128xf32, #tpu.memory_space<vmem>> -> memref<80x128xf32, #tpu.memory_space<vmem>>
        tpu.enqueue_dma source(%dma_start3A_143 : memref<80x128xf32, #tpu.memory_space<vmem>>) target(%dma_start3A_139 : memref<80x128xf32, #tpu.memory_space<vmem_shared>>) target_semaphore(%run_scoped3A_131 : memref<!tpu.dma_semaphore, #tpu.memory_space<semaphore_mem>>)
        %dma_wait3A_144 = arith.constant 0 : i32
        %dma_wait3A_145 = arith.constant 0 : i32
        %dma_wait3A_146 = tpu.memref_slice %arg14[%run_scoped3A_21, %dma_wait3A_144, %dma_wait3A_145] : memref<3x80x128xf32, #tpu.memory_space<vmem>> -> memref<1x80x128xf32, #tpu.memory_space<vmem>>
        %dma_wait3A_147 = tpu.memref_squeeze %dma_wait3A_146 : memref<1x80x128xf32, #tpu.memory_space<vmem>> -> memref<80x128xf32, #tpu.memory_space<vmem>>
        %dma_wait3A_148 = arith.constant 0 : i32
        %dma_wait3A_149 = tpu.memref_slice %arg15[%add3A_20, %dma_wait3A_148] : memref<10016x128xf32, #tpu.memory_space<vmem_shared>> -> memref<80x128xf32, #tpu.memory_space<vmem_shared>>
        %dma_wait3A_150 = arith.constant 0 : i32
        %dma_wait3A_151 = tpu.memref_slice %arg15[%add3A_20, %dma_wait3A_150] : memref<10016x128xf32, #tpu.memory_space<vmem_shared>> -> memref<80x128xf32, #tpu.memory_space<vmem_shared>>
        %dma_wait3A_152 = arith.constant 0 : i32
        %dma_wait3A_153 = arith.constant 0 : i32
        %dma_wait3A_154 = tpu.memref_slice %arg14[%run_scoped3A_21, %dma_wait3A_152, %dma_wait3A_153] : memref<3x80x128xf32, #tpu.memory_space<vmem>> -> memref<1x80x128xf32, #tpu.memory_space<vmem>>
        %dma_wait3A_155 = tpu.memref_squeeze %dma_wait3A_154 : memref<1x80x128xf32, #tpu.memory_space<vmem>> -> memref<80x128xf32, #tpu.memory_space<vmem>>
        tpu.wait_dma2 semaphore(%run_scoped3A_131 : memref<!tpu.dma_semaphore, #tpu.memory_space<semaphore_mem>>) src(%dma_wait3A_155 : memref<80x128xf32, #tpu.memory_space<vmem>>) dst(%dma_wait3A_151 : memref<80x128xf32, #tpu.memory_space<vmem_shared>>)
        tpu.yield
      }) : () -> ()
      %add3A_22 = arith.constant 160 : i32
      %add3A_23 = arith.addi %mul3A_16, %add3A_22 : i32
      %run_scoped3A_24 = arith.constant 0 : i32
      "tpu.region"() ({
        %run_scoped3A_131 = tpu.sem_alloc : memref<!tpu.dma_semaphore, #tpu.memory_space<semaphore_mem>>
        %dma_start3A_132 = arith.constant 0 : i32
        %dma_start3A_133 = arith.constant 0 : i32
        %dma_start3A_134 = tpu.memref_slice %arg14[%run_scoped3A_24, %dma_start3A_132, %dma_start3A_133] : memref<3x80x128xf32, #tpu.memory_space<vmem>> -> memref<1x80x128xf32, #tpu.memory_space<vmem>>
        %dma_start3A_135 = tpu.memref_squeeze %dma_start3A_134 : memref<1x80x128xf32, #tpu.memory_space<vmem>> -> memref<80x128xf32, #tpu.memory_space<vmem>>
        %dma_start3A_136 = arith.constant 0 : i32
        %dma_start3A_137 = tpu.memref_slice %arg15[%add3A_23, %dma_start3A_136] : memref<10016x128xf32, #tpu.memory_space<vmem_shared>> -> memref<80x128xf32, #tpu.memory_space<vmem_shared>>
        %dma_start3A_138 = arith.constant 0 : i32
        %dma_start3A_139 = tpu.memref_slice %arg15[%add3A_23, %dma_start3A_138] : memref<10016x128xf32, #tpu.memory_space<vmem_shared>> -> memref<80x128xf32, #tpu.memory_space<vmem_shared>>
        %dma_start3A_140 = arith.constant 0 : i32
        %dma_start3A_141 = arith.constant 0 : i32
        %dma_start3A_142 = tpu.memref_slice %arg14[%run_scoped3A_24, %dma_start3A_140, %dma_start3A_141] : memref<3x80x128xf32, #tpu.memory_space<vmem>> -> memref<1x80x128xf32, #tpu.memory_space<vmem>>
        %dma_start3A_143 = tpu.memref_squeeze %dma_start3A_142 : memref<1x80x128xf32, #tpu.memory_space<vmem>> -> memref<80x128xf32, #tpu.memory_space<vmem>>
        tpu.enqueue_dma source(%dma_start3A_143 : memref<80x128xf32, #tpu.memory_space<vmem>>) target(%dma_start3A_139 : memref<80x128xf32, #tpu.memory_space<vmem_shared>>) target_semaphore(%run_scoped3A_131 : memref<!tpu.dma_semaphore, #tpu.memory_space<semaphore_mem>>)
        %dma_wait3A_144 = arith.constant 0 : i32
        %dma_wait3A_145 = arith.constant 0 : i32
        %dma_wait3A_146 = tpu.memref_slice %arg14[%run_scoped3A_24, %dma_wait3A_144, %dma_wait3A_145] : memref<3x80x128xf32, #tpu.memory_space<vmem>> -> memref<1x80x128xf32, #tpu.memory_space<vmem>>
        %dma_wait3A_147 = tpu.memref_squeeze %dma_wait3A_146 : memref<1x80x128xf32, #tpu.memory_space<vmem>> -> memref<80x128xf32, #tpu.memory_space<vmem>>
        %dma_wait3A_148 = arith.constant 0 : i32
        %dma_wait3A_149 = tpu.memref_slice %arg15[%add3A_23, %dma_wait3A_148] : memref<10016x128xf32, #tpu.memory_space<vmem_shared>> -> memref<80x128xf32, #tpu.memory_space<vmem_shared>>
        %dma_wait3A_150 = arith.constant 0 : i32
        %dma_wait3A_151 = tpu.memref_slice %arg15[%add3A_23, %dma_wait3A_150] : memref<10016x128xf32, #tpu.memory_space<vmem_shared>> -> memref<80x128xf32, #tpu.memory_space<vmem_shared>>
        %dma_wait3A_152 = arith.constant 0 : i32
        %dma_wait3A_153 = arith.constant 0 : i32
        %dma_wait3A_154 = tpu.memref_slice %arg14[%run_scoped3A_24, %dma_wait3A_152, %dma_wait3A_153] : memref<3x80x128xf32, #tpu.memory_space<vmem>> -> memref<1x80x128xf32, #tpu.memory_space<vmem>>
        %dma_wait3A_155 = tpu.memref_squeeze %dma_wait3A_154 : memref<1x80x128xf32, #tpu.memory_space<vmem>> -> memref<80x128xf32, #tpu.memory_space<vmem>>
        tpu.wait_dma2 semaphore(%run_scoped3A_131 : memref<!tpu.dma_semaphore, #tpu.memory_space<semaphore_mem>>) src(%dma_wait3A_155 : memref<80x128xf32, #tpu.memory_space<vmem>>) dst(%dma_wait3A_151 : memref<80x128xf32, #tpu.memory_space<vmem_shared>>)
        tpu.yield
      }) : () -> ()
      %add3A_25 = arith.constant 240 : i32
      %add3A_26 = arith.addi %mul3A_16, %add3A_25 : i32
      %run_scoped3A_27 = arith.constant 0 : i32
      "tpu.region"() ({
        %run_scoped3A_131 = tpu.sem_alloc : memref<!tpu.dma_semaphore, #tpu.memory_space<semaphore_mem>>
        %dma_start3A_132 = arith.constant 0 : i32
        %dma_start3A_133 = arith.constant 0 : i32
        %dma_start3A_134 = tpu.memref_slice %arg14[%run_scoped3A_27, %dma_start3A_132, %dma_start3A_133] : memref<3x80x128xf32, #tpu.memory_space<vmem>> -> memref<1x80x128xf32, #tpu.memory_space<vmem>>
        %dma_start3A_135 = tpu.memref_squeeze %dma_start3A_134 : memref<1x80x128xf32, #tpu.memory_space<vmem>> -> memref<80x128xf32, #tpu.memory_space<vmem>>
        %dma_start3A_136 = arith.constant 0 : i32
        %dma_start3A_137 = tpu.memref_slice %arg15[%add3A_26, %dma_start3A_136] : memref<10016x128xf32, #tpu.memory_space<vmem_shared>> -> memref<80x128xf32, #tpu.memory_space<vmem_shared>>
        %dma_start3A_138 = arith.constant 0 : i32
        %dma_start3A_139 = tpu.memref_slice %arg15[%add3A_26, %dma_start3A_138] : memref<10016x128xf32, #tpu.memory_space<vmem_shared>> -> memref<80x128xf32, #tpu.memory_space<vmem_shared>>
        %dma_start3A_140 = arith.constant 0 : i32
        %dma_start3A_141 = arith.constant 0 : i32
        %dma_start3A_142 = tpu.memref_slice %arg14[%run_scoped3A_27, %dma_start3A_140, %dma_start3A_141] : memref<3x80x128xf32, #tpu.memory_space<vmem>> -> memref<1x80x128xf32, #tpu.memory_space<vmem>>
        %dma_start3A_143 = tpu.memref_squeeze %dma_start3A_142 : memref<1x80x128xf32, #tpu.memory_space<vmem>> -> memref<80x128xf32, #tpu.memory_space<vmem>>
        tpu.enqueue_dma source(%dma_start3A_143 : memref<80x128xf32, #tpu.memory_space<vmem>>) target(%dma_start3A_139 : memref<80x128xf32, #tpu.memory_space<vmem_shared>>) target_semaphore(%run_scoped3A_131 : memref<!tpu.dma_semaphore, #tpu.memory_space<semaphore_mem>>)
        %dma_wait3A_144 = arith.constant 0 : i32
        %dma_wait3A_145 = arith.constant 0 : i32
        %dma_wait3A_146 = tpu.memref_slice %arg14[%run_scoped3A_27, %dma_wait3A_144, %dma_wait3A_145] : memref<3x80x128xf32, #tpu.memory_space<vmem>> -> memref<1x80x128xf32, #tpu.memory_space<vmem>>
        %dma_wait3A_147 = tpu.memref_squeeze %dma_wait3A_146 : memref<1x80x128xf32, #tpu.memory_space<vmem>> -> memref<80x128xf32, #tpu.memory_space<vmem>>
        %dma_wait3A_148 = arith.constant 0 : i32
        %dma_wait3A_149 = tpu.memref_slice %arg15[%add3A_26, %dma_wait3A_148] : memref<10016x128xf32, #tpu.memory_space<vmem_shared>> -> memref<80x128xf32, #tpu.memory_space<vmem_shared>>
        %dma_wait3A_150 = arith.constant 0 : i32
        %dma_wait3A_151 = tpu.memref_slice %arg15[%add3A_26, %dma_wait3A_150] : memref<10016x128xf32, #tpu.memory_space<vmem_shared>> -> memref<80x128xf32, #tpu.memory_space<vmem_shared>>
        %dma_wait3A_152 = arith.constant 0 : i32
        %dma_wait3A_153 = arith.constant 0 : i32
        %dma_wait3A_154 = tpu.memref_slice %arg14[%run_scoped3A_27, %dma_wait3A_152, %dma_wait3A_153] : memref<3x80x128xf32, #tpu.memory_space<vmem>> -> memref<1x80x128xf32, #tpu.memory_space<vmem>>
        %dma_wait3A_155 = tpu.memref_squeeze %dma_wait3A_154 : memref<1x80x128xf32, #tpu.memory_space<vmem>> -> memref<80x128xf32, #tpu.memory_space<vmem>>
        tpu.wait_dma2 semaphore(%run_scoped3A_131 : memref<!tpu.dma_semaphore, #tpu.memory_space<semaphore_mem>>) src(%dma_wait3A_155 : memref<80x128xf32, #tpu.memory_space<vmem>>) dst(%dma_wait3A_151 : memref<80x128xf32, #tpu.memory_space<vmem_shared>>)
        tpu.yield
      }) : () -> ()
      %add3A_28 = arith.constant 320 : i32
      %add3A_29 = arith.addi %mul3A_16, %add3A_28 : i32
      %run_scoped3A_30 = arith.constant 0 : i32
      "tpu.region"() ({
        %run_scoped3A_131 = tpu.sem_alloc : memref<!tpu.dma_semaphore, #tpu.memory_space<semaphore_mem>>
        %dma_start3A_132 = arith.constant 0 : i32
        %dma_start3A_133 = arith.constant 0 : i32
        %dma_start3A_134 = tpu.memref_slice %arg14[%run_scoped3A_30, %dma_start3A_132, %dma_start3A_133] : memref<3x80x128xf32, #tpu.memory_space<vmem>> -> memref<1x80x128xf32, #tpu.memory_space<vmem>>
        %dma_start3A_135 = tpu.memref_squeeze %dma_start3A_134 : memref<1x80x128xf32, #tpu.memory_space<vmem>> -> memref<80x128xf32, #tpu.memory_space<vmem>>
        %dma_start3A_136 = arith.constant 0 : i32
        %dma_start3A_137 = tpu.memref_slice %arg15[%add3A_29, %dma_start3A_136] : memref<10016x128xf32, #tpu.memory_space<vmem_shared>> -> memref<80x128xf32, #tpu.memory_space<vmem_shared>>
        %dma_start3A_138 = arith.constant 0 : i32
        %dma_start3A_139 = tpu.memref_slice %arg15[%add3A_29, %dma_start3A_138] : memref<10016x128xf32, #tpu.memory_space<vmem_shared>> -> memref<80x128xf32, #tpu.memory_space<vmem_shared>>
        %dma_start3A_140 = arith.constant 0 : i32
        %dma_start3A_141 = arith.constant 0 : i32
        %dma_start3A_142 = tpu.memref_slice %arg14[%run_scoped3A_30, %dma_start3A_140, %dma_start3A_141] : memref<3x80x128xf32, #tpu.memory_space<vmem>> -> memref<1x80x128xf32, #tpu.memory_space<vmem>>
        %dma_start3A_143 = tpu.memref_squeeze %dma_start3A_142 : memref<1x80x128xf32, #tpu.memory_space<vmem>> -> memref<80x128xf32, #tpu.memory_space<vmem>>
        tpu.enqueue_dma source(%dma_start3A_143 : memref<80x128xf32, #tpu.memory_space<vmem>>) target(%dma_start3A_139 : memref<80x128xf32, #tpu.memory_space<vmem_shared>>) target_semaphore(%run_scoped3A_131 : memref<!tpu.dma_semaphore, #tpu.memory_space<semaphore_mem>>)
        %dma_wait3A_144 = arith.constant 0 : i32
        %dma_wait3A_145 = arith.constant 0 : i32
        %dma_wait3A_146 = tpu.memref_slice %arg14[%run_scoped3A_30, %dma_wait3A_144, %dma_wait3A_145] : memref<3x80x128xf32, #tpu.memory_space<vmem>> -> memref<1x80x128xf32, #tpu.memory_space<vmem>>
        %dma_wait3A_147 = tpu.memref_squeeze %dma_wait3A_146 : memref<1x80x128xf32, #tpu.memory_space<vmem>> -> memref<80x128xf32, #tpu.memory_space<vmem>>
        %dma_wait3A_148 = arith.constant 0 : i32
        %dma_wait3A_149 = tpu.memref_slice %arg15[%add3A_29, %dma_wait3A_148] : memref<10016x128xf32, #tpu.memory_space<vmem_shared>> -> memref<80x128xf32, #tpu.memory_space<vmem_shared>>
        %dma_wait3A_150 = arith.constant 0 : i32
        %dma_wait3A_151 = tpu.memref_slice %arg15[%add3A_29, %dma_wait3A_150] : memref<10016x128xf32, #tpu.memory_space<vmem_shared>> -> memref<80x128xf32, #tpu.memory_space<vmem_shared>>
        %dma_wait3A_152 = arith.constant 0 : i32
        %dma_wait3A_153 = arith.constant 0 : i32
        %dma_wait3A_154 = tpu.memref_slice %arg14[%run_scoped3A_30, %dma_wait3A_152, %dma_wait3A_153] : memref<3x80x128xf32, #tpu.memory_space<vmem>> -> memref<1x80x128xf32, #tpu.memory_space<vmem>>
        %dma_wait3A_155 = tpu.memref_squeeze %dma_wait3A_154 : memref<1x80x128xf32, #tpu.memory_space<vmem>> -> memref<80x128xf32, #tpu.memory_space<vmem>>
        tpu.wait_dma2 semaphore(%run_scoped3A_131 : memref<!tpu.dma_semaphore, #tpu.memory_space<semaphore_mem>>) src(%dma_wait3A_155 : memref<80x128xf32, #tpu.memory_space<vmem>>) dst(%dma_wait3A_151 : memref<80x128xf32, #tpu.memory_space<vmem_shared>>)
        tpu.yield
      }) : () -> ()
      %add3A_31 = arith.constant 400 : i32
      %add3A_32 = arith.addi %mul3A_16, %add3A_31 : i32
      %run_scoped3A_33 = arith.constant 0 : i32
      "tpu.region"() ({
        %run_scoped3A_131 = tpu.sem_alloc : memref<!tpu.dma_semaphore, #tpu.memory_space<semaphore_mem>>
        %dma_start3A_132 = arith.constant 0 : i32
        %dma_start3A_133 = arith.constant 0 : i32
        %dma_start3A_134 = tpu.memref_slice %arg14[%run_scoped3A_33, %dma_start3A_132, %dma_start3A_133] : memref<3x80x128xf32, #tpu.memory_space<vmem>> -> memref<1x80x128xf32, #tpu.memory_space<vmem>>
        %dma_start3A_135 = tpu.memref_squeeze %dma_start3A_134 : memref<1x80x128xf32, #tpu.memory_space<vmem>> -> memref<80x128xf32, #tpu.memory_space<vmem>>
        %dma_start3A_136 = arith.constant 0 : i32
        %dma_start3A_137 = tpu.memref_slice %arg15[%add3A_32, %dma_start3A_136] : memref<10016x128xf32, #tpu.memory_space<vmem_shared>> -> memref<80x128xf32, #tpu.memory_space<vmem_shared>>
        %dma_start3A_138 = arith.constant 0 : i32
        %dma_start3A_139 = tpu.memref_slice %arg15[%add3A_32, %dma_start3A_138] : memref<10016x128xf32, #tpu.memory_space<vmem_shared>> -> memref<80x128xf32, #tpu.memory_space<vmem_shared>>
        %dma_start3A_140 = arith.constant 0 : i32
        %dma_start3A_141 = arith.constant 0 : i32
        %dma_start3A_142 = tpu.memref_slice %arg14[%run_scoped3A_33, %dma_start3A_140, %dma_start3A_141] : memref<3x80x128xf32, #tpu.memory_space<vmem>> -> memref<1x80x128xf32, #tpu.memory_space<vmem>>
        %dma_start3A_143 = tpu.memref_squeeze %dma_start3A_142 : memref<1x80x128xf32, #tpu.memory_space<vmem>> -> memref<80x128xf32, #tpu.memory_space<vmem>>
        tpu.enqueue_dma source(%dma_start3A_143 : memref<80x128xf32, #tpu.memory_space<vmem>>) target(%dma_start3A_139 : memref<80x128xf32, #tpu.memory_space<vmem_shared>>) target_semaphore(%run_scoped3A_131 : memref<!tpu.dma_semaphore, #tpu.memory_space<semaphore_mem>>)
        %dma_wait3A_144 = arith.constant 0 : i32
        %dma_wait3A_145 = arith.constant 0 : i32
        %dma_wait3A_146 = tpu.memref_slice %arg14[%run_scoped3A_33, %dma_wait3A_144, %dma_wait3A_145] : memref<3x80x128xf32, #tpu.memory_space<vmem>> -> memref<1x80x128xf32, #tpu.memory_space<vmem>>
        %dma_wait3A_147 = tpu.memref_squeeze %dma_wait3A_146 : memref<1x80x128xf32, #tpu.memory_space<vmem>> -> memref<80x128xf32, #tpu.memory_space<vmem>>
        %dma_wait3A_148 = arith.constant 0 : i32
        %dma_wait3A_149 = tpu.memref_slice %arg15[%add3A_32, %dma_wait3A_148] : memref<10016x128xf32, #tpu.memory_space<vmem_shared>> -> memref<80x128xf32, #tpu.memory_space<vmem_shared>>
        %dma_wait3A_150 = arith.constant 0 : i32
        %dma_wait3A_151 = tpu.memref_slice %arg15[%add3A_32, %dma_wait3A_150] : memref<10016x128xf32, #tpu.memory_space<vmem_shared>> -> memref<80x128xf32, #tpu.memory_space<vmem_shared>>
        %dma_wait3A_152 = arith.constant 0 : i32
        %dma_wait3A_153 = arith.constant 0 : i32
        %dma_wait3A_154 = tpu.memref_slice %arg14[%run_scoped3A_33, %dma_wait3A_152, %dma_wait3A_153] : memref<3x80x128xf32, #tpu.memory_space<vmem>> -> memref<1x80x128xf32, #tpu.memory_space<vmem>>
        %dma_wait3A_155 = tpu.memref_squeeze %dma_wait3A_154 : memref<1x80x128xf32, #tpu.memory_space<vmem>> -> memref<80x128xf32, #tpu.memory_space<vmem>>
        tpu.wait_dma2 semaphore(%run_scoped3A_131 : memref<!tpu.dma_semaphore, #tpu.memory_space<semaphore_mem>>) src(%dma_wait3A_155 : memref<80x128xf32, #tpu.memory_space<vmem>>) dst(%dma_wait3A_151 : memref<80x128xf32, #tpu.memory_space<vmem_shared>>)
        tpu.yield
      }) : () -> ()
      %add3A_34 = arith.constant 480 : i32
      %add3A_35 = arith.addi %mul3A_16, %add3A_34 : i32
      %run_scoped3A_36 = arith.constant 0 : i32
      "tpu.region"() ({
        %run_scoped3A_131 = tpu.sem_alloc : memref<!tpu.dma_semaphore, #tpu.memory_space<semaphore_mem>>
        %dma_start3A_132 = arith.constant 0 : i32
        %dma_start3A_133 = arith.constant 0 : i32
        %dma_start3A_134 = tpu.memref_slice %arg14[%run_scoped3A_36, %dma_start3A_132, %dma_start3A_133] : memref<3x80x128xf32, #tpu.memory_space<vmem>> -> memref<1x80x128xf32, #tpu.memory_space<vmem>>
        %dma_start3A_135 = tpu.memref_squeeze %dma_start3A_134 : memref<1x80x128xf32, #tpu.memory_space<vmem>> -> memref<80x128xf32, #tpu.memory_space<vmem>>
        %dma_start3A_136 = arith.constant 0 : i32
        %dma_start3A_137 = tpu.memref_slice %arg15[%add3A_35, %dma_start3A_136] : memref<10016x128xf32, #tpu.memory_space<vmem_shared>> -> memref<80x128xf32, #tpu.memory_space<vmem_shared>>
        %dma_start3A_138 = arith.constant 0 : i32
        %dma_start3A_139 = tpu.memref_slice %arg15[%add3A_35, %dma_start3A_138] : memref<10016x128xf32, #tpu.memory_space<vmem_shared>> -> memref<80x128xf32, #tpu.memory_space<vmem_shared>>
        %dma_start3A_140 = arith.constant 0 : i32
        %dma_start3A_141 = arith.constant 0 : i32
        %dma_start3A_142 = tpu.memref_slice %arg14[%run_scoped3A_36, %dma_start3A_140, %dma_start3A_141] : memref<3x80x128xf32, #tpu.memory_space<vmem>> -> memref<1x80x128xf32, #tpu.memory_space<vmem>>
        %dma_start3A_143 = tpu.memref_squeeze %dma_start3A_142 : memref<1x80x128xf32, #tpu.memory_space<vmem>> -> memref<80x128xf32, #tpu.memory_space<vmem>>
        tpu.enqueue_dma source(%dma_start3A_143 : memref<80x128xf32, #tpu.memory_space<vmem>>) target(%dma_start3A_139 : memref<80x128xf32, #tpu.memory_space<vmem_shared>>) target_semaphore(%run_scoped3A_131 : memref<!tpu.dma_semaphore, #tpu.memory_space<semaphore_mem>>)
        %dma_wait3A_144 = arith.constant 0 : i32
        %dma_wait3A_145 = arith.constant 0 : i32
        %dma_wait3A_146 = tpu.memref_slice %arg14[%run_scoped3A_36, %dma_wait3A_144, %dma_wait3A_145] : memref<3x80x128xf32, #tpu.memory_space<vmem>> -> memref<1x80x128xf32, #tpu.memory_space<vmem>>
        %dma_wait3A_147 = tpu.memref_squeeze %dma_wait3A_146 : memref<1x80x128xf32, #tpu.memory_space<vmem>> -> memref<80x128xf32, #tpu.memory_space<vmem>>
        %dma_wait3A_148 = arith.constant 0 : i32
        %dma_wait3A_149 = tpu.memref_slice %arg15[%add3A_35, %dma_wait3A_148] : memref<10016x128xf32, #tpu.memory_space<vmem_shared>> -> memref<80x128xf32, #tpu.memory_space<vmem_shared>>
        %dma_wait3A_150 = arith.constant 0 : i32
        %dma_wait3A_151 = tpu.memref_slice %arg15[%add3A_35, %dma_wait3A_150] : memref<10016x128xf32, #tpu.memory_space<vmem_shared>> -> memref<80x128xf32, #tpu.memory_space<vmem_shared>>
        %dma_wait3A_152 = arith.constant 0 : i32
        %dma_wait3A_153 = arith.constant 0 : i32
        %dma_wait3A_154 = tpu.memref_slice %arg14[%run_scoped3A_36, %dma_wait3A_152, %dma_wait3A_153] : memref<3x80x128xf32, #tpu.memory_space<vmem>> -> memref<1x80x128xf32, #tpu.memory_space<vmem>>
        %dma_wait3A_155 = tpu.memref_squeeze %dma_wait3A_154 : memref<1x80x128xf32, #tpu.memory_space<vmem>> -> memref<80x128xf32, #tpu.memory_space<vmem>>
        tpu.wait_dma2 semaphore(%run_scoped3A_131 : memref<!tpu.dma_semaphore, #tpu.memory_space<semaphore_mem>>) src(%dma_wait3A_155 : memref<80x128xf32, #tpu.memory_space<vmem>>) dst(%dma_wait3A_151 : memref<80x128xf32, #tpu.memory_space<vmem_shared>>)
        tpu.yield
      }) : () -> ()
      %add3A_37 = arith.constant 560 : i32
      %add3A_38 = arith.addi %mul3A_16, %add3A_37 : i32
      %run_scoped3A_39 = arith.constant 0 : i32
      "tpu.region"() ({
        %run_scoped3A_131 = tpu.sem_alloc : memref<!tpu.dma_semaphore, #tpu.memory_space<semaphore_mem>>
        %dma_start3A_132 = arith.constant 0 : i32
        %dma_start3A_133 = arith.constant 0 : i32
        %dma_start3A_134 = tpu.memref_slice %arg14[%run_scoped3A_39, %dma_start3A_132, %dma_start3A_133] : memref<3x80x128xf32, #tpu.memory_space<vmem>> -> memref<1x65x128xf32, #tpu.memory_space<vmem>>
        %dma_start3A_135 = tpu.memref_squeeze %dma_start3A_134 : memref<1x65x128xf32, #tpu.memory_space<vmem>> -> memref<65x128xf32, #tpu.memory_space<vmem>>
        %dma_start3A_136 = arith.constant 0 : i32
        %dma_start3A_137 = tpu.memref_slice %arg15[%add3A_38, %dma_start3A_136] : memref<10016x128xf32, #tpu.memory_space<vmem_shared>> -> memref<65x128xf32, #tpu.memory_space<vmem_shared>>
        %dma_start3A_138 = arith.constant 0 : i32
        %dma_start3A_139 = tpu.memref_slice %arg15[%add3A_38, %dma_start3A_138] : memref<10016x128xf32, #tpu.memory_space<vmem_shared>> -> memref<65x128xf32, #tpu.memory_space<vmem_shared>>
        %dma_start3A_140 = arith.constant 0 : i32
        %dma_start3A_141 = arith.constant 0 : i32
        %dma_start3A_142 = tpu.memref_slice %arg14[%run_scoped3A_39, %dma_start3A_140, %dma_start3A_141] : memref<3x80x128xf32, #tpu.memory_space<vmem>> -> memref<1x65x128xf32, #tpu.memory_space<vmem>>
        %dma_start3A_143 = tpu.memref_squeeze %dma_start3A_142 : memref<1x65x128xf32, #tpu.memory_space<vmem>> -> memref<65x128xf32, #tpu.memory_space<vmem>>
        tpu.enqueue_dma source(%dma_start3A_143 : memref<65x128xf32, #tpu.memory_space<vmem>>) target(%dma_start3A_139 : memref<65x128xf32, #tpu.memory_space<vmem_shared>>) target_semaphore(%run_scoped3A_131 : memref<!tpu.dma_semaphore, #tpu.memory_space<semaphore_mem>>)
        %dma_wait3A_144 = arith.constant 0 : i32
        %dma_wait3A_145 = arith.constant 0 : i32
        %dma_wait3A_146 = tpu.memref_slice %arg14[%run_scoped3A_39, %dma_wait3A_144, %dma_wait3A_145] : memref<3x80x128xf32, #tpu.memory_space<vmem>> -> memref<1x65x128xf32, #tpu.memory_space<vmem>>
        %dma_wait3A_147 = tpu.memref_squeeze %dma_wait3A_146 : memref<1x65x128xf32, #tpu.memory_space<vmem>> -> memref<65x128xf32, #tpu.memory_space<vmem>>
        %dma_wait3A_148 = arith.constant 0 : i32
        %dma_wait3A_149 = tpu.memref_slice %arg15[%add3A_38, %dma_wait3A_148] : memref<10016x128xf32, #tpu.memory_space<vmem_shared>> -> memref<65x128xf32, #tpu.memory_space<vmem_shared>>
        %dma_wait3A_150 = arith.constant 0 : i32
        %dma_wait3A_151 = tpu.memref_slice %arg15[%add3A_38, %dma_wait3A_150] : memref<10016x128xf32, #tpu.memory_space<vmem_shared>> -> memref<65x128xf32, #tpu.memory_space<vmem_shared>>
        %dma_wait3A_152 = arith.constant 0 : i32
        %dma_wait3A_153 = arith.constant 0 : i32
        %dma_wait3A_154 = tpu.memref_slice %arg14[%run_scoped3A_39, %dma_wait3A_152, %dma_wait3A_153] : memref<3x80x128xf32, #tpu.memory_space<vmem>> -> memref<1x65x128xf32, #tpu.memory_space<vmem>>
        %dma_wait3A_155 = tpu.memref_squeeze %dma_wait3A_154 : memref<1x65x128xf32, #tpu.memory_space<vmem>> -> memref<65x128xf32, #tpu.memory_space<vmem>>
        tpu.wait_dma2 semaphore(%run_scoped3A_131 : memref<!tpu.dma_semaphore, #tpu.memory_space<semaphore_mem>>) src(%dma_wait3A_155 : memref<65x128xf32, #tpu.memory_space<vmem>>) dst(%dma_wait3A_151 : memref<65x128xf32, #tpu.memory_space<vmem_shared>>)
        tpu.yield
      }) : () -> ()
      %barrier3A = arith.constant 0 : index
      tpu.barrier barrier_id(%barrier3A)
      %min3A = arith.constant 0 : i32
      %min3A_40 = arith.constant 19920 : i32
      %min3A_41 = arith.minsi %min3A, %min3A_40 : i32
      %add3A_42 = arith.addi %mul3A_0, %min3A_41 : i32
      %dma_start3A = tpu.memref_slice %arg3[%add3A_42] : memref<320000xi32, #tpu.memory_space<hbm>> -> memref<80xi32, #tpu.memory_space<hbm>>
      %dma_start3A_43 = tpu.memref_slice %arg3[%add3A_42] : memref<320000xi32, #tpu.memory_space<hbm>> -> memref<80xi32, #tpu.memory_space<hbm>>
      tpu.enqueue_dma source(%dma_start3A_43 : memref<80xi32, #tpu.memory_space<hbm>>) target(%arg11 : memref<80xi32, #tpu.memory_space<vmem>>) target_semaphore(%arg22 : memref<!tpu.dma_semaphore, #tpu.memory_space<semaphore_mem>>)
      %min3A_44 = arith.constant 80 : i32
      %min3A_45 = arith.constant 19920 : i32
      %min3A_46 = arith.minsi %min3A_44, %min3A_45 : i32
      %add3A_47 = arith.addi %mul3A_0, %min3A_46 : i32
      %dma_start3A_48 = tpu.memref_slice %arg3[%add3A_47] : memref<320000xi32, #tpu.memory_space<hbm>> -> memref<80xi32, #tpu.memory_space<hbm>>
      %dma_start3A_49 = tpu.memref_slice %arg3[%add3A_47] : memref<320000xi32, #tpu.memory_space<hbm>> -> memref<80xi32, #tpu.memory_space<hbm>>
      tpu.enqueue_dma source(%dma_start3A_49 : memref<80xi32, #tpu.memory_space<hbm>>) target(%arg12 : memref<80xi32, #tpu.memory_space<vmem>>) target_semaphore(%arg23 : memref<!tpu.dma_semaphore, #tpu.memory_space<semaphore_mem>>)
      %min3A_50 = arith.constant 160 : i32
      %min3A_51 = arith.constant 19920 : i32
      %min3A_52 = arith.minsi %min3A_50, %min3A_51 : i32
      %add3A_53 = arith.addi %mul3A_0, %min3A_52 : i32
      %dma_start3A_54 = tpu.memref_slice %arg3[%add3A_53] : memref<320000xi32, #tpu.memory_space<hbm>> -> memref<80xi32, #tpu.memory_space<hbm>>
      %dma_start3A_55 = tpu.memref_slice %arg3[%add3A_53] : memref<320000xi32, #tpu.memory_space<hbm>> -> memref<80xi32, #tpu.memory_space<hbm>>
      tpu.enqueue_dma source(%dma_start3A_55 : memref<80xi32, #tpu.memory_space<hbm>>) target(%arg13 : memref<80xi32, #tpu.memory_space<vmem>>) target_semaphore(%arg24 : memref<!tpu.dma_semaphore, #tpu.memory_space<semaphore_mem>>)
      %scan3A_56 = arith.constant 0 : i32
      %scan3A_57 = arith.constant 84 : i32
      %scan3A_58 = arith.addi %scan3A_56, %scan3A_57 : i32
      %scan3A_59 = arith.constant 1 : i32
      scf.for %scan3A_131 = %scan3A_56 to %scan3A_58 step %scan3A_59  : i32 {
        %mul3A_132 = arith.constant 3 : i32
        %mul3A_133 = arith.muli %mul3A_132, %scan3A_131 : i32
        %add3A_134 = arith.constant 0 : i32
        %add3A_135 = arith.addi %mul3A_133, %add3A_134 : i32
        %gt3A = arith.constant 0 : i32
        %gt3A_136 = arith.cmpi sgt, %scan3A_131, %gt3A : i32
        %convert_element_type3A = arith.extui %gt3A_136 : i1 to i32
        %cond3A = arith.constant 0 : i32
        %cond3A_137 = arith.cmpi ne, %convert_element_type3A, %cond3A : i32
        scf.if %cond3A_137 {
          %dma_wait3A_649 = arith.constant 2 : i32
          %dma_wait3A_650 = arith.constant 0 : i32
          %dma_wait3A_651 = arith.constant 0 : i32
          %dma_wait3A_652 = tpu.memref_slice %arg14[%dma_wait3A_649, %dma_wait3A_650, %dma_wait3A_651] : memref<3x80x128xf32, #tpu.memory_space<vmem>> -> memref<1x80x128xf32, #tpu.memory_space<vmem>>
          %dma_wait3A_653 = tpu.memref_squeeze %dma_wait3A_652 : memref<1x80x128xf32, #tpu.memory_space<vmem>> -> memref<80x128xf32, #tpu.memory_space<vmem>>
          %dma_wait3A_654 = arith.constant 0 : i32
          %dma_wait3A_655 = arith.constant 0 : i32
          %dma_wait3A_656 = tpu.memref_slice %arg2[%dma_wait3A_654, %dma_wait3A_655] : memref<160000x128xf32, #tpu.memory_space<hbm>> -> memref<160000x128xf32, #tpu.memory_space<hbm>>
          tpu.wait_indirect_dma semaphore(%arg18 : memref<!tpu.dma_semaphore, #tpu.memory_space<semaphore_mem>>) src(%dma_wait3A_656 : memref<160000x128xf32, #tpu.memory_space<hbm>>) dst(%dma_wait3A_653 : memref<80x128xf32, #tpu.memory_space<vmem>>)
          %dma_start3A_657 = arith.constant 2 : i32
          %dma_start3A_658 = arith.constant 0 : i32
          %dma_start3A_659 = arith.constant 0 : i32
          %dma_start3A_660 = tpu.memref_slice %arg14[%dma_start3A_657, %dma_start3A_658, %dma_start3A_659] : memref<3x80x128xf32, #tpu.memory_space<vmem>> -> memref<1x80x128xf32, #tpu.memory_space<vmem>>
          %dma_start3A_661 = tpu.memref_squeeze %dma_start3A_660 : memref<1x80x128xf32, #tpu.memory_space<vmem>> -> memref<80x128xf32, #tpu.memory_space<vmem>>
          %dma_start3A_662 = arith.constant 0 : i32
          %dma_start3A_663 = arith.constant 0 : i32
          %dma_start3A_664 = tpu.memref_slice %arg15[%dma_start3A_662, %dma_start3A_663] : memref<10016x128xf32, #tpu.memory_space<vmem_shared>> -> memref<10016x128xf32, #tpu.memory_space<vmem_shared>>
          tpu.enqueue_indirect_dma source(%dma_start3A_661 : memref<80x128xf32, #tpu.memory_space<vmem>>) target(%dma_start3A_664 : memref<10016x128xf32, #tpu.memory_space<vmem_shared>>) offsets(%arg10 : memref<80xi32, #tpu.memory_space<vmem>>) semaphore(%arg21 : memref<!tpu.dma_semaphore, #tpu.memory_space<semaphore_mem>>) {add = true}
        } else {
        }
        %mul3A_138 = arith.constant 80 : i32
        %mul3A_139 = arith.muli %add3A_135, %mul3A_138 : i32
        %min3A_140 = arith.constant 19920 : i32
        %min3A_141 = arith.minsi %mul3A_139, %min3A_140 : i32
        %add3A_142 = arith.addi %mul3A_0, %min3A_141 : i32
        %dma_wait3A_143 = tpu.memref_slice %arg3[%add3A_142] : memref<320000xi32, #tpu.memory_space<hbm>> -> memref<80xi32, #tpu.memory_space<hbm>>
        %dma_wait3A_144 = tpu.memref_slice %arg3[%add3A_142] : memref<320000xi32, #tpu.memory_space<hbm>> -> memref<80xi32, #tpu.memory_space<hbm>>
        tpu.wait_dma2 semaphore(%arg22 : memref<!tpu.dma_semaphore, #tpu.memory_space<semaphore_mem>>) src(%dma_wait3A_144 : memref<80xi32, #tpu.memory_space<hbm>>) dst(%arg11 : memref<80xi32, #tpu.memory_space<vmem>>)
        %gt3A_145 = arith.constant 0 : i32
        %gt3A_146 = arith.cmpi sgt, %scan3A_131, %gt3A_145 : i32
        %convert_element_type3A_147 = arith.extui %gt3A_146 : i1 to i32
        %cond3A_148 = arith.constant 0 : i32
        %cond3A_149 = arith.cmpi ne, %convert_element_type3A_147, %cond3A_148 : i32
        scf.if %cond3A_149 {
          %dma_wait3A_649 = arith.constant 0 : i32
          %dma_wait3A_650 = arith.constant 0 : i32
          %dma_wait3A_651 = arith.constant 0 : i32
          %dma_wait3A_652 = tpu.memref_slice %arg14[%dma_wait3A_649, %dma_wait3A_650, %dma_wait3A_651] : memref<3x80x128xf32, #tpu.memory_space<vmem>> -> memref<1x80x128xf32, #tpu.memory_space<vmem>>
          %dma_wait3A_653 = tpu.memref_squeeze %dma_wait3A_652 : memref<1x80x128xf32, #tpu.memory_space<vmem>> -> memref<80x128xf32, #tpu.memory_space<vmem>>
          %dma_wait3A_654 = arith.constant 0 : i32
          %dma_wait3A_655 = arith.constant 0 : i32
          %dma_wait3A_656 = tpu.memref_slice %arg15[%dma_wait3A_654, %dma_wait3A_655] : memref<10016x128xf32, #tpu.memory_space<vmem_shared>> -> memref<10016x128xf32, #tpu.memory_space<vmem_shared>>
          tpu.wait_indirect_dma semaphore(%arg19 : memref<!tpu.dma_semaphore, #tpu.memory_space<semaphore_mem>>) src(%dma_wait3A_653 : memref<80x128xf32, #tpu.memory_space<vmem>>) dst(%dma_wait3A_656 : memref<10016x128xf32, #tpu.memory_space<vmem_shared>>)
        } else {
        }
        %iota3A = tpu.iota {dimensions = array<i32: 0>} : vector<16xi32>
        %get3A = arith.constant 0 : index
        %get3A_150 = tpu.vector_load %arg11[%get3A] {strides = array<i32>} : memref<80xi32, #tpu.memory_space<vmem>>, vector<16xi32>,
        %mul3A_151 = arith.constant 80 : i32
        %mul3A_152 = arith.muli %add3A_135, %mul3A_151 : i32
        %add3A_153 = arith.constant 0 : i32
        %add3A_154 = arith.addi %mul3A_152, %add3A_153 : i32
        %add3A_155 = vector.broadcast %add3A_154 : i32 to vector<16xi32>
        %add3A_156 = arith.addi %add3A_155, %iota3A : vector<16xi32>
        %lt3A = arith.constant 20000 : i32
        %lt3A_157 = vector.broadcast %lt3A : i32 to vector<16xi32>
        %lt3A_158 = arith.cmpi slt, %add3A_156, %lt3A_157 : vector<16xi32>
        %shift_right_arithmetic3A = arith.constant 14 : i32
        %shift_right_arithmetic3A_159 = vector.broadcast %shift_right_arithmetic3A : i32 to vector<16xi32>
        %shift_right_arithmetic3A_160 = arith.shrsi %get3A_150, %shift_right_arithmetic3A_159 : vector<16xi32>
        %add3A_161 = vector.broadcast %mul3A_14 : i32 to vector<16xi32>
        %add3A_162 = arith.addi %shift_right_arithmetic3A_160, %add3A_161 : vector<16xi32>
        %swap3A = arith.constant 0 : index
        %swap3A_163 = tpu.vector_load %arg5[%swap3A] {strides = array<i32>} : memref<80xi32, #tpu.memory_space<vmem>>, vector<16xi32>,
        tpu.vector_store %arg5[%swap3A], %add3A_162 {strides = array<i32>} : memref<80xi32, #tpu.memory_space<vmem>>, vector<16xi32>,
        %and3A = arith.constant 16383 : i32
        %and3A_164 = vector.broadcast %and3A : i32 to vector<16xi32>
        %and3A_165 = arith.andi %get3A_150, %and3A_164 : vector<16xi32>
        %jit3A = arith.constant 10000 : i32
        %broadcast_in_dim3A = vector.broadcast %jit3A : i32 to vector<16xi32>
        %select_n3A = arith.select %lt3A_158, %and3A_165, %broadcast_in_dim3A : vector<16xi1>, vector<16xi32>
        %swap3A_166 = arith.constant 0 : index
        %swap3A_167 = tpu.vector_load %arg8[%swap3A_166] {strides = array<i32>} : memref<80xi32, #tpu.memory_space<vmem>>, vector<16xi32>,
        tpu.vector_store %arg8[%swap3A_166], %select_n3A {strides = array<i32>} : memref<80xi32, #tpu.memory_space<vmem>>, vector<16xi32>,
        %get3A_168 = arith.constant 16 : index
        %get3A_169 = tpu.vector_load %arg11[%get3A_168] {strides = array<i32>} : memref<80xi32, #tpu.memory_space<vmem>>, vector<16xi32>,
        %mul3A_170 = arith.constant 80 : i32
        %mul3A_171 = arith.muli %add3A_135, %mul3A_170 : i32
        %add3A_172 = arith.constant 16 : i32
        %add3A_173 = arith.addi %mul3A_171, %add3A_172 : i32
        %add3A_174 = vector.broadcast %add3A_173 : i32 to vector<16xi32>
        %add3A_175 = arith.addi %add3A_174, %iota3A : vector<16xi32>
        %lt3A_176 = arith.constant 20000 : i32
        %lt3A_177 = vector.broadcast %lt3A_176 : i32 to vector<16xi32>
        %lt3A_178 = arith.cmpi slt, %add3A_175, %lt3A_177 : vector<16xi32>
        %shift_right_arithmetic3A_179 = arith.constant 14 : i32
        %shift_right_arithmetic3A_180 = vector.broadcast %shift_right_arithmetic3A_179 : i32 to vector<16xi32>
        %shift_right_arithmetic3A_181 = arith.shrsi %get3A_169, %shift_right_arithmetic3A_180 : vector<16xi32>
        %add3A_182 = vector.broadcast %mul3A_14 : i32 to vector<16xi32>
        %add3A_183 = arith.addi %shift_right_arithmetic3A_181, %add3A_182 : vector<16xi32>
        %swap3A_184 = arith.constant 16 : index
        %swap3A_185 = tpu.vector_load %arg5[%swap3A_184] {strides = array<i32>} : memref<80xi32, #tpu.memory_space<vmem>>, vector<16xi32>,
        tpu.vector_store %arg5[%swap3A_184], %add3A_183 {strides = array<i32>} : memref<80xi32, #tpu.memory_space<vmem>>, vector<16xi32>,
        %and3A_186 = arith.constant 16383 : i32
        %and3A_187 = vector.broadcast %and3A_186 : i32 to vector<16xi32>
        %and3A_188 = arith.andi %get3A_169, %and3A_187 : vector<16xi32>
        %jit3A_189 = arith.constant 10000 : i32
        %broadcast_in_dim3A_190 = vector.broadcast %jit3A_189 : i32 to vector<16xi32>
        %select_n3A_191 = arith.select %lt3A_178, %and3A_188, %broadcast_in_dim3A_190 : vector<16xi1>, vector<16xi32>
        %swap3A_192 = arith.constant 16 : index
        %swap3A_193 = tpu.vector_load %arg8[%swap3A_192] {strides = array<i32>} : memref<80xi32, #tpu.memory_space<vmem>>, vector<16xi32>,
        tpu.vector_store %arg8[%swap3A_192], %select_n3A_191 {strides = array<i32>} : memref<80xi32, #tpu.memory_space<vmem>>, vector<16xi32>,
        %get3A_194 = arith.constant 32 : index
        %get3A_195 = tpu.vector_load %arg11[%get3A_194] {strides = array<i32>} : memref<80xi32, #tpu.memory_space<vmem>>, vector<16xi32>,
        %mul3A_196 = arith.constant 80 : i32
        %mul3A_197 = arith.muli %add3A_135, %mul3A_196 : i32
        %add3A_198 = arith.constant 32 : i32
        %add3A_199 = arith.addi %mul3A_197, %add3A_198 : i32
        %add3A_200 = vector.broadcast %add3A_199 : i32 to vector<16xi32>
        %add3A_201 = arith.addi %add3A_200, %iota3A : vector<16xi32>
        %lt3A_202 = arith.constant 20000 : i32
        %lt3A_203 = vector.broadcast %lt3A_202 : i32 to vector<16xi32>
        %lt3A_204 = arith.cmpi slt, %add3A_201, %lt3A_203 : vector<16xi32>
        %shift_right_arithmetic3A_205 = arith.constant 14 : i32
        %shift_right_arithmetic3A_206 = vector.broadcast %shift_right_arithmetic3A_205 : i32 to vector<16xi32>
        %shift_right_arithmetic3A_207 = arith.shrsi %get3A_195, %shift_right_arithmetic3A_206 : vector<16xi32>
        %add3A_208 = vector.broadcast %mul3A_14 : i32 to vector<16xi32>
        %add3A_209 = arith.addi %shift_right_arithmetic3A_207, %add3A_208 : vector<16xi32>
        %swap3A_210 = arith.constant 32 : index
        %swap3A_211 = tpu.vector_load %arg5[%swap3A_210] {strides = array<i32>} : memref<80xi32, #tpu.memory_space<vmem>>, vector<16xi32>,
        tpu.vector_store %arg5[%swap3A_210], %add3A_209 {strides = array<i32>} : memref<80xi32, #tpu.memory_space<vmem>>, vector<16xi32>,
        %and3A_212 = arith.constant 16383 : i32
        %and3A_213 = vector.broadcast %and3A_212 : i32 to vector<16xi32>
        %and3A_214 = arith.andi %get3A_195, %and3A_213 : vector<16xi32>
        %jit3A_215 = arith.constant 10000 : i32
        %broadcast_in_dim3A_216 = vector.broadcast %jit3A_215 : i32 to vector<16xi32>
        %select_n3A_217 = arith.select %lt3A_204, %and3A_214, %broadcast_in_dim3A_216 : vector<16xi1>, vector<16xi32>
        %swap3A_218 = arith.constant 32 : index
        %swap3A_219 = tpu.vector_load %arg8[%swap3A_218] {strides = array<i32>} : memref<80xi32, #tpu.memory_space<vmem>>, vector<16xi32>,
        tpu.vector_store %arg8[%swap3A_218], %select_n3A_217 {strides = array<i32>} : memref<80xi32, #tpu.memory_space<vmem>>, vector<16xi32>,
        %get3A_220 = arith.constant 48 : index
        %get3A_221 = tpu.vector_load %arg11[%get3A_220] {strides = array<i32>} : memref<80xi32, #tpu.memory_space<vmem>>, vector<16xi32>,
        %mul3A_222 = arith.constant 80 : i32
        %mul3A_223 = arith.muli %add3A_135, %mul3A_222 : i32
        %add3A_224 = arith.constant 48 : i32
        %add3A_225 = arith.addi %mul3A_223, %add3A_224 : i32
        %add3A_226 = vector.broadcast %add3A_225 : i32 to vector<16xi32>
        %add3A_227 = arith.addi %add3A_226, %iota3A : vector<16xi32>
        %lt3A_228 = arith.constant 20000 : i32
        %lt3A_229 = vector.broadcast %lt3A_228 : i32 to vector<16xi32>
        %lt3A_230 = arith.cmpi slt, %add3A_227, %lt3A_229 : vector<16xi32>
        %shift_right_arithmetic3A_231 = arith.constant 14 : i32
        %shift_right_arithmetic3A_232 = vector.broadcast %shift_right_arithmetic3A_231 : i32 to vector<16xi32>
        %shift_right_arithmetic3A_233 = arith.shrsi %get3A_221, %shift_right_arithmetic3A_232 : vector<16xi32>
        %add3A_234 = vector.broadcast %mul3A_14 : i32 to vector<16xi32>
        %add3A_235 = arith.addi %shift_right_arithmetic3A_233, %add3A_234 : vector<16xi32>
        %swap3A_236 = arith.constant 48 : index
        %swap3A_237 = tpu.vector_load %arg5[%swap3A_236] {strides = array<i32>} : memref<80xi32, #tpu.memory_space<vmem>>, vector<16xi32>,
        tpu.vector_store %arg5[%swap3A_236], %add3A_235 {strides = array<i32>} : memref<80xi32, #tpu.memory_space<vmem>>, vector<16xi32>,
        %and3A_238 = arith.constant 16383 : i32
        %and3A_239 = vector.broadcast %and3A_238 : i32 to vector<16xi32>
        %and3A_240 = arith.andi %get3A_221, %and3A_239 : vector<16xi32>
        %jit3A_241 = arith.constant 10000 : i32
        %broadcast_in_dim3A_242 = vector.broadcast %jit3A_241 : i32 to vector<16xi32>
        %select_n3A_243 = arith.select %lt3A_230, %and3A_240, %broadcast_in_dim3A_242 : vector<16xi1>, vector<16xi32>
        %swap3A_244 = arith.constant 48 : index
        %swap3A_245 = tpu.vector_load %arg8[%swap3A_244] {strides = array<i32>} : memref<80xi32, #tpu.memory_space<vmem>>, vector<16xi32>,
        tpu.vector_store %arg8[%swap3A_244], %select_n3A_243 {strides = array<i32>} : memref<80xi32, #tpu.memory_space<vmem>>, vector<16xi32>,
        %get3A_246 = arith.constant 64 : index
        %get3A_247 = tpu.vector_load %arg11[%get3A_246] {strides = array<i32>} : memref<80xi32, #tpu.memory_space<vmem>>, vector<16xi32>,
        %mul3A_248 = arith.constant 80 : i32
        %mul3A_249 = arith.muli %add3A_135, %mul3A_248 : i32
        %add3A_250 = arith.constant 64 : i32
        %add3A_251 = arith.addi %mul3A_249, %add3A_250 : i32
        %add3A_252 = vector.broadcast %add3A_251 : i32 to vector<16xi32>
        %add3A_253 = arith.addi %add3A_252, %iota3A : vector<16xi32>
        %lt3A_254 = arith.constant 20000 : i32
        %lt3A_255 = vector.broadcast %lt3A_254 : i32 to vector<16xi32>
        %lt3A_256 = arith.cmpi slt, %add3A_253, %lt3A_255 : vector<16xi32>
        %shift_right_arithmetic3A_257 = arith.constant 14 : i32
        %shift_right_arithmetic3A_258 = vector.broadcast %shift_right_arithmetic3A_257 : i32 to vector<16xi32>
        %shift_right_arithmetic3A_259 = arith.shrsi %get3A_247, %shift_right_arithmetic3A_258 : vector<16xi32>
        %add3A_260 = vector.broadcast %mul3A_14 : i32 to vector<16xi32>
        %add3A_261 = arith.addi %shift_right_arithmetic3A_259, %add3A_260 : vector<16xi32>
        %swap3A_262 = arith.constant 64 : index
        %swap3A_263 = tpu.vector_load %arg5[%swap3A_262] {strides = array<i32>} : memref<80xi32, #tpu.memory_space<vmem>>, vector<16xi32>,
        tpu.vector_store %arg5[%swap3A_262], %add3A_261 {strides = array<i32>} : memref<80xi32, #tpu.memory_space<vmem>>, vector<16xi32>,
        %and3A_264 = arith.constant 16383 : i32
        %and3A_265 = vector.broadcast %and3A_264 : i32 to vector<16xi32>
        %and3A_266 = arith.andi %get3A_247, %and3A_265 : vector<16xi32>
        %jit3A_267 = arith.constant 10000 : i32
        %broadcast_in_dim3A_268 = vector.broadcast %jit3A_267 : i32 to vector<16xi32>
        %select_n3A_269 = arith.select %lt3A_256, %and3A_266, %broadcast_in_dim3A_268 : vector<16xi1>, vector<16xi32>
        %swap3A_270 = arith.constant 64 : index
        %swap3A_271 = tpu.vector_load %arg8[%swap3A_270] {strides = array<i32>} : memref<80xi32, #tpu.memory_space<vmem>>, vector<16xi32>,
        tpu.vector_store %arg8[%swap3A_270], %select_n3A_269 {strides = array<i32>} : memref<80xi32, #tpu.memory_space<vmem>>, vector<16xi32>,
        %dma_start3A_272 = arith.constant 0 : i32
        %dma_start3A_273 = arith.constant 0 : i32
        %dma_start3A_274 = arith.constant 0 : i32
        %dma_start3A_275 = tpu.memref_slice %arg14[%dma_start3A_272, %dma_start3A_273, %dma_start3A_274] : memref<3x80x128xf32, #tpu.memory_space<vmem>> -> memref<1x80x128xf32, #tpu.memory_space<vmem>>
        %dma_start3A_276 = tpu.memref_squeeze %dma_start3A_275 : memref<1x80x128xf32, #tpu.memory_space<vmem>> -> memref<80x128xf32, #tpu.memory_space<vmem>>
        %dma_start3A_277 = arith.constant 0 : i32
        %dma_start3A_278 = arith.constant 0 : i32
        %dma_start3A_279 = tpu.memref_slice %arg2[%dma_start3A_277, %dma_start3A_278] : memref<160000x128xf32, #tpu.memory_space<hbm>> -> memref<160000x128xf32, #tpu.memory_space<hbm>>
        tpu.enqueue_indirect_dma source(%dma_start3A_279 : memref<160000x128xf32, #tpu.memory_space<hbm>>) target(%dma_start3A_276 : memref<80x128xf32, #tpu.memory_space<vmem>>) offsets(%arg5 : memref<80xi32, #tpu.memory_space<vmem>>) semaphore(%arg16 : memref<!tpu.dma_semaphore, #tpu.memory_space<semaphore_mem>>)
        %add3A_280 = arith.constant 3 : i32
        %add3A_281 = arith.addi %add3A_135, %add3A_280 : i32
        %mul3A_282 = arith.constant 80 : i32
        %mul3A_283 = arith.muli %add3A_281, %mul3A_282 : i32
        %min3A_284 = arith.constant 19920 : i32
        %min3A_285 = arith.minsi %mul3A_283, %min3A_284 : i32
        %add3A_286 = arith.addi %mul3A_0, %min3A_285 : i32
        %dma_start3A_287 = tpu.memref_slice %arg3[%add3A_286] : memref<320000xi32, #tpu.memory_space<hbm>> -> memref<80xi32, #tpu.memory_space<hbm>>
        %dma_start3A_288 = tpu.memref_slice %arg3[%add3A_286] : memref<320000xi32, #tpu.memory_space<hbm>> -> memref<80xi32, #tpu.memory_space<hbm>>
        tpu.enqueue_dma source(%dma_start3A_288 : memref<80xi32, #tpu.memory_space<hbm>>) target(%arg11 : memref<80xi32, #tpu.memory_space<vmem>>) target_semaphore(%arg22 : memref<!tpu.dma_semaphore, #tpu.memory_space<semaphore_mem>>)
        %mul3A_289 = arith.constant 3 : i32
        %mul3A_290 = arith.muli %mul3A_289, %scan3A_131 : i32
        %add3A_291 = arith.constant 1 : i32
        %add3A_292 = arith.addi %mul3A_290, %add3A_291 : i32
        %dma_wait3A_293 = arith.constant 0 : i32
        %dma_wait3A_294 = arith.constant 0 : i32
        %dma_wait3A_295 = arith.constant 0 : i32
        %dma_wait3A_296 = tpu.memref_slice %arg14[%dma_wait3A_293, %dma_wait3A_294, %dma_wait3A_295] : memref<3x80x128xf32, #tpu.memory_space<vmem>> -> memref<1x80x128xf32, #tpu.memory_space<vmem>>
        %dma_wait3A_297 = tpu.memref_squeeze %dma_wait3A_296 : memref<1x80x128xf32, #tpu.memory_space<vmem>> -> memref<80x128xf32, #tpu.memory_space<vmem>>
        %dma_wait3A_298 = arith.constant 0 : i32
        %dma_wait3A_299 = arith.constant 0 : i32
        %dma_wait3A_300 = tpu.memref_slice %arg2[%dma_wait3A_298, %dma_wait3A_299] : memref<160000x128xf32, #tpu.memory_space<hbm>> -> memref<160000x128xf32, #tpu.memory_space<hbm>>
        tpu.wait_indirect_dma semaphore(%arg16 : memref<!tpu.dma_semaphore, #tpu.memory_space<semaphore_mem>>) src(%dma_wait3A_300 : memref<160000x128xf32, #tpu.memory_space<hbm>>) dst(%dma_wait3A_297 : memref<80x128xf32, #tpu.memory_space<vmem>>)
        %dma_start3A_301 = arith.constant 0 : i32
        %dma_start3A_302 = arith.constant 0 : i32
        %dma_start3A_303 = arith.constant 0 : i32
        %dma_start3A_304 = tpu.memref_slice %arg14[%dma_start3A_301, %dma_start3A_302, %dma_start3A_303] : memref<3x80x128xf32, #tpu.memory_space<vmem>> -> memref<1x80x128xf32, #tpu.memory_space<vmem>>
        %dma_start3A_305 = tpu.memref_squeeze %dma_start3A_304 : memref<1x80x128xf32, #tpu.memory_space<vmem>> -> memref<80x128xf32, #tpu.memory_space<vmem>>
        %dma_start3A_306 = arith.constant 0 : i32
        %dma_start3A_307 = arith.constant 0 : i32
        %dma_start3A_308 = tpu.memref_slice %arg15[%dma_start3A_306, %dma_start3A_307] : memref<10016x128xf32, #tpu.memory_space<vmem_shared>> -> memref<10016x128xf32, #tpu.memory_space<vmem_shared>>
        tpu.enqueue_indirect_dma source(%dma_start3A_305 : memref<80x128xf32, #tpu.memory_space<vmem>>) target(%dma_start3A_308 : memref<10016x128xf32, #tpu.memory_space<vmem_shared>>) offsets(%arg8 : memref<80xi32, #tpu.memory_space<vmem>>) semaphore(%arg19 : memref<!tpu.dma_semaphore, #tpu.memory_space<semaphore_mem>>) {add = true}
        %mul3A_309 = arith.constant 80 : i32
        %mul3A_310 = arith.muli %add3A_292, %mul3A_309 : i32
        %min3A_311 = arith.constant 19920 : i32
        %min3A_312 = arith.minsi %mul3A_310, %min3A_311 : i32
        %add3A_313 = arith.addi %mul3A_0, %min3A_312 : i32
        %dma_wait3A_314 = tpu.memref_slice %arg3[%add3A_313] : memref<320000xi32, #tpu.memory_space<hbm>> -> memref<80xi32, #tpu.memory_space<hbm>>
        %dma_wait3A_315 = tpu.memref_slice %arg3[%add3A_313] : memref<320000xi32, #tpu.memory_space<hbm>> -> memref<80xi32, #tpu.memory_space<hbm>>
        tpu.wait_dma2 semaphore(%arg23 : memref<!tpu.dma_semaphore, #tpu.memory_space<semaphore_mem>>) src(%dma_wait3A_315 : memref<80xi32, #tpu.memory_space<hbm>>) dst(%arg12 : memref<80xi32, #tpu.memory_space<vmem>>)
        %gt3A_316 = arith.constant 0 : i32
        %gt3A_317 = arith.cmpi sgt, %scan3A_131, %gt3A_316 : i32
        %convert_element_type3A_318 = arith.extui %gt3A_317 : i1 to i32
        %cond3A_319 = arith.constant 0 : i32
        %cond3A_320 = arith.cmpi ne, %convert_element_type3A_318, %cond3A_319 : i32
        scf.if %cond3A_320 {
          %dma_wait3A_649 = arith.constant 1 : i32
          %dma_wait3A_650 = arith.constant 0 : i32
          %dma_wait3A_651 = arith.constant 0 : i32
          %dma_wait3A_652 = tpu.memref_slice %arg14[%dma_wait3A_649, %dma_wait3A_650, %dma_wait3A_651] : memref<3x80x128xf32, #tpu.memory_space<vmem>> -> memref<1x80x128xf32, #tpu.memory_space<vmem>>
          %dma_wait3A_653 = tpu.memref_squeeze %dma_wait3A_652 : memref<1x80x128xf32, #tpu.memory_space<vmem>> -> memref<80x128xf32, #tpu.memory_space<vmem>>
          %dma_wait3A_654 = arith.constant 0 : i32
          %dma_wait3A_655 = arith.constant 0 : i32
          %dma_wait3A_656 = tpu.memref_slice %arg15[%dma_wait3A_654, %dma_wait3A_655] : memref<10016x128xf32, #tpu.memory_space<vmem_shared>> -> memref<10016x128xf32, #tpu.memory_space<vmem_shared>>
          tpu.wait_indirect_dma semaphore(%arg20 : memref<!tpu.dma_semaphore, #tpu.memory_space<semaphore_mem>>) src(%dma_wait3A_653 : memref<80x128xf32, #tpu.memory_space<vmem>>) dst(%dma_wait3A_656 : memref<10016x128xf32, #tpu.memory_space<vmem_shared>>)
        } else {
        }
        %iota3A_321 = tpu.iota {dimensions = array<i32: 0>} : vector<16xi32>
        %get3A_322 = arith.constant 0 : index
        %get3A_323 = tpu.vector_load %arg12[%get3A_322] {strides = array<i32>} : memref<80xi32, #tpu.memory_space<vmem>>, vector<16xi32>,
        %mul3A_324 = arith.constant 80 : i32
        %mul3A_325 = arith.muli %add3A_292, %mul3A_324 : i32
        %add3A_326 = arith.constant 0 : i32
        %add3A_327 = arith.addi %mul3A_325, %add3A_326 : i32
        %add3A_328 = vector.broadcast %add3A_327 : i32 to vector<16xi32>
        %add3A_329 = arith.addi %add3A_328, %iota3A_321 : vector<16xi32>
        %lt3A_330 = arith.constant 20000 : i32
        %lt3A_331 = vector.broadcast %lt3A_330 : i32 to vector<16xi32>
        %lt3A_332 = arith.cmpi slt, %add3A_329, %lt3A_331 : vector<16xi32>
        %shift_right_arithmetic3A_333 = arith.constant 14 : i32
        %shift_right_arithmetic3A_334 = vector.broadcast %shift_right_arithmetic3A_333 : i32 to vector<16xi32>
        %shift_right_arithmetic3A_335 = arith.shrsi %get3A_323, %shift_right_arithmetic3A_334 : vector<16xi32>
        %add3A_336 = vector.broadcast %mul3A_14 : i32 to vector<16xi32>
        %add3A_337 = arith.addi %shift_right_arithmetic3A_335, %add3A_336 : vector<16xi32>
        %swap3A_338 = arith.constant 0 : index
        %swap3A_339 = tpu.vector_load %arg6[%swap3A_338] {strides = array<i32>} : memref<80xi32, #tpu.memory_space<vmem>>, vector<16xi32>,
        tpu.vector_store %arg6[%swap3A_338], %add3A_337 {strides = array<i32>} : memref<80xi32, #tpu.memory_space<vmem>>, vector<16xi32>,
        %and3A_340 = arith.constant 16383 : i32
        %and3A_341 = vector.broadcast %and3A_340 : i32 to vector<16xi32>
        %and3A_342 = arith.andi %get3A_323, %and3A_341 : vector<16xi32>
        %jit3A_343 = arith.constant 10000 : i32
        %broadcast_in_dim3A_344 = vector.broadcast %jit3A_343 : i32 to vector<16xi32>
        %select_n3A_345 = arith.select %lt3A_332, %and3A_342, %broadcast_in_dim3A_344 : vector<16xi1>, vector<16xi32>
        %swap3A_346 = arith.constant 0 : index
        %swap3A_347 = tpu.vector_load %arg9[%swap3A_346] {strides = array<i32>} : memref<80xi32, #tpu.memory_space<vmem>>, vector<16xi32>,
        tpu.vector_store %arg9[%swap3A_346], %select_n3A_345 {strides = array<i32>} : memref<80xi32, #tpu.memory_space<vmem>>, vector<16xi32>,
        %get3A_348 = arith.constant 16 : index
        %get3A_349 = tpu.vector_load %arg12[%get3A_348] {strides = array<i32>} : memref<80xi32, #tpu.memory_space<vmem>>, vector<16xi32>,
        %mul3A_350 = arith.constant 80 : i32
        %mul3A_351 = arith.muli %add3A_292, %mul3A_350 : i32
        %add3A_352 = arith.constant 16 : i32
        %add3A_353 = arith.addi %mul3A_351, %add3A_352 : i32
        %add3A_354 = vector.broadcast %add3A_353 : i32 to vector<16xi32>
        %add3A_355 = arith.addi %add3A_354, %iota3A_321 : vector<16xi32>
        %lt3A_356 = arith.constant 20000 : i32
        %lt3A_357 = vector.broadcast %lt3A_356 : i32 to vector<16xi32>
        %lt3A_358 = arith.cmpi slt, %add3A_355, %lt3A_357 : vector<16xi32>
        %shift_right_arithmetic3A_359 = arith.constant 14 : i32
        %shift_right_arithmetic3A_360 = vector.broadcast %shift_right_arithmetic3A_359 : i32 to vector<16xi32>
        %shift_right_arithmetic3A_361 = arith.shrsi %get3A_349, %shift_right_arithmetic3A_360 : vector<16xi32>
        %add3A_362 = vector.broadcast %mul3A_14 : i32 to vector<16xi32>
        %add3A_363 = arith.addi %shift_right_arithmetic3A_361, %add3A_362 : vector<16xi32>
        %swap3A_364 = arith.constant 16 : index
        %swap3A_365 = tpu.vector_load %arg6[%swap3A_364] {strides = array<i32>} : memref<80xi32, #tpu.memory_space<vmem>>, vector<16xi32>,
        tpu.vector_store %arg6[%swap3A_364], %add3A_363 {strides = array<i32>} : memref<80xi32, #tpu.memory_space<vmem>>, vector<16xi32>,
        %and3A_366 = arith.constant 16383 : i32
        %and3A_367 = vector.broadcast %and3A_366 : i32 to vector<16xi32>
        %and3A_368 = arith.andi %get3A_349, %and3A_367 : vector<16xi32>
        %jit3A_369 = arith.constant 10000 : i32
        %broadcast_in_dim3A_370 = vector.broadcast %jit3A_369 : i32 to vector<16xi32>
        %select_n3A_371 = arith.select %lt3A_358, %and3A_368, %broadcast_in_dim3A_370 : vector<16xi1>, vector<16xi32>
        %swap3A_372 = arith.constant 16 : index
        %swap3A_373 = tpu.vector_load %arg9[%swap3A_372] {strides = array<i32>} : memref<80xi32, #tpu.memory_space<vmem>>, vector<16xi32>,
        tpu.vector_store %arg9[%swap3A_372], %select_n3A_371 {strides = array<i32>} : memref<80xi32, #tpu.memory_space<vmem>>, vector<16xi32>,
        %get3A_374 = arith.constant 32 : index
        %get3A_375 = tpu.vector_load %arg12[%get3A_374] {strides = array<i32>} : memref<80xi32, #tpu.memory_space<vmem>>, vector<16xi32>,
        %mul3A_376 = arith.constant 80 : i32
        %mul3A_377 = arith.muli %add3A_292, %mul3A_376 : i32
        %add3A_378 = arith.constant 32 : i32
        %add3A_379 = arith.addi %mul3A_377, %add3A_378 : i32
        %add3A_380 = vector.broadcast %add3A_379 : i32 to vector<16xi32>
        %add3A_381 = arith.addi %add3A_380, %iota3A_321 : vector<16xi32>
        %lt3A_382 = arith.constant 20000 : i32
        %lt3A_383 = vector.broadcast %lt3A_382 : i32 to vector<16xi32>
        %lt3A_384 = arith.cmpi slt, %add3A_381, %lt3A_383 : vector<16xi32>
        %shift_right_arithmetic3A_385 = arith.constant 14 : i32
        %shift_right_arithmetic3A_386 = vector.broadcast %shift_right_arithmetic3A_385 : i32 to vector<16xi32>
        %shift_right_arithmetic3A_387 = arith.shrsi %get3A_375, %shift_right_arithmetic3A_386 : vector<16xi32>
        %add3A_388 = vector.broadcast %mul3A_14 : i32 to vector<16xi32>
        %add3A_389 = arith.addi %shift_right_arithmetic3A_387, %add3A_388 : vector<16xi32>
        %swap3A_390 = arith.constant 32 : index
        %swap3A_391 = tpu.vector_load %arg6[%swap3A_390] {strides = array<i32>} : memref<80xi32, #tpu.memory_space<vmem>>, vector<16xi32>,
        tpu.vector_store %arg6[%swap3A_390], %add3A_389 {strides = array<i32>} : memref<80xi32, #tpu.memory_space<vmem>>, vector<16xi32>,
        %and3A_392 = arith.constant 16383 : i32
        %and3A_393 = vector.broadcast %and3A_392 : i32 to vector<16xi32>
        %and3A_394 = arith.andi %get3A_375, %and3A_393 : vector<16xi32>
        %jit3A_395 = arith.constant 10000 : i32
        %broadcast_in_dim3A_396 = vector.broadcast %jit3A_395 : i32 to vector<16xi32>
        %select_n3A_397 = arith.select %lt3A_384, %and3A_394, %broadcast_in_dim3A_396 : vector<16xi1>, vector<16xi32>
        %swap3A_398 = arith.constant 32 : index
        %swap3A_399 = tpu.vector_load %arg9[%swap3A_398] {strides = array<i32>} : memref<80xi32, #tpu.memory_space<vmem>>, vector<16xi32>,
        tpu.vector_store %arg9[%swap3A_398], %select_n3A_397 {strides = array<i32>} : memref<80xi32, #tpu.memory_space<vmem>>, vector<16xi32>,
        %get3A_400 = arith.constant 48 : index
        %get3A_401 = tpu.vector_load %arg12[%get3A_400] {strides = array<i32>} : memref<80xi32, #tpu.memory_space<vmem>>, vector<16xi32>,
        %mul3A_402 = arith.constant 80 : i32
        %mul3A_403 = arith.muli %add3A_292, %mul3A_402 : i32
        %add3A_404 = arith.constant 48 : i32
        %add3A_405 = arith.addi %mul3A_403, %add3A_404 : i32
        %add3A_406 = vector.broadcast %add3A_405 : i32 to vector<16xi32>
        %add3A_407 = arith.addi %add3A_406, %iota3A_321 : vector<16xi32>
        %lt3A_408 = arith.constant 20000 : i32
        %lt3A_409 = vector.broadcast %lt3A_408 : i32 to vector<16xi32>
        %lt3A_410 = arith.cmpi slt, %add3A_407, %lt3A_409 : vector<16xi32>
        %shift_right_arithmetic3A_411 = arith.constant 14 : i32
        %shift_right_arithmetic3A_412 = vector.broadcast %shift_right_arithmetic3A_411 : i32 to vector<16xi32>
        %shift_right_arithmetic3A_413 = arith.shrsi %get3A_401, %shift_right_arithmetic3A_412 : vector<16xi32>
        %add3A_414 = vector.broadcast %mul3A_14 : i32 to vector<16xi32>
        %add3A_415 = arith.addi %shift_right_arithmetic3A_413, %add3A_414 : vector<16xi32>
        %swap3A_416 = arith.constant 48 : index
        %swap3A_417 = tpu.vector_load %arg6[%swap3A_416] {strides = array<i32>} : memref<80xi32, #tpu.memory_space<vmem>>, vector<16xi32>,
        tpu.vector_store %arg6[%swap3A_416], %add3A_415 {strides = array<i32>} : memref<80xi32, #tpu.memory_space<vmem>>, vector<16xi32>,
        %and3A_418 = arith.constant 16383 : i32
        %and3A_419 = vector.broadcast %and3A_418 : i32 to vector<16xi32>
        %and3A_420 = arith.andi %get3A_401, %and3A_419 : vector<16xi32>
        %jit3A_421 = arith.constant 10000 : i32
        %broadcast_in_dim3A_422 = vector.broadcast %jit3A_421 : i32 to vector<16xi32>
        %select_n3A_423 = arith.select %lt3A_410, %and3A_420, %broadcast_in_dim3A_422 : vector<16xi1>, vector<16xi32>
        %swap3A_424 = arith.constant 48 : index
        %swap3A_425 = tpu.vector_load %arg9[%swap3A_424] {strides = array<i32>} : memref<80xi32, #tpu.memory_space<vmem>>, vector<16xi32>,
        tpu.vector_store %arg9[%swap3A_424], %select_n3A_423 {strides = array<i32>} : memref<80xi32, #tpu.memory_space<vmem>>, vector<16xi32>,
        %get3A_426 = arith.constant 64 : index
        %get3A_427 = tpu.vector_load %arg12[%get3A_426] {strides = array<i32>} : memref<80xi32, #tpu.memory_space<vmem>>, vector<16xi32>,
        %mul3A_428 = arith.constant 80 : i32
        %mul3A_429 = arith.muli %add3A_292, %mul3A_428 : i32
        %add3A_430 = arith.constant 64 : i32
        %add3A_431 = arith.addi %mul3A_429, %add3A_430 : i32
        %add3A_432 = vector.broadcast %add3A_431 : i32 to vector<16xi32>
        %add3A_433 = arith.addi %add3A_432, %iota3A_321 : vector<16xi32>
        %lt3A_434 = arith.constant 20000 : i32
        %lt3A_435 = vector.broadcast %lt3A_434 : i32 to vector<16xi32>
        %lt3A_436 = arith.cmpi slt, %add3A_433, %lt3A_435 : vector<16xi32>
        %shift_right_arithmetic3A_437 = arith.constant 14 : i32
        %shift_right_arithmetic3A_438 = vector.broadcast %shift_right_arithmetic3A_437 : i32 to vector<16xi32>
        %shift_right_arithmetic3A_439 = arith.shrsi %get3A_427, %shift_right_arithmetic3A_438 : vector<16xi32>
        %add3A_440 = vector.broadcast %mul3A_14 : i32 to vector<16xi32>
        %add3A_441 = arith.addi %shift_right_arithmetic3A_439, %add3A_440 : vector<16xi32>
        %swap3A_442 = arith.constant 64 : index
        %swap3A_443 = tpu.vector_load %arg6[%swap3A_442] {strides = array<i32>} : memref<80xi32, #tpu.memory_space<vmem>>, vector<16xi32>,
        tpu.vector_store %arg6[%swap3A_442], %add3A_441 {strides = array<i32>} : memref<80xi32, #tpu.memory_space<vmem>>, vector<16xi32>,
        %and3A_444 = arith.constant 16383 : i32
        %and3A_445 = vector.broadcast %and3A_444 : i32 to vector<16xi32>
        %and3A_446 = arith.andi %get3A_427, %and3A_445 : vector<16xi32>
        %jit3A_447 = arith.constant 10000 : i32
        %broadcast_in_dim3A_448 = vector.broadcast %jit3A_447 : i32 to vector<16xi32>
        %select_n3A_449 = arith.select %lt3A_436, %and3A_446, %broadcast_in_dim3A_448 : vector<16xi1>, vector<16xi32>
        %swap3A_450 = arith.constant 64 : index
        %swap3A_451 = tpu.vector_load %arg9[%swap3A_450] {strides = array<i32>} : memref<80xi32, #tpu.memory_space<vmem>>, vector<16xi32>,
        tpu.vector_store %arg9[%swap3A_450], %select_n3A_449 {strides = array<i32>} : memref<80xi32, #tpu.memory_space<vmem>>, vector<16xi32>,
        %dma_start3A_452 = arith.constant 1 : i32
        %dma_start3A_453 = arith.constant 0 : i32
        %dma_start3A_454 = arith.constant 0 : i32
        %dma_start3A_455 = tpu.memref_slice %arg14[%dma_start3A_452, %dma_start3A_453, %dma_start3A_454] : memref<3x80x128xf32, #tpu.memory_space<vmem>> -> memref<1x80x128xf32, #tpu.memory_space<vmem>>
        %dma_start3A_456 = tpu.memref_squeeze %dma_start3A_455 : memref<1x80x128xf32, #tpu.memory_space<vmem>> -> memref<80x128xf32, #tpu.memory_space<vmem>>
        %dma_start3A_457 = arith.constant 0 : i32
        %dma_start3A_458 = arith.constant 0 : i32
        %dma_start3A_459 = tpu.memref_slice %arg2[%dma_start3A_457, %dma_start3A_458] : memref<160000x128xf32, #tpu.memory_space<hbm>> -> memref<160000x128xf32, #tpu.memory_space<hbm>>
        tpu.enqueue_indirect_dma source(%dma_start3A_459 : memref<160000x128xf32, #tpu.memory_space<hbm>>) target(%dma_start3A_456 : memref<80x128xf32, #tpu.memory_space<vmem>>) offsets(%arg6 : memref<80xi32, #tpu.memory_space<vmem>>) semaphore(%arg17 : memref<!tpu.dma_semaphore, #tpu.memory_space<semaphore_mem>>)
        %add3A_460 = arith.constant 3 : i32
        %add3A_461 = arith.addi %add3A_292, %add3A_460 : i32
        %mul3A_462 = arith.constant 80 : i32
        %mul3A_463 = arith.muli %add3A_461, %mul3A_462 : i32
        %min3A_464 = arith.constant 19920 : i32
        %min3A_465 = arith.minsi %mul3A_463, %min3A_464 : i32
        %add3A_466 = arith.addi %mul3A_0, %min3A_465 : i32
        %dma_start3A_467 = tpu.memref_slice %arg3[%add3A_466] : memref<320000xi32, #tpu.memory_space<hbm>> -> memref<80xi32, #tpu.memory_space<hbm>>
        %dma_start3A_468 = tpu.memref_slice %arg3[%add3A_466] : memref<320000xi32, #tpu.memory_space<hbm>> -> memref<80xi32, #tpu.memory_space<hbm>>
        tpu.enqueue_dma source(%dma_start3A_468 : memref<80xi32, #tpu.memory_space<hbm>>) target(%arg12 : memref<80xi32, #tpu.memory_space<vmem>>) target_semaphore(%arg23 : memref<!tpu.dma_semaphore, #tpu.memory_space<semaphore_mem>>)
        %mul3A_469 = arith.constant 3 : i32
        %mul3A_470 = arith.muli %mul3A_469, %scan3A_131 : i32
        %add3A_471 = arith.constant 2 : i32
        %add3A_472 = arith.addi %mul3A_470, %add3A_471 : i32
        %dma_wait3A_473 = arith.constant 1 : i32
        %dma_wait3A_474 = arith.constant 0 : i32
        %dma_wait3A_475 = arith.constant 0 : i32
        %dma_wait3A_476 = tpu.memref_slice %arg14[%dma_wait3A_473, %dma_wait3A_474, %dma_wait3A_475] : memref<3x80x128xf32, #tpu.memory_space<vmem>> -> memref<1x80x128xf32, #tpu.memory_space<vmem>>
        %dma_wait3A_477 = tpu.memref_squeeze %dma_wait3A_476 : memref<1x80x128xf32, #tpu.memory_space<vmem>> -> memref<80x128xf32, #tpu.memory_space<vmem>>
        %dma_wait3A_478 = arith.constant 0 : i32
        %dma_wait3A_479 = arith.constant 0 : i32
        %dma_wait3A_480 = tpu.memref_slice %arg2[%dma_wait3A_478, %dma_wait3A_479] : memref<160000x128xf32, #tpu.memory_space<hbm>> -> memref<160000x128xf32, #tpu.memory_space<hbm>>
        tpu.wait_indirect_dma semaphore(%arg17 : memref<!tpu.dma_semaphore, #tpu.memory_space<semaphore_mem>>) src(%dma_wait3A_480 : memref<160000x128xf32, #tpu.memory_space<hbm>>) dst(%dma_wait3A_477 : memref<80x128xf32, #tpu.memory_space<vmem>>)
        %dma_start3A_481 = arith.constant 1 : i32
        %dma_start3A_482 = arith.constant 0 : i32
        %dma_start3A_483 = arith.constant 0 : i32
        %dma_start3A_484 = tpu.memref_slice %arg14[%dma_start3A_481, %dma_start3A_482, %dma_start3A_483] : memref<3x80x128xf32, #tpu.memory_space<vmem>> -> memref<1x80x128xf32, #tpu.memory_space<vmem>>
        %dma_start3A_485 = tpu.memref_squeeze %dma_start3A_484 : memref<1x80x128xf32, #tpu.memory_space<vmem>> -> memref<80x128xf32, #tpu.memory_space<vmem>>
        %dma_start3A_486 = arith.constant 0 : i32
        %dma_start3A_487 = arith.constant 0 : i32
        %dma_start3A_488 = tpu.memref_slice %arg15[%dma_start3A_486, %dma_start3A_487] : memref<10016x128xf32, #tpu.memory_space<vmem_shared>> -> memref<10016x128xf32, #tpu.memory_space<vmem_shared>>
        tpu.enqueue_indirect_dma source(%dma_start3A_485 : memref<80x128xf32, #tpu.memory_space<vmem>>) target(%dma_start3A_488 : memref<10016x128xf32, #tpu.memory_space<vmem_shared>>) offsets(%arg9 : memref<80xi32, #tpu.memory_space<vmem>>) semaphore(%arg20 : memref<!tpu.dma_semaphore, #tpu.memory_space<semaphore_mem>>) {add = true}
        %mul3A_489 = arith.constant 80 : i32
        %mul3A_490 = arith.muli %add3A_472, %mul3A_489 : i32
        %min3A_491 = arith.constant 19920 : i32
        %min3A_492 = arith.minsi %mul3A_490, %min3A_491 : i32
        %add3A_493 = arith.addi %mul3A_0, %min3A_492 : i32
        %dma_wait3A_494 = tpu.memref_slice %arg3[%add3A_493] : memref<320000xi32, #tpu.memory_space<hbm>> -> memref<80xi32, #tpu.memory_space<hbm>>
        %dma_wait3A_495 = tpu.memref_slice %arg3[%add3A_493] : memref<320000xi32, #tpu.memory_space<hbm>> -> memref<80xi32, #tpu.memory_space<hbm>>
        tpu.wait_dma2 semaphore(%arg24 : memref<!tpu.dma_semaphore, #tpu.memory_space<semaphore_mem>>) src(%dma_wait3A_495 : memref<80xi32, #tpu.memory_space<hbm>>) dst(%arg13 : memref<80xi32, #tpu.memory_space<vmem>>)
        %gt3A_496 = arith.constant 0 : i32
        %gt3A_497 = arith.cmpi sgt, %scan3A_131, %gt3A_496 : i32
        %convert_element_type3A_498 = arith.extui %gt3A_497 : i1 to i32
        %cond3A_499 = arith.constant 0 : i32
        %cond3A_500 = arith.cmpi ne, %convert_element_type3A_498, %cond3A_499 : i32
        scf.if %cond3A_500 {
          %dma_wait3A_649 = arith.constant 2 : i32
          %dma_wait3A_650 = arith.constant 0 : i32
          %dma_wait3A_651 = arith.constant 0 : i32
          %dma_wait3A_652 = tpu.memref_slice %arg14[%dma_wait3A_649, %dma_wait3A_650, %dma_wait3A_651] : memref<3x80x128xf32, #tpu.memory_space<vmem>> -> memref<1x80x128xf32, #tpu.memory_space<vmem>>
          %dma_wait3A_653 = tpu.memref_squeeze %dma_wait3A_652 : memref<1x80x128xf32, #tpu.memory_space<vmem>> -> memref<80x128xf32, #tpu.memory_space<vmem>>
          %dma_wait3A_654 = arith.constant 0 : i32
          %dma_wait3A_655 = arith.constant 0 : i32
          %dma_wait3A_656 = tpu.memref_slice %arg15[%dma_wait3A_654, %dma_wait3A_655] : memref<10016x128xf32, #tpu.memory_space<vmem_shared>> -> memref<10016x128xf32, #tpu.memory_space<vmem_shared>>
          tpu.wait_indirect_dma semaphore(%arg21 : memref<!tpu.dma_semaphore, #tpu.memory_space<semaphore_mem>>) src(%dma_wait3A_653 : memref<80x128xf32, #tpu.memory_space<vmem>>) dst(%dma_wait3A_656 : memref<10016x128xf32, #tpu.memory_space<vmem_shared>>)
        } else {
        }
        %iota3A_501 = tpu.iota {dimensions = array<i32: 0>} : vector<16xi32>
        %get3A_502 = arith.constant 0 : index
        %get3A_503 = tpu.vector_load %arg13[%get3A_502] {strides = array<i32>} : memref<80xi32, #tpu.memory_space<vmem>>, vector<16xi32>,
        %mul3A_504 = arith.constant 80 : i32
        %mul3A_505 = arith.muli %add3A_472, %mul3A_504 : i32
        %add3A_506 = arith.constant 0 : i32
        %add3A_507 = arith.addi %mul3A_505, %add3A_506 : i32
        %add3A_508 = vector.broadcast %add3A_507 : i32 to vector<16xi32>
        %add3A_509 = arith.addi %add3A_508, %iota3A_501 : vector<16xi32>
        %lt3A_510 = arith.constant 20000 : i32
        %lt3A_511 = vector.broadcast %lt3A_510 : i32 to vector<16xi32>
        %lt3A_512 = arith.cmpi slt, %add3A_509, %lt3A_511 : vector<16xi32>
        %shift_right_arithmetic3A_513 = arith.constant 14 : i32
        %shift_right_arithmetic3A_514 = vector.broadcast %shift_right_arithmetic3A_513 : i32 to vector<16xi32>
        %shift_right_arithmetic3A_515 = arith.shrsi %get3A_503, %shift_right_arithmetic3A_514 : vector<16xi32>
        %add3A_516 = vector.broadcast %mul3A_14 : i32 to vector<16xi32>
        %add3A_517 = arith.addi %shift_right_arithmetic3A_515, %add3A_516 : vector<16xi32>
        %swap3A_518 = arith.constant 0 : index
        %swap3A_519 = tpu.vector_load %arg7[%swap3A_518] {strides = array<i32>} : memref<80xi32, #tpu.memory_space<vmem>>, vector<16xi32>,
        tpu.vector_store %arg7[%swap3A_518], %add3A_517 {strides = array<i32>} : memref<80xi32, #tpu.memory_space<vmem>>, vector<16xi32>,
        %and3A_520 = arith.constant 16383 : i32
        %and3A_521 = vector.broadcast %and3A_520 : i32 to vector<16xi32>
        %and3A_522 = arith.andi %get3A_503, %and3A_521 : vector<16xi32>
        %jit3A_523 = arith.constant 10000 : i32
        %broadcast_in_dim3A_524 = vector.broadcast %jit3A_523 : i32 to vector<16xi32>
        %select_n3A_525 = arith.select %lt3A_512, %and3A_522, %broadcast_in_dim3A_524 : vector<16xi1>, vector<16xi32>
        %swap3A_526 = arith.constant 0 : index
        %swap3A_527 = tpu.vector_load %arg10[%swap3A_526] {strides = array<i32>} : memref<80xi32, #tpu.memory_space<vmem>>, vector<16xi32>,
        tpu.vector_store %arg10[%swap3A_526], %select_n3A_525 {strides = array<i32>} : memref<80xi32, #tpu.memory_space<vmem>>, vector<16xi32>,
        %get3A_528 = arith.constant 16 : index
        %get3A_529 = tpu.vector_load %arg13[%get3A_528] {strides = array<i32>} : memref<80xi32, #tpu.memory_space<vmem>>, vector<16xi32>,
        %mul3A_530 = arith.constant 80 : i32
        %mul3A_531 = arith.muli %add3A_472, %mul3A_530 : i32
        %add3A_532 = arith.constant 16 : i32
        %add3A_533 = arith.addi %mul3A_531, %add3A_532 : i32
        %add3A_534 = vector.broadcast %add3A_533 : i32 to vector<16xi32>
        %add3A_535 = arith.addi %add3A_534, %iota3A_501 : vector<16xi32>
        %lt3A_536 = arith.constant 20000 : i32
        %lt3A_537 = vector.broadcast %lt3A_536 : i32 to vector<16xi32>
        %lt3A_538 = arith.cmpi slt, %add3A_535, %lt3A_537 : vector<16xi32>
        %shift_right_arithmetic3A_539 = arith.constant 14 : i32
        %shift_right_arithmetic3A_540 = vector.broadcast %shift_right_arithmetic3A_539 : i32 to vector<16xi32>
        %shift_right_arithmetic3A_541 = arith.shrsi %get3A_529, %shift_right_arithmetic3A_540 : vector<16xi32>
        %add3A_542 = vector.broadcast %mul3A_14 : i32 to vector<16xi32>
        %add3A_543 = arith.addi %shift_right_arithmetic3A_541, %add3A_542 : vector<16xi32>
        %swap3A_544 = arith.constant 16 : index
        %swap3A_545 = tpu.vector_load %arg7[%swap3A_544] {strides = array<i32>} : memref<80xi32, #tpu.memory_space<vmem>>, vector<16xi32>,
        tpu.vector_store %arg7[%swap3A_544], %add3A_543 {strides = array<i32>} : memref<80xi32, #tpu.memory_space<vmem>>, vector<16xi32>,
        %and3A_546 = arith.constant 16383 : i32
        %and3A_547 = vector.broadcast %and3A_546 : i32 to vector<16xi32>
        %and3A_548 = arith.andi %get3A_529, %and3A_547 : vector<16xi32>
        %jit3A_549 = arith.constant 10000 : i32
        %broadcast_in_dim3A_550 = vector.broadcast %jit3A_549 : i32 to vector<16xi32>
        %select_n3A_551 = arith.select %lt3A_538, %and3A_548, %broadcast_in_dim3A_550 : vector<16xi1>, vector<16xi32>
        %swap3A_552 = arith.constant 16 : index
        %swap3A_553 = tpu.vector_load %arg10[%swap3A_552] {strides = array<i32>} : memref<80xi32, #tpu.memory_space<vmem>>, vector<16xi32>,
        tpu.vector_store %arg10[%swap3A_552], %select_n3A_551 {strides = array<i32>} : memref<80xi32, #tpu.memory_space<vmem>>, vector<16xi32>,
        %get3A_554 = arith.constant 32 : index
        %get3A_555 = tpu.vector_load %arg13[%get3A_554] {strides = array<i32>} : memref<80xi32, #tpu.memory_space<vmem>>, vector<16xi32>,
        %mul3A_556 = arith.constant 80 : i32
        %mul3A_557 = arith.muli %add3A_472, %mul3A_556 : i32
        %add3A_558 = arith.constant 32 : i32
        %add3A_559 = arith.addi %mul3A_557, %add3A_558 : i32
        %add3A_560 = vector.broadcast %add3A_559 : i32 to vector<16xi32>
        %add3A_561 = arith.addi %add3A_560, %iota3A_501 : vector<16xi32>
        %lt3A_562 = arith.constant 20000 : i32
        %lt3A_563 = vector.broadcast %lt3A_562 : i32 to vector<16xi32>
        %lt3A_564 = arith.cmpi slt, %add3A_561, %lt3A_563 : vector<16xi32>
        %shift_right_arithmetic3A_565 = arith.constant 14 : i32
        %shift_right_arithmetic3A_566 = vector.broadcast %shift_right_arithmetic3A_565 : i32 to vector<16xi32>
        %shift_right_arithmetic3A_567 = arith.shrsi %get3A_555, %shift_right_arithmetic3A_566 : vector<16xi32>
        %add3A_568 = vector.broadcast %mul3A_14 : i32 to vector<16xi32>
        %add3A_569 = arith.addi %shift_right_arithmetic3A_567, %add3A_568 : vector<16xi32>
        %swap3A_570 = arith.constant 32 : index
        %swap3A_571 = tpu.vector_load %arg7[%swap3A_570] {strides = array<i32>} : memref<80xi32, #tpu.memory_space<vmem>>, vector<16xi32>,
        tpu.vector_store %arg7[%swap3A_570], %add3A_569 {strides = array<i32>} : memref<80xi32, #tpu.memory_space<vmem>>, vector<16xi32>,
        %and3A_572 = arith.constant 16383 : i32
        %and3A_573 = vector.broadcast %and3A_572 : i32 to vector<16xi32>
        %and3A_574 = arith.andi %get3A_555, %and3A_573 : vector<16xi32>
        %jit3A_575 = arith.constant 10000 : i32
        %broadcast_in_dim3A_576 = vector.broadcast %jit3A_575 : i32 to vector<16xi32>
        %select_n3A_577 = arith.select %lt3A_564, %and3A_574, %broadcast_in_dim3A_576 : vector<16xi1>, vector<16xi32>
        %swap3A_578 = arith.constant 32 : index
        %swap3A_579 = tpu.vector_load %arg10[%swap3A_578] {strides = array<i32>} : memref<80xi32, #tpu.memory_space<vmem>>, vector<16xi32>,
        tpu.vector_store %arg10[%swap3A_578], %select_n3A_577 {strides = array<i32>} : memref<80xi32, #tpu.memory_space<vmem>>, vector<16xi32>,
        %get3A_580 = arith.constant 48 : index
        %get3A_581 = tpu.vector_load %arg13[%get3A_580] {strides = array<i32>} : memref<80xi32, #tpu.memory_space<vmem>>, vector<16xi32>,
        %mul3A_582 = arith.constant 80 : i32
        %mul3A_583 = arith.muli %add3A_472, %mul3A_582 : i32
        %add3A_584 = arith.constant 48 : i32
        %add3A_585 = arith.addi %mul3A_583, %add3A_584 : i32
        %add3A_586 = vector.broadcast %add3A_585 : i32 to vector<16xi32>
        %add3A_587 = arith.addi %add3A_586, %iota3A_501 : vector<16xi32>
        %lt3A_588 = arith.constant 20000 : i32
        %lt3A_589 = vector.broadcast %lt3A_588 : i32 to vector<16xi32>
        %lt3A_590 = arith.cmpi slt, %add3A_587, %lt3A_589 : vector<16xi32>
        %shift_right_arithmetic3A_591 = arith.constant 14 : i32
        %shift_right_arithmetic3A_592 = vector.broadcast %shift_right_arithmetic3A_591 : i32 to vector<16xi32>
        %shift_right_arithmetic3A_593 = arith.shrsi %get3A_581, %shift_right_arithmetic3A_592 : vector<16xi32>
        %add3A_594 = vector.broadcast %mul3A_14 : i32 to vector<16xi32>
        %add3A_595 = arith.addi %shift_right_arithmetic3A_593, %add3A_594 : vector<16xi32>
        %swap3A_596 = arith.constant 48 : index
        %swap3A_597 = tpu.vector_load %arg7[%swap3A_596] {strides = array<i32>} : memref<80xi32, #tpu.memory_space<vmem>>, vector<16xi32>,
        tpu.vector_store %arg7[%swap3A_596], %add3A_595 {strides = array<i32>} : memref<80xi32, #tpu.memory_space<vmem>>, vector<16xi32>,
        %and3A_598 = arith.constant 16383 : i32
        %and3A_599 = vector.broadcast %and3A_598 : i32 to vector<16xi32>
        %and3A_600 = arith.andi %get3A_581, %and3A_599 : vector<16xi32>
        %jit3A_601 = arith.constant 10000 : i32
        %broadcast_in_dim3A_602 = vector.broadcast %jit3A_601 : i32 to vector<16xi32>
        %select_n3A_603 = arith.select %lt3A_590, %and3A_600, %broadcast_in_dim3A_602 : vector<16xi1>, vector<16xi32>
        %swap3A_604 = arith.constant 48 : index
        %swap3A_605 = tpu.vector_load %arg10[%swap3A_604] {strides = array<i32>} : memref<80xi32, #tpu.memory_space<vmem>>, vector<16xi32>,
        tpu.vector_store %arg10[%swap3A_604], %select_n3A_603 {strides = array<i32>} : memref<80xi32, #tpu.memory_space<vmem>>, vector<16xi32>,
        %get3A_606 = arith.constant 64 : index
        %get3A_607 = tpu.vector_load %arg13[%get3A_606] {strides = array<i32>} : memref<80xi32, #tpu.memory_space<vmem>>, vector<16xi32>,
        %mul3A_608 = arith.constant 80 : i32
        %mul3A_609 = arith.muli %add3A_472, %mul3A_608 : i32
        %add3A_610 = arith.constant 64 : i32
        %add3A_611 = arith.addi %mul3A_609, %add3A_610 : i32
        %add3A_612 = vector.broadcast %add3A_611 : i32 to vector<16xi32>
        %add3A_613 = arith.addi %add3A_612, %iota3A_501 : vector<16xi32>
        %lt3A_614 = arith.constant 20000 : i32
        %lt3A_615 = vector.broadcast %lt3A_614 : i32 to vector<16xi32>
        %lt3A_616 = arith.cmpi slt, %add3A_613, %lt3A_615 : vector<16xi32>
        %shift_right_arithmetic3A_617 = arith.constant 14 : i32
        %shift_right_arithmetic3A_618 = vector.broadcast %shift_right_arithmetic3A_617 : i32 to vector<16xi32>
        %shift_right_arithmetic3A_619 = arith.shrsi %get3A_607, %shift_right_arithmetic3A_618 : vector<16xi32>
        %add3A_620 = vector.broadcast %mul3A_14 : i32 to vector<16xi32>
        %add3A_621 = arith.addi %shift_right_arithmetic3A_619, %add3A_620 : vector<16xi32>
        %swap3A_622 = arith.constant 64 : index
        %swap3A_623 = tpu.vector_load %arg7[%swap3A_622] {strides = array<i32>} : memref<80xi32, #tpu.memory_space<vmem>>, vector<16xi32>,
        tpu.vector_store %arg7[%swap3A_622], %add3A_621 {strides = array<i32>} : memref<80xi32, #tpu.memory_space<vmem>>, vector<16xi32>,
        %and3A_624 = arith.constant 16383 : i32
        %and3A_625 = vector.broadcast %and3A_624 : i32 to vector<16xi32>
        %and3A_626 = arith.andi %get3A_607, %and3A_625 : vector<16xi32>
        %jit3A_627 = arith.constant 10000 : i32
        %broadcast_in_dim3A_628 = vector.broadcast %jit3A_627 : i32 to vector<16xi32>
        %select_n3A_629 = arith.select %lt3A_616, %and3A_626, %broadcast_in_dim3A_628 : vector<16xi1>, vector<16xi32>
        %swap3A_630 = arith.constant 64 : index
        %swap3A_631 = tpu.vector_load %arg10[%swap3A_630] {strides = array<i32>} : memref<80xi32, #tpu.memory_space<vmem>>, vector<16xi32>,
        tpu.vector_store %arg10[%swap3A_630], %select_n3A_629 {strides = array<i32>} : memref<80xi32, #tpu.memory_space<vmem>>, vector<16xi32>,
        %dma_start3A_632 = arith.constant 2 : i32
        %dma_start3A_633 = arith.constant 0 : i32
        %dma_start3A_634 = arith.constant 0 : i32
        %dma_start3A_635 = tpu.memref_slice %arg14[%dma_start3A_632, %dma_start3A_633, %dma_start3A_634] : memref<3x80x128xf32, #tpu.memory_space<vmem>> -> memref<1x80x128xf32, #tpu.memory_space<vmem>>
        %dma_start3A_636 = tpu.memref_squeeze %dma_start3A_635 : memref<1x80x128xf32, #tpu.memory_space<vmem>> -> memref<80x128xf32, #tpu.memory_space<vmem>>
        %dma_start3A_637 = arith.constant 0 : i32
        %dma_start3A_638 = arith.constant 0 : i32
        %dma_start3A_639 = tpu.memref_slice %arg2[%dma_start3A_637, %dma_start3A_638] : memref<160000x128xf32, #tpu.memory_space<hbm>> -> memref<160000x128xf32, #tpu.memory_space<hbm>>
        tpu.enqueue_indirect_dma source(%dma_start3A_639 : memref<160000x128xf32, #tpu.memory_space<hbm>>) target(%dma_start3A_636 : memref<80x128xf32, #tpu.memory_space<vmem>>) offsets(%arg7 : memref<80xi32, #tpu.memory_space<vmem>>) semaphore(%arg18 : memref<!tpu.dma_semaphore, #tpu.memory_space<semaphore_mem>>)
        %add3A_640 = arith.constant 3 : i32
        %add3A_641 = arith.addi %add3A_472, %add3A_640 : i32
        %mul3A_642 = arith.constant 80 : i32
        %mul3A_643 = arith.muli %add3A_641, %mul3A_642 : i32
        %min3A_644 = arith.constant 19920 : i32
        %min3A_645 = arith.minsi %mul3A_643, %min3A_644 : i32
        %add3A_646 = arith.addi %mul3A_0, %min3A_645 : i32
        %dma_start3A_647 = tpu.memref_slice %arg3[%add3A_646] : memref<320000xi32, #tpu.memory_space<hbm>> -> memref<80xi32, #tpu.memory_space<hbm>>
        %dma_start3A_648 = tpu.memref_slice %arg3[%add3A_646] : memref<320000xi32, #tpu.memory_space<hbm>> -> memref<80xi32, #tpu.memory_space<hbm>>
        tpu.enqueue_dma source(%dma_start3A_648 : memref<80xi32, #tpu.memory_space<hbm>>) target(%arg13 : memref<80xi32, #tpu.memory_space<vmem>>) target_semaphore(%arg24 : memref<!tpu.dma_semaphore, #tpu.memory_space<semaphore_mem>>)
      }
      %scan3A_60 = arith.constant 84 : i32
      %dma_wait3A = arith.constant 2 : i32
      %dma_wait3A_61 = arith.constant 0 : i32
      %dma_wait3A_62 = arith.constant 0 : i32
      %dma_wait3A_63 = tpu.memref_slice %arg14[%dma_wait3A, %dma_wait3A_61, %dma_wait3A_62] : memref<3x80x128xf32, #tpu.memory_space<vmem>> -> memref<1x80x128xf32, #tpu.memory_space<vmem>>
      %dma_wait3A_64 = tpu.memref_squeeze %dma_wait3A_63 : memref<1x80x128xf32, #tpu.memory_space<vmem>> -> memref<80x128xf32, #tpu.memory_space<vmem>>
      %dma_wait3A_65 = arith.constant 0 : i32
      %dma_wait3A_66 = arith.constant 0 : i32
      %dma_wait3A_67 = tpu.memref_slice %arg2[%dma_wait3A_65, %dma_wait3A_66] : memref<160000x128xf32, #tpu.memory_space<hbm>> -> memref<160000x128xf32, #tpu.memory_space<hbm>>
      tpu.wait_indirect_dma semaphore(%arg18 : memref<!tpu.dma_semaphore, #tpu.memory_space<semaphore_mem>>) src(%dma_wait3A_67 : memref<160000x128xf32, #tpu.memory_space<hbm>>) dst(%dma_wait3A_64 : memref<80x128xf32, #tpu.memory_space<vmem>>)
      %dma_start3A_68 = arith.constant 2 : i32
      %dma_start3A_69 = arith.constant 0 : i32
      %dma_start3A_70 = arith.constant 0 : i32
      %dma_start3A_71 = tpu.memref_slice %arg14[%dma_start3A_68, %dma_start3A_69, %dma_start3A_70] : memref<3x80x128xf32, #tpu.memory_space<vmem>> -> memref<1x80x128xf32, #tpu.memory_space<vmem>>
      %dma_start3A_72 = tpu.memref_squeeze %dma_start3A_71 : memref<1x80x128xf32, #tpu.memory_space<vmem>> -> memref<80x128xf32, #tpu.memory_space<vmem>>
      %dma_start3A_73 = arith.constant 0 : i32
      %dma_start3A_74 = arith.constant 0 : i32
      %dma_start3A_75 = tpu.memref_slice %arg15[%dma_start3A_73, %dma_start3A_74] : memref<10016x128xf32, #tpu.memory_space<vmem_shared>> -> memref<10016x128xf32, #tpu.memory_space<vmem_shared>>
      tpu.enqueue_indirect_dma source(%dma_start3A_72 : memref<80x128xf32, #tpu.memory_space<vmem>>) target(%dma_start3A_75 : memref<10016x128xf32, #tpu.memory_space<vmem_shared>>) offsets(%arg10 : memref<80xi32, #tpu.memory_space<vmem>>) semaphore(%arg21 : memref<!tpu.dma_semaphore, #tpu.memory_space<semaphore_mem>>) {add = true}
      %dma_wait3A_76 = arith.constant 0 : i32
      %dma_wait3A_77 = arith.constant 0 : i32
      %dma_wait3A_78 = arith.constant 0 : i32
      %dma_wait3A_79 = tpu.memref_slice %arg14[%dma_wait3A_76, %dma_wait3A_77, %dma_wait3A_78] : memref<3x80x128xf32, #tpu.memory_space<vmem>> -> memref<1x80x128xf32, #tpu.memory_space<vmem>>
      %dma_wait3A_80 = tpu.memref_squeeze %dma_wait3A_79 : memref<1x80x128xf32, #tpu.memory_space<vmem>> -> memref<80x128xf32, #tpu.memory_space<vmem>>
      %dma_wait3A_81 = arith.constant 0 : i32
      %dma_wait3A_82 = arith.constant 0 : i32
      %dma_wait3A_83 = tpu.memref_slice %arg15[%dma_wait3A_81, %dma_wait3A_82] : memref<10016x128xf32, #tpu.memory_space<vmem_shared>> -> memref<10016x128xf32, #tpu.memory_space<vmem_shared>>
      tpu.wait_indirect_dma semaphore(%arg19 : memref<!tpu.dma_semaphore, #tpu.memory_space<semaphore_mem>>) src(%dma_wait3A_80 : memref<80x128xf32, #tpu.memory_space<vmem>>) dst(%dma_wait3A_83 : memref<10016x128xf32, #tpu.memory_space<vmem_shared>>)
      %dma_wait3A_84 = arith.constant 1 : i32
      %dma_wait3A_85 = arith.constant 0 : i32
      %dma_wait3A_86 = arith.constant 0 : i32
      %dma_wait3A_87 = tpu.memref_slice %arg14[%dma_wait3A_84, %dma_wait3A_85, %dma_wait3A_86] : memref<3x80x128xf32, #tpu.memory_space<vmem>> -> memref<1x80x128xf32, #tpu.memory_space<vmem>>
      %dma_wait3A_88 = tpu.memref_squeeze %dma_wait3A_87 : memref<1x80x128xf32, #tpu.memory_space<vmem>> -> memref<80x128xf32, #tpu.memory_space<vmem>>
      %dma_wait3A_89 = arith.constant 0 : i32
      %dma_wait3A_90 = arith.constant 0 : i32
      %dma_wait3A_91 = tpu.memref_slice %arg15[%dma_wait3A_89, %dma_wait3A_90] : memref<10016x128xf32, #tpu.memory_space<vmem_shared>> -> memref<10016x128xf32, #tpu.memory_space<vmem_shared>>
      tpu.wait_indirect_dma semaphore(%arg20 : memref<!tpu.dma_semaphore, #tpu.memory_space<semaphore_mem>>) src(%dma_wait3A_88 : memref<80x128xf32, #tpu.memory_space<vmem>>) dst(%dma_wait3A_91 : memref<10016x128xf32, #tpu.memory_space<vmem_shared>>)
      %dma_wait3A_92 = arith.constant 2 : i32
      %dma_wait3A_93 = arith.constant 0 : i32
      %dma_wait3A_94 = arith.constant 0 : i32
      %dma_wait3A_95 = tpu.memref_slice %arg14[%dma_wait3A_92, %dma_wait3A_93, %dma_wait3A_94] : memref<3x80x128xf32, #tpu.memory_space<vmem>> -> memref<1x80x128xf32, #tpu.memory_space<vmem>>
      %dma_wait3A_96 = tpu.memref_squeeze %dma_wait3A_95 : memref<1x80x128xf32, #tpu.memory_space<vmem>> -> memref<80x128xf32, #tpu.memory_space<vmem>>
      %dma_wait3A_97 = arith.constant 0 : i32
      %dma_wait3A_98 = arith.constant 0 : i32
      %dma_wait3A_99 = tpu.memref_slice %arg15[%dma_wait3A_97, %dma_wait3A_98] : memref<10016x128xf32, #tpu.memory_space<vmem_shared>> -> memref<10016x128xf32, #tpu.memory_space<vmem_shared>>
      tpu.wait_indirect_dma semaphore(%arg21 : memref<!tpu.dma_semaphore, #tpu.memory_space<semaphore_mem>>) src(%dma_wait3A_96 : memref<80x128xf32, #tpu.memory_space<vmem>>) dst(%dma_wait3A_99 : memref<10016x128xf32, #tpu.memory_space<vmem_shared>>)
      %min3A_100 = arith.constant 20160 : i32
      %min3A_101 = arith.constant 19920 : i32
      %min3A_102 = arith.minsi %min3A_100, %min3A_101 : i32
      %add3A_103 = arith.addi %mul3A_0, %min3A_102 : i32
      %dma_wait3A_104 = tpu.memref_slice %arg3[%add3A_103] : memref<320000xi32, #tpu.memory_space<hbm>> -> memref<80xi32, #tpu.memory_space<hbm>>
      %dma_wait3A_105 = tpu.memref_slice %arg3[%add3A_103] : memref<320000xi32, #tpu.memory_space<hbm>> -> memref<80xi32, #tpu.memory_space<hbm>>
      tpu.wait_dma2 semaphore(%arg22 : memref<!tpu.dma_semaphore, #tpu.memory_space<semaphore_mem>>) src(%dma_wait3A_105 : memref<80xi32, #tpu.memory_space<hbm>>) dst(%arg11 : memref<80xi32, #tpu.memory_space<vmem>>)
      %min3A_106 = arith.constant 20240 : i32
      %min3A_107 = arith.constant 19920 : i32
      %min3A_108 = arith.minsi %min3A_106, %min3A_107 : i32
      %add3A_109 = arith.addi %mul3A_0, %min3A_108 : i32
      %dma_wait3A_110 = tpu.memref_slice %arg3[%add3A_109] : memref<320000xi32, #tpu.memory_space<hbm>> -> memref<80xi32, #tpu.memory_space<hbm>>
      %dma_wait3A_111 = tpu.memref_slice %arg3[%add3A_109] : memref<320000xi32, #tpu.memory_space<hbm>> -> memref<80xi32, #tpu.memory_space<hbm>>
      tpu.wait_dma2 semaphore(%arg23 : memref<!tpu.dma_semaphore, #tpu.memory_space<semaphore_mem>>) src(%dma_wait3A_111 : memref<80xi32, #tpu.memory_space<hbm>>) dst(%arg12 : memref<80xi32, #tpu.memory_space<vmem>>)
      %min3A_112 = arith.constant 20320 : i32
      %min3A_113 = arith.constant 19920 : i32
      %min3A_114 = arith.minsi %min3A_112, %min3A_113 : i32
      %add3A_115 = arith.addi %mul3A_0, %min3A_114 : i32
      %dma_wait3A_116 = tpu.memref_slice %arg3[%add3A_115] : memref<320000xi32, #tpu.memory_space<hbm>> -> memref<80xi32, #tpu.memory_space<hbm>>
      %dma_wait3A_117 = tpu.memref_slice %arg3[%add3A_115] : memref<320000xi32, #tpu.memory_space<hbm>> -> memref<80xi32, #tpu.memory_space<hbm>>
      tpu.wait_dma2 semaphore(%arg24 : memref<!tpu.dma_semaphore, #tpu.memory_space<semaphore_mem>>) src(%dma_wait3A_117 : memref<80xi32, #tpu.memory_space<hbm>>) dst(%arg13 : memref<80xi32, #tpu.memory_space<vmem>>)
      %barrier3A_118 = arith.constant 0 : index
      tpu.barrier barrier_id(%barrier3A_118)
      %mul3A_119 = arith.constant 625 : i32
      %mul3A_120 = arith.muli %arg1, %mul3A_119 : i32
      %mul3A_121 = arith.constant 8 : i32
      %mul3A_122 = arith.muli %arg0, %mul3A_121 : i32
      %add3A_123 = arith.addi %mul3A_122, %scan3A_10 : i32
      %mul3A_124 = arith.constant 625 : i32
      %mul3A_125 = arith.muli %arg1, %mul3A_124 : i32
      "tpu.region"() ({
        %run_scoped3A_131 = tpu.sem_alloc : memref<!tpu.dma_semaphore, #tpu.memory_space<semaphore_mem>>
        %dma_start3A_132 = arith.constant 0 : i32
        %dma_start3A_133 = tpu.memref_slice %arg4[%add3A_123, %mul3A_125, %dma_start3A_132] : memref<16x10000x128xf32, #tpu.memory_space<hbm>> -> memref<1x625x128xf32, #tpu.memory_space<hbm>>
        %dma_start3A_134 = tpu.memref_squeeze %dma_start3A_133 : memref<1x625x128xf32, #tpu.memory_space<hbm>> -> memref<625x128xf32, #tpu.memory_space<hbm>>
        %dma_start3A_135 = arith.constant 0 : i32
        %dma_start3A_136 = tpu.memref_slice %arg15[%mul3A_120, %dma_start3A_135] : memref<10016x128xf32, #tpu.memory_space<vmem_shared>> -> memref<625x128xf32, #tpu.memory_space<vmem_shared>>
        tpu.enqueue_dma source(%dma_start3A_136 : memref<625x128xf32, #tpu.memory_space<vmem_shared>>) target(%dma_start3A_134 : memref<625x128xf32, #tpu.memory_space<hbm>>) target_semaphore(%run_scoped3A_131 : memref<!tpu.dma_semaphore, #tpu.memory_space<semaphore_mem>>)
        %dma_wait3A_137 = arith.constant 0 : i32
        %dma_wait3A_138 = tpu.memref_slice %arg4[%add3A_123, %mul3A_125, %dma_wait3A_137] : memref<16x10000x128xf32, #tpu.memory_space<hbm>> -> memref<1x625x128xf32, #tpu.memory_space<hbm>>
        %dma_wait3A_139 = tpu.memref_squeeze %dma_wait3A_138 : memref<1x625x128xf32, #tpu.memory_space<hbm>> -> memref<625x128xf32, #tpu.memory_space<hbm>>
        %dma_wait3A_140 = arith.constant 0 : i32
        %dma_wait3A_141 = tpu.memref_slice %arg15[%mul3A_120, %dma_wait3A_140] : memref<10016x128xf32, #tpu.memory_space<vmem_shared>> -> memref<625x128xf32, #tpu.memory_space<vmem_shared>>
        tpu.wait_dma2 semaphore(%run_scoped3A_131 : memref<!tpu.dma_semaphore, #tpu.memory_space<semaphore_mem>>) src(%dma_wait3A_141 : memref<625x128xf32, #tpu.memory_space<vmem_shared>>) dst(%dma_wait3A_139 : memref<625x128xf32, #tpu.memory_space<hbm>>)
        tpu.yield
      }) : () -> ()
      %scan3A_126 = arith.constant 0 : i32
      %scan3A_127 = arith.constant 80 : i32
      %scan3A_128 = arith.addi %scan3A_126, %scan3A_127 : i32
      %scan3A_129 = arith.constant 1 : i32
      scf.for %scan3A_131 = %scan3A_126 to %scan3A_128 step %scan3A_129  : i32 {
        %broadcast_in_dim3A = arith.constant 0.000000e+00 : f32
        %broadcast_in_dim3A_132 = vector.broadcast %broadcast_in_dim3A : f32 to vector<16xf32>
        %swap3A = arith.constant 0 : i32
        %swap3A_133 = arith.index_cast %swap3A : i32 to index
        %swap3A_134 = arith.index_cast %scan3A_131 : i32 to index
        %swap3A_135 = arith.constant 0 : index
        %swap3A_136 = tpu.vector_load %arg14[%swap3A_133, %swap3A_134, %swap3A_135] {strides = array<i32>} : memref<3x80x128xf32, #tpu.memory_space<vmem>>, vector<16xf32>,
        tpu.vector_store %arg14[%swap3A_133, %swap3A_134, %swap3A_135], %broadcast_in_dim3A_132 {strides = array<i32>} : memref<3x80x128xf32, #tpu.memory_space<vmem>>, vector<16xf32>,
        %broadcast_in_dim3A_137 = arith.constant 0.000000e+00 : f32
        %broadcast_in_dim3A_138 = vector.broadcast %broadcast_in_dim3A_137 : f32 to vector<16xf32>
        %swap3A_139 = arith.constant 0 : i32
        %swap3A_140 = arith.index_cast %swap3A_139 : i32 to index
        %swap3A_141 = arith.index_cast %scan3A_131 : i32 to index
        %swap3A_142 = arith.constant 16 : index
        %swap3A_143 = tpu.vector_load %arg14[%swap3A_140, %swap3A_141, %swap3A_142] {strides = array<i32>} : memref<3x80x128xf32, #tpu.memory_space<vmem>>, vector<16xf32>,
        tpu.vector_store %arg14[%swap3A_140, %swap3A_141, %swap3A_142], %broadcast_in_dim3A_138 {strides = array<i32>} : memref<3x80x128xf32, #tpu.memory_space<vmem>>, vector<16xf32>,
        %broadcast_in_dim3A_144 = arith.constant 0.000000e+00 : f32
        %broadcast_in_dim3A_145 = vector.broadcast %broadcast_in_dim3A_144 : f32 to vector<16xf32>
        %swap3A_146 = arith.constant 0 : i32
        %swap3A_147 = arith.index_cast %swap3A_146 : i32 to index
        %swap3A_148 = arith.index_cast %scan3A_131 : i32 to index
        %swap3A_149 = arith.constant 32 : index
        %swap3A_150 = tpu.vector_load %arg14[%swap3A_147, %swap3A_148, %swap3A_149] {strides = array<i32>} : memref<3x80x128xf32, #tpu.memory_space<vmem>>, vector<16xf32>,
        tpu.vector_store %arg14[%swap3A_147, %swap3A_148, %swap3A_149], %broadcast_in_dim3A_145 {strides = array<i32>} : memref<3x80x128xf32, #tpu.memory_space<vmem>>, vector<16xf32>,
        %broadcast_in_dim3A_151 = arith.constant 0.000000e+00 : f32
        %broadcast_in_dim3A_152 = vector.broadcast %broadcast_in_dim3A_151 : f32 to vector<16xf32>
        %swap3A_153 = arith.constant 0 : i32
        %swap3A_154 = arith.index_cast %swap3A_153 : i32 to index
        %swap3A_155 = arith.index_cast %scan3A_131 : i32 to index
        %swap3A_156 = arith.constant 48 : index
        %swap3A_157 = tpu.vector_load %arg14[%swap3A_154, %swap3A_155, %swap3A_156] {strides = array<i32>} : memref<3x80x128xf32, #tpu.memory_space<vmem>>, vector<16xf32>,
        tpu.vector_store %arg14[%swap3A_154, %swap3A_155, %swap3A_156], %broadcast_in_dim3A_152 {strides = array<i32>} : memref<3x80x128xf32, #tpu.memory_space<vmem>>, vector<16xf32>,
        %broadcast_in_dim3A_158 = arith.constant 0.000000e+00 : f32
        %broadcast_in_dim3A_159 = vector.broadcast %broadcast_in_dim3A_158 : f32 to vector<16xf32>
        %swap3A_160 = arith.constant 0 : i32
        %swap3A_161 = arith.index_cast %swap3A_160 : i32 to index
        %swap3A_162 = arith.index_cast %scan3A_131 : i32 to index
        %swap3A_163 = arith.constant 64 : index
        %swap3A_164 = tpu.vector_load %arg14[%swap3A_161, %swap3A_162, %swap3A_163] {strides = array<i32>} : memref<3x80x128xf32, #tpu.memory_space<vmem>>, vector<16xf32>,
        tpu.vector_store %arg14[%swap3A_161, %swap3A_162, %swap3A_163], %broadcast_in_dim3A_159 {strides = array<i32>} : memref<3x80x128xf32, #tpu.memory_space<vmem>>, vector<16xf32>,
        %broadcast_in_dim3A_165 = arith.constant 0.000000e+00 : f32
        %broadcast_in_dim3A_166 = vector.broadcast %broadcast_in_dim3A_165 : f32 to vector<16xf32>
        %swap3A_167 = arith.constant 0 : i32
        %swap3A_168 = arith.index_cast %swap3A_167 : i32 to index
        %swap3A_169 = arith.index_cast %scan3A_131 : i32 to index
        %swap3A_170 = arith.constant 80 : index
        %swap3A_171 = tpu.vector_load %arg14[%swap3A_168, %swap3A_169, %swap3A_170] {strides = array<i32>} : memref<3x80x128xf32, #tpu.memory_space<vmem>>, vector<16xf32>,
        tpu.vector_store %arg14[%swap3A_168, %swap3A_169, %swap3A_170], %broadcast_in_dim3A_166 {strides = array<i32>} : memref<3x80x128xf32, #tpu.memory_space<vmem>>, vector<16xf32>,
        %broadcast_in_dim3A_172 = arith.constant 0.000000e+00 : f32
        %broadcast_in_dim3A_173 = vector.broadcast %broadcast_in_dim3A_172 : f32 to vector<16xf32>
        %swap3A_174 = arith.constant 0 : i32
        %swap3A_175 = arith.index_cast %swap3A_174 : i32 to index
        %swap3A_176 = arith.index_cast %scan3A_131 : i32 to index
        %swap3A_177 = arith.constant 96 : index
        %swap3A_178 = tpu.vector_load %arg14[%swap3A_175, %swap3A_176, %swap3A_177] {strides = array<i32>} : memref<3x80x128xf32, #tpu.memory_space<vmem>>, vector<16xf32>,
        tpu.vector_store %arg14[%swap3A_175, %swap3A_176, %swap3A_177], %broadcast_in_dim3A_173 {strides = array<i32>} : memref<3x80x128xf32, #tpu.memory_space<vmem>>, vector<16xf32>,
        %broadcast_in_dim3A_179 = arith.constant 0.000000e+00 : f32
        %broadcast_in_dim3A_180 = vector.broadcast %broadcast_in_dim3A_179 : f32 to vector<16xf32>
        %swap3A_181 = arith.constant 0 : i32
        %swap3A_182 = arith.index_cast %swap3A_181 : i32 to index
        %swap3A_183 = arith.index_cast %scan3A_131 : i32 to index
        %swap3A_184 = arith.constant 112 : index
        %swap3A_185 = tpu.vector_load %arg14[%swap3A_182, %swap3A_183, %swap3A_184] {strides = array<i32>} : memref<3x80x128xf32, #tpu.memory_space<vmem>>, vector<16xf32>,
        tpu.vector_store %arg14[%swap3A_182, %swap3A_183, %swap3A_184], %broadcast_in_dim3A_180 {strides = array<i32>} : memref<3x80x128xf32, #tpu.memory_space<vmem>>, vector<16xf32>,
      }
      %scan3A_130 = arith.constant 80 : i32
    }
    %scan3A_9 = arith.constant 8 : i32
    return
  }
}

#map = affine_map<(d0, d1) -> (0)>
#map1 = affine_map<(d0, d1) -> (0, 0)>
module attributes {stable_mosaic.version = 14 : i64} {
  func.func @_deg_body(%arg0: i32, %arg1: i32, %arg2: memref<320000xi32, #tpu.memory_space<hbm>>, %arg3: memref<2x10000xf32, #tpu.memory_space<hbm>>, %arg4: memref<10000xi32, #tpu.memory_space<vmem>>, %arg5: memref<10000xf32, #tpu.memory_space<vmem>>, %arg6: memref<2000xf32, #tpu.memory_space<vmem>>, %arg7: memref<2000xf32, #tpu.memory_space<vmem>>, %arg8: memref<16x10000xf32, #tpu.memory_space<vmem_shared>>) attributes {dimension_semantics = [#tpu.dimension_semantics<core_parallel>, #tpu.dimension_semantics<subcore_parallel>], iteration_bounds = array<i64: 2, 16>, scalar_prefetch = 0 : i64, scratch_operands = 5 : i64, tpu.core_type = #tpu.core_type<sc_vector_subcore>, window_params = [{transform_indices = #map}, {transform_indices = #map1}]} {
    %mul3A = arith.constant 16 : i32
    %mul3A_0 = arith.muli %arg0, %mul3A : i32
    %add3A = arith.addi %mul3A_0, %arg1 : i32
    %mul3A_1 = arith.constant 10000 : i32
    %mul3A_2 = arith.muli %add3A, %mul3A_1 : i32
    "tpu.region"() ({
      %run_scoped3A = tpu.sem_alloc : memref<!tpu.dma_semaphore, #tpu.memory_space<semaphore_mem>>
      %dma_start3A = tpu.memref_slice %arg2[%mul3A_2] : memref<320000xi32, #tpu.memory_space<hbm>> -> memref<10000xi32, #tpu.memory_space<hbm>>
      %dma_start3A_15 = tpu.memref_slice %arg2[%mul3A_2] : memref<320000xi32, #tpu.memory_space<hbm>> -> memref<10000xi32, #tpu.memory_space<hbm>>
      tpu.enqueue_dma source(%dma_start3A_15 : memref<10000xi32, #tpu.memory_space<hbm>>) target(%arg4 : memref<10000xi32, #tpu.memory_space<vmem>>) target_semaphore(%run_scoped3A : memref<!tpu.dma_semaphore, #tpu.memory_space<semaphore_mem>>)
      %dma_wait3A = tpu.memref_slice %arg2[%mul3A_2] : memref<320000xi32, #tpu.memory_space<hbm>> -> memref<10000xi32, #tpu.memory_space<hbm>>
      %dma_wait3A_16 = tpu.memref_slice %arg2[%mul3A_2] : memref<320000xi32, #tpu.memory_space<hbm>> -> memref<10000xi32, #tpu.memory_space<hbm>>
      tpu.wait_dma2 semaphore(%run_scoped3A : memref<!tpu.dma_semaphore, #tpu.memory_space<semaphore_mem>>) src(%dma_wait3A_16 : memref<10000xi32, #tpu.memory_space<hbm>>) dst(%arg4 : memref<10000xi32, #tpu.memory_space<vmem>>)
      tpu.yield
    }) : () -> ()
    %scan3A = arith.constant 0 : i32
    %scan3A_3 = arith.constant 625 : i32
    %scan3A_4 = arith.addi %scan3A, %scan3A_3 : i32
    %scan3A_5 = arith.constant 1 : i32
    scf.for %scan3A_15 = %scan3A to %scan3A_4 step %scan3A_5  : i32 {
      %broadcast_in_dim3A_16 = arith.constant 0.000000e+00 : f32
      %broadcast_in_dim3A_17 = vector.broadcast %broadcast_in_dim3A_16 : f32 to vector<16xf32>
      %mul3A_18 = arith.constant 16 : i32
      %mul3A_19 = arith.muli %scan3A_15, %mul3A_18 : i32
      %swap3A = arith.index_cast %mul3A_19 : i32 to index
      %swap3A_20 = tpu.vector_load %arg5[%swap3A] {strides = array<i32>} : memref<10000xf32, #tpu.memory_space<vmem>>, vector<16xf32>,
      tpu.vector_store %arg5[%swap3A], %broadcast_in_dim3A_17 {strides = array<i32>} : memref<10000xf32, #tpu.memory_space<vmem>>, vector<16xf32>,
    }
    %scan3A_6 = arith.constant 625 : i32
    %broadcast_in_dim3A = arith.constant 1.000000e+00 : f32
    %broadcast_in_dim3A_7 = vector.broadcast %broadcast_in_dim3A : f32 to vector<16xf32>
    %scan3A_8 = arith.constant 0 : i32
    %scan3A_9 = arith.constant 625 : i32
    %scan3A_10 = arith.addi %scan3A_8, %scan3A_9 : i32
    %scan3A_11 = arith.constant 1 : i32
    scf.for %scan3A_15 = %scan3A_8 to %scan3A_10 step %scan3A_11  : i32 {
      %mul3A_16 = arith.constant 16 : i32
      %mul3A_17 = arith.muli %scan3A_15, %mul3A_16 : i32
      %get3A = arith.index_cast %mul3A_17 : i32 to index
      %get3A_18 = tpu.vector_load %arg4[%get3A] {strides = array<i32>} : memref<10000xi32, #tpu.memory_space<vmem>>, vector<16xi32>,
      tpu.vector_store_idx %arg5[%get3A_18], %broadcast_in_dim3A_7 {add = true} : memref<10000xf32, #tpu.memory_space<vmem>>[vector<16xi32>], vector<16xf32>,
    }
    %scan3A_12 = arith.constant 625 : i32
    "tpu.region"() ({
      %run_scoped3A = tpu.sem_alloc : memref<!tpu.dma_semaphore, #tpu.memory_space<semaphore_mem>>
      %dma_start3A = arith.constant 0 : i32
      %dma_start3A_15 = tpu.memref_slice %arg8[%arg1, %dma_start3A] : memref<16x10000xf32, #tpu.memory_space<vmem_shared>> -> memref<1x10000xf32, #tpu.memory_space<vmem_shared>>
      %dma_start3A_16 = tpu.memref_squeeze %dma_start3A_15 : memref<1x10000xf32, #tpu.memory_space<vmem_shared>> -> memref<10000xf32, #tpu.memory_space<vmem_shared>>
      %dma_start3A_17 = arith.constant 0 : i32
      %dma_start3A_18 = tpu.memref_slice %arg8[%arg1, %dma_start3A_17] : memref<16x10000xf32, #tpu.memory_space<vmem_shared>> -> memref<1x10000xf32, #tpu.memory_space<vmem_shared>>
      %dma_start3A_19 = tpu.memref_squeeze %dma_start3A_18 : memref<1x10000xf32, #tpu.memory_space<vmem_shared>> -> memref<10000xf32, #tpu.memory_space<vmem_shared>>
      tpu.enqueue_dma source(%arg5 : memref<10000xf32, #tpu.memory_space<vmem>>) target(%dma_start3A_19 : memref<10000xf32, #tpu.memory_space<vmem_shared>>) target_semaphore(%run_scoped3A : memref<!tpu.dma_semaphore, #tpu.memory_space<semaphore_mem>>)
      %dma_wait3A = arith.constant 0 : i32
      %dma_wait3A_20 = tpu.memref_slice %arg8[%arg1, %dma_wait3A] : memref<16x10000xf32, #tpu.memory_space<vmem_shared>> -> memref<1x10000xf32, #tpu.memory_space<vmem_shared>>
      %dma_wait3A_21 = tpu.memref_squeeze %dma_wait3A_20 : memref<1x10000xf32, #tpu.memory_space<vmem_shared>> -> memref<10000xf32, #tpu.memory_space<vmem_shared>>
      %dma_wait3A_22 = arith.constant 0 : i32
      %dma_wait3A_23 = tpu.memref_slice %arg8[%arg1, %dma_wait3A_22] : memref<16x10000xf32, #tpu.memory_space<vmem_shared>> -> memref<1x10000xf32, #tpu.memory_space<vmem_shared>>
      %dma_wait3A_24 = tpu.memref_squeeze %dma_wait3A_23 : memref<1x10000xf32, #tpu.memory_space<vmem_shared>> -> memref<10000xf32, #tpu.memory_space<vmem_shared>>
      tpu.wait_dma2 semaphore(%run_scoped3A : memref<!tpu.dma_semaphore, #tpu.memory_space<semaphore_mem>>) src(%arg5 : memref<10000xf32, #tpu.memory_space<vmem>>) dst(%dma_wait3A_24 : memref<10000xf32, #tpu.memory_space<vmem_shared>>)
      tpu.yield
    }) : () -> ()
    %barrier3A = arith.constant 0 : index
    tpu.barrier barrier_id(%barrier3A)
    %lt3A = arith.constant 5 : i32
    %lt3A_13 = arith.cmpi slt, %arg1, %lt3A : i32
    %convert_element_type3A = arith.extui %lt3A_13 : i1 to i32
    %cond3A = arith.constant 0 : i32
    %cond3A_14 = arith.cmpi ne, %convert_element_type3A, %cond3A : i32
    scf.if %cond3A_14 {
      %mul3A_15 = arith.constant 2000 : i32
      %mul3A_16 = arith.muli %arg1, %mul3A_15 : i32
      %run_scoped3A = arith.constant 0 : i32
      "tpu.region"() ({
        %run_scoped3A_22 = tpu.sem_alloc : memref<!tpu.dma_semaphore, #tpu.memory_space<semaphore_mem>>
        %dma_start3A = tpu.memref_slice %arg8[%run_scoped3A, %mul3A_16] : memref<16x10000xf32, #tpu.memory_space<vmem_shared>> -> memref<1x2000xf32, #tpu.memory_space<vmem_shared>>
        %dma_start3A_23 = tpu.memref_squeeze %dma_start3A : memref<1x2000xf32, #tpu.memory_space<vmem_shared>> -> memref<2000xf32, #tpu.memory_space<vmem_shared>>
        %dma_start3A_24 = tpu.memref_slice %arg8[%run_scoped3A, %mul3A_16] : memref<16x10000xf32, #tpu.memory_space<vmem_shared>> -> memref<1x2000xf32, #tpu.memory_space<vmem_shared>>
        %dma_start3A_25 = tpu.memref_squeeze %dma_start3A_24 : memref<1x2000xf32, #tpu.memory_space<vmem_shared>> -> memref<2000xf32, #tpu.memory_space<vmem_shared>>
        tpu.enqueue_dma source(%dma_start3A_25 : memref<2000xf32, #tpu.memory_space<vmem_shared>>) target(%arg7 : memref<2000xf32, #tpu.memory_space<vmem>>) target_semaphore(%run_scoped3A_22 : memref<!tpu.dma_semaphore, #tpu.memory_space<semaphore_mem>>)
        %dma_wait3A = tpu.memref_slice %arg8[%run_scoped3A, %mul3A_16] : memref<16x10000xf32, #tpu.memory_space<vmem_shared>> -> memref<1x2000xf32, #tpu.memory_space<vmem_shared>>
        %dma_wait3A_26 = tpu.memref_squeeze %dma_wait3A : memref<1x2000xf32, #tpu.memory_space<vmem_shared>> -> memref<2000xf32, #tpu.memory_space<vmem_shared>>
        %dma_wait3A_27 = tpu.memref_slice %arg8[%run_scoped3A, %mul3A_16] : memref<16x10000xf32, #tpu.memory_space<vmem_shared>> -> memref<1x2000xf32, #tpu.memory_space<vmem_shared>>
        %dma_wait3A_28 = tpu.memref_squeeze %dma_wait3A_27 : memref<1x2000xf32, #tpu.memory_space<vmem_shared>> -> memref<2000xf32, #tpu.memory_space<vmem_shared>>
        tpu.wait_dma2 semaphore(%run_scoped3A_22 : memref<!tpu.dma_semaphore, #tpu.memory_space<semaphore_mem>>) src(%dma_wait3A_28 : memref<2000xf32, #tpu.memory_space<vmem_shared>>) dst(%arg7 : memref<2000xf32, #tpu.memory_space<vmem>>)
        tpu.yield
      }) : () -> ()
      %scan3A_17 = arith.constant 1 : i32
      %scan3A_18 = arith.constant 15 : i32
      %scan3A_19 = arith.addi %scan3A_17, %scan3A_18 : i32
      %scan3A_20 = arith.constant 1 : i32
      scf.for %scan3A_22 = %scan3A_17 to %scan3A_19 step %scan3A_20  : i32 {
        "tpu.region"() ({
          %run_scoped3A_28 = tpu.sem_alloc : memref<!tpu.dma_semaphore, #tpu.memory_space<semaphore_mem>>
          %dma_start3A = tpu.memref_slice %arg8[%scan3A_22, %mul3A_16] : memref<16x10000xf32, #tpu.memory_space<vmem_shared>> -> memref<1x2000xf32, #tpu.memory_space<vmem_shared>>
          %dma_start3A_29 = tpu.memref_squeeze %dma_start3A : memref<1x2000xf32, #tpu.memory_space<vmem_shared>> -> memref<2000xf32, #tpu.memory_space<vmem_shared>>
          %dma_start3A_30 = tpu.memref_slice %arg8[%scan3A_22, %mul3A_16] : memref<16x10000xf32, #tpu.memory_space<vmem_shared>> -> memref<1x2000xf32, #tpu.memory_space<vmem_shared>>
          %dma_start3A_31 = tpu.memref_squeeze %dma_start3A_30 : memref<1x2000xf32, #tpu.memory_space<vmem_shared>> -> memref<2000xf32, #tpu.memory_space<vmem_shared>>
          tpu.enqueue_dma source(%dma_start3A_31 : memref<2000xf32, #tpu.memory_space<vmem_shared>>) target(%arg6 : memref<2000xf32, #tpu.memory_space<vmem>>) target_semaphore(%run_scoped3A_28 : memref<!tpu.dma_semaphore, #tpu.memory_space<semaphore_mem>>)
          %dma_wait3A = tpu.memref_slice %arg8[%scan3A_22, %mul3A_16] : memref<16x10000xf32, #tpu.memory_space<vmem_shared>> -> memref<1x2000xf32, #tpu.memory_space<vmem_shared>>
          %dma_wait3A_32 = tpu.memref_squeeze %dma_wait3A : memref<1x2000xf32, #tpu.memory_space<vmem_shared>> -> memref<2000xf32, #tpu.memory_space<vmem_shared>>
          %dma_wait3A_33 = tpu.memref_slice %arg8[%scan3A_22, %mul3A_16] : memref<16x10000xf32, #tpu.memory_space<vmem_shared>> -> memref<1x2000xf32, #tpu.memory_space<vmem_shared>>
          %dma_wait3A_34 = tpu.memref_squeeze %dma_wait3A_33 : memref<1x2000xf32, #tpu.memory_space<vmem_shared>> -> memref<2000xf32, #tpu.memory_space<vmem_shared>>
          tpu.wait_dma2 semaphore(%run_scoped3A_28 : memref<!tpu.dma_semaphore, #tpu.memory_space<semaphore_mem>>) src(%dma_wait3A_34 : memref<2000xf32, #tpu.memory_space<vmem_shared>>) dst(%arg6 : memref<2000xf32, #tpu.memory_space<vmem>>)
          tpu.yield
        }) : () -> ()
        %scan3A_23 = arith.constant 0 : i32
        %scan3A_24 = arith.constant 125 : i32
        %scan3A_25 = arith.addi %scan3A_23, %scan3A_24 : i32
        %scan3A_26 = arith.constant 1 : i32
        scf.for %scan3A_28 = %scan3A_23 to %scan3A_25 step %scan3A_26  : i32 {
          %mul3A_29 = arith.constant 16 : i32
          %mul3A_30 = arith.muli %scan3A_28, %mul3A_29 : i32
          %get3A = arith.index_cast %mul3A_30 : i32 to index
          %get3A_31 = tpu.vector_load %arg7[%get3A] {strides = array<i32>} : memref<2000xf32, #tpu.memory_space<vmem>>, vector<16xf32>,
          %mul3A_32 = arith.constant 16 : i32
          %mul3A_33 = arith.muli %scan3A_28, %mul3A_32 : i32
          %get3A_34 = arith.index_cast %mul3A_33 : i32 to index
          %get3A_35 = tpu.vector_load %arg6[%get3A_34] {strides = array<i32>} : memref<2000xf32, #tpu.memory_space<vmem>>, vector<16xf32>,
          %add3A_36 = arith.addf %get3A_31, %get3A_35 : vector<16xf32>
          %mul3A_37 = arith.constant 16 : i32
          %mul3A_38 = arith.muli %scan3A_28, %mul3A_37 : i32
          %swap3A = arith.index_cast %mul3A_38 : i32 to index
          %swap3A_39 = tpu.vector_load %arg7[%swap3A] {strides = array<i32>} : memref<2000xf32, #tpu.memory_space<vmem>>, vector<16xf32>,
          tpu.vector_store %arg7[%swap3A], %add3A_36 {strides = array<i32>} : memref<2000xf32, #tpu.memory_space<vmem>>, vector<16xf32>,
        }
        %scan3A_27 = arith.constant 125 : i32
      }
      %scan3A_21 = arith.constant 15 : i32
      "tpu.region"() ({
        %run_scoped3A_22 = tpu.sem_alloc : memref<!tpu.dma_semaphore, #tpu.memory_space<semaphore_mem>>
        %dma_start3A = tpu.memref_slice %arg3[%arg0, %mul3A_16] : memref<2x10000xf32, #tpu.memory_space<hbm>> -> memref<1x2000xf32, #tpu.memory_space<hbm>>
        %dma_start3A_23 = tpu.memref_squeeze %dma_start3A : memref<1x2000xf32, #tpu.memory_space<hbm>> -> memref<2000xf32, #tpu.memory_space<hbm>>
        %dma_start3A_24 = tpu.memref_slice %arg3[%arg0, %mul3A_16] : memref<2x10000xf32, #tpu.memory_space<hbm>> -> memref<1x2000xf32, #tpu.memory_space<hbm>>
        %dma_start3A_25 = tpu.memref_squeeze %dma_start3A_24 : memref<1x2000xf32, #tpu.memory_space<hbm>> -> memref<2000xf32, #tpu.memory_space<hbm>>
        tpu.enqueue_dma source(%arg7 : memref<2000xf32, #tpu.memory_space<vmem>>) target(%dma_start3A_25 : memref<2000xf32, #tpu.memory_space<hbm>>) target_semaphore(%run_scoped3A_22 : memref<!tpu.dma_semaphore, #tpu.memory_space<semaphore_mem>>)
        %dma_wait3A = tpu.memref_slice %arg3[%arg0, %mul3A_16] : memref<2x10000xf32, #tpu.memory_space<hbm>> -> memref<1x2000xf32, #tpu.memory_space<hbm>>
        %dma_wait3A_26 = tpu.memref_squeeze %dma_wait3A : memref<1x2000xf32, #tpu.memory_space<hbm>> -> memref<2000xf32, #tpu.memory_space<hbm>>
        %dma_wait3A_27 = tpu.memref_slice %arg3[%arg0, %mul3A_16] : memref<2x10000xf32, #tpu.memory_space<hbm>> -> memref<1x2000xf32, #tpu.memory_space<hbm>>
        %dma_wait3A_28 = tpu.memref_squeeze %dma_wait3A_27 : memref<1x2000xf32, #tpu.memory_space<hbm>> -> memref<2000xf32, #tpu.memory_space<hbm>>
        tpu.wait_dma2 semaphore(%run_scoped3A_22 : memref<!tpu.dma_semaphore, #tpu.memory_space<semaphore_mem>>) src(%arg7 : memref<2000xf32, #tpu.memory_space<vmem>>) dst(%dma_wait3A_28 : memref<2000xf32, #tpu.memory_space<hbm>>)
        tpu.yield
      }) : () -> ()
    } else {
    }
    return
  }
}

#map = affine_map<(d0, d1) -> (0, 0)>
#map1 = affine_map<(d0, d1) -> (0)>
#map2 = affine_map<(d0, d1) -> (0, 0, 0)>
module attributes {stable_mosaic.version = 14 : i64} {
  func.func @_agg1_body(%arg0: i32, %arg1: i32, %arg2: memref<10000x80xf32, #tpu.memory_space<hbm>>, %arg3: memref<320000xi32, #tpu.memory_space<hbm>>, %arg4: memref<320000xi32, #tpu.memory_space<hbm>>, %arg5: memref<2x10000x80xf32, #tpu.memory_space<hbm>>, %arg6: memref<10000xi32, #tpu.memory_space<vmem>>, %arg7: memref<10000xi32, #tpu.memory_space<vmem>>, %arg8: memref<80xi32, #tpu.memory_space<vmem>>, %arg9: memref<80xi32, #tpu.memory_space<vmem>>, %arg10: memref<80x80xf32, #tpu.memory_space<vmem>>, %arg11: memref<125x80xf32, #tpu.memory_space<vmem>>, %arg12: memref<10000x80xf32, #tpu.memory_space<vmem_shared>>, %arg13: memref<!tpu.dma_semaphore, #tpu.memory_space<semaphore_mem>>) attributes {dimension_semantics = [#tpu.dimension_semantics<core_parallel>, #tpu.dimension_semantics<subcore_parallel>], iteration_bounds = array<i64: 2, 16>, scalar_prefetch = 0 : i64, scratch_operands = 8 : i64, tpu.core_type = #tpu.core_type<sc_vector_subcore>, window_params = [{transform_indices = #map}, {transform_indices = #map1}, {transform_indices = #map1}, {transform_indices = #map2}]} {
    %mul3A = arith.constant 16 : i32
    %mul3A_0 = arith.muli %arg0, %mul3A : i32
    %add3A = arith.addi %mul3A_0, %arg1 : i32
    %mul3A_1 = arith.constant 10000 : i32
    %mul3A_2 = arith.muli %add3A, %mul3A_1 : i32
    "tpu.region"() ({
      %run_scoped3A = tpu.sem_alloc : memref<!tpu.dma_semaphore, #tpu.memory_space<semaphore_mem>>
      %dma_start3A = tpu.memref_slice %arg3[%mul3A_2] : memref<320000xi32, #tpu.memory_space<hbm>> -> memref<10000xi32, #tpu.memory_space<hbm>>
      %dma_start3A_37 = tpu.memref_slice %arg3[%mul3A_2] : memref<320000xi32, #tpu.memory_space<hbm>> -> memref<10000xi32, #tpu.memory_space<hbm>>
      tpu.enqueue_dma source(%dma_start3A_37 : memref<10000xi32, #tpu.memory_space<hbm>>) target(%arg6 : memref<10000xi32, #tpu.memory_space<vmem>>) target_semaphore(%run_scoped3A : memref<!tpu.dma_semaphore, #tpu.memory_space<semaphore_mem>>)
      %dma_wait3A = tpu.memref_slice %arg3[%mul3A_2] : memref<320000xi32, #tpu.memory_space<hbm>> -> memref<10000xi32, #tpu.memory_space<hbm>>
      %dma_wait3A_38 = tpu.memref_slice %arg3[%mul3A_2] : memref<320000xi32, #tpu.memory_space<hbm>> -> memref<10000xi32, #tpu.memory_space<hbm>>
      tpu.wait_dma2 semaphore(%run_scoped3A : memref<!tpu.dma_semaphore, #tpu.memory_space<semaphore_mem>>) src(%dma_wait3A_38 : memref<10000xi32, #tpu.memory_space<hbm>>) dst(%arg6 : memref<10000xi32, #tpu.memory_space<vmem>>)
      tpu.yield
    }) : () -> ()
    "tpu.region"() ({
      %run_scoped3A = tpu.sem_alloc : memref<!tpu.dma_semaphore, #tpu.memory_space<semaphore_mem>>
      %dma_start3A = tpu.memref_slice %arg4[%mul3A_2] : memref<320000xi32, #tpu.memory_space<hbm>> -> memref<10000xi32, #tpu.memory_space<hbm>>
      %dma_start3A_37 = tpu.memref_slice %arg4[%mul3A_2] : memref<320000xi32, #tpu.memory_space<hbm>> -> memref<10000xi32, #tpu.memory_space<hbm>>
      tpu.enqueue_dma source(%dma_start3A_37 : memref<10000xi32, #tpu.memory_space<hbm>>) target(%arg7 : memref<10000xi32, #tpu.memory_space<vmem>>) target_semaphore(%run_scoped3A : memref<!tpu.dma_semaphore, #tpu.memory_space<semaphore_mem>>)
      %dma_wait3A = tpu.memref_slice %arg4[%mul3A_2] : memref<320000xi32, #tpu.memory_space<hbm>> -> memref<10000xi32, #tpu.memory_space<hbm>>
      %dma_wait3A_38 = tpu.memref_slice %arg4[%mul3A_2] : memref<320000xi32, #tpu.memory_space<hbm>> -> memref<10000xi32, #tpu.memory_space<hbm>>
      tpu.wait_dma2 semaphore(%run_scoped3A : memref<!tpu.dma_semaphore, #tpu.memory_space<semaphore_mem>>) src(%dma_wait3A_38 : memref<10000xi32, #tpu.memory_space<hbm>>) dst(%arg7 : memref<10000xi32, #tpu.memory_space<vmem>>)
      tpu.yield
    }) : () -> ()
    %scan3A = arith.constant 0 : i32
    %scan3A_3 = arith.constant 125 : i32
    %scan3A_4 = arith.addi %scan3A, %scan3A_3 : i32
    %scan3A_5 = arith.constant 1 : i32
    scf.for %scan3A_37 = %scan3A to %scan3A_4 step %scan3A_5  : i32 {
      %broadcast_in_dim3A = arith.constant 0.000000e+00 : f32
      %broadcast_in_dim3A_38 = vector.broadcast %broadcast_in_dim3A : f32 to vector<16xf32>
      %swap3A = arith.index_cast %scan3A_37 : i32 to index
      %swap3A_39 = arith.constant 0 : index
      %swap3A_40 = tpu.vector_load %arg11[%swap3A, %swap3A_39] {strides = array<i32>} : memref<125x80xf32, #tpu.memory_space<vmem>>, vector<16xf32>,
      tpu.vector_store %arg11[%swap3A, %swap3A_39], %broadcast_in_dim3A_38 {strides = array<i32>} : memref<125x80xf32, #tpu.memory_space<vmem>>, vector<16xf32>,
      %broadcast_in_dim3A_41 = arith.constant 0.000000e+00 : f32
      %broadcast_in_dim3A_42 = vector.broadcast %broadcast_in_dim3A_41 : f32 to vector<16xf32>
      %swap3A_43 = arith.index_cast %scan3A_37 : i32 to index
      %swap3A_44 = arith.constant 16 : index
      %swap3A_45 = tpu.vector_load %arg11[%swap3A_43, %swap3A_44] {strides = array<i32>} : memref<125x80xf32, #tpu.memory_space<vmem>>, vector<16xf32>,
      tpu.vector_store %arg11[%swap3A_43, %swap3A_44], %broadcast_in_dim3A_42 {strides = array<i32>} : memref<125x80xf32, #tpu.memory_space<vmem>>, vector<16xf32>,
      %broadcast_in_dim3A_46 = arith.constant 0.000000e+00 : f32
      %broadcast_in_dim3A_47 = vector.broadcast %broadcast_in_dim3A_46 : f32 to vector<16xf32>
      %swap3A_48 = arith.index_cast %scan3A_37 : i32 to index
      %swap3A_49 = arith.constant 32 : index
      %swap3A_50 = tpu.vector_load %arg11[%swap3A_48, %swap3A_49] {strides = array<i32>} : memref<125x80xf32, #tpu.memory_space<vmem>>, vector<16xf32>,
      tpu.vector_store %arg11[%swap3A_48, %swap3A_49], %broadcast_in_dim3A_47 {strides = array<i32>} : memref<125x80xf32, #tpu.memory_space<vmem>>, vector<16xf32>,
      %broadcast_in_dim3A_51 = arith.constant 0.000000e+00 : f32
      %broadcast_in_dim3A_52 = vector.broadcast %broadcast_in_dim3A_51 : f32 to vector<16xf32>
      %swap3A_53 = arith.index_cast %scan3A_37 : i32 to index
      %swap3A_54 = arith.constant 48 : index
      %swap3A_55 = tpu.vector_load %arg11[%swap3A_53, %swap3A_54] {strides = array<i32>} : memref<125x80xf32, #tpu.memory_space<vmem>>, vector<16xf32>,
      tpu.vector_store %arg11[%swap3A_53, %swap3A_54], %broadcast_in_dim3A_52 {strides = array<i32>} : memref<125x80xf32, #tpu.memory_space<vmem>>, vector<16xf32>,
      %broadcast_in_dim3A_56 = arith.constant 0.000000e+00 : f32
      %broadcast_in_dim3A_57 = vector.broadcast %broadcast_in_dim3A_56 : f32 to vector<16xf32>
      %swap3A_58 = arith.index_cast %scan3A_37 : i32 to index
      %swap3A_59 = arith.constant 64 : index
      %swap3A_60 = tpu.vector_load %arg11[%swap3A_58, %swap3A_59] {strides = array<i32>} : memref<125x80xf32, #tpu.memory_space<vmem>>, vector<16xf32>,
      tpu.vector_store %arg11[%swap3A_58, %swap3A_59], %broadcast_in_dim3A_57 {strides = array<i32>} : memref<125x80xf32, #tpu.memory_space<vmem>>, vector<16xf32>,
    }
    %scan3A_6 = arith.constant 125 : i32
    %mul3A_7 = arith.constant 625 : i32
    %mul3A_8 = arith.muli %arg1, %mul3A_7 : i32
    %add3A_9 = arith.constant 0 : i32
    %add3A_10 = arith.addi %mul3A_8, %add3A_9 : i32
    "tpu.region"() ({
      %run_scoped3A = tpu.sem_alloc : memref<!tpu.dma_semaphore, #tpu.memory_space<semaphore_mem>>
      %dma_start3A = arith.constant 0 : i32
      %dma_start3A_37 = tpu.memref_slice %arg12[%add3A_10, %dma_start3A] : memref<10000x80xf32, #tpu.memory_space<vmem_shared>> -> memref<125x80xf32, #tpu.memory_space<vmem_shared>>
      %dma_start3A_38 = arith.constant 0 : i32
      %dma_start3A_39 = tpu.memref_slice %arg12[%add3A_10, %dma_start3A_38] : memref<10000x80xf32, #tpu.memory_space<vmem_shared>> -> memref<125x80xf32, #tpu.memory_space<vmem_shared>>
      tpu.enqueue_dma source(%arg11 : memref<125x80xf32, #tpu.memory_space<vmem>>) target(%dma_start3A_39 : memref<125x80xf32, #tpu.memory_space<vmem_shared>>) target_semaphore(%run_scoped3A : memref<!tpu.dma_semaphore, #tpu.memory_space<semaphore_mem>>)
      %dma_wait3A = arith.constant 0 : i32
      %dma_wait3A_40 = tpu.memref_slice %arg12[%add3A_10, %dma_wait3A] : memref<10000x80xf32, #tpu.memory_space<vmem_shared>> -> memref<125x80xf32, #tpu.memory_space<vmem_shared>>
      %dma_wait3A_41 = arith.constant 0 : i32
      %dma_wait3A_42 = tpu.memref_slice %arg12[%add3A_10, %dma_wait3A_41] : memref<10000x80xf32, #tpu.memory_space<vmem_shared>> -> memref<125x80xf32, #tpu.memory_space<vmem_shared>>
      tpu.wait_dma2 semaphore(%run_scoped3A : memref<!tpu.dma_semaphore, #tpu.memory_space<semaphore_mem>>) src(%arg11 : memref<125x80xf32, #tpu.memory_space<vmem>>) dst(%dma_wait3A_42 : memref<125x80xf32, #tpu.memory_space<vmem_shared>>)
      tpu.yield
    }) : () -> ()
    %mul3A_11 = arith.constant 625 : i32
    %mul3A_12 = arith.muli %arg1, %mul3A_11 : i32
    %add3A_13 = arith.constant 125 : i32
    %add3A_14 = arith.addi %mul3A_12, %add3A_13 : i32
    "tpu.region"() ({
      %run_scoped3A = tpu.sem_alloc : memref<!tpu.dma_semaphore, #tpu.memory_space<semaphore_mem>>
      %dma_start3A = arith.constant 0 : i32
      %dma_start3A_37 = tpu.memref_slice %arg12[%add3A_14, %dma_start3A] : memref<10000x80xf32, #tpu.memory_space<vmem_shared>> -> memref<125x80xf32, #tpu.memory_space<vmem_shared>>
      %dma_start3A_38 = arith.constant 0 : i32
      %dma_start3A_39 = tpu.memref_slice %arg12[%add3A_14, %dma_start3A_38] : memref<10000x80xf32, #tpu.memory_space<vmem_shared>> -> memref<125x80xf32, #tpu.memory_space<vmem_shared>>
      tpu.enqueue_dma source(%arg11 : memref<125x80xf32, #tpu.memory_space<vmem>>) target(%dma_start3A_39 : memref<125x80xf32, #tpu.memory_space<vmem_shared>>) target_semaphore(%run_scoped3A : memref<!tpu.dma_semaphore, #tpu.memory_space<semaphore_mem>>)
      %dma_wait3A = arith.constant 0 : i32
      %dma_wait3A_40 = tpu.memref_slice %arg12[%add3A_14, %dma_wait3A] : memref<10000x80xf32, #tpu.memory_space<vmem_shared>> -> memref<125x80xf32, #tpu.memory_space<vmem_shared>>
      %dma_wait3A_41 = arith.constant 0 : i32
      %dma_wait3A_42 = tpu.memref_slice %arg12[%add3A_14, %dma_wait3A_41] : memref<10000x80xf32, #tpu.memory_space<vmem_shared>> -> memref<125x80xf32, #tpu.memory_space<vmem_shared>>
      tpu.wait_dma2 semaphore(%run_scoped3A : memref<!tpu.dma_semaphore, #tpu.memory_space<semaphore_mem>>) src(%arg11 : memref<125x80xf32, #tpu.memory_space<vmem>>) dst(%dma_wait3A_42 : memref<125x80xf32, #tpu.memory_space<vmem_shared>>)
      tpu.yield
    }) : () -> ()
    %mul3A_15 = arith.constant 625 : i32
    %mul3A_16 = arith.muli %arg1, %mul3A_15 : i32
    %add3A_17 = arith.constant 250 : i32
    %add3A_18 = arith.addi %mul3A_16, %add3A_17 : i32
    "tpu.region"() ({
      %run_scoped3A = tpu.sem_alloc : memref<!tpu.dma_semaphore, #tpu.memory_space<semaphore_mem>>
      %dma_start3A = arith.constant 0 : i32
      %dma_start3A_37 = tpu.memref_slice %arg12[%add3A_18, %dma_start3A] : memref<10000x80xf32, #tpu.memory_space<vmem_shared>> -> memref<125x80xf32, #tpu.memory_space<vmem_shared>>
      %dma_start3A_38 = arith.constant 0 : i32
      %dma_start3A_39 = tpu.memref_slice %arg12[%add3A_18, %dma_start3A_38] : memref<10000x80xf32, #tpu.memory_space<vmem_shared>> -> memref<125x80xf32, #tpu.memory_space<vmem_shared>>
      tpu.enqueue_dma source(%arg11 : memref<125x80xf32, #tpu.memory_space<vmem>>) target(%dma_start3A_39 : memref<125x80xf32, #tpu.memory_space<vmem_shared>>) target_semaphore(%run_scoped3A : memref<!tpu.dma_semaphore, #tpu.memory_space<semaphore_mem>>)
      %dma_wait3A = arith.constant 0 : i32
      %dma_wait3A_40 = tpu.memref_slice %arg12[%add3A_18, %dma_wait3A] : memref<10000x80xf32, #tpu.memory_space<vmem_shared>> -> memref<125x80xf32, #tpu.memory_space<vmem_shared>>
      %dma_wait3A_41 = arith.constant 0 : i32
      %dma_wait3A_42 = tpu.memref_slice %arg12[%add3A_18, %dma_wait3A_41] : memref<10000x80xf32, #tpu.memory_space<vmem_shared>> -> memref<125x80xf32, #tpu.memory_space<vmem_shared>>
      tpu.wait_dma2 semaphore(%run_scoped3A : memref<!tpu.dma_semaphore, #tpu.memory_space<semaphore_mem>>) src(%arg11 : memref<125x80xf32, #tpu.memory_space<vmem>>) dst(%dma_wait3A_42 : memref<125x80xf32, #tpu.memory_space<vmem_shared>>)
      tpu.yield
    }) : () -> ()
    %mul3A_19 = arith.constant 625 : i32
    %mul3A_20 = arith.muli %arg1, %mul3A_19 : i32
    %add3A_21 = arith.constant 375 : i32
    %add3A_22 = arith.addi %mul3A_20, %add3A_21 : i32
    "tpu.region"() ({
      %run_scoped3A = tpu.sem_alloc : memref<!tpu.dma_semaphore, #tpu.memory_space<semaphore_mem>>
      %dma_start3A = arith.constant 0 : i32
      %dma_start3A_37 = tpu.memref_slice %arg12[%add3A_22, %dma_start3A] : memref<10000x80xf32, #tpu.memory_space<vmem_shared>> -> memref<125x80xf32, #tpu.memory_space<vmem_shared>>
      %dma_start3A_38 = arith.constant 0 : i32
      %dma_start3A_39 = tpu.memref_slice %arg12[%add3A_22, %dma_start3A_38] : memref<10000x80xf32, #tpu.memory_space<vmem_shared>> -> memref<125x80xf32, #tpu.memory_space<vmem_shared>>
      tpu.enqueue_dma source(%arg11 : memref<125x80xf32, #tpu.memory_space<vmem>>) target(%dma_start3A_39 : memref<125x80xf32, #tpu.memory_space<vmem_shared>>) target_semaphore(%run_scoped3A : memref<!tpu.dma_semaphore, #tpu.memory_space<semaphore_mem>>)
      %dma_wait3A = arith.constant 0 : i32
      %dma_wait3A_40 = tpu.memref_slice %arg12[%add3A_22, %dma_wait3A] : memref<10000x80xf32, #tpu.memory_space<vmem_shared>> -> memref<125x80xf32, #tpu.memory_space<vmem_shared>>
      %dma_wait3A_41 = arith.constant 0 : i32
      %dma_wait3A_42 = tpu.memref_slice %arg12[%add3A_22, %dma_wait3A_41] : memref<10000x80xf32, #tpu.memory_space<vmem_shared>> -> memref<125x80xf32, #tpu.memory_space<vmem_shared>>
      tpu.wait_dma2 semaphore(%run_scoped3A : memref<!tpu.dma_semaphore, #tpu.memory_space<semaphore_mem>>) src(%arg11 : memref<125x80xf32, #tpu.memory_space<vmem>>) dst(%dma_wait3A_42 : memref<125x80xf32, #tpu.memory_space<vmem_shared>>)
      tpu.yield
    }) : () -> ()
    %mul3A_23 = arith.constant 625 : i32
    %mul3A_24 = arith.muli %arg1, %mul3A_23 : i32
    %add3A_25 = arith.constant 500 : i32
    %add3A_26 = arith.addi %mul3A_24, %add3A_25 : i32
    "tpu.region"() ({
      %run_scoped3A = tpu.sem_alloc : memref<!tpu.dma_semaphore, #tpu.memory_space<semaphore_mem>>
      %dma_start3A = arith.constant 0 : i32
      %dma_start3A_37 = tpu.memref_slice %arg12[%add3A_26, %dma_start3A] : memref<10000x80xf32, #tpu.memory_space<vmem_shared>> -> memref<125x80xf32, #tpu.memory_space<vmem_shared>>
      %dma_start3A_38 = arith.constant 0 : i32
      %dma_start3A_39 = tpu.memref_slice %arg12[%add3A_26, %dma_start3A_38] : memref<10000x80xf32, #tpu.memory_space<vmem_shared>> -> memref<125x80xf32, #tpu.memory_space<vmem_shared>>
      tpu.enqueue_dma source(%arg11 : memref<125x80xf32, #tpu.memory_space<vmem>>) target(%dma_start3A_39 : memref<125x80xf32, #tpu.memory_space<vmem_shared>>) target_semaphore(%run_scoped3A : memref<!tpu.dma_semaphore, #tpu.memory_space<semaphore_mem>>)
      %dma_wait3A = arith.constant 0 : i32
      %dma_wait3A_40 = tpu.memref_slice %arg12[%add3A_26, %dma_wait3A] : memref<10000x80xf32, #tpu.memory_space<vmem_shared>> -> memref<125x80xf32, #tpu.memory_space<vmem_shared>>
      %dma_wait3A_41 = arith.constant 0 : i32
      %dma_wait3A_42 = tpu.memref_slice %arg12[%add3A_26, %dma_wait3A_41] : memref<10000x80xf32, #tpu.memory_space<vmem_shared>> -> memref<125x80xf32, #tpu.memory_space<vmem_shared>>
      tpu.wait_dma2 semaphore(%run_scoped3A : memref<!tpu.dma_semaphore, #tpu.memory_space<semaphore_mem>>) src(%arg11 : memref<125x80xf32, #tpu.memory_space<vmem>>) dst(%dma_wait3A_42 : memref<125x80xf32, #tpu.memory_space<vmem_shared>>)
      tpu.yield
    }) : () -> ()
    %barrier3A = arith.constant 0 : index
    tpu.barrier barrier_id(%barrier3A)
    %scan3A_27 = arith.constant 0 : i32
    %scan3A_28 = arith.constant 125 : i32
    %scan3A_29 = arith.addi %scan3A_27, %scan3A_28 : i32
    %scan3A_30 = arith.constant 1 : i32
    scf.for %scan3A_37 = %scan3A_27 to %scan3A_29 step %scan3A_30  : i32 {
      %mul3A_38 = arith.constant 80 : i32
      %mul3A_39 = arith.muli %scan3A_37, %mul3A_38 : i32
      %add3A_40 = arith.constant 0 : i32
      %add3A_41 = arith.addi %mul3A_39, %add3A_40 : i32
      %get3A = arith.index_cast %add3A_41 : i32 to index
      %get3A_42 = tpu.vector_load %arg6[%get3A] {strides = array<i32>} : memref<10000xi32, #tpu.memory_space<vmem>>, vector<16xi32>,
      %swap3A = arith.constant 0 : index
      %swap3A_43 = tpu.vector_load %arg8[%swap3A] {strides = array<i32>} : memref<80xi32, #tpu.memory_space<vmem>>, vector<16xi32>,
      tpu.vector_store %arg8[%swap3A], %get3A_42 {strides = array<i32>} : memref<80xi32, #tpu.memory_space<vmem>>, vector<16xi32>,
      %mul3A_44 = arith.constant 80 : i32
      %mul3A_45 = arith.muli %scan3A_37, %mul3A_44 : i32
      %add3A_46 = arith.constant 0 : i32
      %add3A_47 = arith.addi %mul3A_45, %add3A_46 : i32
      %get3A_48 = arith.index_cast %add3A_47 : i32 to index
      %get3A_49 = tpu.vector_load %arg7[%get3A_48] {strides = array<i32>} : memref<10000xi32, #tpu.memory_space<vmem>>, vector<16xi32>,
      %swap3A_50 = arith.constant 0 : index
      %swap3A_51 = tpu.vector_load %arg9[%swap3A_50] {strides = array<i32>} : memref<80xi32, #tpu.memory_space<vmem>>, vector<16xi32>,
      tpu.vector_store %arg9[%swap3A_50], %get3A_49 {strides = array<i32>} : memref<80xi32, #tpu.memory_space<vmem>>, vector<16xi32>,
      %mul3A_52 = arith.constant 80 : i32
      %mul3A_53 = arith.muli %scan3A_37, %mul3A_52 : i32
      %add3A_54 = arith.constant 16 : i32
      %add3A_55 = arith.addi %mul3A_53, %add3A_54 : i32
      %get3A_56 = arith.index_cast %add3A_55 : i32 to index
      %get3A_57 = tpu.vector_load %arg6[%get3A_56] {strides = array<i32>} : memref<10000xi32, #tpu.memory_space<vmem>>, vector<16xi32>,
      %swap3A_58 = arith.constant 16 : index
      %swap3A_59 = tpu.vector_load %arg8[%swap3A_58] {strides = array<i32>} : memref<80xi32, #tpu.memory_space<vmem>>, vector<16xi32>,
      tpu.vector_store %arg8[%swap3A_58], %get3A_57 {strides = array<i32>} : memref<80xi32, #tpu.memory_space<vmem>>, vector<16xi32>,
      %mul3A_60 = arith.constant 80 : i32
      %mul3A_61 = arith.muli %scan3A_37, %mul3A_60 : i32
      %add3A_62 = arith.constant 16 : i32
      %add3A_63 = arith.addi %mul3A_61, %add3A_62 : i32
      %get3A_64 = arith.index_cast %add3A_63 : i32 to index
      %get3A_65 = tpu.vector_load %arg7[%get3A_64] {strides = array<i32>} : memref<10000xi32, #tpu.memory_space<vmem>>, vector<16xi32>,
      %swap3A_66 = arith.constant 16 : index
      %swap3A_67 = tpu.vector_load %arg9[%swap3A_66] {strides = array<i32>} : memref<80xi32, #tpu.memory_space<vmem>>, vector<16xi32>,
      tpu.vector_store %arg9[%swap3A_66], %get3A_65 {strides = array<i32>} : memref<80xi32, #tpu.memory_space<vmem>>, vector<16xi32>,
      %mul3A_68 = arith.constant 80 : i32
      %mul3A_69 = arith.muli %scan3A_37, %mul3A_68 : i32
      %add3A_70 = arith.constant 32 : i32
      %add3A_71 = arith.addi %mul3A_69, %add3A_70 : i32
      %get3A_72 = arith.index_cast %add3A_71 : i32 to index
      %get3A_73 = tpu.vector_load %arg6[%get3A_72] {strides = array<i32>} : memref<10000xi32, #tpu.memory_space<vmem>>, vector<16xi32>,
      %swap3A_74 = arith.constant 32 : index
      %swap3A_75 = tpu.vector_load %arg8[%swap3A_74] {strides = array<i32>} : memref<80xi32, #tpu.memory_space<vmem>>, vector<16xi32>,
      tpu.vector_store %arg8[%swap3A_74], %get3A_73 {strides = array<i32>} : memref<80xi32, #tpu.memory_space<vmem>>, vector<16xi32>,
      %mul3A_76 = arith.constant 80 : i32
      %mul3A_77 = arith.muli %scan3A_37, %mul3A_76 : i32
      %add3A_78 = arith.constant 32 : i32
      %add3A_79 = arith.addi %mul3A_77, %add3A_78 : i32
      %get3A_80 = arith.index_cast %add3A_79 : i32 to index
      %get3A_81 = tpu.vector_load %arg7[%get3A_80] {strides = array<i32>} : memref<10000xi32, #tpu.memory_space<vmem>>, vector<16xi32>,
      %swap3A_82 = arith.constant 32 : index
      %swap3A_83 = tpu.vector_load %arg9[%swap3A_82] {strides = array<i32>} : memref<80xi32, #tpu.memory_space<vmem>>, vector<16xi32>,
      tpu.vector_store %arg9[%swap3A_82], %get3A_81 {strides = array<i32>} : memref<80xi32, #tpu.memory_space<vmem>>, vector<16xi32>,
      %mul3A_84 = arith.constant 80 : i32
      %mul3A_85 = arith.muli %scan3A_37, %mul3A_84 : i32
      %add3A_86 = arith.constant 48 : i32
      %add3A_87 = arith.addi %mul3A_85, %add3A_86 : i32
      %get3A_88 = arith.index_cast %add3A_87 : i32 to index
      %get3A_89 = tpu.vector_load %arg6[%get3A_88] {strides = array<i32>} : memref<10000xi32, #tpu.memory_space<vmem>>, vector<16xi32>,
      %swap3A_90 = arith.constant 48 : index
      %swap3A_91 = tpu.vector_load %arg8[%swap3A_90] {strides = array<i32>} : memref<80xi32, #tpu.memory_space<vmem>>, vector<16xi32>,
      tpu.vector_store %arg8[%swap3A_90], %get3A_89 {strides = array<i32>} : memref<80xi32, #tpu.memory_space<vmem>>, vector<16xi32>,
      %mul3A_92 = arith.constant 80 : i32
      %mul3A_93 = arith.muli %scan3A_37, %mul3A_92 : i32
      %add3A_94 = arith.constant 48 : i32
      %add3A_95 = arith.addi %mul3A_93, %add3A_94 : i32
      %get3A_96 = arith.index_cast %add3A_95 : i32 to index
      %get3A_97 = tpu.vector_load %arg7[%get3A_96] {strides = array<i32>} : memref<10000xi32, #tpu.memory_space<vmem>>, vector<16xi32>,
      %swap3A_98 = arith.constant 48 : index
      %swap3A_99 = tpu.vector_load %arg9[%swap3A_98] {strides = array<i32>} : memref<80xi32, #tpu.memory_space<vmem>>, vector<16xi32>,
      tpu.vector_store %arg9[%swap3A_98], %get3A_97 {strides = array<i32>} : memref<80xi32, #tpu.memory_space<vmem>>, vector<16xi32>,
      %mul3A_100 = arith.constant 80 : i32
      %mul3A_101 = arith.muli %scan3A_37, %mul3A_100 : i32
      %add3A_102 = arith.constant 64 : i32
      %add3A_103 = arith.addi %mul3A_101, %add3A_102 : i32
      %get3A_104 = arith.index_cast %add3A_103 : i32 to index
      %get3A_105 = tpu.vector_load %arg6[%get3A_104] {strides = array<i32>} : memref<10000xi32, #tpu.memory_space<vmem>>, vector<16xi32>,
      %swap3A_106 = arith.constant 64 : index
      %swap3A_107 = tpu.vector_load %arg8[%swap3A_106] {strides = array<i32>} : memref<80xi32, #tpu.memory_space<vmem>>, vector<16xi32>,
      tpu.vector_store %arg8[%swap3A_106], %get3A_105 {strides = array<i32>} : memref<80xi32, #tpu.memory_space<vmem>>, vector<16xi32>,
      %mul3A_108 = arith.constant 80 : i32
      %mul3A_109 = arith.muli %scan3A_37, %mul3A_108 : i32
      %add3A_110 = arith.constant 64 : i32
      %add3A_111 = arith.addi %mul3A_109, %add3A_110 : i32
      %get3A_112 = arith.index_cast %add3A_111 : i32 to index
      %get3A_113 = tpu.vector_load %arg7[%get3A_112] {strides = array<i32>} : memref<10000xi32, #tpu.memory_space<vmem>>, vector<16xi32>,
      %swap3A_114 = arith.constant 64 : index
      %swap3A_115 = tpu.vector_load %arg9[%swap3A_114] {strides = array<i32>} : memref<80xi32, #tpu.memory_space<vmem>>, vector<16xi32>,
      tpu.vector_store %arg9[%swap3A_114], %get3A_113 {strides = array<i32>} : memref<80xi32, #tpu.memory_space<vmem>>, vector<16xi32>,
      %dma_start3A = arith.constant 0 : i32
      %dma_start3A_116 = arith.constant 0 : i32
      %dma_start3A_117 = tpu.memref_slice %arg2[%dma_start3A, %dma_start3A_116] : memref<10000x80xf32, #tpu.memory_space<hbm>> -> memref<10000x80xf32, #tpu.memory_space<hbm>>
      tpu.enqueue_indirect_dma source(%dma_start3A_117 : memref<10000x80xf32, #tpu.memory_space<hbm>>) target(%arg10 : memref<80x80xf32, #tpu.memory_space<vmem>>) offsets(%arg8 : memref<80xi32, #tpu.memory_space<vmem>>) semaphore(%arg13 : memref<!tpu.dma_semaphore, #tpu.memory_space<semaphore_mem>>)
      %dma_wait3A = arith.constant 0 : i32
      %dma_wait3A_118 = arith.constant 0 : i32
      %dma_wait3A_119 = tpu.memref_slice %arg2[%dma_wait3A, %dma_wait3A_118] : memref<10000x80xf32, #tpu.memory_space<hbm>> -> memref<10000x80xf32, #tpu.memory_space<hbm>>
      tpu.wait_indirect_dma semaphore(%arg13 : memref<!tpu.dma_semaphore, #tpu.memory_space<semaphore_mem>>) src(%dma_wait3A_119 : memref<10000x80xf32, #tpu.memory_space<hbm>>) dst(%arg10 : memref<80x80xf32, #tpu.memory_space<vmem>>)
      "tpu.region"() ({
        %run_scoped3A = tpu.sem_alloc : memref<!tpu.dma_semaphore, #tpu.memory_space<semaphore_mem>>
        %dma_start3A_120 = arith.constant 0 : i32
        %dma_start3A_121 = arith.constant 0 : i32
        %dma_start3A_122 = tpu.memref_slice %arg12[%dma_start3A_120, %dma_start3A_121] : memref<10000x80xf32, #tpu.memory_space<vmem_shared>> -> memref<10000x80xf32, #tpu.memory_space<vmem_shared>>
        tpu.enqueue_indirect_dma source(%arg10 : memref<80x80xf32, #tpu.memory_space<vmem>>) target(%dma_start3A_122 : memref<10000x80xf32, #tpu.memory_space<vmem_shared>>) offsets(%arg9 : memref<80xi32, #tpu.memory_space<vmem>>) semaphore(%run_scoped3A : memref<!tpu.dma_semaphore, #tpu.memory_space<semaphore_mem>>) {add = true}
        %dma_wait3A_123 = arith.constant 0 : i32
        %dma_wait3A_124 = arith.constant 0 : i32
        %dma_wait3A_125 = tpu.memref_slice %arg12[%dma_wait3A_123, %dma_wait3A_124] : memref<10000x80xf32, #tpu.memory_space<vmem_shared>> -> memref<10000x80xf32, #tpu.memory_space<vmem_shared>>
        tpu.wait_indirect_dma semaphore(%run_scoped3A : memref<!tpu.dma_semaphore, #tpu.memory_space<semaphore_mem>>) src(%arg10 : memref<80x80xf32, #tpu.memory_space<vmem>>) dst(%dma_wait3A_125 : memref<10000x80xf32, #tpu.memory_space<vmem_shared>>)
        tpu.yield
      }) : () -> ()
    }
    %scan3A_31 = arith.constant 125 : i32
    %barrier3A_32 = arith.constant 0 : index
    tpu.barrier barrier_id(%barrier3A_32)
    %mul3A_33 = arith.constant 625 : i32
    %mul3A_34 = arith.muli %arg1, %mul3A_33 : i32
    %mul3A_35 = arith.constant 625 : i32
    %mul3A_36 = arith.muli %arg1, %mul3A_35 : i32
    "tpu.region"() ({
      %run_scoped3A = tpu.sem_alloc : memref<!tpu.dma_semaphore, #tpu.memory_space<semaphore_mem>>
      %dma_start3A = arith.constant 0 : i32
      %dma_start3A_37 = tpu.memref_slice %arg5[%arg0, %mul3A_36, %dma_start3A] : memref<2x10000x80xf32, #tpu.memory_space<hbm>> -> memref<1x625x80xf32, #tpu.memory_space<hbm>>
      %dma_start3A_38 = tpu.memref_squeeze %dma_start3A_37 : memref<1x625x80xf32, #tpu.memory_space<hbm>> -> memref<625x80xf32, #tpu.memory_space<hbm>>
      %dma_start3A_39 = arith.constant 0 : i32
      %dma_start3A_40 = tpu.memref_slice %arg12[%mul3A_34, %dma_start3A_39] : memref<10000x80xf32, #tpu.memory_space<vmem_shared>> -> memref<625x80xf32, #tpu.memory_space<vmem_shared>>
      tpu.enqueue_dma source(%dma_start3A_40 : memref<625x80xf32, #tpu.memory_space<vmem_shared>>) target(%dma_start3A_38 : memref<625x80xf32, #tpu.memory_space<hbm>>) target_semaphore(%run_scoped3A : memref<!tpu.dma_semaphore, #tpu.memory_space<semaphore_mem>>)
      %dma_wait3A = arith.constant 0 : i32
      %dma_wait3A_41 = tpu.memref_slice %arg5[%arg0, %mul3A_36, %dma_wait3A] : memref<2x10000x80xf32, #tpu.memory_space<hbm>> -> memref<1x625x80xf32, #tpu.memory_space<hbm>>
      %dma_wait3A_42 = tpu.memref_squeeze %dma_wait3A_41 : memref<1x625x80xf32, #tpu.memory_space<hbm>> -> memref<625x80xf32, #tpu.memory_space<hbm>>
      %dma_wait3A_43 = arith.constant 0 : i32
      %dma_wait3A_44 = tpu.memref_slice %arg12[%mul3A_34, %dma_wait3A_43] : memref<10000x80xf32, #tpu.memory_space<vmem_shared>> -> memref<625x80xf32, #tpu.memory_space<vmem_shared>>
      tpu.wait_dma2 semaphore(%run_scoped3A : memref<!tpu.dma_semaphore, #tpu.memory_space<semaphore_mem>>) src(%dma_wait3A_44 : memref<625x80xf32, #tpu.memory_space<vmem_shared>>) dst(%dma_wait3A_42 : memref<625x80xf32, #tpu.memory_space<hbm>>)
      tpu.yield
    }) : () -> ()
    return
  }
}

module attributes {stable_mosaic.version = 14 : i64} {
  func.func @_tc1_body(%arg0: i32, %arg1: memref<2x400x80xf32, #tpu.memory_space<vmem>>, %arg2: memref<400x80xf32, #tpu.memory_space<vmem>>, %arg3: memref<400x1xf32, #tpu.memory_space<vmem>>, %arg4: memref<80x2048xf32, #tpu.memory_space<vmem>>, %arg5: memref<1x2048xf32, #tpu.memory_space<vmem>>, %arg6: memref<16x400x128xf32, #tpu.memory_space<vmem>>) attributes {dimension_semantics = [#tpu.dimension_semantics<arbitrary>], iteration_bounds = array<i64: 25>, scalar_prefetch = 0 : i64, scratch_operands = 0 : i64, tpu.core_type = #tpu.core_type<tc>, window_params = [{transform_indices = @transform_0, window_bounds = array<i64: 2, 400, 80>}, {transform_indices = @transform_1, window_bounds = array<i64: 400, 80>}, {transform_indices = @transform_2, window_bounds = array<i64: 400, 1>}, {pipeline_mode = #tpu.pipeline_mode<synchronous>, transform_indices = @transform_3, window_bounds = array<i64: 80, 2048>}, {pipeline_mode = #tpu.pipeline_mode<synchronous>, transform_indices = @transform_4, window_bounds = array<i64: 1, 2048>}, {transform_indices = @transform_5, window_bounds = array<i64: 16, 400, 128>}]} {
    %get3A = arith.constant 0 : index
    %get3A_0 = arith.constant 0 : index
    %get3A_1 = vector.load %arg3[%get3A, %get3A_0] : memref<400x1xf32, #tpu.memory_space<vmem>>, vector<400x1xf32>
    %get3A_2 = arith.constant 0 : index
    %get3A_3 = arith.constant 0 : index
    %get3A_4 = arith.constant 0 : index
    %get3A_5 = vector.load %arg1[%get3A_2, %get3A_3, %get3A_4] : memref<2x400x80xf32, #tpu.memory_space<vmem>>, vector<1x400x80xf32>
    %get3A_6 = vector.shape_cast %get3A_5 : vector<1x400x80xf32> to vector<400x80xf32>
    %get3A_7 = arith.constant 1 : index
    %get3A_8 = arith.constant 0 : index
    %get3A_9 = arith.constant 0 : index
    %get3A_10 = vector.load %arg1[%get3A_7, %get3A_8, %get3A_9] : memref<2x400x80xf32, #tpu.memory_space<vmem>>, vector<1x400x80xf32>
    %get3A_11 = vector.shape_cast %get3A_10 : vector<1x400x80xf32> to vector<400x80xf32>
    %add3A = arith.addf %get3A_6, %get3A_11 : vector<400x80xf32>
    %get3A_12 = arith.constant 0 : index
    %get3A_13 = arith.constant 0 : index
    %get3A_14 = vector.load %arg2[%get3A_12, %get3A_13] : memref<400x80xf32, #tpu.memory_space<vmem>>, vector<400x80xf32>
    %add3A_15 = arith.addf %add3A, %get3A_14 : vector<400x80xf32>
    %mul3A = vector.broadcast %get3A_1 : vector<400x1xf32> to vector<400x80xf32>
    %mul3A_16 = arith.mulf %mul3A, %add3A_15 : vector<400x80xf32>
    %get3A_17 = arith.constant 0 : index
    %get3A_18 = arith.constant 0 : index
    %get3A_19 = vector.load %arg4[%get3A_17, %get3A_18] : memref<80x2048xf32, #tpu.memory_space<vmem>>, vector<80x2048xf32>
    %dot_general3A = arith.constant dense<0.000000e+00> : vector<400x2048xf32>
    %dot_general3A_20 = tpu.matmul %mul3A_16, %get3A_19, %dot_general3A {dimension_numbers = #tpu.dot_dimension_numbers<[1], [0], [0], [1], [0, 0, 1, 1], [], []>, precision = #tpu.contract_precision<fp32>, transpose_lhs_hint = false} : vector<400x80xf32>, vector<80x2048xf32>, vector<400x2048xf32> -> vector<400x2048xf32>
    %get3A_21 = arith.constant 0 : index
    %get3A_22 = arith.constant 0 : index
    %get3A_23 = vector.load %arg5[%get3A_21, %get3A_22] : memref<1x2048xf32, #tpu.memory_space<vmem>>, vector<1x2048xf32>
    %add3A_24 = vector.broadcast %get3A_23 : vector<1x2048xf32> to vector<400x2048xf32>
    %add3A_25 = arith.addf %dot_general3A_20, %add3A_24 : vector<400x2048xf32>
    %max3A = arith.constant 0.000000e+00 : f32
    %max3A_26 = vector.broadcast %max3A : f32 to vector<400x2048xf32>
    %max3A_27 = arith.maximumf %add3A_25, %max3A_26 : vector<400x2048xf32>
    %mul3A_28 = vector.broadcast %get3A_1 : vector<400x1xf32> to vector<400x2048xf32>
    %mul3A_29 = arith.mulf %mul3A_28, %max3A_27 : vector<400x2048xf32>
    %slice3A = vector.extract_strided_slice %mul3A_29 {offsets = [0, 0], sizes = [400, 128], strides = [1, 1]} : vector<400x2048xf32> to vector<400x128xf32>
    %swap3A = arith.constant 0 : index
    %swap3A_30 = arith.constant 0 : index
    %swap3A_31 = arith.constant 0 : index
    %swap3A_32 = vector.load %arg6[%swap3A, %swap3A_30, %swap3A_31] : memref<16x400x128xf32, #tpu.memory_space<vmem>>, vector<1x400x128xf32>
    %swap3A_33 = vector.shape_cast %swap3A_32 : vector<1x400x128xf32> to vector<400x128xf32>
    %swap3A_34 = vector.shape_cast %slice3A : vector<400x128xf32> to vector<1x400x128xf32>
    tpu.vector_store %arg6[%swap3A, %swap3A_30, %swap3A_31], %swap3A_34 {strides = array<i32>} : memref<16x400x128xf32, #tpu.memory_space<vmem>>, vector<1x400x128xf32>,
    %slice3A_35 = vector.extract_strided_slice %mul3A_29 {offsets = [0, 128], sizes = [400, 128], strides = [1, 1]} : vector<400x2048xf32> to vector<400x128xf32>
    %swap3A_36 = arith.constant 1 : index
    %swap3A_37 = arith.constant 0 : index
    %swap3A_38 = arith.constant 0 : index
    %swap3A_39 = vector.load %arg6[%swap3A_36, %swap3A_37, %swap3A_38] : memref<16x400x128xf32, #tpu.memory_space<vmem>>, vector<1x400x128xf32>
    %swap3A_40 = vector.shape_cast %swap3A_39 : vector<1x400x128xf32> to vector<400x128xf32>
    %swap3A_41 = vector.shape_cast %slice3A_35 : vector<400x128xf32> to vector<1x400x128xf32>
    tpu.vector_store %arg6[%swap3A_36, %swap3A_37, %swap3A_38], %swap3A_41 {strides = array<i32>} : memref<16x400x128xf32, #tpu.memory_space<vmem>>, vector<1x400x128xf32>,
    %slice3A_42 = vector.extract_strided_slice %mul3A_29 {offsets = [0, 256], sizes = [400, 128], strides = [1, 1]} : vector<400x2048xf32> to vector<400x128xf32>
    %swap3A_43 = arith.constant 2 : index
    %swap3A_44 = arith.constant 0 : index
    %swap3A_45 = arith.constant 0 : index
    %swap3A_46 = vector.load %arg6[%swap3A_43, %swap3A_44, %swap3A_45] : memref<16x400x128xf32, #tpu.memory_space<vmem>>, vector<1x400x128xf32>
    %swap3A_47 = vector.shape_cast %swap3A_46 : vector<1x400x128xf32> to vector<400x128xf32>
    %swap3A_48 = vector.shape_cast %slice3A_42 : vector<400x128xf32> to vector<1x400x128xf32>
    tpu.vector_store %arg6[%swap3A_43, %swap3A_44, %swap3A_45], %swap3A_48 {strides = array<i32>} : memref<16x400x128xf32, #tpu.memory_space<vmem>>, vector<1x400x128xf32>,
    %slice3A_49 = vector.extract_strided_slice %mul3A_29 {offsets = [0, 384], sizes = [400, 128], strides = [1, 1]} : vector<400x2048xf32> to vector<400x128xf32>
    %swap3A_50 = arith.constant 3 : index
    %swap3A_51 = arith.constant 0 : index
    %swap3A_52 = arith.constant 0 : index
    %swap3A_53 = vector.load %arg6[%swap3A_50, %swap3A_51, %swap3A_52] : memref<16x400x128xf32, #tpu.memory_space<vmem>>, vector<1x400x128xf32>
    %swap3A_54 = vector.shape_cast %swap3A_53 : vector<1x400x128xf32> to vector<400x128xf32>
    %swap3A_55 = vector.shape_cast %slice3A_49 : vector<400x128xf32> to vector<1x400x128xf32>
    tpu.vector_store %arg6[%swap3A_50, %swap3A_51, %swap3A_52], %swap3A_55 {strides = array<i32>} : memref<16x400x128xf32, #tpu.memory_space<vmem>>, vector<1x400x128xf32>,
    %slice3A_56 = vector.extract_strided_slice %mul3A_29 {offsets = [0, 512], sizes = [400, 128], strides = [1, 1]} : vector<400x2048xf32> to vector<400x128xf32>
    %swap3A_57 = arith.constant 4 : index
    %swap3A_58 = arith.constant 0 : index
    %swap3A_59 = arith.constant 0 : index
    %swap3A_60 = vector.load %arg6[%swap3A_57, %swap3A_58, %swap3A_59] : memref<16x400x128xf32, #tpu.memory_space<vmem>>, vector<1x400x128xf32>
    %swap3A_61 = vector.shape_cast %swap3A_60 : vector<1x400x128xf32> to vector<400x128xf32>
    %swap3A_62 = vector.shape_cast %slice3A_56 : vector<400x128xf32> to vector<1x400x128xf32>
    tpu.vector_store %arg6[%swap3A_57, %swap3A_58, %swap3A_59], %swap3A_62 {strides = array<i32>} : memref<16x400x128xf32, #tpu.memory_space<vmem>>, vector<1x400x128xf32>,
    %slice3A_63 = vector.extract_strided_slice %mul3A_29 {offsets = [0, 640], sizes = [400, 128], strides = [1, 1]} : vector<400x2048xf32> to vector<400x128xf32>
    %swap3A_64 = arith.constant 5 : index
    %swap3A_65 = arith.constant 0 : index
    %swap3A_66 = arith.constant 0 : index
    %swap3A_67 = vector.load %arg6[%swap3A_64, %swap3A_65, %swap3A_66] : memref<16x400x128xf32, #tpu.memory_space<vmem>>, vector<1x400x128xf32>
    %swap3A_68 = vector.shape_cast %swap3A_67 : vector<1x400x128xf32> to vector<400x128xf32>
    %swap3A_69 = vector.shape_cast %slice3A_63 : vector<400x128xf32> to vector<1x400x128xf32>
    tpu.vector_store %arg6[%swap3A_64, %swap3A_65, %swap3A_66], %swap3A_69 {strides = array<i32>} : memref<16x400x128xf32, #tpu.memory_space<vmem>>, vector<1x400x128xf32>,
    %slice3A_70 = vector.extract_strided_slice %mul3A_29 {offsets = [0, 768], sizes = [400, 128], strides = [1, 1]} : vector<400x2048xf32> to vector<400x128xf32>
    %swap3A_71 = arith.constant 6 : index
    %swap3A_72 = arith.constant 0 : index
    %swap3A_73 = arith.constant 0 : index
    %swap3A_74 = vector.load %arg6[%swap3A_71, %swap3A_72, %swap3A_73] : memref<16x400x128xf32, #tpu.memory_space<vmem>>, vector<1x400x128xf32>
    %swap3A_75 = vector.shape_cast %swap3A_74 : vector<1x400x128xf32> to vector<400x128xf32>
    %swap3A_76 = vector.shape_cast %slice3A_70 : vector<400x128xf32> to vector<1x400x128xf32>
    tpu.vector_store %arg6[%swap3A_71, %swap3A_72, %swap3A_73], %swap3A_76 {strides = array<i32>} : memref<16x400x128xf32, #tpu.memory_space<vmem>>, vector<1x400x128xf32>,
    %slice3A_77 = vector.extract_strided_slice %mul3A_29 {offsets = [0, 896], sizes = [400, 128], strides = [1, 1]} : vector<400x2048xf32> to vector<400x128xf32>
    %swap3A_78 = arith.constant 7 : index
    %swap3A_79 = arith.constant 0 : index
    %swap3A_80 = arith.constant 0 : index
    %swap3A_81 = vector.load %arg6[%swap3A_78, %swap3A_79, %swap3A_80] : memref<16x400x128xf32, #tpu.memory_space<vmem>>, vector<1x400x128xf32>
    %swap3A_82 = vector.shape_cast %swap3A_81 : vector<1x400x128xf32> to vector<400x128xf32>
    %swap3A_83 = vector.shape_cast %slice3A_77 : vector<400x128xf32> to vector<1x400x128xf32>
    tpu.vector_store %arg6[%swap3A_78, %swap3A_79, %swap3A_80], %swap3A_83 {strides = array<i32>} : memref<16x400x128xf32, #tpu.memory_space<vmem>>, vector<1x400x128xf32>,
    %slice3A_84 = vector.extract_strided_slice %mul3A_29 {offsets = [0, 1024], sizes = [400, 128], strides = [1, 1]} : vector<400x2048xf32> to vector<400x128xf32>
    %swap3A_85 = arith.constant 8 : index
    %swap3A_86 = arith.constant 0 : index
    %swap3A_87 = arith.constant 0 : index
    %swap3A_88 = vector.load %arg6[%swap3A_85, %swap3A_86, %swap3A_87] : memref<16x400x128xf32, #tpu.memory_space<vmem>>, vector<1x400x128xf32>
    %swap3A_89 = vector.shape_cast %swap3A_88 : vector<1x400x128xf32> to vector<400x128xf32>
    %swap3A_90 = vector.shape_cast %slice3A_84 : vector<400x128xf32> to vector<1x400x128xf32>
    tpu.vector_store %arg6[%swap3A_85, %swap3A_86, %swap3A_87], %swap3A_90 {strides = array<i32>} : memref<16x400x128xf32, #tpu.memory_space<vmem>>, vector<1x400x128xf32>,
    %slice3A_91 = vector.extract_strided_slice %mul3A_29 {offsets = [0, 1152], sizes = [400, 128], strides = [1, 1]} : vector<400x2048xf32> to vector<400x128xf32>
    %swap3A_92 = arith.constant 9 : index
    %swap3A_93 = arith.constant 0 : index
    %swap3A_94 = arith.constant 0 : index
    %swap3A_95 = vector.load %arg6[%swap3A_92, %swap3A_93, %swap3A_94] : memref<16x400x128xf32, #tpu.memory_space<vmem>>, vector<1x400x128xf32>
    %swap3A_96 = vector.shape_cast %swap3A_95 : vector<1x400x128xf32> to vector<400x128xf32>
    %swap3A_97 = vector.shape_cast %slice3A_91 : vector<400x128xf32> to vector<1x400x128xf32>
    tpu.vector_store %arg6[%swap3A_92, %swap3A_93, %swap3A_94], %swap3A_97 {strides = array<i32>} : memref<16x400x128xf32, #tpu.memory_space<vmem>>, vector<1x400x128xf32>,
    %slice3A_98 = vector.extract_strided_slice %mul3A_29 {offsets = [0, 1280], sizes = [400, 128], strides = [1, 1]} : vector<400x2048xf32> to vector<400x128xf32>
    %swap3A_99 = arith.constant 10 : index
    %swap3A_100 = arith.constant 0 : index
    %swap3A_101 = arith.constant 0 : index
    %swap3A_102 = vector.load %arg6[%swap3A_99, %swap3A_100, %swap3A_101] : memref<16x400x128xf32, #tpu.memory_space<vmem>>, vector<1x400x128xf32>
    %swap3A_103 = vector.shape_cast %swap3A_102 : vector<1x400x128xf32> to vector<400x128xf32>
    %swap3A_104 = vector.shape_cast %slice3A_98 : vector<400x128xf32> to vector<1x400x128xf32>
    tpu.vector_store %arg6[%swap3A_99, %swap3A_100, %swap3A_101], %swap3A_104 {strides = array<i32>} : memref<16x400x128xf32, #tpu.memory_space<vmem>>, vector<1x400x128xf32>,
    %slice3A_105 = vector.extract_strided_slice %mul3A_29 {offsets = [0, 1408], sizes = [400, 128], strides = [1, 1]} : vector<400x2048xf32> to vector<400x128xf32>
    %swap3A_106 = arith.constant 11 : index
    %swap3A_107 = arith.constant 0 : index
    %swap3A_108 = arith.constant 0 : index
    %swap3A_109 = vector.load %arg6[%swap3A_106, %swap3A_107, %swap3A_108] : memref<16x400x128xf32, #tpu.memory_space<vmem>>, vector<1x400x128xf32>
    %swap3A_110 = vector.shape_cast %swap3A_109 : vector<1x400x128xf32> to vector<400x128xf32>
    %swap3A_111 = vector.shape_cast %slice3A_105 : vector<400x128xf32> to vector<1x400x128xf32>
    tpu.vector_store %arg6[%swap3A_106, %swap3A_107, %swap3A_108], %swap3A_111 {strides = array<i32>} : memref<16x400x128xf32, #tpu.memory_space<vmem>>, vector<1x400x128xf32>,
    %slice3A_112 = vector.extract_strided_slice %mul3A_29 {offsets = [0, 1536], sizes = [400, 128], strides = [1, 1]} : vector<400x2048xf32> to vector<400x128xf32>
    %swap3A_113 = arith.constant 12 : index
    %swap3A_114 = arith.constant 0 : index
    %swap3A_115 = arith.constant 0 : index
    %swap3A_116 = vector.load %arg6[%swap3A_113, %swap3A_114, %swap3A_115] : memref<16x400x128xf32, #tpu.memory_space<vmem>>, vector<1x400x128xf32>
    %swap3A_117 = vector.shape_cast %swap3A_116 : vector<1x400x128xf32> to vector<400x128xf32>
    %swap3A_118 = vector.shape_cast %slice3A_112 : vector<400x128xf32> to vector<1x400x128xf32>
    tpu.vector_store %arg6[%swap3A_113, %swap3A_114, %swap3A_115], %swap3A_118 {strides = array<i32>} : memref<16x400x128xf32, #tpu.memory_space<vmem>>, vector<1x400x128xf32>,
    %slice3A_119 = vector.extract_strided_slice %mul3A_29 {offsets = [0, 1664], sizes = [400, 128], strides = [1, 1]} : vector<400x2048xf32> to vector<400x128xf32>
    %swap3A_120 = arith.constant 13 : index
    %swap3A_121 = arith.constant 0 : index
    %swap3A_122 = arith.constant 0 : index
    %swap3A_123 = vector.load %arg6[%swap3A_120, %swap3A_121, %swap3A_122] : memref<16x400x128xf32, #tpu.memory_space<vmem>>, vector<1x400x128xf32>
    %swap3A_124 = vector.shape_cast %swap3A_123 : vector<1x400x128xf32> to vector<400x128xf32>
    %swap3A_125 = vector.shape_cast %slice3A_119 : vector<400x128xf32> to vector<1x400x128xf32>
    tpu.vector_store %arg6[%swap3A_120, %swap3A_121, %swap3A_122], %swap3A_125 {strides = array<i32>} : memref<16x400x128xf32, #tpu.memory_space<vmem>>, vector<1x400x128xf32>,
    %slice3A_126 = vector.extract_strided_slice %mul3A_29 {offsets = [0, 1792], sizes = [400, 128], strides = [1, 1]} : vector<400x2048xf32> to vector<400x128xf32>
    %swap3A_127 = arith.constant 14 : index
    %swap3A_128 = arith.constant 0 : index
    %swap3A_129 = arith.constant 0 : index
    %swap3A_130 = vector.load %arg6[%swap3A_127, %swap3A_128, %swap3A_129] : memref<16x400x128xf32, #tpu.memory_space<vmem>>, vector<1x400x128xf32>
    %swap3A_131 = vector.shape_cast %swap3A_130 : vector<1x400x128xf32> to vector<400x128xf32>
    %swap3A_132 = vector.shape_cast %slice3A_126 : vector<400x128xf32> to vector<1x400x128xf32>
    tpu.vector_store %arg6[%swap3A_127, %swap3A_128, %swap3A_129], %swap3A_132 {strides = array<i32>} : memref<16x400x128xf32, #tpu.memory_space<vmem>>, vector<1x400x128xf32>,
    %slice3A_133 = vector.extract_strided_slice %mul3A_29 {offsets = [0, 1920], sizes = [400, 128], strides = [1, 1]} : vector<400x2048xf32> to vector<400x128xf32>
    %swap3A_134 = arith.constant 15 : index
    %swap3A_135 = arith.constant 0 : index
    %swap3A_136 = arith.constant 0 : index
    %swap3A_137 = vector.load %arg6[%swap3A_134, %swap3A_135, %swap3A_136] : memref<16x400x128xf32, #tpu.memory_space<vmem>>, vector<1x400x128xf32>
    %swap3A_138 = vector.shape_cast %swap3A_137 : vector<1x400x128xf32> to vector<400x128xf32>
    %swap3A_139 = vector.shape_cast %slice3A_133 : vector<400x128xf32> to vector<1x400x128xf32>
    tpu.vector_store %arg6[%swap3A_134, %swap3A_135, %swap3A_136], %swap3A_139 {strides = array<i32>} : memref<16x400x128xf32, #tpu.memory_space<vmem>>, vector<1x400x128xf32>,
    return
  }
  func.func @transform_0(%arg0: i32) -> (i32, i32, i32) {
    %c0_i32 = arith.constant 0 : i32
    %c0_i32_0 = arith.constant 0 : i32
    %c0_i32_1 = arith.constant 0 : i32
    return %c0_i32, %arg0, %c0_i32_0 : i32, i32, i32
  }
  func.func @transform_1(%arg0: i32) -> (i32, i32) {
    %c0_i32 = arith.constant 0 : i32
    %c0_i32_0 = arith.constant 0 : i32
    return %arg0, %c0_i32 : i32, i32
  }
  func.func @transform_2(%arg0: i32) -> (i32, i32) {
    %c0_i32 = arith.constant 0 : i32
    %c0_i32_0 = arith.constant 0 : i32
    return %arg0, %c0_i32 : i32, i32
  }
  func.func @transform_3(%arg0: i32) -> (i32, i32) {
    %c0_i32 = arith.constant 0 : i32
    %c0_i32_0 = arith.constant 0 : i32
    %c0_i32_1 = arith.constant 0 : i32
    return %c0_i32, %c0_i32_0 : i32, i32
  }
  func.func @transform_4(%arg0: i32) -> (i32, i32) {
    %c0_i32 = arith.constant 0 : i32
    %c0_i32_0 = arith.constant 0 : i32
    %c0_i32_1 = arith.constant 0 : i32
    return %c0_i32, %c0_i32_0 : i32, i32
  }
  func.func @transform_5(%arg0: i32) -> (i32, i32, i32) {
    %c0_i32 = arith.constant 0 : i32
    %c0_i32_0 = arith.constant 0 : i32
    %c0_i32_1 = arith.constant 0 : i32
    return %c0_i32, %arg0, %c0_i32_0 : i32, i32, i32
  }
}

module attributes {stable_mosaic.version = 14 : i64} {
  func.func @_tc2_body(%arg0: i32, %arg1: memref<16x400x128xf32, #tpu.memory_space<vmem>>, %arg2: memref<16x400x128xf32, #tpu.memory_space<vmem>>, %arg3: memref<400x1xf32, #tpu.memory_space<vmem>>, %arg4: memref<128x128xf32, #tpu.memory_space<vmem>>, %arg5: memref<1x128xf32, #tpu.memory_space<vmem>>, %arg6: memref<128x512xf32, #tpu.memory_space<vmem>>, %arg7: memref<128x512xf32, #tpu.memory_space<vmem>>, %arg8: memref<1x512xf32, #tpu.memory_space<vmem>>, %arg9: memref<128x64xf32, #tpu.memory_space<vmem>>, %arg10: memref<1x64xf32, #tpu.memory_space<vmem>>, %arg11: memref<64x1xf32, #tpu.memory_space<vmem>>, %arg12: memref<1x1xf32, #tpu.memory_space<vmem>>, %arg13: memref<400x2xf32, #tpu.memory_space<vmem>>) attributes {dimension_semantics = [#tpu.dimension_semantics<arbitrary>], iteration_bounds = array<i64: 25>, scalar_prefetch = 0 : i64, scratch_operands = 0 : i64, tpu.core_type = #tpu.core_type<tc>, window_params = [{transform_indices = @transform_0, window_bounds = array<i64: 16, 400, 128>}, {transform_indices = @transform_1, window_bounds = array<i64: 16, 400, 128>}, {transform_indices = @transform_2, window_bounds = array<i64: 400, 1>}, {pipeline_mode = #tpu.pipeline_mode<synchronous>, transform_indices = @transform_3, window_bounds = array<i64: 128, 128>}, {pipeline_mode = #tpu.pipeline_mode<synchronous>, transform_indices = @transform_4, window_bounds = array<i64: 1, 128>}, {pipeline_mode = #tpu.pipeline_mode<synchronous>, transform_indices = @transform_5, window_bounds = array<i64: 128, 512>}, {pipeline_mode = #tpu.pipeline_mode<synchronous>, transform_indices = @transform_6, window_bounds = array<i64: 128, 512>}, {pipeline_mode = #tpu.pipeline_mode<synchronous>, transform_indices = @transform_7, window_bounds = array<i64: 1, 512>}, {pipeline_mode = #tpu.pipeline_mode<synchronous>, transform_indices = @transform_8, window_bounds = array<i64: 128, 64>}, {pipeline_mode = #tpu.pipeline_mode<synchronous>, transform_indices = @transform_9, window_bounds = array<i64: 1, 64>}, {pipeline_mode = #tpu.pipeline_mode<synchronous>, transform_indices = @transform_10, window_bounds = array<i64: 64, 1>}, {pipeline_mode = #tpu.pipeline_mode<synchronous>, transform_indices = @transform_11, window_bounds = array<i64: 1, 1>}, {transform_indices = @transform_12, window_bounds = array<i64: 400, 2>}]} {
    %get3A = arith.constant 0 : index
    %get3A_0 = arith.constant 0 : index
    %get3A_1 = vector.load %arg3[%get3A, %get3A_0] : memref<400x1xf32, #tpu.memory_space<vmem>>, vector<400x1xf32>
    %get3A_2 = arith.constant 0 : index
    %get3A_3 = arith.constant 0 : index
    %get3A_4 = vector.load %arg4[%get3A_2, %get3A_3] : memref<128x128xf32, #tpu.memory_space<vmem>>, vector<128x128xf32>
    %get3A_5 = arith.constant 0 : index
    %get3A_6 = arith.constant 0 : index
    %get3A_7 = vector.load %arg5[%get3A_5, %get3A_6] : memref<1x128xf32, #tpu.memory_space<vmem>>, vector<1x128xf32>
    %get3A_8 = arith.constant 0 : index
    %get3A_9 = arith.constant 0 : index
    %get3A_10 = arith.constant 0 : index
    %get3A_11 = vector.load %arg1[%get3A_8, %get3A_9, %get3A_10] : memref<16x400x128xf32, #tpu.memory_space<vmem>>, vector<1x400x128xf32>
    %get3A_12 = vector.shape_cast %get3A_11 : vector<1x400x128xf32> to vector<400x128xf32>
    %get3A_13 = arith.constant 0 : index
    %get3A_14 = arith.constant 0 : index
    %get3A_15 = arith.constant 0 : index
    %get3A_16 = vector.load %arg2[%get3A_13, %get3A_14, %get3A_15] : memref<16x400x128xf32, #tpu.memory_space<vmem>>, vector<1x400x128xf32>
    %get3A_17 = vector.shape_cast %get3A_16 : vector<1x400x128xf32> to vector<400x128xf32>
    %add3A = arith.addf %get3A_12, %get3A_17 : vector<400x128xf32>
    %mul3A = vector.broadcast %get3A_1 : vector<400x1xf32> to vector<400x128xf32>
    %mul3A_18 = arith.mulf %mul3A, %add3A : vector<400x128xf32>
    %dot_general3A = arith.constant dense<0.000000e+00> : vector<400x128xf32>
    %dot_general3A_19 = tpu.matmul %mul3A_18, %get3A_4, %dot_general3A {dimension_numbers = #tpu.dot_dimension_numbers<[1], [0], [0], [1], [0, 0, 1, 1], [], []>, precision = #tpu.contract_precision<fp32>, transpose_lhs_hint = false} : vector<400x128xf32>, vector<128x128xf32>, vector<400x128xf32> -> vector<400x128xf32>
    %add3A_20 = vector.broadcast %get3A_7 : vector<1x128xf32> to vector<400x128xf32>
    %add3A_21 = arith.addf %dot_general3A_19, %add3A_20 : vector<400x128xf32>
    %max3A = arith.constant 0.000000e+00 : f32
    %max3A_22 = vector.broadcast %max3A : f32 to vector<400x128xf32>
    %max3A_23 = arith.maximumf %add3A_21, %max3A_22 : vector<400x128xf32>
    %get3A_24 = arith.constant 1 : index
    %get3A_25 = arith.constant 0 : index
    %get3A_26 = arith.constant 0 : index
    %get3A_27 = vector.load %arg1[%get3A_24, %get3A_25, %get3A_26] : memref<16x400x128xf32, #tpu.memory_space<vmem>>, vector<1x400x128xf32>
    %get3A_28 = vector.shape_cast %get3A_27 : vector<1x400x128xf32> to vector<400x128xf32>
    %get3A_29 = arith.constant 1 : index
    %get3A_30 = arith.constant 0 : index
    %get3A_31 = arith.constant 0 : index
    %get3A_32 = vector.load %arg2[%get3A_29, %get3A_30, %get3A_31] : memref<16x400x128xf32, #tpu.memory_space<vmem>>, vector<1x400x128xf32>
    %get3A_33 = vector.shape_cast %get3A_32 : vector<1x400x128xf32> to vector<400x128xf32>
    %add3A_34 = arith.addf %get3A_28, %get3A_33 : vector<400x128xf32>
    %mul3A_35 = vector.broadcast %get3A_1 : vector<400x1xf32> to vector<400x128xf32>
    %mul3A_36 = arith.mulf %mul3A_35, %add3A_34 : vector<400x128xf32>
    %dot_general3A_37 = arith.constant dense<0.000000e+00> : vector<400x128xf32>
    %dot_general3A_38 = tpu.matmul %mul3A_36, %get3A_4, %dot_general3A_37 {dimension_numbers = #tpu.dot_dimension_numbers<[1], [0], [0], [1], [0, 0, 1, 1], [], []>, precision = #tpu.contract_precision<fp32>, transpose_lhs_hint = false} : vector<400x128xf32>, vector<128x128xf32>, vector<400x128xf32> -> vector<400x128xf32>
    %add3A_39 = vector.broadcast %get3A_7 : vector<1x128xf32> to vector<400x128xf32>
    %add3A_40 = arith.addf %dot_general3A_38, %add3A_39 : vector<400x128xf32>
    %max3A_41 = arith.constant 0.000000e+00 : f32
    %max3A_42 = vector.broadcast %max3A_41 : f32 to vector<400x128xf32>
    %max3A_43 = arith.maximumf %add3A_40, %max3A_42 : vector<400x128xf32>
    %get3A_44 = arith.constant 2 : index
    %get3A_45 = arith.constant 0 : index
    %get3A_46 = arith.constant 0 : index
    %get3A_47 = vector.load %arg1[%get3A_44, %get3A_45, %get3A_46] : memref<16x400x128xf32, #tpu.memory_space<vmem>>, vector<1x400x128xf32>
    %get3A_48 = vector.shape_cast %get3A_47 : vector<1x400x128xf32> to vector<400x128xf32>
    %get3A_49 = arith.constant 2 : index
    %get3A_50 = arith.constant 0 : index
    %get3A_51 = arith.constant 0 : index
    %get3A_52 = vector.load %arg2[%get3A_49, %get3A_50, %get3A_51] : memref<16x400x128xf32, #tpu.memory_space<vmem>>, vector<1x400x128xf32>
    %get3A_53 = vector.shape_cast %get3A_52 : vector<1x400x128xf32> to vector<400x128xf32>
    %add3A_54 = arith.addf %get3A_48, %get3A_53 : vector<400x128xf32>
    %mul3A_55 = vector.broadcast %get3A_1 : vector<400x1xf32> to vector<400x128xf32>
    %mul3A_56 = arith.mulf %mul3A_55, %add3A_54 : vector<400x128xf32>
    %dot_general3A_57 = arith.constant dense<0.000000e+00> : vector<400x128xf32>
    %dot_general3A_58 = tpu.matmul %mul3A_56, %get3A_4, %dot_general3A_57 {dimension_numbers = #tpu.dot_dimension_numbers<[1], [0], [0], [1], [0, 0, 1, 1], [], []>, precision = #tpu.contract_precision<fp32>, transpose_lhs_hint = false} : vector<400x128xf32>, vector<128x128xf32>, vector<400x128xf32> -> vector<400x128xf32>
    %add3A_59 = vector.broadcast %get3A_7 : vector<1x128xf32> to vector<400x128xf32>
    %add3A_60 = arith.addf %dot_general3A_58, %add3A_59 : vector<400x128xf32>
    %max3A_61 = arith.constant 0.000000e+00 : f32
    %max3A_62 = vector.broadcast %max3A_61 : f32 to vector<400x128xf32>
    %max3A_63 = arith.maximumf %add3A_60, %max3A_62 : vector<400x128xf32>
    %get3A_64 = arith.constant 3 : index
    %get3A_65 = arith.constant 0 : index
    %get3A_66 = arith.constant 0 : index
    %get3A_67 = vector.load %arg1[%get3A_64, %get3A_65, %get3A_66] : memref<16x400x128xf32, #tpu.memory_space<vmem>>, vector<1x400x128xf32>
    %get3A_68 = vector.shape_cast %get3A_67 : vector<1x400x128xf32> to vector<400x128xf32>
    %get3A_69 = arith.constant 3 : index
    %get3A_70 = arith.constant 0 : index
    %get3A_71 = arith.constant 0 : index
    %get3A_72 = vector.load %arg2[%get3A_69, %get3A_70, %get3A_71] : memref<16x400x128xf32, #tpu.memory_space<vmem>>, vector<1x400x128xf32>
    %get3A_73 = vector.shape_cast %get3A_72 : vector<1x400x128xf32> to vector<400x128xf32>
    %add3A_74 = arith.addf %get3A_68, %get3A_73 : vector<400x128xf32>
    %mul3A_75 = vector.broadcast %get3A_1 : vector<400x1xf32> to vector<400x128xf32>
    %mul3A_76 = arith.mulf %mul3A_75, %add3A_74 : vector<400x128xf32>
    %dot_general3A_77 = arith.constant dense<0.000000e+00> : vector<400x128xf32>
    %dot_general3A_78 = tpu.matmul %mul3A_76, %get3A_4, %dot_general3A_77 {dimension_numbers = #tpu.dot_dimension_numbers<[1], [0], [0], [1], [0, 0, 1, 1], [], []>, precision = #tpu.contract_precision<fp32>, transpose_lhs_hint = false} : vector<400x128xf32>, vector<128x128xf32>, vector<400x128xf32> -> vector<400x128xf32>
    %add3A_79 = vector.broadcast %get3A_7 : vector<1x128xf32> to vector<400x128xf32>
    %add3A_80 = arith.addf %dot_general3A_78, %add3A_79 : vector<400x128xf32>
    %max3A_81 = arith.constant 0.000000e+00 : f32
    %max3A_82 = vector.broadcast %max3A_81 : f32 to vector<400x128xf32>
    %max3A_83 = arith.maximumf %add3A_80, %max3A_82 : vector<400x128xf32>
    %get3A_84 = arith.constant 4 : index
    %get3A_85 = arith.constant 0 : index
    %get3A_86 = arith.constant 0 : index
    %get3A_87 = vector.load %arg1[%get3A_84, %get3A_85, %get3A_86] : memref<16x400x128xf32, #tpu.memory_space<vmem>>, vector<1x400x128xf32>
    %get3A_88 = vector.shape_cast %get3A_87 : vector<1x400x128xf32> to vector<400x128xf32>
    %get3A_89 = arith.constant 4 : index
    %get3A_90 = arith.constant 0 : index
    %get3A_91 = arith.constant 0 : index
    %get3A_92 = vector.load %arg2[%get3A_89, %get3A_90, %get3A_91] : memref<16x400x128xf32, #tpu.memory_space<vmem>>, vector<1x400x128xf32>
    %get3A_93 = vector.shape_cast %get3A_92 : vector<1x400x128xf32> to vector<400x128xf32>
    %add3A_94 = arith.addf %get3A_88, %get3A_93 : vector<400x128xf32>
    %mul3A_95 = vector.broadcast %get3A_1 : vector<400x1xf32> to vector<400x128xf32>
    %mul3A_96 = arith.mulf %mul3A_95, %add3A_94 : vector<400x128xf32>
    %dot_general3A_97 = arith.constant dense<0.000000e+00> : vector<400x128xf32>
    %dot_general3A_98 = tpu.matmul %mul3A_96, %get3A_4, %dot_general3A_97 {dimension_numbers = #tpu.dot_dimension_numbers<[1], [0], [0], [1], [0, 0, 1, 1], [], []>, precision = #tpu.contract_precision<fp32>, transpose_lhs_hint = false} : vector<400x128xf32>, vector<128x128xf32>, vector<400x128xf32> -> vector<400x128xf32>
    %add3A_99 = vector.broadcast %get3A_7 : vector<1x128xf32> to vector<400x128xf32>
    %add3A_100 = arith.addf %dot_general3A_98, %add3A_99 : vector<400x128xf32>
    %max3A_101 = arith.constant 0.000000e+00 : f32
    %max3A_102 = vector.broadcast %max3A_101 : f32 to vector<400x128xf32>
    %max3A_103 = arith.maximumf %add3A_100, %max3A_102 : vector<400x128xf32>
    %get3A_104 = arith.constant 5 : index
    %get3A_105 = arith.constant 0 : index
    %get3A_106 = arith.constant 0 : index
    %get3A_107 = vector.load %arg1[%get3A_104, %get3A_105, %get3A_106] : memref<16x400x128xf32, #tpu.memory_space<vmem>>, vector<1x400x128xf32>
    %get3A_108 = vector.shape_cast %get3A_107 : vector<1x400x128xf32> to vector<400x128xf32>
    %get3A_109 = arith.constant 5 : index
    %get3A_110 = arith.constant 0 : index
    %get3A_111 = arith.constant 0 : index
    %get3A_112 = vector.load %arg2[%get3A_109, %get3A_110, %get3A_111] : memref<16x400x128xf32, #tpu.memory_space<vmem>>, vector<1x400x128xf32>
    %get3A_113 = vector.shape_cast %get3A_112 : vector<1x400x128xf32> to vector<400x128xf32>
    %add3A_114 = arith.addf %get3A_108, %get3A_113 : vector<400x128xf32>
    %mul3A_115 = vector.broadcast %get3A_1 : vector<400x1xf32> to vector<400x128xf32>
    %mul3A_116 = arith.mulf %mul3A_115, %add3A_114 : vector<400x128xf32>
    %dot_general3A_117 = arith.constant dense<0.000000e+00> : vector<400x128xf32>
    %dot_general3A_118 = tpu.matmul %mul3A_116, %get3A_4, %dot_general3A_117 {dimension_numbers = #tpu.dot_dimension_numbers<[1], [0], [0], [1], [0, 0, 1, 1], [], []>, precision = #tpu.contract_precision<fp32>, transpose_lhs_hint = false} : vector<400x128xf32>, vector<128x128xf32>, vector<400x128xf32> -> vector<400x128xf32>
    %add3A_119 = vector.broadcast %get3A_7 : vector<1x128xf32> to vector<400x128xf32>
    %add3A_120 = arith.addf %dot_general3A_118, %add3A_119 : vector<400x128xf32>
    %max3A_121 = arith.constant 0.000000e+00 : f32
    %max3A_122 = vector.broadcast %max3A_121 : f32 to vector<400x128xf32>
    %max3A_123 = arith.maximumf %add3A_120, %max3A_122 : vector<400x128xf32>
    %get3A_124 = arith.constant 6 : index
    %get3A_125 = arith.constant 0 : index
    %get3A_126 = arith.constant 0 : index
    %get3A_127 = vector.load %arg1[%get3A_124, %get3A_125, %get3A_126] : memref<16x400x128xf32, #tpu.memory_space<vmem>>, vector<1x400x128xf32>
    %get3A_128 = vector.shape_cast %get3A_127 : vector<1x400x128xf32> to vector<400x128xf32>
    %get3A_129 = arith.constant 6 : index
    %get3A_130 = arith.constant 0 : index
    %get3A_131 = arith.constant 0 : index
    %get3A_132 = vector.load %arg2[%get3A_129, %get3A_130, %get3A_131] : memref<16x400x128xf32, #tpu.memory_space<vmem>>, vector<1x400x128xf32>
    %get3A_133 = vector.shape_cast %get3A_132 : vector<1x400x128xf32> to vector<400x128xf32>
    %add3A_134 = arith.addf %get3A_128, %get3A_133 : vector<400x128xf32>
    %mul3A_135 = vector.broadcast %get3A_1 : vector<400x1xf32> to vector<400x128xf32>
    %mul3A_136 = arith.mulf %mul3A_135, %add3A_134 : vector<400x128xf32>
    %dot_general3A_137 = arith.constant dense<0.000000e+00> : vector<400x128xf32>
    %dot_general3A_138 = tpu.matmul %mul3A_136, %get3A_4, %dot_general3A_137 {dimension_numbers = #tpu.dot_dimension_numbers<[1], [0], [0], [1], [0, 0, 1, 1], [], []>, precision = #tpu.contract_precision<fp32>, transpose_lhs_hint = false} : vector<400x128xf32>, vector<128x128xf32>, vector<400x128xf32> -> vector<400x128xf32>
    %add3A_139 = vector.broadcast %get3A_7 : vector<1x128xf32> to vector<400x128xf32>
    %add3A_140 = arith.addf %dot_general3A_138, %add3A_139 : vector<400x128xf32>
    %max3A_141 = arith.constant 0.000000e+00 : f32
    %max3A_142 = vector.broadcast %max3A_141 : f32 to vector<400x128xf32>
    %max3A_143 = arith.maximumf %add3A_140, %max3A_142 : vector<400x128xf32>
    %get3A_144 = arith.constant 7 : index
    %get3A_145 = arith.constant 0 : index
    %get3A_146 = arith.constant 0 : index
    %get3A_147 = vector.load %arg1[%get3A_144, %get3A_145, %get3A_146] : memref<16x400x128xf32, #tpu.memory_space<vmem>>, vector<1x400x128xf32>
    %get3A_148 = vector.shape_cast %get3A_147 : vector<1x400x128xf32> to vector<400x128xf32>
    %get3A_149 = arith.constant 7 : index
    %get3A_150 = arith.constant 0 : index
    %get3A_151 = arith.constant 0 : index
    %get3A_152 = vector.load %arg2[%get3A_149, %get3A_150, %get3A_151] : memref<16x400x128xf32, #tpu.memory_space<vmem>>, vector<1x400x128xf32>
    %get3A_153 = vector.shape_cast %get3A_152 : vector<1x400x128xf32> to vector<400x128xf32>
    %add3A_154 = arith.addf %get3A_148, %get3A_153 : vector<400x128xf32>
    %mul3A_155 = vector.broadcast %get3A_1 : vector<400x1xf32> to vector<400x128xf32>
    %mul3A_156 = arith.mulf %mul3A_155, %add3A_154 : vector<400x128xf32>
    %dot_general3A_157 = arith.constant dense<0.000000e+00> : vector<400x128xf32>
    %dot_general3A_158 = tpu.matmul %mul3A_156, %get3A_4, %dot_general3A_157 {dimension_numbers = #tpu.dot_dimension_numbers<[1], [0], [0], [1], [0, 0, 1, 1], [], []>, precision = #tpu.contract_precision<fp32>, transpose_lhs_hint = false} : vector<400x128xf32>, vector<128x128xf32>, vector<400x128xf32> -> vector<400x128xf32>
    %add3A_159 = vector.broadcast %get3A_7 : vector<1x128xf32> to vector<400x128xf32>
    %add3A_160 = arith.addf %dot_general3A_158, %add3A_159 : vector<400x128xf32>
    %max3A_161 = arith.constant 0.000000e+00 : f32
    %max3A_162 = vector.broadcast %max3A_161 : f32 to vector<400x128xf32>
    %max3A_163 = arith.maximumf %add3A_160, %max3A_162 : vector<400x128xf32>
    %get3A_164 = arith.constant 8 : index
    %get3A_165 = arith.constant 0 : index
    %get3A_166 = arith.constant 0 : index
    %get3A_167 = vector.load %arg1[%get3A_164, %get3A_165, %get3A_166] : memref<16x400x128xf32, #tpu.memory_space<vmem>>, vector<1x400x128xf32>
    %get3A_168 = vector.shape_cast %get3A_167 : vector<1x400x128xf32> to vector<400x128xf32>
    %get3A_169 = arith.constant 8 : index
    %get3A_170 = arith.constant 0 : index
    %get3A_171 = arith.constant 0 : index
    %get3A_172 = vector.load %arg2[%get3A_169, %get3A_170, %get3A_171] : memref<16x400x128xf32, #tpu.memory_space<vmem>>, vector<1x400x128xf32>
    %get3A_173 = vector.shape_cast %get3A_172 : vector<1x400x128xf32> to vector<400x128xf32>
    %add3A_174 = arith.addf %get3A_168, %get3A_173 : vector<400x128xf32>
    %mul3A_175 = vector.broadcast %get3A_1 : vector<400x1xf32> to vector<400x128xf32>
    %mul3A_176 = arith.mulf %mul3A_175, %add3A_174 : vector<400x128xf32>
    %dot_general3A_177 = arith.constant dense<0.000000e+00> : vector<400x128xf32>
    %dot_general3A_178 = tpu.matmul %mul3A_176, %get3A_4, %dot_general3A_177 {dimension_numbers = #tpu.dot_dimension_numbers<[1], [0], [0], [1], [0, 0, 1, 1], [], []>, precision = #tpu.contract_precision<fp32>, transpose_lhs_hint = false} : vector<400x128xf32>, vector<128x128xf32>, vector<400x128xf32> -> vector<400x128xf32>
    %add3A_179 = vector.broadcast %get3A_7 : vector<1x128xf32> to vector<400x128xf32>
    %add3A_180 = arith.addf %dot_general3A_178, %add3A_179 : vector<400x128xf32>
    %max3A_181 = arith.constant 0.000000e+00 : f32
    %max3A_182 = vector.broadcast %max3A_181 : f32 to vector<400x128xf32>
    %max3A_183 = arith.maximumf %add3A_180, %max3A_182 : vector<400x128xf32>
    %get3A_184 = arith.constant 9 : index
    %get3A_185 = arith.constant 0 : index
    %get3A_186 = arith.constant 0 : index
    %get3A_187 = vector.load %arg1[%get3A_184, %get3A_185, %get3A_186] : memref<16x400x128xf32, #tpu.memory_space<vmem>>, vector<1x400x128xf32>
    %get3A_188 = vector.shape_cast %get3A_187 : vector<1x400x128xf32> to vector<400x128xf32>
    %get3A_189 = arith.constant 9 : index
    %get3A_190 = arith.constant 0 : index
    %get3A_191 = arith.constant 0 : index
    %get3A_192 = vector.load %arg2[%get3A_189, %get3A_190, %get3A_191] : memref<16x400x128xf32, #tpu.memory_space<vmem>>, vector<1x400x128xf32>
    %get3A_193 = vector.shape_cast %get3A_192 : vector<1x400x128xf32> to vector<400x128xf32>
    %add3A_194 = arith.addf %get3A_188, %get3A_193 : vector<400x128xf32>
    %mul3A_195 = vector.broadcast %get3A_1 : vector<400x1xf32> to vector<400x128xf32>
    %mul3A_196 = arith.mulf %mul3A_195, %add3A_194 : vector<400x128xf32>
    %dot_general3A_197 = arith.constant dense<0.000000e+00> : vector<400x128xf32>
    %dot_general3A_198 = tpu.matmul %mul3A_196, %get3A_4, %dot_general3A_197 {dimension_numbers = #tpu.dot_dimension_numbers<[1], [0], [0], [1], [0, 0, 1, 1], [], []>, precision = #tpu.contract_precision<fp32>, transpose_lhs_hint = false} : vector<400x128xf32>, vector<128x128xf32>, vector<400x128xf32> -> vector<400x128xf32>
    %add3A_199 = vector.broadcast %get3A_7 : vector<1x128xf32> to vector<400x128xf32>
    %add3A_200 = arith.addf %dot_general3A_198, %add3A_199 : vector<400x128xf32>
    %max3A_201 = arith.constant 0.000000e+00 : f32
    %max3A_202 = vector.broadcast %max3A_201 : f32 to vector<400x128xf32>
    %max3A_203 = arith.maximumf %add3A_200, %max3A_202 : vector<400x128xf32>
    %get3A_204 = arith.constant 10 : index
    %get3A_205 = arith.constant 0 : index
    %get3A_206 = arith.constant 0 : index
    %get3A_207 = vector.load %arg1[%get3A_204, %get3A_205, %get3A_206] : memref<16x400x128xf32, #tpu.memory_space<vmem>>, vector<1x400x128xf32>
    %get3A_208 = vector.shape_cast %get3A_207 : vector<1x400x128xf32> to vector<400x128xf32>
    %get3A_209 = arith.constant 10 : index
    %get3A_210 = arith.constant 0 : index
    %get3A_211 = arith.constant 0 : index
    %get3A_212 = vector.load %arg2[%get3A_209, %get3A_210, %get3A_211] : memref<16x400x128xf32, #tpu.memory_space<vmem>>, vector<1x400x128xf32>
    %get3A_213 = vector.shape_cast %get3A_212 : vector<1x400x128xf32> to vector<400x128xf32>
    %add3A_214 = arith.addf %get3A_208, %get3A_213 : vector<400x128xf32>
    %mul3A_215 = vector.broadcast %get3A_1 : vector<400x1xf32> to vector<400x128xf32>
    %mul3A_216 = arith.mulf %mul3A_215, %add3A_214 : vector<400x128xf32>
    %dot_general3A_217 = arith.constant dense<0.000000e+00> : vector<400x128xf32>
    %dot_general3A_218 = tpu.matmul %mul3A_216, %get3A_4, %dot_general3A_217 {dimension_numbers = #tpu.dot_dimension_numbers<[1], [0], [0], [1], [0, 0, 1, 1], [], []>, precision = #tpu.contract_precision<fp32>, transpose_lhs_hint = false} : vector<400x128xf32>, vector<128x128xf32>, vector<400x128xf32> -> vector<400x128xf32>
    %add3A_219 = vector.broadcast %get3A_7 : vector<1x128xf32> to vector<400x128xf32>
    %add3A_220 = arith.addf %dot_general3A_218, %add3A_219 : vector<400x128xf32>
    %max3A_221 = arith.constant 0.000000e+00 : f32
    %max3A_222 = vector.broadcast %max3A_221 : f32 to vector<400x128xf32>
    %max3A_223 = arith.maximumf %add3A_220, %max3A_222 : vector<400x128xf32>
    %get3A_224 = arith.constant 11 : index
    %get3A_225 = arith.constant 0 : index
    %get3A_226 = arith.constant 0 : index
    %get3A_227 = vector.load %arg1[%get3A_224, %get3A_225, %get3A_226] : memref<16x400x128xf32, #tpu.memory_space<vmem>>, vector<1x400x128xf32>
    %get3A_228 = vector.shape_cast %get3A_227 : vector<1x400x128xf32> to vector<400x128xf32>
    %get3A_229 = arith.constant 11 : index
    %get3A_230 = arith.constant 0 : index
    %get3A_231 = arith.constant 0 : index
    %get3A_232 = vector.load %arg2[%get3A_229, %get3A_230, %get3A_231] : memref<16x400x128xf32, #tpu.memory_space<vmem>>, vector<1x400x128xf32>
    %get3A_233 = vector.shape_cast %get3A_232 : vector<1x400x128xf32> to vector<400x128xf32>
    %add3A_234 = arith.addf %get3A_228, %get3A_233 : vector<400x128xf32>
    %mul3A_235 = vector.broadcast %get3A_1 : vector<400x1xf32> to vector<400x128xf32>
    %mul3A_236 = arith.mulf %mul3A_235, %add3A_234 : vector<400x128xf32>
    %dot_general3A_237 = arith.constant dense<0.000000e+00> : vector<400x128xf32>
    %dot_general3A_238 = tpu.matmul %mul3A_236, %get3A_4, %dot_general3A_237 {dimension_numbers = #tpu.dot_dimension_numbers<[1], [0], [0], [1], [0, 0, 1, 1], [], []>, precision = #tpu.contract_precision<fp32>, transpose_lhs_hint = false} : vector<400x128xf32>, vector<128x128xf32>, vector<400x128xf32> -> vector<400x128xf32>
    %add3A_239 = vector.broadcast %get3A_7 : vector<1x128xf32> to vector<400x128xf32>
    %add3A_240 = arith.addf %dot_general3A_238, %add3A_239 : vector<400x128xf32>
    %max3A_241 = arith.constant 0.000000e+00 : f32
    %max3A_242 = vector.broadcast %max3A_241 : f32 to vector<400x128xf32>
    %max3A_243 = arith.maximumf %add3A_240, %max3A_242 : vector<400x128xf32>
    %get3A_244 = arith.constant 12 : index
    %get3A_245 = arith.constant 0 : index
    %get3A_246 = arith.constant 0 : index
    %get3A_247 = vector.load %arg1[%get3A_244, %get3A_245, %get3A_246] : memref<16x400x128xf32, #tpu.memory_space<vmem>>, vector<1x400x128xf32>
    %get3A_248 = vector.shape_cast %get3A_247 : vector<1x400x128xf32> to vector<400x128xf32>
    %get3A_249 = arith.constant 12 : index
    %get3A_250 = arith.constant 0 : index
    %get3A_251 = arith.constant 0 : index
    %get3A_252 = vector.load %arg2[%get3A_249, %get3A_250, %get3A_251] : memref<16x400x128xf32, #tpu.memory_space<vmem>>, vector<1x400x128xf32>
    %get3A_253 = vector.shape_cast %get3A_252 : vector<1x400x128xf32> to vector<400x128xf32>
    %add3A_254 = arith.addf %get3A_248, %get3A_253 : vector<400x128xf32>
    %mul3A_255 = vector.broadcast %get3A_1 : vector<400x1xf32> to vector<400x128xf32>
    %mul3A_256 = arith.mulf %mul3A_255, %add3A_254 : vector<400x128xf32>
    %dot_general3A_257 = arith.constant dense<0.000000e+00> : vector<400x128xf32>
    %dot_general3A_258 = tpu.matmul %mul3A_256, %get3A_4, %dot_general3A_257 {dimension_numbers = #tpu.dot_dimension_numbers<[1], [0], [0], [1], [0, 0, 1, 1], [], []>, precision = #tpu.contract_precision<fp32>, transpose_lhs_hint = false} : vector<400x128xf32>, vector<128x128xf32>, vector<400x128xf32> -> vector<400x128xf32>
    %add3A_259 = vector.broadcast %get3A_7 : vector<1x128xf32> to vector<400x128xf32>
    %add3A_260 = arith.addf %dot_general3A_258, %add3A_259 : vector<400x128xf32>
    %max3A_261 = arith.constant 0.000000e+00 : f32
    %max3A_262 = vector.broadcast %max3A_261 : f32 to vector<400x128xf32>
    %max3A_263 = arith.maximumf %add3A_260, %max3A_262 : vector<400x128xf32>
    %get3A_264 = arith.constant 13 : index
    %get3A_265 = arith.constant 0 : index
    %get3A_266 = arith.constant 0 : index
    %get3A_267 = vector.load %arg1[%get3A_264, %get3A_265, %get3A_266] : memref<16x400x128xf32, #tpu.memory_space<vmem>>, vector<1x400x128xf32>
    %get3A_268 = vector.shape_cast %get3A_267 : vector<1x400x128xf32> to vector<400x128xf32>
    %get3A_269 = arith.constant 13 : index
    %get3A_270 = arith.constant 0 : index
    %get3A_271 = arith.constant 0 : index
    %get3A_272 = vector.load %arg2[%get3A_269, %get3A_270, %get3A_271] : memref<16x400x128xf32, #tpu.memory_space<vmem>>, vector<1x400x128xf32>
    %get3A_273 = vector.shape_cast %get3A_272 : vector<1x400x128xf32> to vector<400x128xf32>
    %add3A_274 = arith.addf %get3A_268, %get3A_273 : vector<400x128xf32>
    %mul3A_275 = vector.broadcast %get3A_1 : vector<400x1xf32> to vector<400x128xf32>
    %mul3A_276 = arith.mulf %mul3A_275, %add3A_274 : vector<400x128xf32>
    %dot_general3A_277 = arith.constant dense<0.000000e+00> : vector<400x128xf32>
    %dot_general3A_278 = tpu.matmul %mul3A_276, %get3A_4, %dot_general3A_277 {dimension_numbers = #tpu.dot_dimension_numbers<[1], [0], [0], [1], [0, 0, 1, 1], [], []>, precision = #tpu.contract_precision<fp32>, transpose_lhs_hint = false} : vector<400x128xf32>, vector<128x128xf32>, vector<400x128xf32> -> vector<400x128xf32>
    %add3A_279 = vector.broadcast %get3A_7 : vector<1x128xf32> to vector<400x128xf32>
    %add3A_280 = arith.addf %dot_general3A_278, %add3A_279 : vector<400x128xf32>
    %max3A_281 = arith.constant 0.000000e+00 : f32
    %max3A_282 = vector.broadcast %max3A_281 : f32 to vector<400x128xf32>
    %max3A_283 = arith.maximumf %add3A_280, %max3A_282 : vector<400x128xf32>
    %get3A_284 = arith.constant 14 : index
    %get3A_285 = arith.constant 0 : index
    %get3A_286 = arith.constant 0 : index
    %get3A_287 = vector.load %arg1[%get3A_284, %get3A_285, %get3A_286] : memref<16x400x128xf32, #tpu.memory_space<vmem>>, vector<1x400x128xf32>
    %get3A_288 = vector.shape_cast %get3A_287 : vector<1x400x128xf32> to vector<400x128xf32>
    %get3A_289 = arith.constant 14 : index
    %get3A_290 = arith.constant 0 : index
    %get3A_291 = arith.constant 0 : index
    %get3A_292 = vector.load %arg2[%get3A_289, %get3A_290, %get3A_291] : memref<16x400x128xf32, #tpu.memory_space<vmem>>, vector<1x400x128xf32>
    %get3A_293 = vector.shape_cast %get3A_292 : vector<1x400x128xf32> to vector<400x128xf32>
    %add3A_294 = arith.addf %get3A_288, %get3A_293 : vector<400x128xf32>
    %mul3A_295 = vector.broadcast %get3A_1 : vector<400x1xf32> to vector<400x128xf32>
    %mul3A_296 = arith.mulf %mul3A_295, %add3A_294 : vector<400x128xf32>
    %dot_general3A_297 = arith.constant dense<0.000000e+00> : vector<400x128xf32>
    %dot_general3A_298 = tpu.matmul %mul3A_296, %get3A_4, %dot_general3A_297 {dimension_numbers = #tpu.dot_dimension_numbers<[1], [0], [0], [1], [0, 0, 1, 1], [], []>, precision = #tpu.contract_precision<fp32>, transpose_lhs_hint = false} : vector<400x128xf32>, vector<128x128xf32>, vector<400x128xf32> -> vector<400x128xf32>
    %add3A_299 = vector.broadcast %get3A_7 : vector<1x128xf32> to vector<400x128xf32>
    %add3A_300 = arith.addf %dot_general3A_298, %add3A_299 : vector<400x128xf32>
    %max3A_301 = arith.constant 0.000000e+00 : f32
    %max3A_302 = vector.broadcast %max3A_301 : f32 to vector<400x128xf32>
    %max3A_303 = arith.maximumf %add3A_300, %max3A_302 : vector<400x128xf32>
    %get3A_304 = arith.constant 15 : index
    %get3A_305 = arith.constant 0 : index
    %get3A_306 = arith.constant 0 : index
    %get3A_307 = vector.load %arg1[%get3A_304, %get3A_305, %get3A_306] : memref<16x400x128xf32, #tpu.memory_space<vmem>>, vector<1x400x128xf32>
    %get3A_308 = vector.shape_cast %get3A_307 : vector<1x400x128xf32> to vector<400x128xf32>
    %get3A_309 = arith.constant 15 : index
    %get3A_310 = arith.constant 0 : index
    %get3A_311 = arith.constant 0 : index
    %get3A_312 = vector.load %arg2[%get3A_309, %get3A_310, %get3A_311] : memref<16x400x128xf32, #tpu.memory_space<vmem>>, vector<1x400x128xf32>
    %get3A_313 = vector.shape_cast %get3A_312 : vector<1x400x128xf32> to vector<400x128xf32>
    %add3A_314 = arith.addf %get3A_308, %get3A_313 : vector<400x128xf32>
    %mul3A_315 = vector.broadcast %get3A_1 : vector<400x1xf32> to vector<400x128xf32>
    %mul3A_316 = arith.mulf %mul3A_315, %add3A_314 : vector<400x128xf32>
    %dot_general3A_317 = arith.constant dense<0.000000e+00> : vector<400x128xf32>
    %dot_general3A_318 = tpu.matmul %mul3A_316, %get3A_4, %dot_general3A_317 {dimension_numbers = #tpu.dot_dimension_numbers<[1], [0], [0], [1], [0, 0, 1, 1], [], []>, precision = #tpu.contract_precision<fp32>, transpose_lhs_hint = false} : vector<400x128xf32>, vector<128x128xf32>, vector<400x128xf32> -> vector<400x128xf32>
    %add3A_319 = vector.broadcast %get3A_7 : vector<1x128xf32> to vector<400x128xf32>
    %add3A_320 = arith.addf %dot_general3A_318, %add3A_319 : vector<400x128xf32>
    %max3A_321 = arith.constant 0.000000e+00 : f32
    %max3A_322 = vector.broadcast %max3A_321 : f32 to vector<400x128xf32>
    %max3A_323 = arith.maximumf %add3A_320, %max3A_322 : vector<400x128xf32>
    %get3A_324 = arith.constant 0 : index
    %get3A_325 = arith.constant 0 : index
    %get3A_326 = vector.load %arg6[%get3A_324, %get3A_325] : memref<128x512xf32, #tpu.memory_space<vmem>>, vector<128x512xf32>
    %get3A_327 = arith.constant 0 : index
    %get3A_328 = arith.constant 0 : index
    %get3A_329 = vector.load %arg7[%get3A_327, %get3A_328] : memref<128x512xf32, #tpu.memory_space<vmem>>, vector<128x512xf32>
    %get3A_330 = arith.constant 0 : index
    %get3A_331 = arith.constant 0 : index
    %get3A_332 = vector.load %arg8[%get3A_330, %get3A_331] : memref<1x512xf32, #tpu.memory_space<vmem>>, vector<1x512xf32>
    %broadcast_in_dim3A = arith.constant 0.000000e+00 : f32
    %broadcast_in_dim3A_333 = vector.broadcast %broadcast_in_dim3A : f32 to vector<400x128xf32>
    %broadcast_in_dim3A_334 = arith.constant 0.000000e+00 : f32
    %broadcast_in_dim3A_335 = vector.broadcast %broadcast_in_dim3A_334 : f32 to vector<400x128xf32>
    %dot_general3A_336 = arith.constant dense<0.000000e+00> : vector<400x512xf32>
    %dot_general3A_337 = tpu.matmul %max3A_23, %get3A_326, %dot_general3A_336 {dimension_numbers = #tpu.dot_dimension_numbers<[1], [0], [0], [1], [0, 0, 1, 1], [], []>, precision = #tpu.contract_precision<fp32>, transpose_lhs_hint = false} : vector<400x128xf32>, vector<128x512xf32>, vector<400x512xf32> -> vector<400x512xf32>
    %dot_general3A_338 = arith.constant dense<0.000000e+00> : vector<400x512xf32>
    %dot_general3A_339 = tpu.matmul %broadcast_in_dim3A_333, %get3A_329, %dot_general3A_338 {dimension_numbers = #tpu.dot_dimension_numbers<[1], [0], [0], [1], [0, 0, 1, 1], [], []>, precision = #tpu.contract_precision<fp32>, transpose_lhs_hint = false} : vector<400x128xf32>, vector<128x512xf32>, vector<400x512xf32> -> vector<400x512xf32>
    %add3A_340 = arith.addf %dot_general3A_337, %dot_general3A_339 : vector<400x512xf32>
    %add3A_341 = vector.broadcast %get3A_332 : vector<1x512xf32> to vector<400x512xf32>
    %add3A_342 = arith.addf %add3A_340, %add3A_341 : vector<400x512xf32>
    %slice3A = vector.extract_strided_slice %add3A_342 {offsets = [0, 0], sizes = [400, 128], strides = [1, 1]} : vector<400x512xf32> to vector<400x128xf32>
    %logistic3A = arith.negf %slice3A : vector<400x128xf32>
    %logistic3A_343 = math.exp %logistic3A : vector<400x128xf32>
    %logistic3A_344 = arith.constant 1.000000e+00 : f32
    %logistic3A_345 = vector.broadcast %logistic3A_344 : f32 to vector<400x128xf32>
    %logistic3A_346 = arith.addf %logistic3A_345, %logistic3A_343 : vector<400x128xf32>
    %logistic3A_347 = arith.divf %logistic3A_345, %logistic3A_346 : vector<400x128xf32>
    %slice3A_348 = vector.extract_strided_slice %add3A_342 {offsets = [0, 128], sizes = [400, 128], strides = [1, 1]} : vector<400x512xf32> to vector<400x128xf32>
    %logistic3A_349 = arith.negf %slice3A_348 : vector<400x128xf32>
    %logistic3A_350 = math.exp %logistic3A_349 : vector<400x128xf32>
    %logistic3A_351 = arith.constant 1.000000e+00 : f32
    %logistic3A_352 = vector.broadcast %logistic3A_351 : f32 to vector<400x128xf32>
    %logistic3A_353 = arith.addf %logistic3A_352, %logistic3A_350 : vector<400x128xf32>
    %logistic3A_354 = arith.divf %logistic3A_352, %logistic3A_353 : vector<400x128xf32>
    %slice3A_355 = vector.extract_strided_slice %add3A_342 {offsets = [0, 256], sizes = [400, 128], strides = [1, 1]} : vector<400x512xf32> to vector<400x128xf32>
    %tanh3A = math.tanh %slice3A_355 : vector<400x128xf32>
    %slice3A_356 = vector.extract_strided_slice %add3A_342 {offsets = [0, 384], sizes = [400, 128], strides = [1, 1]} : vector<400x512xf32> to vector<400x128xf32>
    %logistic3A_357 = arith.negf %slice3A_356 : vector<400x128xf32>
    %logistic3A_358 = math.exp %logistic3A_357 : vector<400x128xf32>
    %logistic3A_359 = arith.constant 1.000000e+00 : f32
    %logistic3A_360 = vector.broadcast %logistic3A_359 : f32 to vector<400x128xf32>
    %logistic3A_361 = arith.addf %logistic3A_360, %logistic3A_358 : vector<400x128xf32>
    %logistic3A_362 = arith.divf %logistic3A_360, %logistic3A_361 : vector<400x128xf32>
    %mul3A_363 = arith.mulf %logistic3A_354, %broadcast_in_dim3A_335 : vector<400x128xf32>
    %mul3A_364 = arith.mulf %logistic3A_347, %tanh3A : vector<400x128xf32>
    %add3A_365 = arith.addf %mul3A_363, %mul3A_364 : vector<400x128xf32>
    %tanh3A_366 = math.tanh %add3A_365 : vector<400x128xf32>
    %mul3A_367 = arith.mulf %logistic3A_362, %tanh3A_366 : vector<400x128xf32>
    %dot_general3A_368 = arith.constant dense<0.000000e+00> : vector<400x512xf32>
    %dot_general3A_369 = tpu.matmul %max3A_43, %get3A_326, %dot_general3A_368 {dimension_numbers = #tpu.dot_dimension_numbers<[1], [0], [0], [1], [0, 0, 1, 1], [], []>, precision = #tpu.contract_precision<fp32>, transpose_lhs_hint = false} : vector<400x128xf32>, vector<128x512xf32>, vector<400x512xf32> -> vector<400x512xf32>
    %dot_general3A_370 = arith.constant dense<0.000000e+00> : vector<400x512xf32>
    %dot_general3A_371 = tpu.matmul %mul3A_367, %get3A_329, %dot_general3A_370 {dimension_numbers = #tpu.dot_dimension_numbers<[1], [0], [0], [1], [0, 0, 1, 1], [], []>, precision = #tpu.contract_precision<fp32>, transpose_lhs_hint = false} : vector<400x128xf32>, vector<128x512xf32>, vector<400x512xf32> -> vector<400x512xf32>
    %add3A_372 = arith.addf %dot_general3A_369, %dot_general3A_371 : vector<400x512xf32>
    %add3A_373 = vector.broadcast %get3A_332 : vector<1x512xf32> to vector<400x512xf32>
    %add3A_374 = arith.addf %add3A_372, %add3A_373 : vector<400x512xf32>
    %slice3A_375 = vector.extract_strided_slice %add3A_374 {offsets = [0, 0], sizes = [400, 128], strides = [1, 1]} : vector<400x512xf32> to vector<400x128xf32>
    %logistic3A_376 = arith.negf %slice3A_375 : vector<400x128xf32>
    %logistic3A_377 = math.exp %logistic3A_376 : vector<400x128xf32>
    %logistic3A_378 = arith.constant 1.000000e+00 : f32
    %logistic3A_379 = vector.broadcast %logistic3A_378 : f32 to vector<400x128xf32>
    %logistic3A_380 = arith.addf %logistic3A_379, %logistic3A_377 : vector<400x128xf32>
    %logistic3A_381 = arith.divf %logistic3A_379, %logistic3A_380 : vector<400x128xf32>
    %slice3A_382 = vector.extract_strided_slice %add3A_374 {offsets = [0, 128], sizes = [400, 128], strides = [1, 1]} : vector<400x512xf32> to vector<400x128xf32>
    %logistic3A_383 = arith.negf %slice3A_382 : vector<400x128xf32>
    %logistic3A_384 = math.exp %logistic3A_383 : vector<400x128xf32>
    %logistic3A_385 = arith.constant 1.000000e+00 : f32
    %logistic3A_386 = vector.broadcast %logistic3A_385 : f32 to vector<400x128xf32>
    %logistic3A_387 = arith.addf %logistic3A_386, %logistic3A_384 : vector<400x128xf32>
    %logistic3A_388 = arith.divf %logistic3A_386, %logistic3A_387 : vector<400x128xf32>
    %slice3A_389 = vector.extract_strided_slice %add3A_374 {offsets = [0, 256], sizes = [400, 128], strides = [1, 1]} : vector<400x512xf32> to vector<400x128xf32>
    %tanh3A_390 = math.tanh %slice3A_389 : vector<400x128xf32>
    %slice3A_391 = vector.extract_strided_slice %add3A_374 {offsets = [0, 384], sizes = [400, 128], strides = [1, 1]} : vector<400x512xf32> to vector<400x128xf32>
    %logistic3A_392 = arith.negf %slice3A_391 : vector<400x128xf32>
    %logistic3A_393 = math.exp %logistic3A_392 : vector<400x128xf32>
    %logistic3A_394 = arith.constant 1.000000e+00 : f32
    %logistic3A_395 = vector.broadcast %logistic3A_394 : f32 to vector<400x128xf32>
    %logistic3A_396 = arith.addf %logistic3A_395, %logistic3A_393 : vector<400x128xf32>
    %logistic3A_397 = arith.divf %logistic3A_395, %logistic3A_396 : vector<400x128xf32>
    %mul3A_398 = arith.mulf %logistic3A_388, %add3A_365 : vector<400x128xf32>
    %mul3A_399 = arith.mulf %logistic3A_381, %tanh3A_390 : vector<400x128xf32>
    %add3A_400 = arith.addf %mul3A_398, %mul3A_399 : vector<400x128xf32>
    %tanh3A_401 = math.tanh %add3A_400 : vector<400x128xf32>
    %mul3A_402 = arith.mulf %logistic3A_397, %tanh3A_401 : vector<400x128xf32>
    %dot_general3A_403 = arith.constant dense<0.000000e+00> : vector<400x512xf32>
    %dot_general3A_404 = tpu.matmul %max3A_63, %get3A_326, %dot_general3A_403 {dimension_numbers = #tpu.dot_dimension_numbers<[1], [0], [0], [1], [0, 0, 1, 1], [], []>, precision = #tpu.contract_precision<fp32>, transpose_lhs_hint = false} : vector<400x128xf32>, vector<128x512xf32>, vector<400x512xf32> -> vector<400x512xf32>
    %dot_general3A_405 = arith.constant dense<0.000000e+00> : vector<400x512xf32>
    %dot_general3A_406 = tpu.matmul %mul3A_402, %get3A_329, %dot_general3A_405 {dimension_numbers = #tpu.dot_dimension_numbers<[1], [0], [0], [1], [0, 0, 1, 1], [], []>, precision = #tpu.contract_precision<fp32>, transpose_lhs_hint = false} : vector<400x128xf32>, vector<128x512xf32>, vector<400x512xf32> -> vector<400x512xf32>
    %add3A_407 = arith.addf %dot_general3A_404, %dot_general3A_406 : vector<400x512xf32>
    %add3A_408 = vector.broadcast %get3A_332 : vector<1x512xf32> to vector<400x512xf32>
    %add3A_409 = arith.addf %add3A_407, %add3A_408 : vector<400x512xf32>
    %slice3A_410 = vector.extract_strided_slice %add3A_409 {offsets = [0, 0], sizes = [400, 128], strides = [1, 1]} : vector<400x512xf32> to vector<400x128xf32>
    %logistic3A_411 = arith.negf %slice3A_410 : vector<400x128xf32>
    %logistic3A_412 = math.exp %logistic3A_411 : vector<400x128xf32>
    %logistic3A_413 = arith.constant 1.000000e+00 : f32
    %logistic3A_414 = vector.broadcast %logistic3A_413 : f32 to vector<400x128xf32>
    %logistic3A_415 = arith.addf %logistic3A_414, %logistic3A_412 : vector<400x128xf32>
    %logistic3A_416 = arith.divf %logistic3A_414, %logistic3A_415 : vector<400x128xf32>
    %slice3A_417 = vector.extract_strided_slice %add3A_409 {offsets = [0, 128], sizes = [400, 128], strides = [1, 1]} : vector<400x512xf32> to vector<400x128xf32>
    %logistic3A_418 = arith.negf %slice3A_417 : vector<400x128xf32>
    %logistic3A_419 = math.exp %logistic3A_418 : vector<400x128xf32>
    %logistic3A_420 = arith.constant 1.000000e+00 : f32
    %logistic3A_421 = vector.broadcast %logistic3A_420 : f32 to vector<400x128xf32>
    %logistic3A_422 = arith.addf %logistic3A_421, %logistic3A_419 : vector<400x128xf32>
    %logistic3A_423 = arith.divf %logistic3A_421, %logistic3A_422 : vector<400x128xf32>
    %slice3A_424 = vector.extract_strided_slice %add3A_409 {offsets = [0, 256], sizes = [400, 128], strides = [1, 1]} : vector<400x512xf32> to vector<400x128xf32>
    %tanh3A_425 = math.tanh %slice3A_424 : vector<400x128xf32>
    %slice3A_426 = vector.extract_strided_slice %add3A_409 {offsets = [0, 384], sizes = [400, 128], strides = [1, 1]} : vector<400x512xf32> to vector<400x128xf32>
    %logistic3A_427 = arith.negf %slice3A_426 : vector<400x128xf32>
    %logistic3A_428 = math.exp %logistic3A_427 : vector<400x128xf32>
    %logistic3A_429 = arith.constant 1.000000e+00 : f32
    %logistic3A_430 = vector.broadcast %logistic3A_429 : f32 to vector<400x128xf32>
    %logistic3A_431 = arith.addf %logistic3A_430, %logistic3A_428 : vector<400x128xf32>
    %logistic3A_432 = arith.divf %logistic3A_430, %logistic3A_431 : vector<400x128xf32>
    %mul3A_433 = arith.mulf %logistic3A_423, %add3A_400 : vector<400x128xf32>
    %mul3A_434 = arith.mulf %logistic3A_416, %tanh3A_425 : vector<400x128xf32>
    %add3A_435 = arith.addf %mul3A_433, %mul3A_434 : vector<400x128xf32>
    %tanh3A_436 = math.tanh %add3A_435 : vector<400x128xf32>
    %mul3A_437 = arith.mulf %logistic3A_432, %tanh3A_436 : vector<400x128xf32>
    %dot_general3A_438 = arith.constant dense<0.000000e+00> : vector<400x512xf32>
    %dot_general3A_439 = tpu.matmul %max3A_83, %get3A_326, %dot_general3A_438 {dimension_numbers = #tpu.dot_dimension_numbers<[1], [0], [0], [1], [0, 0, 1, 1], [], []>, precision = #tpu.contract_precision<fp32>, transpose_lhs_hint = false} : vector<400x128xf32>, vector<128x512xf32>, vector<400x512xf32> -> vector<400x512xf32>
    %dot_general3A_440 = arith.constant dense<0.000000e+00> : vector<400x512xf32>
    %dot_general3A_441 = tpu.matmul %mul3A_437, %get3A_329, %dot_general3A_440 {dimension_numbers = #tpu.dot_dimension_numbers<[1], [0], [0], [1], [0, 0, 1, 1], [], []>, precision = #tpu.contract_precision<fp32>, transpose_lhs_hint = false} : vector<400x128xf32>, vector<128x512xf32>, vector<400x512xf32> -> vector<400x512xf32>
    %add3A_442 = arith.addf %dot_general3A_439, %dot_general3A_441 : vector<400x512xf32>
    %add3A_443 = vector.broadcast %get3A_332 : vector<1x512xf32> to vector<400x512xf32>
    %add3A_444 = arith.addf %add3A_442, %add3A_443 : vector<400x512xf32>
    %slice3A_445 = vector.extract_strided_slice %add3A_444 {offsets = [0, 0], sizes = [400, 128], strides = [1, 1]} : vector<400x512xf32> to vector<400x128xf32>
    %logistic3A_446 = arith.negf %slice3A_445 : vector<400x128xf32>
    %logistic3A_447 = math.exp %logistic3A_446 : vector<400x128xf32>
    %logistic3A_448 = arith.constant 1.000000e+00 : f32
    %logistic3A_449 = vector.broadcast %logistic3A_448 : f32 to vector<400x128xf32>
    %logistic3A_450 = arith.addf %logistic3A_449, %logistic3A_447 : vector<400x128xf32>
    %logistic3A_451 = arith.divf %logistic3A_449, %logistic3A_450 : vector<400x128xf32>
    %slice3A_452 = vector.extract_strided_slice %add3A_444 {offsets = [0, 128], sizes = [400, 128], strides = [1, 1]} : vector<400x512xf32> to vector<400x128xf32>
    %logistic3A_453 = arith.negf %slice3A_452 : vector<400x128xf32>
    %logistic3A_454 = math.exp %logistic3A_453 : vector<400x128xf32>
    %logistic3A_455 = arith.constant 1.000000e+00 : f32
    %logistic3A_456 = vector.broadcast %logistic3A_455 : f32 to vector<400x128xf32>
    %logistic3A_457 = arith.addf %logistic3A_456, %logistic3A_454 : vector<400x128xf32>
    %logistic3A_458 = arith.divf %logistic3A_456, %logistic3A_457 : vector<400x128xf32>
    %slice3A_459 = vector.extract_strided_slice %add3A_444 {offsets = [0, 256], sizes = [400, 128], strides = [1, 1]} : vector<400x512xf32> to vector<400x128xf32>
    %tanh3A_460 = math.tanh %slice3A_459 : vector<400x128xf32>
    %slice3A_461 = vector.extract_strided_slice %add3A_444 {offsets = [0, 384], sizes = [400, 128], strides = [1, 1]} : vector<400x512xf32> to vector<400x128xf32>
    %logistic3A_462 = arith.negf %slice3A_461 : vector<400x128xf32>
    %logistic3A_463 = math.exp %logistic3A_462 : vector<400x128xf32>
    %logistic3A_464 = arith.constant 1.000000e+00 : f32
    %logistic3A_465 = vector.broadcast %logistic3A_464 : f32 to vector<400x128xf32>
    %logistic3A_466 = arith.addf %logistic3A_465, %logistic3A_463 : vector<400x128xf32>
    %logistic3A_467 = arith.divf %logistic3A_465, %logistic3A_466 : vector<400x128xf32>
    %mul3A_468 = arith.mulf %logistic3A_458, %add3A_435 : vector<400x128xf32>
    %mul3A_469 = arith.mulf %logistic3A_451, %tanh3A_460 : vector<400x128xf32>
    %add3A_470 = arith.addf %mul3A_468, %mul3A_469 : vector<400x128xf32>
    %tanh3A_471 = math.tanh %add3A_470 : vector<400x128xf32>
    %mul3A_472 = arith.mulf %logistic3A_467, %tanh3A_471 : vector<400x128xf32>
    %dot_general3A_473 = arith.constant dense<0.000000e+00> : vector<400x512xf32>
    %dot_general3A_474 = tpu.matmul %max3A_103, %get3A_326, %dot_general3A_473 {dimension_numbers = #tpu.dot_dimension_numbers<[1], [0], [0], [1], [0, 0, 1, 1], [], []>, precision = #tpu.contract_precision<fp32>, transpose_lhs_hint = false} : vector<400x128xf32>, vector<128x512xf32>, vector<400x512xf32> -> vector<400x512xf32>
    %dot_general3A_475 = arith.constant dense<0.000000e+00> : vector<400x512xf32>
    %dot_general3A_476 = tpu.matmul %mul3A_472, %get3A_329, %dot_general3A_475 {dimension_numbers = #tpu.dot_dimension_numbers<[1], [0], [0], [1], [0, 0, 1, 1], [], []>, precision = #tpu.contract_precision<fp32>, transpose_lhs_hint = false} : vector<400x128xf32>, vector<128x512xf32>, vector<400x512xf32> -> vector<400x512xf32>
    %add3A_477 = arith.addf %dot_general3A_474, %dot_general3A_476 : vector<400x512xf32>
    %add3A_478 = vector.broadcast %get3A_332 : vector<1x512xf32> to vector<400x512xf32>
    %add3A_479 = arith.addf %add3A_477, %add3A_478 : vector<400x512xf32>
    %slice3A_480 = vector.extract_strided_slice %add3A_479 {offsets = [0, 0], sizes = [400, 128], strides = [1, 1]} : vector<400x512xf32> to vector<400x128xf32>
    %logistic3A_481 = arith.negf %slice3A_480 : vector<400x128xf32>
    %logistic3A_482 = math.exp %logistic3A_481 : vector<400x128xf32>
    %logistic3A_483 = arith.constant 1.000000e+00 : f32
    %logistic3A_484 = vector.broadcast %logistic3A_483 : f32 to vector<400x128xf32>
    %logistic3A_485 = arith.addf %logistic3A_484, %logistic3A_482 : vector<400x128xf32>
    %logistic3A_486 = arith.divf %logistic3A_484, %logistic3A_485 : vector<400x128xf32>
    %slice3A_487 = vector.extract_strided_slice %add3A_479 {offsets = [0, 128], sizes = [400, 128], strides = [1, 1]} : vector<400x512xf32> to vector<400x128xf32>
    %logistic3A_488 = arith.negf %slice3A_487 : vector<400x128xf32>
    %logistic3A_489 = math.exp %logistic3A_488 : vector<400x128xf32>
    %logistic3A_490 = arith.constant 1.000000e+00 : f32
    %logistic3A_491 = vector.broadcast %logistic3A_490 : f32 to vector<400x128xf32>
    %logistic3A_492 = arith.addf %logistic3A_491, %logistic3A_489 : vector<400x128xf32>
    %logistic3A_493 = arith.divf %logistic3A_491, %logistic3A_492 : vector<400x128xf32>
    %slice3A_494 = vector.extract_strided_slice %add3A_479 {offsets = [0, 256], sizes = [400, 128], strides = [1, 1]} : vector<400x512xf32> to vector<400x128xf32>
    %tanh3A_495 = math.tanh %slice3A_494 : vector<400x128xf32>
    %slice3A_496 = vector.extract_strided_slice %add3A_479 {offsets = [0, 384], sizes = [400, 128], strides = [1, 1]} : vector<400x512xf32> to vector<400x128xf32>
    %logistic3A_497 = arith.negf %slice3A_496 : vector<400x128xf32>
    %logistic3A_498 = math.exp %logistic3A_497 : vector<400x128xf32>
    %logistic3A_499 = arith.constant 1.000000e+00 : f32
    %logistic3A_500 = vector.broadcast %logistic3A_499 : f32 to vector<400x128xf32>
    %logistic3A_501 = arith.addf %logistic3A_500, %logistic3A_498 : vector<400x128xf32>
    %logistic3A_502 = arith.divf %logistic3A_500, %logistic3A_501 : vector<400x128xf32>
    %mul3A_503 = arith.mulf %logistic3A_493, %add3A_470 : vector<400x128xf32>
    %mul3A_504 = arith.mulf %logistic3A_486, %tanh3A_495 : vector<400x128xf32>
    %add3A_505 = arith.addf %mul3A_503, %mul3A_504 : vector<400x128xf32>
    %tanh3A_506 = math.tanh %add3A_505 : vector<400x128xf32>
    %mul3A_507 = arith.mulf %logistic3A_502, %tanh3A_506 : vector<400x128xf32>
    %dot_general3A_508 = arith.constant dense<0.000000e+00> : vector<400x512xf32>
    %dot_general3A_509 = tpu.matmul %max3A_123, %get3A_326, %dot_general3A_508 {dimension_numbers = #tpu.dot_dimension_numbers<[1], [0], [0], [1], [0, 0, 1, 1], [], []>, precision = #tpu.contract_precision<fp32>, transpose_lhs_hint = false} : vector<400x128xf32>, vector<128x512xf32>, vector<400x512xf32> -> vector<400x512xf32>
    %dot_general3A_510 = arith.constant dense<0.000000e+00> : vector<400x512xf32>
    %dot_general3A_511 = tpu.matmul %mul3A_507, %get3A_329, %dot_general3A_510 {dimension_numbers = #tpu.dot_dimension_numbers<[1], [0], [0], [1], [0, 0, 1, 1], [], []>, precision = #tpu.contract_precision<fp32>, transpose_lhs_hint = false} : vector<400x128xf32>, vector<128x512xf32>, vector<400x512xf32> -> vector<400x512xf32>
    %add3A_512 = arith.addf %dot_general3A_509, %dot_general3A_511 : vector<400x512xf32>
    %add3A_513 = vector.broadcast %get3A_332 : vector<1x512xf32> to vector<400x512xf32>
    %add3A_514 = arith.addf %add3A_512, %add3A_513 : vector<400x512xf32>
    %slice3A_515 = vector.extract_strided_slice %add3A_514 {offsets = [0, 0], sizes = [400, 128], strides = [1, 1]} : vector<400x512xf32> to vector<400x128xf32>
    %logistic3A_516 = arith.negf %slice3A_515 : vector<400x128xf32>
    %logistic3A_517 = math.exp %logistic3A_516 : vector<400x128xf32>
    %logistic3A_518 = arith.constant 1.000000e+00 : f32
    %logistic3A_519 = vector.broadcast %logistic3A_518 : f32 to vector<400x128xf32>
    %logistic3A_520 = arith.addf %logistic3A_519, %logistic3A_517 : vector<400x128xf32>
    %logistic3A_521 = arith.divf %logistic3A_519, %logistic3A_520 : vector<400x128xf32>
    %slice3A_522 = vector.extract_strided_slice %add3A_514 {offsets = [0, 128], sizes = [400, 128], strides = [1, 1]} : vector<400x512xf32> to vector<400x128xf32>
    %logistic3A_523 = arith.negf %slice3A_522 : vector<400x128xf32>
    %logistic3A_524 = math.exp %logistic3A_523 : vector<400x128xf32>
    %logistic3A_525 = arith.constant 1.000000e+00 : f32
    %logistic3A_526 = vector.broadcast %logistic3A_525 : f32 to vector<400x128xf32>
    %logistic3A_527 = arith.addf %logistic3A_526, %logistic3A_524 : vector<400x128xf32>
    %logistic3A_528 = arith.divf %logistic3A_526, %logistic3A_527 : vector<400x128xf32>
    %slice3A_529 = vector.extract_strided_slice %add3A_514 {offsets = [0, 256], sizes = [400, 128], strides = [1, 1]} : vector<400x512xf32> to vector<400x128xf32>
    %tanh3A_530 = math.tanh %slice3A_529 : vector<400x128xf32>
    %slice3A_531 = vector.extract_strided_slice %add3A_514 {offsets = [0, 384], sizes = [400, 128], strides = [1, 1]} : vector<400x512xf32> to vector<400x128xf32>
    %logistic3A_532 = arith.negf %slice3A_531 : vector<400x128xf32>
    %logistic3A_533 = math.exp %logistic3A_532 : vector<400x128xf32>
    %logistic3A_534 = arith.constant 1.000000e+00 : f32
    %logistic3A_535 = vector.broadcast %logistic3A_534 : f32 to vector<400x128xf32>
    %logistic3A_536 = arith.addf %logistic3A_535, %logistic3A_533 : vector<400x128xf32>
    %logistic3A_537 = arith.divf %logistic3A_535, %logistic3A_536 : vector<400x128xf32>
    %mul3A_538 = arith.mulf %logistic3A_528, %add3A_505 : vector<400x128xf32>
    %mul3A_539 = arith.mulf %logistic3A_521, %tanh3A_530 : vector<400x128xf32>
    %add3A_540 = arith.addf %mul3A_538, %mul3A_539 : vector<400x128xf32>
    %tanh3A_541 = math.tanh %add3A_540 : vector<400x128xf32>
    %mul3A_542 = arith.mulf %logistic3A_537, %tanh3A_541 : vector<400x128xf32>
    %dot_general3A_543 = arith.constant dense<0.000000e+00> : vector<400x512xf32>
    %dot_general3A_544 = tpu.matmul %max3A_143, %get3A_326, %dot_general3A_543 {dimension_numbers = #tpu.dot_dimension_numbers<[1], [0], [0], [1], [0, 0, 1, 1], [], []>, precision = #tpu.contract_precision<fp32>, transpose_lhs_hint = false} : vector<400x128xf32>, vector<128x512xf32>, vector<400x512xf32> -> vector<400x512xf32>
    %dot_general3A_545 = arith.constant dense<0.000000e+00> : vector<400x512xf32>
    %dot_general3A_546 = tpu.matmul %mul3A_542, %get3A_329, %dot_general3A_545 {dimension_numbers = #tpu.dot_dimension_numbers<[1], [0], [0], [1], [0, 0, 1, 1], [], []>, precision = #tpu.contract_precision<fp32>, transpose_lhs_hint = false} : vector<400x128xf32>, vector<128x512xf32>, vector<400x512xf32> -> vector<400x512xf32>
    %add3A_547 = arith.addf %dot_general3A_544, %dot_general3A_546 : vector<400x512xf32>
    %add3A_548 = vector.broadcast %get3A_332 : vector<1x512xf32> to vector<400x512xf32>
    %add3A_549 = arith.addf %add3A_547, %add3A_548 : vector<400x512xf32>
    %slice3A_550 = vector.extract_strided_slice %add3A_549 {offsets = [0, 0], sizes = [400, 128], strides = [1, 1]} : vector<400x512xf32> to vector<400x128xf32>
    %logistic3A_551 = arith.negf %slice3A_550 : vector<400x128xf32>
    %logistic3A_552 = math.exp %logistic3A_551 : vector<400x128xf32>
    %logistic3A_553 = arith.constant 1.000000e+00 : f32
    %logistic3A_554 = vector.broadcast %logistic3A_553 : f32 to vector<400x128xf32>
    %logistic3A_555 = arith.addf %logistic3A_554, %logistic3A_552 : vector<400x128xf32>
    %logistic3A_556 = arith.divf %logistic3A_554, %logistic3A_555 : vector<400x128xf32>
    %slice3A_557 = vector.extract_strided_slice %add3A_549 {offsets = [0, 128], sizes = [400, 128], strides = [1, 1]} : vector<400x512xf32> to vector<400x128xf32>
    %logistic3A_558 = arith.negf %slice3A_557 : vector<400x128xf32>
    %logistic3A_559 = math.exp %logistic3A_558 : vector<400x128xf32>
    %logistic3A_560 = arith.constant 1.000000e+00 : f32
    %logistic3A_561 = vector.broadcast %logistic3A_560 : f32 to vector<400x128xf32>
    %logistic3A_562 = arith.addf %logistic3A_561, %logistic3A_559 : vector<400x128xf32>
    %logistic3A_563 = arith.divf %logistic3A_561, %logistic3A_562 : vector<400x128xf32>
    %slice3A_564 = vector.extract_strided_slice %add3A_549 {offsets = [0, 256], sizes = [400, 128], strides = [1, 1]} : vector<400x512xf32> to vector<400x128xf32>
    %tanh3A_565 = math.tanh %slice3A_564 : vector<400x128xf32>
    %slice3A_566 = vector.extract_strided_slice %add3A_549 {offsets = [0, 384], sizes = [400, 128], strides = [1, 1]} : vector<400x512xf32> to vector<400x128xf32>
    %logistic3A_567 = arith.negf %slice3A_566 : vector<400x128xf32>
    %logistic3A_568 = math.exp %logistic3A_567 : vector<400x128xf32>
    %logistic3A_569 = arith.constant 1.000000e+00 : f32
    %logistic3A_570 = vector.broadcast %logistic3A_569 : f32 to vector<400x128xf32>
    %logistic3A_571 = arith.addf %logistic3A_570, %logistic3A_568 : vector<400x128xf32>
    %logistic3A_572 = arith.divf %logistic3A_570, %logistic3A_571 : vector<400x128xf32>
    %mul3A_573 = arith.mulf %logistic3A_563, %add3A_540 : vector<400x128xf32>
    %mul3A_574 = arith.mulf %logistic3A_556, %tanh3A_565 : vector<400x128xf32>
    %add3A_575 = arith.addf %mul3A_573, %mul3A_574 : vector<400x128xf32>
    %tanh3A_576 = math.tanh %add3A_575 : vector<400x128xf32>
    %mul3A_577 = arith.mulf %logistic3A_572, %tanh3A_576 : vector<400x128xf32>
    %dot_general3A_578 = arith.constant dense<0.000000e+00> : vector<400x512xf32>
    %dot_general3A_579 = tpu.matmul %max3A_163, %get3A_326, %dot_general3A_578 {dimension_numbers = #tpu.dot_dimension_numbers<[1], [0], [0], [1], [0, 0, 1, 1], [], []>, precision = #tpu.contract_precision<fp32>, transpose_lhs_hint = false} : vector<400x128xf32>, vector<128x512xf32>, vector<400x512xf32> -> vector<400x512xf32>
    %dot_general3A_580 = arith.constant dense<0.000000e+00> : vector<400x512xf32>
    %dot_general3A_581 = tpu.matmul %mul3A_577, %get3A_329, %dot_general3A_580 {dimension_numbers = #tpu.dot_dimension_numbers<[1], [0], [0], [1], [0, 0, 1, 1], [], []>, precision = #tpu.contract_precision<fp32>, transpose_lhs_hint = false} : vector<400x128xf32>, vector<128x512xf32>, vector<400x512xf32> -> vector<400x512xf32>
    %add3A_582 = arith.addf %dot_general3A_579, %dot_general3A_581 : vector<400x512xf32>
    %add3A_583 = vector.broadcast %get3A_332 : vector<1x512xf32> to vector<400x512xf32>
    %add3A_584 = arith.addf %add3A_582, %add3A_583 : vector<400x512xf32>
    %slice3A_585 = vector.extract_strided_slice %add3A_584 {offsets = [0, 0], sizes = [400, 128], strides = [1, 1]} : vector<400x512xf32> to vector<400x128xf32>
    %logistic3A_586 = arith.negf %slice3A_585 : vector<400x128xf32>
    %logistic3A_587 = math.exp %logistic3A_586 : vector<400x128xf32>
    %logistic3A_588 = arith.constant 1.000000e+00 : f32
    %logistic3A_589 = vector.broadcast %logistic3A_588 : f32 to vector<400x128xf32>
    %logistic3A_590 = arith.addf %logistic3A_589, %logistic3A_587 : vector<400x128xf32>
    %logistic3A_591 = arith.divf %logistic3A_589, %logistic3A_590 : vector<400x128xf32>
    %slice3A_592 = vector.extract_strided_slice %add3A_584 {offsets = [0, 128], sizes = [400, 128], strides = [1, 1]} : vector<400x512xf32> to vector<400x128xf32>
    %logistic3A_593 = arith.negf %slice3A_592 : vector<400x128xf32>
    %logistic3A_594 = math.exp %logistic3A_593 : vector<400x128xf32>
    %logistic3A_595 = arith.constant 1.000000e+00 : f32
    %logistic3A_596 = vector.broadcast %logistic3A_595 : f32 to vector<400x128xf32>
    %logistic3A_597 = arith.addf %logistic3A_596, %logistic3A_594 : vector<400x128xf32>
    %logistic3A_598 = arith.divf %logistic3A_596, %logistic3A_597 : vector<400x128xf32>
    %slice3A_599 = vector.extract_strided_slice %add3A_584 {offsets = [0, 256], sizes = [400, 128], strides = [1, 1]} : vector<400x512xf32> to vector<400x128xf32>
    %tanh3A_600 = math.tanh %slice3A_599 : vector<400x128xf32>
    %slice3A_601 = vector.extract_strided_slice %add3A_584 {offsets = [0, 384], sizes = [400, 128], strides = [1, 1]} : vector<400x512xf32> to vector<400x128xf32>
    %logistic3A_602 = arith.negf %slice3A_601 : vector<400x128xf32>
    %logistic3A_603 = math.exp %logistic3A_602 : vector<400x128xf32>
    %logistic3A_604 = arith.constant 1.000000e+00 : f32
    %logistic3A_605 = vector.broadcast %logistic3A_604 : f32 to vector<400x128xf32>
    %logistic3A_606 = arith.addf %logistic3A_605, %logistic3A_603 : vector<400x128xf32>
    %logistic3A_607 = arith.divf %logistic3A_605, %logistic3A_606 : vector<400x128xf32>
    %mul3A_608 = arith.mulf %logistic3A_598, %add3A_575 : vector<400x128xf32>
    %mul3A_609 = arith.mulf %logistic3A_591, %tanh3A_600 : vector<400x128xf32>
    %add3A_610 = arith.addf %mul3A_608, %mul3A_609 : vector<400x128xf32>
    %tanh3A_611 = math.tanh %add3A_610 : vector<400x128xf32>
    %mul3A_612 = arith.mulf %logistic3A_607, %tanh3A_611 : vector<400x128xf32>
    %get3A_613 = arith.constant 0 : index
    %get3A_614 = arith.constant 0 : index
    %get3A_615 = vector.load %arg9[%get3A_613, %get3A_614] : memref<128x64xf32, #tpu.memory_space<vmem>>, vector<128x64xf32>
    %dot_general3A_616 = arith.constant dense<0.000000e+00> : vector<400x64xf32>
    %dot_general3A_617 = tpu.matmul %mul3A_612, %get3A_615, %dot_general3A_616 {dimension_numbers = #tpu.dot_dimension_numbers<[1], [0], [0], [1], [0, 0, 1, 1], [], []>, precision = #tpu.contract_precision<fp32>, transpose_lhs_hint = false} : vector<400x128xf32>, vector<128x64xf32>, vector<400x64xf32> -> vector<400x64xf32>
    %get3A_618 = arith.constant 0 : index
    %get3A_619 = arith.constant 0 : index
    %get3A_620 = vector.load %arg10[%get3A_618, %get3A_619] : memref<1x64xf32, #tpu.memory_space<vmem>>, vector<1x64xf32>
    %add3A_621 = vector.broadcast %get3A_620 : vector<1x64xf32> to vector<400x64xf32>
    %add3A_622 = arith.addf %dot_general3A_617, %add3A_621 : vector<400x64xf32>
    %max3A_623 = arith.constant 0.000000e+00 : f32
    %max3A_624 = vector.broadcast %max3A_623 : f32 to vector<400x64xf32>
    %max3A_625 = arith.maximumf %add3A_622, %max3A_624 : vector<400x64xf32>
    %get3A_626 = arith.constant 0 : index
    %get3A_627 = arith.constant 0 : index
    %get3A_628 = vector.load %arg11[%get3A_626, %get3A_627] : memref<64x1xf32, #tpu.memory_space<vmem>>, vector<64x1xf32>
    %dot_general3A_629 = arith.constant dense<0.000000e+00> : vector<400x1xf32>
    %dot_general3A_630 = tpu.matmul %max3A_625, %get3A_628, %dot_general3A_629 {dimension_numbers = #tpu.dot_dimension_numbers<[1], [0], [0], [1], [0, 0, 1, 1], [], []>, precision = #tpu.contract_precision<fp32>, transpose_lhs_hint = false} : vector<400x64xf32>, vector<64x1xf32>, vector<400x1xf32> -> vector<400x1xf32>
    %get3A_631 = arith.constant 0 : index
    %get3A_632 = arith.constant 0 : index
    %get3A_633 = vector.load %arg12[%get3A_631, %get3A_632] : memref<1x1xf32, #tpu.memory_space<vmem>>, vector<1x1xf32>
    %add3A_634 = vector.broadcast %get3A_633 : vector<1x1xf32> to vector<400x1xf32>
    %add3A_635 = arith.addf %dot_general3A_630, %add3A_634 : vector<400x1xf32>
    %swap3A = arith.constant 0 : index
    %swap3A_636 = arith.constant 0 : index
    %swap3A_637 = vector.load %arg13[%swap3A, %swap3A_636] : memref<400x2xf32, #tpu.memory_space<vmem>>, vector<400x1xf32>
    tpu.vector_store %arg13[%swap3A, %swap3A_636], %add3A_635 {strides = array<i32>} : memref<400x2xf32, #tpu.memory_space<vmem>>, vector<400x1xf32>,
    %broadcast_in_dim3A_638 = arith.constant 0.000000e+00 : f32
    %broadcast_in_dim3A_639 = vector.broadcast %broadcast_in_dim3A_638 : f32 to vector<400x128xf32>
    %broadcast_in_dim3A_640 = arith.constant 0.000000e+00 : f32
    %broadcast_in_dim3A_641 = vector.broadcast %broadcast_in_dim3A_640 : f32 to vector<400x128xf32>
    %dot_general3A_642 = arith.constant dense<0.000000e+00> : vector<400x512xf32>
    %dot_general3A_643 = tpu.matmul %max3A_183, %get3A_326, %dot_general3A_642 {dimension_numbers = #tpu.dot_dimension_numbers<[1], [0], [0], [1], [0, 0, 1, 1], [], []>, precision = #tpu.contract_precision<fp32>, transpose_lhs_hint = false} : vector<400x128xf32>, vector<128x512xf32>, vector<400x512xf32> -> vector<400x512xf32>
    %dot_general3A_644 = arith.constant dense<0.000000e+00> : vector<400x512xf32>
    %dot_general3A_645 = tpu.matmul %broadcast_in_dim3A_639, %get3A_329, %dot_general3A_644 {dimension_numbers = #tpu.dot_dimension_numbers<[1], [0], [0], [1], [0, 0, 1, 1], [], []>, precision = #tpu.contract_precision<fp32>, transpose_lhs_hint = false} : vector<400x128xf32>, vector<128x512xf32>, vector<400x512xf32> -> vector<400x512xf32>
    %add3A_646 = arith.addf %dot_general3A_643, %dot_general3A_645 : vector<400x512xf32>
    %add3A_647 = vector.broadcast %get3A_332 : vector<1x512xf32> to vector<400x512xf32>
    %add3A_648 = arith.addf %add3A_646, %add3A_647 : vector<400x512xf32>
    %slice3A_649 = vector.extract_strided_slice %add3A_648 {offsets = [0, 0], sizes = [400, 128], strides = [1, 1]} : vector<400x512xf32> to vector<400x128xf32>
    %logistic3A_650 = arith.negf %slice3A_649 : vector<400x128xf32>
    %logistic3A_651 = math.exp %logistic3A_650 : vector<400x128xf32>
    %logistic3A_652 = arith.constant 1.000000e+00 : f32
    %logistic3A_653 = vector.broadcast %logistic3A_652 : f32 to vector<400x128xf32>
    %logistic3A_654 = arith.addf %logistic3A_653, %logistic3A_651 : vector<400x128xf32>
    %logistic3A_655 = arith.divf %logistic3A_653, %logistic3A_654 : vector<400x128xf32>
    %slice3A_656 = vector.extract_strided_slice %add3A_648 {offsets = [0, 128], sizes = [400, 128], strides = [1, 1]} : vector<400x512xf32> to vector<400x128xf32>
    %logistic3A_657 = arith.negf %slice3A_656 : vector<400x128xf32>
    %logistic3A_658 = math.exp %logistic3A_657 : vector<400x128xf32>
    %logistic3A_659 = arith.constant 1.000000e+00 : f32
    %logistic3A_660 = vector.broadcast %logistic3A_659 : f32 to vector<400x128xf32>
    %logistic3A_661 = arith.addf %logistic3A_660, %logistic3A_658 : vector<400x128xf32>
    %logistic3A_662 = arith.divf %logistic3A_660, %logistic3A_661 : vector<400x128xf32>
    %slice3A_663 = vector.extract_strided_slice %add3A_648 {offsets = [0, 256], sizes = [400, 128], strides = [1, 1]} : vector<400x512xf32> to vector<400x128xf32>
    %tanh3A_664 = math.tanh %slice3A_663 : vector<400x128xf32>
    %slice3A_665 = vector.extract_strided_slice %add3A_648 {offsets = [0, 384], sizes = [400, 128], strides = [1, 1]} : vector<400x512xf32> to vector<400x128xf32>
    %logistic3A_666 = arith.negf %slice3A_665 : vector<400x128xf32>
    %logistic3A_667 = math.exp %logistic3A_666 : vector<400x128xf32>
    %logistic3A_668 = arith.constant 1.000000e+00 : f32
    %logistic3A_669 = vector.broadcast %logistic3A_668 : f32 to vector<400x128xf32>
    %logistic3A_670 = arith.addf %logistic3A_669, %logistic3A_667 : vector<400x128xf32>
    %logistic3A_671 = arith.divf %logistic3A_669, %logistic3A_670 : vector<400x128xf32>
    %mul3A_672 = arith.mulf %logistic3A_662, %broadcast_in_dim3A_641 : vector<400x128xf32>
    %mul3A_673 = arith.mulf %logistic3A_655, %tanh3A_664 : vector<400x128xf32>
    %add3A_674 = arith.addf %mul3A_672, %mul3A_673 : vector<400x128xf32>
    %tanh3A_675 = math.tanh %add3A_674 : vector<400x128xf32>
    %mul3A_676 = arith.mulf %logistic3A_671, %tanh3A_675 : vector<400x128xf32>
    %dot_general3A_677 = arith.constant dense<0.000000e+00> : vector<400x512xf32>
    %dot_general3A_678 = tpu.matmul %max3A_203, %get3A_326, %dot_general3A_677 {dimension_numbers = #tpu.dot_dimension_numbers<[1], [0], [0], [1], [0, 0, 1, 1], [], []>, precision = #tpu.contract_precision<fp32>, transpose_lhs_hint = false} : vector<400x128xf32>, vector<128x512xf32>, vector<400x512xf32> -> vector<400x512xf32>
    %dot_general3A_679 = arith.constant dense<0.000000e+00> : vector<400x512xf32>
    %dot_general3A_680 = tpu.matmul %mul3A_676, %get3A_329, %dot_general3A_679 {dimension_numbers = #tpu.dot_dimension_numbers<[1], [0], [0], [1], [0, 0, 1, 1], [], []>, precision = #tpu.contract_precision<fp32>, transpose_lhs_hint = false} : vector<400x128xf32>, vector<128x512xf32>, vector<400x512xf32> -> vector<400x512xf32>
    %add3A_681 = arith.addf %dot_general3A_678, %dot_general3A_680 : vector<400x512xf32>
    %add3A_682 = vector.broadcast %get3A_332 : vector<1x512xf32> to vector<400x512xf32>
    %add3A_683 = arith.addf %add3A_681, %add3A_682 : vector<400x512xf32>
    %slice3A_684 = vector.extract_strided_slice %add3A_683 {offsets = [0, 0], sizes = [400, 128], strides = [1, 1]} : vector<400x512xf32> to vector<400x128xf32>
    %logistic3A_685 = arith.negf %slice3A_684 : vector<400x128xf32>
    %logistic3A_686 = math.exp %logistic3A_685 : vector<400x128xf32>
    %logistic3A_687 = arith.constant 1.000000e+00 : f32
    %logistic3A_688 = vector.broadcast %logistic3A_687 : f32 to vector<400x128xf32>
    %logistic3A_689 = arith.addf %logistic3A_688, %logistic3A_686 : vector<400x128xf32>
    %logistic3A_690 = arith.divf %logistic3A_688, %logistic3A_689 : vector<400x128xf32>
    %slice3A_691 = vector.extract_strided_slice %add3A_683 {offsets = [0, 128], sizes = [400, 128], strides = [1, 1]} : vector<400x512xf32> to vector<400x128xf32>
    %logistic3A_692 = arith.negf %slice3A_691 : vector<400x128xf32>
    %logistic3A_693 = math.exp %logistic3A_692 : vector<400x128xf32>
    %logistic3A_694 = arith.constant 1.000000e+00 : f32
    %logistic3A_695 = vector.broadcast %logistic3A_694 : f32 to vector<400x128xf32>
    %logistic3A_696 = arith.addf %logistic3A_695, %logistic3A_693 : vector<400x128xf32>
    %logistic3A_697 = arith.divf %logistic3A_695, %logistic3A_696 : vector<400x128xf32>
    %slice3A_698 = vector.extract_strided_slice %add3A_683 {offsets = [0, 256], sizes = [400, 128], strides = [1, 1]} : vector<400x512xf32> to vector<400x128xf32>
    %tanh3A_699 = math.tanh %slice3A_698 : vector<400x128xf32>
    %slice3A_700 = vector.extract_strided_slice %add3A_683 {offsets = [0, 384], sizes = [400, 128], strides = [1, 1]} : vector<400x512xf32> to vector<400x128xf32>
    %logistic3A_701 = arith.negf %slice3A_700 : vector<400x128xf32>
    %logistic3A_702 = math.exp %logistic3A_701 : vector<400x128xf32>
    %logistic3A_703 = arith.constant 1.000000e+00 : f32
    %logistic3A_704 = vector.broadcast %logistic3A_703 : f32 to vector<400x128xf32>
    %logistic3A_705 = arith.addf %logistic3A_704, %logistic3A_702 : vector<400x128xf32>
    %logistic3A_706 = arith.divf %logistic3A_704, %logistic3A_705 : vector<400x128xf32>
    %mul3A_707 = arith.mulf %logistic3A_697, %add3A_674 : vector<400x128xf32>
    %mul3A_708 = arith.mulf %logistic3A_690, %tanh3A_699 : vector<400x128xf32>
    %add3A_709 = arith.addf %mul3A_707, %mul3A_708 : vector<400x128xf32>
    %tanh3A_710 = math.tanh %add3A_709 : vector<400x128xf32>
    %mul3A_711 = arith.mulf %logistic3A_706, %tanh3A_710 : vector<400x128xf32>
    %dot_general3A_712 = arith.constant dense<0.000000e+00> : vector<400x512xf32>
    %dot_general3A_713 = tpu.matmul %max3A_223, %get3A_326, %dot_general3A_712 {dimension_numbers = #tpu.dot_dimension_numbers<[1], [0], [0], [1], [0, 0, 1, 1], [], []>, precision = #tpu.contract_precision<fp32>, transpose_lhs_hint = false} : vector<400x128xf32>, vector<128x512xf32>, vector<400x512xf32> -> vector<400x512xf32>
    %dot_general3A_714 = arith.constant dense<0.000000e+00> : vector<400x512xf32>
    %dot_general3A_715 = tpu.matmul %mul3A_711, %get3A_329, %dot_general3A_714 {dimension_numbers = #tpu.dot_dimension_numbers<[1], [0], [0], [1], [0, 0, 1, 1], [], []>, precision = #tpu.contract_precision<fp32>, transpose_lhs_hint = false} : vector<400x128xf32>, vector<128x512xf32>, vector<400x512xf32> -> vector<400x512xf32>
    %add3A_716 = arith.addf %dot_general3A_713, %dot_general3A_715 : vector<400x512xf32>
    %add3A_717 = vector.broadcast %get3A_332 : vector<1x512xf32> to vector<400x512xf32>
    %add3A_718 = arith.addf %add3A_716, %add3A_717 : vector<400x512xf32>
    %slice3A_719 = vector.extract_strided_slice %add3A_718 {offsets = [0, 0], sizes = [400, 128], strides = [1, 1]} : vector<400x512xf32> to vector<400x128xf32>
    %logistic3A_720 = arith.negf %slice3A_719 : vector<400x128xf32>
    %logistic3A_721 = math.exp %logistic3A_720 : vector<400x128xf32>
    %logistic3A_722 = arith.constant 1.000000e+00 : f32
    %logistic3A_723 = vector.broadcast %logistic3A_722 : f32 to vector<400x128xf32>
    %logistic3A_724 = arith.addf %logistic3A_723, %logistic3A_721 : vector<400x128xf32>
    %logistic3A_725 = arith.divf %logistic3A_723, %logistic3A_724 : vector<400x128xf32>
    %slice3A_726 = vector.extract_strided_slice %add3A_718 {offsets = [0, 128], sizes = [400, 128], strides = [1, 1]} : vector<400x512xf32> to vector<400x128xf32>
    %logistic3A_727 = arith.negf %slice3A_726 : vector<400x128xf32>
    %logistic3A_728 = math.exp %logistic3A_727 : vector<400x128xf32>
    %logistic3A_729 = arith.constant 1.000000e+00 : f32
    %logistic3A_730 = vector.broadcast %logistic3A_729 : f32 to vector<400x128xf32>
    %logistic3A_731 = arith.addf %logistic3A_730, %logistic3A_728 : vector<400x128xf32>
    %logistic3A_732 = arith.divf %logistic3A_730, %logistic3A_731 : vector<400x128xf32>
    %slice3A_733 = vector.extract_strided_slice %add3A_718 {offsets = [0, 256], sizes = [400, 128], strides = [1, 1]} : vector<400x512xf32> to vector<400x128xf32>
    %tanh3A_734 = math.tanh %slice3A_733 : vector<400x128xf32>
    %slice3A_735 = vector.extract_strided_slice %add3A_718 {offsets = [0, 384], sizes = [400, 128], strides = [1, 1]} : vector<400x512xf32> to vector<400x128xf32>
    %logistic3A_736 = arith.negf %slice3A_735 : vector<400x128xf32>
    %logistic3A_737 = math.exp %logistic3A_736 : vector<400x128xf32>
    %logistic3A_738 = arith.constant 1.000000e+00 : f32
    %logistic3A_739 = vector.broadcast %logistic3A_738 : f32 to vector<400x128xf32>
    %logistic3A_740 = arith.addf %logistic3A_739, %logistic3A_737 : vector<400x128xf32>
    %logistic3A_741 = arith.divf %logistic3A_739, %logistic3A_740 : vector<400x128xf32>
    %mul3A_742 = arith.mulf %logistic3A_732, %add3A_709 : vector<400x128xf32>
    %mul3A_743 = arith.mulf %logistic3A_725, %tanh3A_734 : vector<400x128xf32>
    %add3A_744 = arith.addf %mul3A_742, %mul3A_743 : vector<400x128xf32>
    %tanh3A_745 = math.tanh %add3A_744 : vector<400x128xf32>
    %mul3A_746 = arith.mulf %logistic3A_741, %tanh3A_745 : vector<400x128xf32>
    %dot_general3A_747 = arith.constant dense<0.000000e+00> : vector<400x512xf32>
    %dot_general3A_748 = tpu.matmul %max3A_243, %get3A_326, %dot_general3A_747 {dimension_numbers = #tpu.dot_dimension_numbers<[1], [0], [0], [1], [0, 0, 1, 1], [], []>, precision = #tpu.contract_precision<fp32>, transpose_lhs_hint = false} : vector<400x128xf32>, vector<128x512xf32>, vector<400x512xf32> -> vector<400x512xf32>
    %dot_general3A_749 = arith.constant dense<0.000000e+00> : vector<400x512xf32>
    %dot_general3A_750 = tpu.matmul %mul3A_746, %get3A_329, %dot_general3A_749 {dimension_numbers = #tpu.dot_dimension_numbers<[1], [0], [0], [1], [0, 0, 1, 1], [], []>, precision = #tpu.contract_precision<fp32>, transpose_lhs_hint = false} : vector<400x128xf32>, vector<128x512xf32>, vector<400x512xf32> -> vector<400x512xf32>
    %add3A_751 = arith.addf %dot_general3A_748, %dot_general3A_750 : vector<400x512xf32>
    %add3A_752 = vector.broadcast %get3A_332 : vector<1x512xf32> to vector<400x512xf32>
    %add3A_753 = arith.addf %add3A_751, %add3A_752 : vector<400x512xf32>
    %slice3A_754 = vector.extract_strided_slice %add3A_753 {offsets = [0, 0], sizes = [400, 128], strides = [1, 1]} : vector<400x512xf32> to vector<400x128xf32>
    %logistic3A_755 = arith.negf %slice3A_754 : vector<400x128xf32>
    %logistic3A_756 = math.exp %logistic3A_755 : vector<400x128xf32>
    %logistic3A_757 = arith.constant 1.000000e+00 : f32
    %logistic3A_758 = vector.broadcast %logistic3A_757 : f32 to vector<400x128xf32>
    %logistic3A_759 = arith.addf %logistic3A_758, %logistic3A_756 : vector<400x128xf32>
    %logistic3A_760 = arith.divf %logistic3A_758, %logistic3A_759 : vector<400x128xf32>
    %slice3A_761 = vector.extract_strided_slice %add3A_753 {offsets = [0, 128], sizes = [400, 128], strides = [1, 1]} : vector<400x512xf32> to vector<400x128xf32>
    %logistic3A_762 = arith.negf %slice3A_761 : vector<400x128xf32>
    %logistic3A_763 = math.exp %logistic3A_762 : vector<400x128xf32>
    %logistic3A_764 = arith.constant 1.000000e+00 : f32
    %logistic3A_765 = vector.broadcast %logistic3A_764 : f32 to vector<400x128xf32>
    %logistic3A_766 = arith.addf %logistic3A_765, %logistic3A_763 : vector<400x128xf32>
    %logistic3A_767 = arith.divf %logistic3A_765, %logistic3A_766 : vector<400x128xf32>
    %slice3A_768 = vector.extract_strided_slice %add3A_753 {offsets = [0, 256], sizes = [400, 128], strides = [1, 1]} : vector<400x512xf32> to vector<400x128xf32>
    %tanh3A_769 = math.tanh %slice3A_768 : vector<400x128xf32>
    %slice3A_770 = vector.extract_strided_slice %add3A_753 {offsets = [0, 384], sizes = [400, 128], strides = [1, 1]} : vector<400x512xf32> to vector<400x128xf32>
    %logistic3A_771 = arith.negf %slice3A_770 : vector<400x128xf32>
    %logistic3A_772 = math.exp %logistic3A_771 : vector<400x128xf32>
    %logistic3A_773 = arith.constant 1.000000e+00 : f32
    %logistic3A_774 = vector.broadcast %logistic3A_773 : f32 to vector<400x128xf32>
    %logistic3A_775 = arith.addf %logistic3A_774, %logistic3A_772 : vector<400x128xf32>
    %logistic3A_776 = arith.divf %logistic3A_774, %logistic3A_775 : vector<400x128xf32>
    %mul3A_777 = arith.mulf %logistic3A_767, %add3A_744 : vector<400x128xf32>
    %mul3A_778 = arith.mulf %logistic3A_760, %tanh3A_769 : vector<400x128xf32>
    %add3A_779 = arith.addf %mul3A_777, %mul3A_778 : vector<400x128xf32>
    %tanh3A_780 = math.tanh %add3A_779 : vector<400x128xf32>
    %mul3A_781 = arith.mulf %logistic3A_776, %tanh3A_780 : vector<400x128xf32>
    %dot_general3A_782 = arith.constant dense<0.000000e+00> : vector<400x512xf32>
    %dot_general3A_783 = tpu.matmul %max3A_263, %get3A_326, %dot_general3A_782 {dimension_numbers = #tpu.dot_dimension_numbers<[1], [0], [0], [1], [0, 0, 1, 1], [], []>, precision = #tpu.contract_precision<fp32>, transpose_lhs_hint = false} : vector<400x128xf32>, vector<128x512xf32>, vector<400x512xf32> -> vector<400x512xf32>
    %dot_general3A_784 = arith.constant dense<0.000000e+00> : vector<400x512xf32>
    %dot_general3A_785 = tpu.matmul %mul3A_781, %get3A_329, %dot_general3A_784 {dimension_numbers = #tpu.dot_dimension_numbers<[1], [0], [0], [1], [0, 0, 1, 1], [], []>, precision = #tpu.contract_precision<fp32>, transpose_lhs_hint = false} : vector<400x128xf32>, vector<128x512xf32>, vector<400x512xf32> -> vector<400x512xf32>
    %add3A_786 = arith.addf %dot_general3A_783, %dot_general3A_785 : vector<400x512xf32>
    %add3A_787 = vector.broadcast %get3A_332 : vector<1x512xf32> to vector<400x512xf32>
    %add3A_788 = arith.addf %add3A_786, %add3A_787 : vector<400x512xf32>
    %slice3A_789 = vector.extract_strided_slice %add3A_788 {offsets = [0, 0], sizes = [400, 128], strides = [1, 1]} : vector<400x512xf32> to vector<400x128xf32>
    %logistic3A_790 = arith.negf %slice3A_789 : vector<400x128xf32>
    %logistic3A_791 = math.exp %logistic3A_790 : vector<400x128xf32>
    %logistic3A_792 = arith.constant 1.000000e+00 : f32
    %logistic3A_793 = vector.broadcast %logistic3A_792 : f32 to vector<400x128xf32>
    %logistic3A_794 = arith.addf %logistic3A_793, %logistic3A_791 : vector<400x128xf32>
    %logistic3A_795 = arith.divf %logistic3A_793, %logistic3A_794 : vector<400x128xf32>
    %slice3A_796 = vector.extract_strided_slice %add3A_788 {offsets = [0, 128], sizes = [400, 128], strides = [1, 1]} : vector<400x512xf32> to vector<400x128xf32>
    %logistic3A_797 = arith.negf %slice3A_796 : vector<400x128xf32>
    %logistic3A_798 = math.exp %logistic3A_797 : vector<400x128xf32>
    %logistic3A_799 = arith.constant 1.000000e+00 : f32
    %logistic3A_800 = vector.broadcast %logistic3A_799 : f32 to vector<400x128xf32>
    %logistic3A_801 = arith.addf %logistic3A_800, %logistic3A_798 : vector<400x128xf32>
    %logistic3A_802 = arith.divf %logistic3A_800, %logistic3A_801 : vector<400x128xf32>
    %slice3A_803 = vector.extract_strided_slice %add3A_788 {offsets = [0, 256], sizes = [400, 128], strides = [1, 1]} : vector<400x512xf32> to vector<400x128xf32>
    %tanh3A_804 = math.tanh %slice3A_803 : vector<400x128xf32>
    %slice3A_805 = vector.extract_strided_slice %add3A_788 {offsets = [0, 384], sizes = [400, 128], strides = [1, 1]} : vector<400x512xf32> to vector<400x128xf32>
    %logistic3A_806 = arith.negf %slice3A_805 : vector<400x128xf32>
    %logistic3A_807 = math.exp %logistic3A_806 : vector<400x128xf32>
    %logistic3A_808 = arith.constant 1.000000e+00 : f32
    %logistic3A_809 = vector.broadcast %logistic3A_808 : f32 to vector<400x128xf32>
    %logistic3A_810 = arith.addf %logistic3A_809, %logistic3A_807 : vector<400x128xf32>
    %logistic3A_811 = arith.divf %logistic3A_809, %logistic3A_810 : vector<400x128xf32>
    %mul3A_812 = arith.mulf %logistic3A_802, %add3A_779 : vector<400x128xf32>
    %mul3A_813 = arith.mulf %logistic3A_795, %tanh3A_804 : vector<400x128xf32>
    %add3A_814 = arith.addf %mul3A_812, %mul3A_813 : vector<400x128xf32>
    %tanh3A_815 = math.tanh %add3A_814 : vector<400x128xf32>
    %mul3A_816 = arith.mulf %logistic3A_811, %tanh3A_815 : vector<400x128xf32>
    %dot_general3A_817 = arith.constant dense<0.000000e+00> : vector<400x512xf32>
    %dot_general3A_818 = tpu.matmul %max3A_283, %get3A_326, %dot_general3A_817 {dimension_numbers = #tpu.dot_dimension_numbers<[1], [0], [0], [1], [0, 0, 1, 1], [], []>, precision = #tpu.contract_precision<fp32>, transpose_lhs_hint = false} : vector<400x128xf32>, vector<128x512xf32>, vector<400x512xf32> -> vector<400x512xf32>
    %dot_general3A_819 = arith.constant dense<0.000000e+00> : vector<400x512xf32>
    %dot_general3A_820 = tpu.matmul %mul3A_816, %get3A_329, %dot_general3A_819 {dimension_numbers = #tpu.dot_dimension_numbers<[1], [0], [0], [1], [0, 0, 1, 1], [], []>, precision = #tpu.contract_precision<fp32>, transpose_lhs_hint = false} : vector<400x128xf32>, vector<128x512xf32>, vector<400x512xf32> -> vector<400x512xf32>
    %add3A_821 = arith.addf %dot_general3A_818, %dot_general3A_820 : vector<400x512xf32>
    %add3A_822 = vector.broadcast %get3A_332 : vector<1x512xf32> to vector<400x512xf32>
    %add3A_823 = arith.addf %add3A_821, %add3A_822 : vector<400x512xf32>
    %slice3A_824 = vector.extract_strided_slice %add3A_823 {offsets = [0, 0], sizes = [400, 128], strides = [1, 1]} : vector<400x512xf32> to vector<400x128xf32>
    %logistic3A_825 = arith.negf %slice3A_824 : vector<400x128xf32>
    %logistic3A_826 = math.exp %logistic3A_825 : vector<400x128xf32>
    %logistic3A_827 = arith.constant 1.000000e+00 : f32
    %logistic3A_828 = vector.broadcast %logistic3A_827 : f32 to vector<400x128xf32>
    %logistic3A_829 = arith.addf %logistic3A_828, %logistic3A_826 : vector<400x128xf32>
    %logistic3A_830 = arith.divf %logistic3A_828, %logistic3A_829 : vector<400x128xf32>
    %slice3A_831 = vector.extract_strided_slice %add3A_823 {offsets = [0, 128], sizes = [400, 128], strides = [1, 1]} : vector<400x512xf32> to vector<400x128xf32>
    %logistic3A_832 = arith.negf %slice3A_831 : vector<400x128xf32>
    %logistic3A_833 = math.exp %logistic3A_832 : vector<400x128xf32>
    %logistic3A_834 = arith.constant 1.000000e+00 : f32
    %logistic3A_835 = vector.broadcast %logistic3A_834 : f32 to vector<400x128xf32>
    %logistic3A_836 = arith.addf %logistic3A_835, %logistic3A_833 : vector<400x128xf32>
    %logistic3A_837 = arith.divf %logistic3A_835, %logistic3A_836 : vector<400x128xf32>
    %slice3A_838 = vector.extract_strided_slice %add3A_823 {offsets = [0, 256], sizes = [400, 128], strides = [1, 1]} : vector<400x512xf32> to vector<400x128xf32>
    %tanh3A_839 = math.tanh %slice3A_838 : vector<400x128xf32>
    %slice3A_840 = vector.extract_strided_slice %add3A_823 {offsets = [0, 384], sizes = [400, 128], strides = [1, 1]} : vector<400x512xf32> to vector<400x128xf32>
    %logistic3A_841 = arith.negf %slice3A_840 : vector<400x128xf32>
    %logistic3A_842 = math.exp %logistic3A_841 : vector<400x128xf32>
    %logistic3A_843 = arith.constant 1.000000e+00 : f32
    %logistic3A_844 = vector.broadcast %logistic3A_843 : f32 to vector<400x128xf32>
    %logistic3A_845 = arith.addf %logistic3A_844, %logistic3A_842 : vector<400x128xf32>
    %logistic3A_846 = arith.divf %logistic3A_844, %logistic3A_845 : vector<400x128xf32>
    %mul3A_847 = arith.mulf %logistic3A_837, %add3A_814 : vector<400x128xf32>
    %mul3A_848 = arith.mulf %logistic3A_830, %tanh3A_839 : vector<400x128xf32>
    %add3A_849 = arith.addf %mul3A_847, %mul3A_848 : vector<400x128xf32>
    %tanh3A_850 = math.tanh %add3A_849 : vector<400x128xf32>
    %mul3A_851 = arith.mulf %logistic3A_846, %tanh3A_850 : vector<400x128xf32>
    %dot_general3A_852 = arith.constant dense<0.000000e+00> : vector<400x512xf32>
    %dot_general3A_853 = tpu.matmul %max3A_303, %get3A_326, %dot_general3A_852 {dimension_numbers = #tpu.dot_dimension_numbers<[1], [0], [0], [1], [0, 0, 1, 1], [], []>, precision = #tpu.contract_precision<fp32>, transpose_lhs_hint = false} : vector<400x128xf32>, vector<128x512xf32>, vector<400x512xf32> -> vector<400x512xf32>
    %dot_general3A_854 = arith.constant dense<0.000000e+00> : vector<400x512xf32>
    %dot_general3A_855 = tpu.matmul %mul3A_851, %get3A_329, %dot_general3A_854 {dimension_numbers = #tpu.dot_dimension_numbers<[1], [0], [0], [1], [0, 0, 1, 1], [], []>, precision = #tpu.contract_precision<fp32>, transpose_lhs_hint = false} : vector<400x128xf32>, vector<128x512xf32>, vector<400x512xf32> -> vector<400x512xf32>
    %add3A_856 = arith.addf %dot_general3A_853, %dot_general3A_855 : vector<400x512xf32>
    %add3A_857 = vector.broadcast %get3A_332 : vector<1x512xf32> to vector<400x512xf32>
    %add3A_858 = arith.addf %add3A_856, %add3A_857 : vector<400x512xf32>
    %slice3A_859 = vector.extract_strided_slice %add3A_858 {offsets = [0, 0], sizes = [400, 128], strides = [1, 1]} : vector<400x512xf32> to vector<400x128xf32>
    %logistic3A_860 = arith.negf %slice3A_859 : vector<400x128xf32>
    %logistic3A_861 = math.exp %logistic3A_860 : vector<400x128xf32>
    %logistic3A_862 = arith.constant 1.000000e+00 : f32
    %logistic3A_863 = vector.broadcast %logistic3A_862 : f32 to vector<400x128xf32>
    %logistic3A_864 = arith.addf %logistic3A_863, %logistic3A_861 : vector<400x128xf32>
    %logistic3A_865 = arith.divf %logistic3A_863, %logistic3A_864 : vector<400x128xf32>
    %slice3A_866 = vector.extract_strided_slice %add3A_858 {offsets = [0, 128], sizes = [400, 128], strides = [1, 1]} : vector<400x512xf32> to vector<400x128xf32>
    %logistic3A_867 = arith.negf %slice3A_866 : vector<400x128xf32>
    %logistic3A_868 = math.exp %logistic3A_867 : vector<400x128xf32>
    %logistic3A_869 = arith.constant 1.000000e+00 : f32
    %logistic3A_870 = vector.broadcast %logistic3A_869 : f32 to vector<400x128xf32>
    %logistic3A_871 = arith.addf %logistic3A_870, %logistic3A_868 : vector<400x128xf32>
    %logistic3A_872 = arith.divf %logistic3A_870, %logistic3A_871 : vector<400x128xf32>
    %slice3A_873 = vector.extract_strided_slice %add3A_858 {offsets = [0, 256], sizes = [400, 128], strides = [1, 1]} : vector<400x512xf32> to vector<400x128xf32>
    %tanh3A_874 = math.tanh %slice3A_873 : vector<400x128xf32>
    %slice3A_875 = vector.extract_strided_slice %add3A_858 {offsets = [0, 384], sizes = [400, 128], strides = [1, 1]} : vector<400x512xf32> to vector<400x128xf32>
    %logistic3A_876 = arith.negf %slice3A_875 : vector<400x128xf32>
    %logistic3A_877 = math.exp %logistic3A_876 : vector<400x128xf32>
    %logistic3A_878 = arith.constant 1.000000e+00 : f32
    %logistic3A_879 = vector.broadcast %logistic3A_878 : f32 to vector<400x128xf32>
    %logistic3A_880 = arith.addf %logistic3A_879, %logistic3A_877 : vector<400x128xf32>
    %logistic3A_881 = arith.divf %logistic3A_879, %logistic3A_880 : vector<400x128xf32>
    %mul3A_882 = arith.mulf %logistic3A_872, %add3A_849 : vector<400x128xf32>
    %mul3A_883 = arith.mulf %logistic3A_865, %tanh3A_874 : vector<400x128xf32>
    %add3A_884 = arith.addf %mul3A_882, %mul3A_883 : vector<400x128xf32>
    %tanh3A_885 = math.tanh %add3A_884 : vector<400x128xf32>
    %mul3A_886 = arith.mulf %logistic3A_881, %tanh3A_885 : vector<400x128xf32>
    %dot_general3A_887 = arith.constant dense<0.000000e+00> : vector<400x512xf32>
    %dot_general3A_888 = tpu.matmul %max3A_323, %get3A_326, %dot_general3A_887 {dimension_numbers = #tpu.dot_dimension_numbers<[1], [0], [0], [1], [0, 0, 1, 1], [], []>, precision = #tpu.contract_precision<fp32>, transpose_lhs_hint = false} : vector<400x128xf32>, vector<128x512xf32>, vector<400x512xf32> -> vector<400x512xf32>
    %dot_general3A_889 = arith.constant dense<0.000000e+00> : vector<400x512xf32>
    %dot_general3A_890 = tpu.matmul %mul3A_886, %get3A_329, %dot_general3A_889 {dimension_numbers = #tpu.dot_dimension_numbers<[1], [0], [0], [1], [0, 0, 1, 1], [], []>, precision = #tpu.contract_precision<fp32>, transpose_lhs_hint = false} : vector<400x128xf32>, vector<128x512xf32>, vector<400x512xf32> -> vector<400x512xf32>
    %add3A_891 = arith.addf %dot_general3A_888, %dot_general3A_890 : vector<400x512xf32>
    %add3A_892 = vector.broadcast %get3A_332 : vector<1x512xf32> to vector<400x512xf32>
    %add3A_893 = arith.addf %add3A_891, %add3A_892 : vector<400x512xf32>
    %slice3A_894 = vector.extract_strided_slice %add3A_893 {offsets = [0, 0], sizes = [400, 128], strides = [1, 1]} : vector<400x512xf32> to vector<400x128xf32>
    %logistic3A_895 = arith.negf %slice3A_894 : vector<400x128xf32>
    %logistic3A_896 = math.exp %logistic3A_895 : vector<400x128xf32>
    %logistic3A_897 = arith.constant 1.000000e+00 : f32
    %logistic3A_898 = vector.broadcast %logistic3A_897 : f32 to vector<400x128xf32>
    %logistic3A_899 = arith.addf %logistic3A_898, %logistic3A_896 : vector<400x128xf32>
    %logistic3A_900 = arith.divf %logistic3A_898, %logistic3A_899 : vector<400x128xf32>
    %slice3A_901 = vector.extract_strided_slice %add3A_893 {offsets = [0, 128], sizes = [400, 128], strides = [1, 1]} : vector<400x512xf32> to vector<400x128xf32>
    %logistic3A_902 = arith.negf %slice3A_901 : vector<400x128xf32>
    %logistic3A_903 = math.exp %logistic3A_902 : vector<400x128xf32>
    %logistic3A_904 = arith.constant 1.000000e+00 : f32
    %logistic3A_905 = vector.broadcast %logistic3A_904 : f32 to vector<400x128xf32>
    %logistic3A_906 = arith.addf %logistic3A_905, %logistic3A_903 : vector<400x128xf32>
    %logistic3A_907 = arith.divf %logistic3A_905, %logistic3A_906 : vector<400x128xf32>
    %slice3A_908 = vector.extract_strided_slice %add3A_893 {offsets = [0, 256], sizes = [400, 128], strides = [1, 1]} : vector<400x512xf32> to vector<400x128xf32>
    %tanh3A_909 = math.tanh %slice3A_908 : vector<400x128xf32>
    %slice3A_910 = vector.extract_strided_slice %add3A_893 {offsets = [0, 384], sizes = [400, 128], strides = [1, 1]} : vector<400x512xf32> to vector<400x128xf32>
    %logistic3A_911 = arith.negf %slice3A_910 : vector<400x128xf32>
    %logistic3A_912 = math.exp %logistic3A_911 : vector<400x128xf32>
    %logistic3A_913 = arith.constant 1.000000e+00 : f32
    %logistic3A_914 = vector.broadcast %logistic3A_913 : f32 to vector<400x128xf32>
    %logistic3A_915 = arith.addf %logistic3A_914, %logistic3A_912 : vector<400x128xf32>
    %logistic3A_916 = arith.divf %logistic3A_914, %logistic3A_915 : vector<400x128xf32>
    %mul3A_917 = arith.mulf %logistic3A_907, %add3A_884 : vector<400x128xf32>
    %mul3A_918 = arith.mulf %logistic3A_900, %tanh3A_909 : vector<400x128xf32>
    %add3A_919 = arith.addf %mul3A_917, %mul3A_918 : vector<400x128xf32>
    %tanh3A_920 = math.tanh %add3A_919 : vector<400x128xf32>
    %mul3A_921 = arith.mulf %logistic3A_916, %tanh3A_920 : vector<400x128xf32>
    %get3A_922 = arith.constant 0 : index
    %get3A_923 = arith.constant 0 : index
    %get3A_924 = vector.load %arg9[%get3A_922, %get3A_923] : memref<128x64xf32, #tpu.memory_space<vmem>>, vector<128x64xf32>
    %dot_general3A_925 = arith.constant dense<0.000000e+00> : vector<400x64xf32>
    %dot_general3A_926 = tpu.matmul %mul3A_921, %get3A_924, %dot_general3A_925 {dimension_numbers = #tpu.dot_dimension_numbers<[1], [0], [0], [1], [0, 0, 1, 1], [], []>, precision = #tpu.contract_precision<fp32>, transpose_lhs_hint = false} : vector<400x128xf32>, vector<128x64xf32>, vector<400x64xf32> -> vector<400x64xf32>
    %get3A_927 = arith.constant 0 : index
    %get3A_928 = arith.constant 0 : index
    %get3A_929 = vector.load %arg10[%get3A_927, %get3A_928] : memref<1x64xf32, #tpu.memory_space<vmem>>, vector<1x64xf32>
    %add3A_930 = vector.broadcast %get3A_929 : vector<1x64xf32> to vector<400x64xf32>
    %add3A_931 = arith.addf %dot_general3A_926, %add3A_930 : vector<400x64xf32>
    %max3A_932 = arith.constant 0.000000e+00 : f32
    %max3A_933 = vector.broadcast %max3A_932 : f32 to vector<400x64xf32>
    %max3A_934 = arith.maximumf %add3A_931, %max3A_933 : vector<400x64xf32>
    %get3A_935 = arith.constant 0 : index
    %get3A_936 = arith.constant 0 : index
    %get3A_937 = vector.load %arg11[%get3A_935, %get3A_936] : memref<64x1xf32, #tpu.memory_space<vmem>>, vector<64x1xf32>
    %dot_general3A_938 = arith.constant dense<0.000000e+00> : vector<400x1xf32>
    %dot_general3A_939 = tpu.matmul %max3A_934, %get3A_937, %dot_general3A_938 {dimension_numbers = #tpu.dot_dimension_numbers<[1], [0], [0], [1], [0, 0, 1, 1], [], []>, precision = #tpu.contract_precision<fp32>, transpose_lhs_hint = false} : vector<400x64xf32>, vector<64x1xf32>, vector<400x1xf32> -> vector<400x1xf32>
    %get3A_940 = arith.constant 0 : index
    %get3A_941 = arith.constant 0 : index
    %get3A_942 = vector.load %arg12[%get3A_940, %get3A_941] : memref<1x1xf32, #tpu.memory_space<vmem>>, vector<1x1xf32>
    %add3A_943 = vector.broadcast %get3A_942 : vector<1x1xf32> to vector<400x1xf32>
    %add3A_944 = arith.addf %dot_general3A_939, %add3A_943 : vector<400x1xf32>
    %swap3A_945 = arith.constant 0 : index
    %swap3A_946 = arith.constant 1 : index
    %swap3A_947 = vector.load %arg13[%swap3A_945, %swap3A_946] : memref<400x2xf32, #tpu.memory_space<vmem>>, vector<400x1xf32>
    tpu.vector_store %arg13[%swap3A_945, %swap3A_946], %add3A_944 {strides = array<i32>} : memref<400x2xf32, #tpu.memory_space<vmem>>, vector<400x1xf32>,
    return
  }
  func.func @transform_0(%arg0: i32) -> (i32, i32, i32) {
    %c0_i32 = arith.constant 0 : i32
    %c0_i32_0 = arith.constant 0 : i32
    %c0_i32_1 = arith.constant 0 : i32
    return %c0_i32, %arg0, %c0_i32_0 : i32, i32, i32
  }
  func.func @transform_1(%arg0: i32) -> (i32, i32, i32) {
    %c0_i32 = arith.constant 0 : i32
    %c0_i32_0 = arith.constant 0 : i32
    %c0_i32_1 = arith.constant 0 : i32
    return %c0_i32, %arg0, %c0_i32_0 : i32, i32, i32
  }
  func.func @transform_2(%arg0: i32) -> (i32, i32) {
    %c0_i32 = arith.constant 0 : i32
    %c0_i32_0 = arith.constant 0 : i32
    return %arg0, %c0_i32 : i32, i32
  }
  func.func @transform_3(%arg0: i32) -> (i32, i32) {
    %c0_i32 = arith.constant 0 : i32
    %c0_i32_0 = arith.constant 0 : i32
    %c0_i32_1 = arith.constant 0 : i32
    return %c0_i32, %c0_i32_0 : i32, i32
  }
  func.func @transform_4(%arg0: i32) -> (i32, i32) {
    %c0_i32 = arith.constant 0 : i32
    %c0_i32_0 = arith.constant 0 : i32
    %c0_i32_1 = arith.constant 0 : i32
    return %c0_i32, %c0_i32_0 : i32, i32
  }
  func.func @transform_5(%arg0: i32) -> (i32, i32) {
    %c0_i32 = arith.constant 0 : i32
    %c0_i32_0 = arith.constant 0 : i32
    %c0_i32_1 = arith.constant 0 : i32
    return %c0_i32, %c0_i32_0 : i32, i32
  }
  func.func @transform_6(%arg0: i32) -> (i32, i32) {
    %c0_i32 = arith.constant 0 : i32
    %c0_i32_0 = arith.constant 0 : i32
    %c0_i32_1 = arith.constant 0 : i32
    return %c0_i32, %c0_i32_0 : i32, i32
  }
  func.func @transform_7(%arg0: i32) -> (i32, i32) {
    %c0_i32 = arith.constant 0 : i32
    %c0_i32_0 = arith.constant 0 : i32
    %c0_i32_1 = arith.constant 0 : i32
    return %c0_i32, %c0_i32_0 : i32, i32
  }
  func.func @transform_8(%arg0: i32) -> (i32, i32) {
    %c0_i32 = arith.constant 0 : i32
    %c0_i32_0 = arith.constant 0 : i32
    %c0_i32_1 = arith.constant 0 : i32
    return %c0_i32, %c0_i32_0 : i32, i32
  }
  func.func @transform_9(%arg0: i32) -> (i32, i32) {
    %c0_i32 = arith.constant 0 : i32
    %c0_i32_0 = arith.constant 0 : i32
    %c0_i32_1 = arith.constant 0 : i32
    return %c0_i32, %c0_i32_0 : i32, i32
  }
  func.func @transform_10(%arg0: i32) -> (i32, i32) {
    %c0_i32 = arith.constant 0 : i32
    %c0_i32_0 = arith.constant 0 : i32
    %c0_i32_1 = arith.constant 0 : i32
    return %c0_i32, %c0_i32_0 : i32, i32
  }
  func.func @transform_11(%arg0: i32) -> (i32, i32) {
    %c0_i32 = arith.constant 0 : i32
    %c0_i32_0 = arith.constant 0 : i32
    %c0_i32_1 = arith.constant 0 : i32
    return %c0_i32, %c0_i32_0 : i32, i32
  }
  func.func @transform_12(%arg0: i32) -> (i32, i32) {
    %c0_i32 = arith.constant 0 : i32
    %c0_i32_0 = arith.constant 0 : i32
    return %arg0, %c0_i32 : i32, i32
  }
}

</mosaic_0001>

<sc_bundles>
// kernel: kernel.10.cloned.1.call-start
scs
__scs_entry_jumppad:
0x0: {  	(pc) =	sbr.rel $0x88, $3  }
0x1: {  	(tag) =	ssettag $0x0;
	lr =	simm.s32 $0x1  }
0x2: {  	[smem:$0x3F93] =	sst lr;
	_ =	strace $0xD0000000  }
0x3: {  	_ = 	snop  }
0x4: {  	_ = 	snop  }
0x5: {  	_ = 	snop  }
0x6: {  	_ = 	snop  }
0x7: {  	_ = 	snop  }
__scs_overlays_trampoline_lowered:
0x8: {  	[smem:$0x3FA2] =	sst s0  }
0x9: {  	[smem:$0x3FA3] =	sst s1  }
0xa: {  	[smem:$0x3FA4] =	sst s2  }
0xb: {  	[smem:$0x3FA5] =	sst s3  }
0xc: {  	[smem:$0x3FA6] =	sst s4  }
0xd: {  	[smem:$0x3FA7] =	sst s5  }
0xe: {  	[smem:$0x3FA8] =	sst s6  }
0xf: {  	[smem:$0x3FA9] =	sst s7  }
0x10: {  	[smem:$0x3FAA] =	sst s8  }
0x11: {  	[smem:$0x3FAB] =	sst s9;
	s0 =	simm.s32 @!p0 $0x0  }
0x12: {  	s1 =	sld [smem:$0x3F91];
	s0 =	simm.s32 @p0 $0x1  }
0x13: {  	[smem:$0x3FAC] =	sst s0;
	s0 =	simm.s32 @!p1 $0x0  }
0x14: {  	s2 =	sld [smem:$0x3F90];
	s0 =	simm.s32 @p1 $0x1  }
0x15: {  	[smem:$0x3FAD] =	sst s0;
	s0 =	simm.s32 @!p2 $0x0  }
0x16: {  	s3 =	sld [smem:$0x3FDB];
	s0 =	simm.s32 @p2 $0x1  }
0x17: {  	s4 =	simm.s32 $0x1BF5;
	[smem:$0x3FAF] =	sst s0  }
0x18: {  	s0 =	sld [smem:$0x3F92];
	_ =	swait.ge [sflag:s4], $0x0  }
0x19: {  	s7 =	sld [smem:$0x3F93]  }
0x1a: {  	s8 =	sadd.s32 $0xFFFFE003, lr  }
0x1b: {  	s9 =	sadd.s32 $0xFFFFFEF7, lr;
	s5 =	simm.s32 $0xFFFFFFFF;
	p2 =	slt.u32 s8, $0xFFFFF086  }
0x1c: {  	p1 =	slt.u32 s9, $0xF7A;
	s5 =	simm.s32 @!p2 $0x0  }
0x1d: {  	s5 =	simm.s32 @p1 $0x1;
	p0 =	seq.s32 s7, s2  }
0x1e: {  	s7 =	smul.u32 @!p0 $0xF7A, s2;
	p2 =	seq.s32 @!p0 s5, $0x0  }
0x1f: {  	s9 =	smul.u32 $0xF7A, s1;
	s8 =	simm.s32 @!p0 $0x1BF5;
	p2 =	por !p2, p0  }
0x20: {  	[sflag:s8] =	ssyncset.s32 @!p0 $0xFFFFF086;
	s6 =	sadd.s32 @!p0 s3, s7;
	s7 =	simm.s32 @!p0 $0x108  }
0x21: {  	s3 =	sadd.s32 s3, s9;
	s6 =	sadd.s32 @!p0 $0x88, s6;
	s7 =	simm.s32 @p2 $0x1082  }
0x22: {  	[simem:s7], [sflag:s8] =	dma.local @!p0 [hbm:s6], $0xF7A  }
0x23: {  	s9 =	sor.u32 $0xD0000000, s2;
	s6 =	simm.s32 $0x108;
	_ =	swait.ge @!p0 [sflag:s8], $0x0  }
0x24: {  	s3 =	sadd.s32 $0x88, s3;
	s6 =	simm.s32 @!p1 $0x1082;
	[sflag:s4] =	ssyncset.s32 $0xFFFFF086  }
0x25: {  	[simem:s6], [sflag:s4] =	dma.local [hbm:s3], $0xF7A  }
0x26: {  	[smem:$0x3F93] =	sst s1;
	(tag) =	ssettag s2;
	_ =	strace s9  }
0x27: {  	s1 =	sld [smem:$0x3FA3]  }
0x28: {  	s2 =	sld [smem:$0x3FA4]  }
0x29: {  	s4 =	sld [smem:$0x3FA6]  }
0x2a: {  	p0 =	seq.s32 s5, $0x0;
	s5 =	sld [smem:$0x3FA7]  }
0x2b: {  	s6 =	sld [smem:$0x3FA8]  }
0x2c: {  	s7 =	sld [smem:$0x3FA9]  }
0x2d: {  	s3 =	simm.s32 $0x108;
	s8 =	sld [smem:$0x3FAA]  }
0x2e: {  	s3 =	simm.s32 @!p0 $0x1082;
	s9 =	sld [smem:$0x3FAB]  }
0x2f: {  	lr =	sadd.s32 s0, s3;
	s0 =	sld [smem:$0x3FA2]  }
0x30: {  	s3 =	sld [smem:$0x3FA5]  }
0x31: {  	[smem:$0x3FAE] =	sst s10  }
0x32: {  	s10 =	sld [smem:$0x3FAC];
	_ =	sdelay $0x3  }
0x33: {  	p0 =	seq.s32 s10, $0x1;
	s10 =	sld [smem:$0x3FAE];
	_ =	sdelay $0x3  }
0x34: {  	[smem:$0x3FAE] =	sst s10  }
0x35: {  	s10 =	sld [smem:$0x3FAD];
	_ =	sdelay $0x3  }
0x36: {  	p1 =	seq.s32 s10, $0x1;
	s10 =	sld [smem:$0x3FAE];
	_ =	sdelay $0x3  }
0x37: {  	[smem:$0x3FAE] =	sst s10  }
0x38: {  	s10 =	sld [smem:$0x3FAF]  }
0x39: {  	_ = 	snop;
	(pc) =	sbr.ind lr, $3  }
0x3a: {  	_ = 	snop  }
0x3b: {  	_ = 	snop  }
0x3c: {  	p2 =	seq.s32 s10, $0x1;
	s10 =	sld [smem:$0x3FAE]  }
0x3d: {  	_ =	shalt  }
0x3e: {  	_ =	shalt  }
0x3f: {  	_ =	shalt  }
0x40: {  	_ =	shalt  }
0x41: {  	_ =	shalt  }
0x42: {  	_ =	shalt  }
0x43: {  	_ =	shalt  }
0x44: {  	_ =	shalt  }
0x45: {  	_ =	shalt  }
0x46: {  	_ =	shalt  }
0x47: {  	_ =	shalt  }
0x48: {  	_ =	shalt  }
0x49: {  	_ =	shalt  }
0x4a: {  	_ =	shalt  }
0x4b: {  	_ =	shalt  }
0x4c: {  	_ =	shalt  }
0x4d: {  	_ =	shalt  }
0x4e: {  	_ =	shalt  }
0x4f: {  	_ =	shalt  }
0x50: {  	_ =	shalt  }
0x51: {  	_ =	shalt  }
0x52: {  	_ =	shalt  }
0x53: {  	_ =	shalt  }
0x54: {  	_ =	shalt  }
0x55: {  	_ =	shalt  }
0x56: {  	_ =	shalt  }
0x57: {  	_ =	shalt  }
0x58: {  	_ =	shalt  }
0x59: {  	_ =	shalt  }
0x5a: {  	_ =	shalt  }
0x5b: {  	_ =	shalt  }
0x5c: {  	_ =	shalt  }
0x5d: {  	_ =	shalt  }
0x5e: {  	_ =	shalt  }
0x5f: {  	_ =	shalt  }
0x60: {  	_ =	shalt  }
0x61: {  	_ =	shalt  }
0x62: {  	_ =	shalt  }
0x63: {  	_ =	shalt  }
0x64: {  	_ =	shalt  }
0x65: {  	_ =	shalt  }
0x66: {  	_ =	shalt  }
0x67: {  	_ =	shalt  }
0x68: {  	_ =	shalt  }
0x69: {  	_ =	shalt  }
0x6a: {  	_ =	shalt  }
0x6b: {  	_ =	shalt  }
0x6c: {  	_ =	shalt  }
0x6d: {  	_ =	shalt  }
0x6e: {  	_ =	shalt  }
0x6f: {  	_ =	shalt  }
0x70: {  	_ =	shalt  }
0x71: {  	_ =	shalt  }
0x72: {  	_ =	shalt  }
0x73: {  	_ =	shalt  }
0x74: {  	_ =	shalt  }
0x75: {  	_ =	shalt  }
0x76: {  	_ =	shalt  }
0x77: {  	_ =	shalt  }
0x78: {  	_ =	shalt  }
0x79: {  	_ =	shalt  }
0x7a: {  	_ =	shalt  }
0x7b: {  	_ =	shalt  }
0x7c: {  	_ =	shalt  }
0x7d: {  	_ =	shalt  }
0x7e: {  	_ =	shalt  }
0x7f: {  	_ =	shalt  }
0x80: {  	_ =	shalt  }
0x81: {  	_ =	shalt  }
0x82: {  	_ =	shalt  }
0x83: {  	_ =	shalt  }
0x84: {  	_ =	shalt  }
0x85: {  	_ =	shalt  }
0x86: {  	_ =	shalt  }
0x87: {  	_ =	shalt  }
.Lfunc_end0:
.L_simem_size_0:
called_computation.1_lowered:
.L_overlay_start_0:
0x88: {  	s2 =	sld [smem:$0x3FD9]  }
0x89: {  	s3 =	sld [smem:$0x3FFE];
	_ =	sdelay $0x1  }
0x8a: {  	s1 =	srdreg.scid  }
0x8b: {  	s0 =	sand.u32 $0x1, s1  }
0x8c: {  	s16 =	sshll.u32 s0, $0xA;
	s2 =	sadd.s32 s3, s2  }
0x8d: {  	s2 =	sadd.s32 s2, s16  }
0x8e: {  	[smem:$0x3FBA] =	sst s2  }
0x8f: {  	_ = 	snop  }
0x90: {  	(tm) =	ssettm $0x1  }
0x91: {  	s17 =	sld [smem:$0x3FFB];
	_ =	sdelay $0x3  }
0x92: {  	_ =	strace s17  }
0x93: {  	s2 =	sld [smem:$0x3FFC];
	_ =	sdelay $0x3  }
0x94: {  	_ =	strace s2  }
0x95: {  	s2 =	sld [smem:$0x3FFD];
	_ =	sdelay $0x3  }
0x96: {  	_ =	strace s2  }
0x97: {  	_ =	strace $0x8FFFFFFF  }
0x98: {  	s18 =	sld [smem:$0x3FDB];
	_ =	sdelay $0x1  }
0x99: {  	s19 =	simm.s32 $_scs_section_size  }
0x9a: {  	s4 =	simm.s32 $_size__tile_overlayer_lowered;
	s5 =	simm.s32 $_tile_overlayer_lowered  }
0x9b: {  	s22 =	simm.s32 $0x1BFF;
	s21 =	sshll.u32 s5, $0x1;
	s2 =	sadd.s32 s19, s18  }
0x9c: {  	s6 =	simm.s32 $0x0;
	s20 =	sshll.u32 s4, $0x1;
	s4 =	sadd.s32 s21, s2  }
0x9d: {  	[timem:s6], [sflag:s22] =	dma.local [hbm:s4], s20  }
0x9e: {  	_ =	swait.ge [sflag:s22], s20  }
0x9f: {  	s3 =	ssub.s32 $0x0, s20;
	[sflag:s22] =	ssyncset.done $0x0  }
0xa0: {  	[sflag:s22] =	ssyncadd.s32 s3;
	_ =	sdelay $0x1  }
0xa1: {  	s23 =	simm.s32 $0x1B8B  }
0xa2: {  	_ =	swait.ge [sflag:s23], $0x1  }
0xa3: {  	[sflag:s23] =	ssyncset.done $0x0  }
0xa4: {  	s25 =	simm.s32 $0x1B8E;
	s24 =	sld [smem:$0x3FFE];
	[sflag:s23] =	ssyncadd.s32 $0xFFFFFFFF  }
0xa5: {  	s26 =	simm.s32 $execute0_lowered;
	[smem:$0x3FD2] =	sst s25  }
0xa6: {  	s4 =	sshll.u32 s26, $0x1;
	_ =	strace $0x80000049;
	[dreg:$0x1] =	wrdreg $0xFFFFFFFF  }
0xa7: {  	s28 =	simm.s32 $_size_execute0_lowered;
	s2 =	sadd.s32 s2, s4;
	[dreg:$0x0] =	wrdreg $0x0  }
0xa8: {  	s4 =	sshll.u32 s28, $0x1;
	[dreg:$0x2] =	wrdreg s2  }
0xa9: {  	[dreg:$0x3] =	wrdreg s4  }
0xaa: {  	[dreg:$0x4] =	wrdreg $0xC0  }
0xab: {  	_ =	task [dreg:s6], $0x5FFFF  }
0xac: {  	[dreg:$0x1] =	wrdreg $0xFFFFFFFF  }
0xad: {  	[dreg:$0x0] =	wrdreg $0x60  }
0xae: {  	[dreg:$0x2] =	wrdreg s24  }
0xaf: {  	[dreg:$0x3] =	wrdreg $0x8ED00  }
0xb0: {  	[dreg:$0x4] =	wrdreg $0x9  }
0xb1: {  	_ =	task.clear_ibuf [dreg:s6], $0x5FFFF;
	_ =	strace $0x90000049  }
0xb2: {  	s29 =	simm.s32 $0x9;
	_ =	strace $0x8000004B  }
0xb3: {  	_ =	swait.ge [sflag:s29], $0x1  }
0xb4: {  	[sflag:s29] =	ssyncadd.s32 $0xFFFFFFFF  }
0xb5: {  	_ =	strace $0x9000004B  }
0xb6: {  	_ =	sfence  }
0xb7: {  	s30 =	sld [smem:$0x0];
	_ =	sdelay $0x2  }
0xb8: {  	s31 =	sshll.u32 s1, $0xD;
	s1 =	sshrl.u32 s1, $0x2  }
0xb9: {  	s3 =	sand.u32 $0x4000, s31;
	s1 =	sadd.s32 s1, s30  }
0xba: {  	s0 =	sor.u32 s3, s0;
	s1 =	sshll.u32 s1, $0x11  }
0xbb: {  	s0 =	sor.u32 s1, s0  }
0xbc: {  	s0 =	sadd.s32 $0x8F2B, s0  }
0xbd: {  	[sflag:s0] =	ssyncadd.remote.s32 $0x1  }
0xbe: {  	_ =	sfence.sel $0xFFFF  }
0xbf: {  	[dreg:$0x0] =	wrdreg $0xFFFFFFFF;
	(pc) =	sbr.abs _section_cstart, $3  }
0xc0: {  	[dreg:$0x1] =	wrdreg $0xFFFFFFFF  }
0xc1: {  	_ =	task.clear_ibuf [dreg:s6], $0x2FFFF;
	_ =	strace $0x9FFFFFFF  }
0xc2: {  	(tm) =	ssettm $0x7FFFFFFF  }
0xc3: {  	_ =	shalt  }
tec
execute0_lowered:
.L_overlay_start_1:
0x0: {  	(tag) =	ssettag $0x1  }
0x1: {  	s5 =	rddreg [dreg:$0x0]  }
0x2: {  	s2 =	rddreg [dreg:$0x1];
	s3 =	srdreg.scid  }
0x3: {  	s0 =	rddreg [dreg:$0x2];
	s1 =	stileid.u32;
	s14 =	simm.s32 $0x2  }
0x4: {  	s15 =	simm.s32 $0x2710;
	s16 =	simm.s32 $0x67C0;
	s17 =	simm.s32 $0x50  }
0x5: {  	s18 =	simm.s32 $0x4E20;
	s19 =	simm.s32 $0x4EC0;
	s20 =	simm.s32 $0x1  }
0x6: {  	s21 =	simm.s32 $0x4E70;
	s23 =	simm.s32 $0x0;
	s7 =	smul.u32 $0xC350, s1  }
0x7: {  	s6 =	sand.u32 $0x1, s3;
	s3 =	simm.s32 $0x0;
	s10 =	smul.u32 $0x30D40, s1  }
0x8: {  	s22 =	sshll.u32 s1, $0x6;
	s4 =	sshll.u32 s6, $0x4;
	[smem:$0x7FF] =	sst s3  }
0x9: {  	s9 =	smul.u32 $0xC3500, s6;
	s6 =	ssub.s32 $0x2, s6;
	s22 =	sor.u32 $0x1C02, s22  }
0xa: {  	s8 =	sor.u32 s1, s4;
	_ =	strace $0x8000004A;
	s4 =	sadd.s32 $0x15C00, s5  }
0xb: {  	s11 =	sshrl.u32 s6, $0x1;
	s30 =	sshrl.u32 s10, $0x2;
	s8 =	smul.u32 $0x4E2, s8  }
0xc: {  	s9 =	sadd.s32 s7, s9;
	s13 =	ssub.s32 s6, s11;
	s31 =	sadd.s32 s30, s2  }
0xd: {  	s7 =	sadd.s32 s7, s2;
	s9 =	sshrl.u32 s9, $0x3;
	s10 =	sadd.s32 $0x7530, s31  }
0xe: {  	s11 =	sadd.s32 $0x9C40, s31;
	s13 =	smax.u32 s13, $0x1;
	s8 =	sadd.s32 s8, s5  }
0xf: {  	s12 =	sadd.s32 s9, s5;
	s9 =	sadd.s32 $0x4E20, s31;
	s5 =	sadd.s32 $0x2000, s8  }
0x10: {  	v0 =	vimm.f32 $0.0e+00;
	s6 =	sadd.s32 $0xBE00, s8;
	s8 =	sadd.s32 $0x2710, s31;
	s12 =	sadd.s32 $0x2E400, s12  }
.LBB2_1:
0x11: {  	[tilespmem:s3], [sflag:$0x2] =	stream.linear.gather [hbm4b:s5+s3], $0x2710, $0x38;
	[tilespmem:$0x15220] =	vst v63  }
0x12: {  	_ =	swait.ge [sflag:s14], $0x2710  }
0x13: {  	[sflag:s14] =	ssyncset.done $0x0  }
0x14: {  	[sflag:s14] =	ssyncadd.s32 $0xFFFFD8F0  }
0x15: {  	[tilespmem:s15], [sflag:$0x2] =	stream.linear.gather [hbm4b:s6+s3], $0x2710, $0x38;
	[tilespmem:$0x15220] =	vst v63  }
0x16: {  	_ =	swait.ge [sflag:s14], $0x2710  }
0x17: {  	[sflag:s14] =	ssyncset.done $0x0  }
0x18: {  	s25 =	simm.s32 $0x140;
	s24 =	simm.s32 $0x0;
	[sflag:s14] =	ssyncadd.s32 $0xFFFFD8F0  }
.LBB2_2:
0x19: {  	p0 =	sne.s32 s25, $0x9B00;
	[tilespmem:s24+$0x6800] =	vst v0;
	s26 =	smov.u32 s25;
	s25 =	sadd.s32 $0x140, s25  }
.Ltmp0:
0x1a: {  	[tilespmem:s24+$0x67F0] =	vst v0;
	(pc) =	sbr.rel @p0 .LBB2_2-.Ltmp0, $4  }
0x1b: {  	[tilespmem:s24+$0x67E0] =	vst v0  }
0x1c: {  	[tilespmem:s24+$0x67C0] =	vst v0  }
0x1d: {  	[tilespmem:s24+$0x67D0] =	vst v0  }
0x1e: {  	s24 =	sshra.s32 s26, $0x2  }
0x1f: {  	[tilespmem:s24+$0x6800] =	vst v0  }
0x20: {  	[tilespmem:s24+$0x67F0] =	vst v0  }
0x21: {  	[tilespmem:s24+$0x67E0] =	vst v0  }
0x22: {  	[tilespmem:s24+$0x67C0] =	vst v0  }
0x23: {  	[tilespmem:s24+$0x67D0] =	vst v0  }
0x24: {  	[spmem:s7] =	stream.linear.scatter [tilespmem:s16], [sflag:$0x2], $0x2710, $0x38;
	[tilespmem:$0x15220] =	vst v63  }
0x25: {  	_ =	swait.ge [sflag:s14], $0x2710  }
0x26: {  	[sflag:s14] =	ssyncset.done $0x0  }
0x27: {  	[sflag:s14] =	ssyncadd.s32 $0xFFFFD8F0  }
0x28: {  	[spmem:s8] =	stream.linear.scatter [tilespmem:s16], [sflag:$0x2], $0x2710, $0x38;
	[tilespmem:$0x15220] =	vst v63  }
0x29: {  	_ =	swait.ge [sflag:s14], $0x2710  }
0x2a: {  	[sflag:s14] =	ssyncset.done $0x0  }
0x2b: {  	[sflag:s14] =	ssyncadd.s32 $0xFFFFD8F0  }
0x2c: {  	[spmem:s9] =	stream.linear.scatter [tilespmem:s16], [sflag:$0x2], $0x2710, $0x38;
	[tilespmem:$0x15220] =	vst v63  }
0x2d: {  	_ =	swait.ge [sflag:s14], $0x2710  }
0x2e: {  	[sflag:s14] =	ssyncset.done $0x0  }
0x2f: {  	[sflag:s14] =	ssyncadd.s32 $0xFFFFD8F0  }
0x30: {  	[spmem:s10] =	stream.linear.scatter [tilespmem:s16], [sflag:$0x2], $0x2710, $0x38;
	[tilespmem:$0x15220] =	vst v63  }
0x31: {  	_ =	swait.ge [sflag:s14], $0x2710  }
0x32: {  	[sflag:s14] =	ssyncset.done $0x0  }
0x33: {  	[sflag:s14] =	ssyncadd.s32 $0xFFFFD8F0  }
0x34: {  	[spmem:s11] =	stream.linear.scatter [tilespmem:s16], [sflag:$0x2], $0x2710, $0x38;
	[tilespmem:$0x15220] =	vst v63  }
0x35: {  	_ =	swait.ge [sflag:s14], $0x2710  }
0x36: {  	[sflag:s14] =	ssyncset.done $0x0  }
0x37: {  	[sflag:s14] =	ssyncadd.s32 $0xFFFFD8F0  }
0x38: {  	s31 =	simm.s32 $0x0;
	[bflag:$0x0] =	sbarrier.arrive $0xFFFF  }
0x39: {  	v1 =	vld [tilespmem:s31+$0x0];
	_ =	sdelay $0x4  }
0x3a: {  	[tilespmem:$0x4E20] =	vst v1  }
0x3b: {  	v1 =	vld [tilespmem:s31+$0x2710];
	_ =	sdelay $0x4  }
0x3c: {  	[tilespmem:$0x4E70] =	vst v1  }
0x3d: {  	v1 =	vld [tilespmem:s31+$0x10];
	_ =	sdelay $0x4  }
0x3e: {  	[tilespmem:$0x4E30] =	vst v1  }
0x3f: {  	v1 =	vld [tilespmem:s31+$0x2720];
	_ =	sdelay $0x4  }
0x40: {  	[tilespmem:$0x4E80] =	vst v1  }
0x41: {  	v1 =	vld [tilespmem:s31+$0x20];
	_ =	sdelay $0x4  }
0x42: {  	[tilespmem:$0x4E40] =	vst v1  }
0x43: {  	v1 =	vld [tilespmem:s31+$0x2730];
	_ =	sdelay $0x4  }
0x44: {  	[tilespmem:$0x4E90] =	vst v1  }
0x45: {  	v1 =	vld [tilespmem:s31+$0x30];
	_ =	sdelay $0x4  }
0x46: {  	[tilespmem:$0x4E50] =	vst v1  }
0x47: {  	v1 =	vld [tilespmem:s31+$0x2740];
	_ =	sdelay $0x4  }
0x48: {  	[tilespmem:$0x4EA0] =	vst v1  }
0x49: {  	v1 =	vld [tilespmem:s31+$0x40];
	_ =	sdelay $0x4  }
0x4a: {  	[tilespmem:$0x4E60] =	vst v1  }
0x4b: {  	v1 =	vld [tilespmem:s31+$0x2750];
	_ =	sdelay $0x4  }
0x4c: {  	[tilespmem:$0x4EB0] =	vst v1  }
0x4d: {  	[tilespmem:s19], [sflag:$0x1] =	stream.indirect.gather [hbm4b:s4+s17], $0x50, s18, s17, $0xb8;
	[tilespmem:$0x15220] =	vst v63  }
0x4e: {  	_ =	swait.ge [sflag:s20], $0x1900  }
0x4f: {  	[sflag:s20] =	ssyncset.done $0x0  }
0x50: {  	[sflag:s20] =	ssyncadd.s32 $0xFFFFE700  }
0x51: {  	[spmem:s2] =	stream.indirect.scatter.add.f32 [tilespmem:s19], [sflag:$0x2], $0x50, s21, s17, $0xb8;
	[tilespmem:$0x15220] =	vst v63  }
0x52: {  	_ =	swait.ge [sflag:s14], $0x1900  }
0x53: {  	s24 =	simm.s32 $0x140;
	s28 =	simm.s32 $0x280;
	[sflag:s14] =	ssyncset.done $0x0  }
.LBB2_4:
0x54: {  	s26 =	sshra.s32 s24, $0x2  }
0x55: {  	[sflag:s14] =	ssyncadd.s32 $0xFFFFE700;
	s24 =	smov.u32 s28;
	s25 =	sadd.s32 $0x140, s28  }
0x56: {  	p0 =	sne.s32 s28, $0x9B00;
	v1 =	vld [tilespmem:s26+$0x0];
	_ =	sdelay $0x4  }
0x57: {  	[tilespmem:$0x4E20] =	vst v1  }
0x58: {  	v1 =	vld [tilespmem:s26+$0x2710];
	_ =	sdelay $0x4  }
0x59: {  	[tilespmem:$0x4E70] =	vst v1  }
0x5a: {  	v1 =	vld [tilespmem:s26+$0x10];
	_ =	sdelay $0x4  }
0x5b: {  	[tilespmem:$0x4E30] =	vst v1  }
0x5c: {  	v1 =	vld [tilespmem:s26+$0x2720];
	_ =	sdelay $0x4  }
0x5d: {  	[tilespmem:$0x4E80] =	vst v1  }
0x5e: {  	v1 =	vld [tilespmem:s26+$0x20];
	_ =	sdelay $0x4  }
0x5f: {  	[tilespmem:$0x4E40] =	vst v1  }
0x60: {  	v1 =	vld [tilespmem:s26+$0x2730];
	_ =	sdelay $0x4  }
0x61: {  	[tilespmem:$0x4E90] =	vst v1  }
0x62: {  	v1 =	vld [tilespmem:s26+$0x30];
	_ =	sdelay $0x4  }
0x63: {  	[tilespmem:$0x4E50] =	vst v1  }
0x64: {  	v1 =	vld [tilespmem:s26+$0x2740];
	_ =	sdelay $0x4  }
0x65: {  	[tilespmem:$0x4EA0] =	vst v1  }
0x66: {  	v1 =	vld [tilespmem:s26+$0x40];
	_ =	sdelay $0x4  }
0x67: {  	[tilespmem:$0x4E60] =	vst v1  }
0x68: {  	v1 =	vld [tilespmem:s26+$0x2750];
	_ =	sdelay $0x4  }
0x69: {  	[tilespmem:$0x4EB0] =	vst v1  }
0x6a: {  	[tilespmem:s19], [sflag:$0x1] =	stream.indirect.gather [hbm4b:s4+s17], $0x50, s18, s17, $0xb8;
	[tilespmem:$0x15220] =	vst v63  }
0x6b: {  	_ =	swait.ge [sflag:s20], $0x1900  }
.Ltmp1:
0x6c: {  	[sflag:s20] =	ssyncset.done $0x0;
	(pc) =	sbr.rel @p0 .LBB2_4-.Ltmp1, $4  }
0x6d: {  	[sflag:s20] =	ssyncadd.s32 $0xFFFFE700  }
0x6e: {  	[spmem:s2] =	stream.indirect.scatter.add.f32 [tilespmem:s19], [sflag:$0x2], $0x50, s21, s17, $0xb8;
	[tilespmem:$0x15220] =	vst v63  }
0x6f: {  	_ =	swait.ge [sflag:s14], $0x1900  }
0x70: {  	s28 =	smov.u32 s25;
	[sflag:s14] =	ssyncset.done $0x0  }
0x71: {  	s24 =	sshra.s32 s24, $0x2;
	[sflag:s14] =	ssyncadd.s32 $0xFFFFE700  }
0x72: {  	v1 =	vld [tilespmem:s24+$0x0];
	_ =	sdelay $0x4  }
0x73: {  	[tilespmem:$0x4E20] =	vst v1  }
0x74: {  	v1 =	vld [tilespmem:s24+$0x2710];
	_ =	sdelay $0x4  }
0x75: {  	[tilespmem:$0x4E70] =	vst v1  }
0x76: {  	v1 =	vld [tilespmem:s24+$0x10];
	_ =	sdelay $0x4  }
0x77: {  	[tilespmem:$0x4E30] =	vst v1  }
0x78: {  	v1 =	vld [tilespmem:s24+$0x2720];
	_ =	sdelay $0x4  }
0x79: {  	[tilespmem:$0x4E80] =	vst v1  }
0x7a: {  	v1 =	vld [tilespmem:s24+$0x20];
	_ =	sdelay $0x4  }
0x7b: {  	[tilespmem:$0x4E40] =	vst v1  }
0x7c: {  	v1 =	vld [tilespmem:s24+$0x2730];
	_ =	sdelay $0x4  }
0x7d: {  	[tilespmem:$0x4E90] =	vst v1  }
0x7e: {  	v1 =	vld [tilespmem:s24+$0x30];
	_ =	sdelay $0x4  }
0x7f: {  	[tilespmem:$0x4E50] =	vst v1  }
0x80: {  	v1 =	vld [tilespmem:s24+$0x2740];
	_ =	sdelay $0x4  }
0x81: {  	[tilespmem:$0x4EA0] =	vst v1  }
0x82: {  	v1 =	vld [tilespmem:s24+$0x40];
	_ =	sdelay $0x4  }
0x83: {  	[tilespmem:$0x4E60] =	vst v1  }
0x84: {  	v1 =	vld [tilespmem:s24+$0x2750];
	_ =	sdelay $0x4  }
0x85: {  	[tilespmem:$0x4EB0] =	vst v1  }
0x86: {  	[tilespmem:s19], [sflag:$0x1] =	stream.indirect.gather [hbm4b:s4+s17], $0x50, s18, s17, $0xb8;
	[tilespmem:$0x15220] =	vst v63  }
0x87: {  	_ =	swait.ge [sflag:s20], $0x1900  }
0x88: {  	[sflag:s20] =	ssyncset.done $0x0  }
0x89: {  	[sflag:s20] =	ssyncadd.s32 $0xFFFFE700  }
0x8a: {  	[spmem:s2] =	stream.indirect.scatter.add.f32 [tilespmem:s19], [sflag:$0x2], $0x50, s21, s17, $0xb8;
	[tilespmem:$0x15220] =	vst v63  }
0x8b: {  	_ =	swait.ge [sflag:s14], $0x1900  }
0x8c: {  	s23 =	sadd.s32 $0x1, s23;
	[sflag:s14] =	ssyncset.done $0x0  }
0x8d: {  	p0 =	sne.s32 s23, s13;
	[sflag:s14] =	ssyncadd.s32 $0xFFFFE700  }
.Ltmp2:
0x8e: {  	s31 =	sshrl.u32 s7, $0x3;
	[bflag:$0x0] =	sbarrier.arrive $0xFFFF;
	(pc) =	sbr.rel @p0 .LBB2_1-.Ltmp2, $4  }
0x8f: {  	[hbm:s12], [sflag:s22] =	dma.local [spmem:s31], $0x186A  }
0x90: {  	_ =	swait.ge [sflag:s14], $0x186A  }
0x91: {  	[sflag:s14] =	ssyncset.done $0x0  }
0x92: {  	[sflag:s14] =	ssyncadd.s32 $0xFFFFE796  }
0x93: {  	_ =	sfence.sel $0x180000  }
0x94: {  	[bflag:$0x0] =	sbarrier.arrive $0xFFFF  }
0x95: {  	p0 =	sne.s32 s1, $0x0;
	_ =	strace $0x9000004A  }
0x96: {  	s0 =	sadd.s32 @!p0 $0x100000, s0;
	[bflag:$0x2] =	sbarrier.arrive $0xFFFF  }
0x97: {  	[sflag:s0] =	ssyncadd.tile.s32 @!p0 $0x1;
	_ =	shalt  }
.Lfunc_end2:
_tile_overlayer_lowered:
.L_overlay_start_2:
0x98: {  	(tag) =	ssettag $0x2  }
0x99: {  	s0 =	rddreg [dreg:$0x0];
	s2 =	stileid.u32  }
0x9a: {  	s1 =	rddreg [dreg:$0x1];
	p0 =	sne.s32 s2, $0x0  }
0x9b: {  	s3 =	rddreg [dreg:$0x2];
	[bflag:$0x3] =	sbarrier.arrive $0xFFFF;
	s2 =	simm.s32 @!p0 $0x1C02  }
0x9c: {  	[timem:s3], [sflag:s2] =	dma.local @!p0 [hbm:s0], s1  }
0x9d: {  	s0 =	simm.s32 @!p0 $0x2  }
0x9e: {  	_ =	swait.ge @!p0 [sflag:s0], s1  }
0x9f: {  	s1 =	ssub.s32 @!p0 $0x0, s1;
	[sflag:s0] =	ssyncset.done @!p0 $0x0  }
0xa0: {  	[sflag:s0] =	ssyncadd.s32 @!p0 s1  }
0xa1: {  	[bflag:$0x3] =	sbarrier.arrive $0xFFFF  }
0xa2: {  	_ =	shalt  }

// kernel: kernel.13.cloned.1.call-start
scs
__scs_entry_jumppad:
0x0: {  	(pc) =	sbr.rel $0x88, $3  }
0x1: {  	(tag) =	ssettag $0x0;
	lr =	simm.s32 $0x1  }
0x2: {  	[smem:$0x3F93] =	sst lr;
	_ =	strace $0xD0000000  }
0x3: {  	_ = 	snop  }
0x4: {  	_ = 	snop  }
0x5: {  	_ = 	snop  }
0x6: {  	_ = 	snop  }
0x7: {  	_ = 	snop  }
__scs_overlays_trampoline_lowered:
0x8: {  	[smem:$0x3FA2] =	sst s0  }
0x9: {  	[smem:$0x3FA3] =	sst s1  }
0xa: {  	[smem:$0x3FA4] =	sst s2  }
0xb: {  	[smem:$0x3FA5] =	sst s3  }
0xc: {  	[smem:$0x3FA6] =	sst s4  }
0xd: {  	[smem:$0x3FA7] =	sst s5  }
0xe: {  	[smem:$0x3FA8] =	sst s6  }
0xf: {  	[smem:$0x3FA9] =	sst s7  }
0x10: {  	[smem:$0x3FAA] =	sst s8  }
0x11: {  	[smem:$0x3FAB] =	sst s9;
	s0 =	simm.s32 @!p0 $0x0  }
0x12: {  	s1 =	sld [smem:$0x3F91];
	s0 =	simm.s32 @p0 $0x1  }
0x13: {  	[smem:$0x3FAC] =	sst s0;
	s0 =	simm.s32 @!p1 $0x0  }
0x14: {  	s2 =	sld [smem:$0x3F90];
	s0 =	simm.s32 @p1 $0x1  }
0x15: {  	[smem:$0x3FAD] =	sst s0;
	s0 =	simm.s32 @!p2 $0x0  }
0x16: {  	s3 =	sld [smem:$0x3FDB];
	s0 =	simm.s32 @p2 $0x1  }
0x17: {  	s4 =	simm.s32 $0x1BF5;
	[smem:$0x3FAF] =	sst s0  }
0x18: {  	s0 =	sld [smem:$0x3F92];
	_ =	swait.ge [sflag:s4], $0x0  }
0x19: {  	s7 =	sld [smem:$0x3F93]  }
0x1a: {  	s8 =	sadd.s32 $0xFFFFE003, lr  }
0x1b: {  	s9 =	sadd.s32 $0xFFFFFEF7, lr;
	s5 =	simm.s32 $0xFFFFFFFF;
	p2 =	slt.u32 s8, $0xFFFFF086  }
0x1c: {  	p1 =	slt.u32 s9, $0xF7A;
	s5 =	simm.s32 @!p2 $0x0  }
0x1d: {  	s5 =	simm.s32 @p1 $0x1;
	p0 =	seq.s32 s7, s2  }
0x1e: {  	s7 =	smul.u32 @!p0 $0xF7A, s2;
	p2 =	seq.s32 @!p0 s5, $0x0  }
0x1f: {  	s9 =	smul.u32 $0xF7A, s1;
	s8 =	simm.s32 @!p0 $0x1BF5;
	p2 =	por !p2, p0  }
0x20: {  	[sflag:s8] =	ssyncset.s32 @!p0 $0xFFFFF086;
	s6 =	sadd.s32 @!p0 s3, s7;
	s7 =	simm.s32 @!p0 $0x108  }
0x21: {  	s3 =	sadd.s32 s3, s9;
	s6 =	sadd.s32 @!p0 $0x88, s6;
	s7 =	simm.s32 @p2 $0x1082  }
0x22: {  	[simem:s7], [sflag:s8] =	dma.local @!p0 [hbm:s6], $0xF7A  }
0x23: {  	s9 =	sor.u32 $0xD0000000, s2;
	s6 =	simm.s32 $0x108;
	_ =	swait.ge @!p0 [sflag:s8], $0x0  }
0x24: {  	s3 =	sadd.s32 $0x88, s3;
	s6 =	simm.s32 @!p1 $0x1082;
	[sflag:s4] =	ssyncset.s32 $0xFFFFF086  }
0x25: {  	[simem:s6], [sflag:s4] =	dma.local [hbm:s3], $0xF7A  }
0x26: {  	[smem:$0x3F93] =	sst s1;
	(tag) =	ssettag s2;
	_ =	strace s9  }
0x27: {  	s1 =	sld [smem:$0x3FA3]  }
0x28: {  	s2 =	sld [smem:$0x3FA4]  }
0x29: {  	s4 =	sld [smem:$0x3FA6]  }
0x2a: {  	p0 =	seq.s32 s5, $0x0;
	s5 =	sld [smem:$0x3FA7]  }
0x2b: {  	s6 =	sld [smem:$0x3FA8]  }
0x2c: {  	s7 =	sld [smem:$0x3FA9]  }
0x2d: {  	s3 =	simm.s32 $0x108;
	s8 =	sld [smem:$0x3FAA]  }
0x2e: {  	s3 =	simm.s32 @!p0 $0x1082;
	s9 =	sld [smem:$0x3FAB]  }
0x2f: {  	lr =	sadd.s32 s0, s3;
	s0 =	sld [smem:$0x3FA2]  }
0x30: {  	s3 =	sld [smem:$0x3FA5]  }
0x31: {  	[smem:$0x3FAE] =	sst s10  }
0x32: {  	s10 =	sld [smem:$0x3FAC];
	_ =	sdelay $0x3  }
0x33: {  	p0 =	seq.s32 s10, $0x1;
	s10 =	sld [smem:$0x3FAE];
	_ =	sdelay $0x3  }
0x34: {  	[smem:$0x3FAE] =	sst s10  }
0x35: {  	s10 =	sld [smem:$0x3FAD];
	_ =	sdelay $0x3  }
0x36: {  	p1 =	seq.s32 s10, $0x1;
	s10 =	sld [smem:$0x3FAE];
	_ =	sdelay $0x3  }
0x37: {  	[smem:$0x3FAE] =	sst s10  }
0x38: {  	s10 =	sld [smem:$0x3FAF]  }
0x39: {  	_ = 	snop;
	(pc) =	sbr.ind lr, $3  }
0x3a: {  	_ = 	snop  }
0x3b: {  	_ = 	snop  }
0x3c: {  	p2 =	seq.s32 s10, $0x1;
	s10 =	sld [smem:$0x3FAE]  }
0x3d: {  	_ =	shalt  }
0x3e: {  	_ =	shalt  }
0x3f: {  	_ =	shalt  }
0x40: {  	_ =	shalt  }
0x41: {  	_ =	shalt  }
0x42: {  	_ =	shalt  }
0x43: {  	_ =	shalt  }
0x44: {  	_ =	shalt  }
0x45: {  	_ =	shalt  }
0x46: {  	_ =	shalt  }
0x47: {  	_ =	shalt  }
0x48: {  	_ =	shalt  }
0x49: {  	_ =	shalt  }
0x4a: {  	_ =	shalt  }
0x4b: {  	_ =	shalt  }
0x4c: {  	_ =	shalt  }
0x4d: {  	_ =	shalt  }
0x4e: {  	_ =	shalt  }
0x4f: {  	_ =	shalt  }
0x50: {  	_ =	shalt  }
0x51: {  	_ =	shalt  }
0x52: {  	_ =	shalt  }
0x53: {  	_ =	shalt  }
0x54: {  	_ =	shalt  }
0x55: {  	_ =	shalt  }
0x56: {  	_ =	shalt  }
0x57: {  	_ =	shalt  }
0x58: {  	_ =	shalt  }
0x59: {  	_ =	shalt  }
0x5a: {  	_ =	shalt  }
0x5b: {  	_ =	shalt  }
0x5c: {  	_ =	shalt  }
0x5d: {  	_ =	shalt  }
0x5e: {  	_ =	shalt  }
0x5f: {  	_ =	shalt  }
0x60: {  	_ =	shalt  }
0x61: {  	_ =	shalt  }
0x62: {  	_ =	shalt  }
0x63: {  	_ =	shalt  }
0x64: {  	_ =	shalt  }
0x65: {  	_ =	shalt  }
0x66: {  	_ =	shalt  }
0x67: {  	_ =	shalt  }
0x68: {  	_ =	shalt  }
0x69: {  	_ =	shalt  }
0x6a: {  	_ =	shalt  }
0x6b: {  	_ =	shalt  }
0x6c: {  	_ =	shalt  }
0x6d: {  	_ =	shalt  }
0x6e: {  	_ =	shalt  }
0x6f: {  	_ =	shalt  }
0x70: {  	_ =	shalt  }
0x71: {  	_ =	shalt  }
0x72: {  	_ =	shalt  }
0x73: {  	_ =	shalt  }
0x74: {  	_ =	shalt  }
0x75: {  	_ =	shalt  }
0x76: {  	_ =	shalt  }
0x77: {  	_ =	shalt  }
0x78: {  	_ =	shalt  }
0x79: {  	_ =	shalt  }
0x7a: {  	_ =	shalt  }
0x7b: {  	_ =	shalt  }
0x7c: {  	_ =	shalt  }
0x7d: {  	_ =	shalt  }
0x7e: {  	_ =	shalt  }
0x7f: {  	_ =	shalt  }
0x80: {  	_ =	shalt  }
0x81: {  	_ =	shalt  }
0x82: {  	_ =	shalt  }
0x83: {  	_ =	shalt  }
0x84: {  	_ =	shalt  }
0x85: {  	_ =	shalt  }
0x86: {  	_ =	shalt  }
0x87: {  	_ =	shalt  }
.Lfunc_end0:
.L_simem_size_0:
called_computation.2_lowered:
.L_overlay_start_0:
0x88: {  	s2 =	sld [smem:$0x3FD9]  }
0x89: {  	s3 =	sld [smem:$0x3FFE];
	_ =	sdelay $0x1  }
0x8a: {  	s1 =	srdreg.scid  }
0x8b: {  	s0 =	sand.u32 $0x1, s1  }
0x8c: {  	s16 =	sshll.u32 s0, $0xA;
	s2 =	sadd.s32 s3, s2  }
0x8d: {  	s2 =	sadd.s32 s2, s16  }
0x8e: {  	[smem:$0x3FBA] =	sst s2  }
0x8f: {  	_ = 	snop  }
0x90: {  	(tm) =	ssettm $0x1  }
0x91: {  	s17 =	sld [smem:$0x3FFB];
	_ =	sdelay $0x3  }
0x92: {  	_ =	strace s17  }
0x93: {  	s2 =	sld [smem:$0x3FFC];
	_ =	sdelay $0x3  }
0x94: {  	_ =	strace s2  }
0x95: {  	s2 =	sld [smem:$0x3FFD];
	_ =	sdelay $0x3  }
0x96: {  	_ =	strace s2  }
0x97: {  	_ =	strace $0x8FFFFFFF  }
0x98: {  	s18 =	sld [smem:$0x3FDB];
	_ =	sdelay $0x1  }
0x99: {  	s19 =	simm.s32 $_scs_section_size  }
0x9a: {  	s4 =	simm.s32 $_size__tile_overlayer_lowered;
	s5 =	simm.s32 $_tile_overlayer_lowered  }
0x9b: {  	s22 =	simm.s32 $0x1BFF;
	s21 =	sshll.u32 s5, $0x1;
	s2 =	sadd.s32 s19, s18  }
0x9c: {  	s6 =	simm.s32 $0x0;
	s20 =	sshll.u32 s4, $0x1;
	s4 =	sadd.s32 s21, s2  }
0x9d: {  	[timem:s6], [sflag:s22] =	dma.local [hbm:s4], s20  }
0x9e: {  	_ =	swait.ge [sflag:s22], s20  }
0x9f: {  	s3 =	ssub.s32 $0x0, s20;
	[sflag:s22] =	ssyncset.done $0x0  }
0xa0: {  	[sflag:s22] =	ssyncadd.s32 s3;
	_ =	sdelay $0x1  }
0xa1: {  	s23 =	simm.s32 $0x1B8B  }
0xa2: {  	_ =	swait.ge [sflag:s23], $0x1  }
0xa3: {  	[sflag:s23] =	ssyncset.done $0x0  }
0xa4: {  	s25 =	simm.s32 $0x1B8E;
	s24 =	sld [smem:$0x3FFE];
	[sflag:s23] =	ssyncadd.s32 $0xFFFFFFFF  }
0xa5: {  	s26 =	simm.s32 $execute0_lowered;
	[smem:$0x3FD2] =	sst s25  }
0xa6: {  	s4 =	sshll.u32 s26, $0x1;
	_ =	strace $0x8000004C;
	[dreg:$0x1] =	wrdreg $0xFFFFFFFF  }
0xa7: {  	s28 =	simm.s32 $_size_execute0_lowered;
	s2 =	sadd.s32 s2, s4;
	[dreg:$0x0] =	wrdreg $0x0  }
0xa8: {  	s4 =	sshll.u32 s28, $0x1;
	[dreg:$0x2] =	wrdreg s2  }
0xa9: {  	[dreg:$0x3] =	wrdreg s4  }
0xaa: {  	[dreg:$0x4] =	wrdreg $0xC0  }
0xab: {  	_ =	task [dreg:s6], $0x5FFFF  }
0xac: {  	[dreg:$0x1] =	wrdreg $0xFFFFFFFF  }
0xad: {  	[dreg:$0x0] =	wrdreg $0x60  }
0xae: {  	[dreg:$0x2] =	wrdreg s24  }
0xaf: {  	[dreg:$0x3] =	wrdreg $0x7AD00  }
0xb0: {  	[dreg:$0x4] =	wrdreg $0x9  }
0xb1: {  	_ =	task.clear_ibuf [dreg:s6], $0x5FFFF;
	_ =	strace $0x9000004C  }
0xb2: {  	s29 =	simm.s32 $0x9;
	_ =	strace $0x8000004E  }
0xb3: {  	_ =	swait.ge [sflag:s29], $0x1  }
0xb4: {  	[sflag:s29] =	ssyncadd.s32 $0xFFFFFFFF  }
0xb5: {  	_ =	strace $0x9000004E  }
0xb6: {  	_ =	sfence  }
0xb7: {  	s30 =	sld [smem:$0x0];
	_ =	sdelay $0x2  }
0xb8: {  	s31 =	sshll.u32 s1, $0xD;
	s1 =	sshrl.u32 s1, $0x2  }
0xb9: {  	s3 =	sand.u32 $0x4000, s31;
	s1 =	sadd.s32 s1, s30  }
0xba: {  	s0 =	sor.u32 s3, s0;
	s1 =	sshll.u32 s1, $0x11  }
0xbb: {  	s0 =	sor.u32 s1, s0  }
0xbc: {  	s0 =	sadd.s32 $0x8F2B, s0  }
0xbd: {  	[sflag:s0] =	ssyncadd.remote.s32 $0x1  }
0xbe: {  	_ =	sfence.sel $0xFFFF  }
0xbf: {  	[dreg:$0x0] =	wrdreg $0xFFFFFFFF;
	(pc) =	sbr.abs _section_cstart, $3  }
0xc0: {  	[dreg:$0x1] =	wrdreg $0xFFFFFFFF  }
0xc1: {  	_ =	task.clear_ibuf [dreg:s6], $0x2FFFF;
	_ =	strace $0x9FFFFFFF  }
0xc2: {  	(tm) =	ssettm $0x7FFFFFFF  }
0xc3: {  	_ =	shalt  }
tec
execute0_lowered:
.L_overlay_start_1:
0x0: {  	(tag) =	ssettag $0x1  }
0x1: {  	s0 =	rddreg [dreg:$0x0]  }
0x2: {  	s1 =	rddreg [dreg:$0x1]  }
0x3: {  	s3 =	simm.s32 $0x0;
	s2 =	srdreg.scid;
	s8 =	stileid.u32  }
0x4: {  	s24 =	simm.s32 $0xF0;
	s25 =	simm.s32 $0x140;
	s26 =	simm.s32 $0xA0  }
0x5: {  	s28 =	simm.s32 $0x50;
	s29 =	simm.s32 $0x1;
	s30 =	simm.s32 $0x8  }
0x6: {  	s31 =	simm.s32 $0x2AD0;
	[smem:$0x7FF] =	sst s3;
	s4 =	sadd.s32 $0x90200, s0  }
0x7: {  	s6 =	smul.u32 $0x4E200, s8;
	s5 =	sadd.s32 $0x5F200, s0;
	s0 =	sadd.s32 $0x301200, s0  }
0x8: {  	s9 =	smul.u32 $0x13880, s8;
	_ =	strace $0x8000004D;
	[dreg:$0x9] =	wrdreg s0  }
0x9: {  	s2 =	sand.u32 $0x1, s2;
	s11 =	smul.u32 $0x4E20, s8;
	[dreg:$0x6] =	wrdreg s24  }
0xa: {  	s8 =	simm.s32 $0x5;
	s10 =	ssub.s32 $0x2, s2;
	[dreg:$0x7] =	wrdreg s25  }
0xb: {  	s2 =	sshll.u32 s2, $0x3;
	s24 =	simm.s32 $0x230;
	[dreg:$0x8] =	wrdreg s26  }
0xc: {  	s25 =	simm.s32 $0x280;
	s26 =	simm.s32 $0x7;
	[dreg:$0xb] =	wrdreg s2  }
0xd: {  	s7 =	sshrl.u32 s10, $0x1;
	[dreg:$0xa] =	wrdreg s9;
	s20 =	sadd.s32 $0xF0, s11  }
0xe: {  	s6 =	sshrl.u32 s6, $0x2;
	s22 =	sadd.s32 $0x140, s11;
	[dreg:$0x3] =	wrdreg s20  }
0xf: {  	s18 =	sshrl.u32 s11, $0x3;
	s23 =	sadd.s32 $0x190, s11;
	[dreg:$0x4] =	wrdreg s22  }
0x10: {  	s6 =	sadd.s32 s6, s1;
	s19 =	sadd.s32 s5, s18;
	[dreg:$0x5] =	wrdreg s23  }
0x11: {  	s9 =	sadd.s32 s9, s1;
	s12 =	sadd.s32 $0x2800, s6;
	[dreg:$0x13] =	wrdreg s19  }
0x12: {  	s2 =	simm.s32 $0x52D0;
	s13 =	sadd.s32 $0x5000, s6;
	[dreg:$0xc] =	wrdreg s12  }
0x13: {  	s0 =	ssub.s32 s10, s7;
	s14 =	sadd.s32 $0x7800, s6;
	[dreg:$0xd] =	wrdreg s13  }
0x14: {  	s22 =	simm.s32 $0xA;
	s15 =	sadd.s32 $0xA000, s6;
	[dreg:$0xe] =	wrdreg s14  }
0x15: {  	s23 =	simm.s32 $0x1E0;
	s16 =	sadd.s32 $0xC800, s6;
	[dreg:$0xf] =	wrdreg s15  }
0x16: {  	s20 =	simm.s32 $0x9;
	s17 =	sadd.s32 $0xF000, s6;
	[dreg:$0x10] =	wrdreg s16  }
0x17: {  	s7 =	simm.s32 $0x4;
	s6 =	sadd.s32 $0x11800, s6;
	[dreg:$0x11] =	wrdreg s17  }
0x18: {  	s10 =	simm.s32 $0x6;
	s21 =	sadd.s32 $0xA, s19;
	[dreg:$0x12] =	wrdreg s6  }
0x19: {  	s0 =	smax.u32 s0, $0x1;
	[dreg:$0x14] =	wrdreg s21;
	s6 =	sadd.s32 $0x14, s19  }
0x1a: {  	[dreg:$0x16] =	wrdreg s0;
	s21 =	simm.s32 $0x2D0;
	s0 =	simm.s32 $0x2  }
0x1b: {  	v0 =	vimm.f32 $0.0e+00;
	s12 =	simm.s32 $0x0;
	[dreg:$0x15] =	wrdreg s6;
	s6 =	simm.s32 $0x3  }
.LBB2_1:
0x1c: {  	[dreg:$0x17] =	wrdreg s12;
	s12 =	simm.s32 $0x0;
	s11 =	simm.s32 $0x200  }
.LBB2_2:
0x1d: {  	p0 =	sne.s32 s11, $0x9E00;
	[tilespmem:s12+$0x340] =	vst v0  }
0x1e: {  	[tilespmem:s12+$0x2D0] =	vst v0  }
0x1f: {  	[tilespmem:s12+$0x2E0] =	vst v0  }
.Ltmp0:
0x20: {  	[tilespmem:s12+$0x2F0] =	vst v0;
	(pc) =	sbr.rel @p0 .LBB2_2-.Ltmp0, $4  }
0x21: {  	[tilespmem:s12+$0x300] =	vst v0  }
0x22: {  	[tilespmem:s12+$0x310] =	vst v0  }
0x23: {  	[tilespmem:s12+$0x320] =	vst v0  }
0x24: {  	[tilespmem:s12+$0x330] =	vst v0;
	s12 =	sshra.s32 s11, $0x2;
	s11 =	sadd.s32 $0x200, s11  }
0x25: {  	[tilespmem:s12+$0x340] =	vst v0  }
0x26: {  	[tilespmem:s12+$0x2D0] =	vst v0  }
0x27: {  	[tilespmem:s12+$0x2E0] =	vst v0  }
0x28: {  	[tilespmem:s12+$0x2F0] =	vst v0  }
0x29: {  	[tilespmem:s12+$0x300] =	vst v0  }
0x2a: {  	[tilespmem:s12+$0x310] =	vst v0  }
0x2b: {  	[tilespmem:s12+$0x320] =	vst v0  }
0x2c: {  	s11 =	simm.s32 $0x0;
	[tilespmem:s12+$0x330] =	vst v0;
	s12 =	simm.s32 $0x0  }
.LBB2_4:
0x2d: {  	[spmem:s9] =	stream.linear.scatter [tilespmem:s21], [sflag:$0xA], $0x2800, $0x38;
	[tilespmem:$0x1B3D0] =	vst v63  }
0x2e: {  	_ =	swait.ge [sflag:s22], $0x2800  }
0x2f: {  	[sflag:s22] =	ssyncset.done $0x0  }
0x30: {  	s13 =	rddreg [dreg:$0xc];
	[sflag:s22] =	ssyncadd.s32 $0xFFFFD800  }
0x31: {  	[spmem:s13] =	stream.linear.scatter [tilespmem:s21], [sflag:$0xA], $0x2800, $0x38;
	[tilespmem:$0x1B3D0] =	vst v63  }
0x32: {  	_ =	swait.ge [sflag:s22], $0x2800  }
0x33: {  	[sflag:s22] =	ssyncset.done $0x0  }
0x34: {  	s15 =	rddreg [dreg:$0xd];
	[sflag:s22] =	ssyncadd.s32 $0xFFFFD800  }
0x35: {  	[spmem:s15] =	stream.linear.scatter [tilespmem:s21], [sflag:$0xA], $0x2800, $0x38;
	[tilespmem:$0x1B3D0] =	vst v63  }
0x36: {  	_ =	swait.ge [sflag:s22], $0x2800  }
0x37: {  	[sflag:s22] =	ssyncset.done $0x0  }
0x38: {  	s16 =	rddreg [dreg:$0xe];
	[sflag:s22] =	ssyncadd.s32 $0xFFFFD800  }
0x39: {  	[spmem:s16] =	stream.linear.scatter [tilespmem:s21], [sflag:$0xA], $0x2800, $0x38;
	[tilespmem:$0x1B3D0] =	vst v63  }
0x3a: {  	_ =	swait.ge [sflag:s22], $0x2800  }
0x3b: {  	[sflag:s22] =	ssyncset.done $0x0  }
0x3c: {  	s17 =	rddreg [dreg:$0xf];
	[sflag:s22] =	ssyncadd.s32 $0xFFFFD800  }
0x3d: {  	[spmem:s17] =	stream.linear.scatter [tilespmem:s21], [sflag:$0xA], $0x2800, $0x38;
	[tilespmem:$0x1B3D0] =	vst v63  }
0x3e: {  	_ =	swait.ge [sflag:s22], $0x2800  }
0x3f: {  	[sflag:s22] =	ssyncset.done $0x0  }
0x40: {  	s18 =	rddreg [dreg:$0x10];
	[sflag:s22] =	ssyncadd.s32 $0xFFFFD800  }
0x41: {  	[spmem:s18] =	stream.linear.scatter [tilespmem:s21], [sflag:$0xA], $0x2800, $0x38;
	[tilespmem:$0x1B3D0] =	vst v63  }
0x42: {  	_ =	swait.ge [sflag:s22], $0x2800  }
0x43: {  	[sflag:s22] =	ssyncset.done $0x0  }
0x44: {  	s19 =	rddreg [dreg:$0x11];
	[sflag:s22] =	ssyncadd.s32 $0xFFFFD800  }
0x45: {  	[spmem:s19] =	stream.linear.scatter [tilespmem:s21], [sflag:$0xA], $0x2800, $0x38;
	[tilespmem:$0x1B3D0] =	vst v63  }
0x46: {  	_ =	swait.ge [sflag:s22], $0x2800  }
0x47: {  	[sflag:s22] =	ssyncset.done $0x0  }
0x48: {  	s14 =	rddreg [dreg:$0x12];
	[sflag:s22] =	ssyncadd.s32 $0xFFFFD800  }
0x49: {  	[spmem:s14] =	stream.linear.scatter [tilespmem:s21], [sflag:$0xA], $0x2080, $0x38;
	[tilespmem:$0x1B3D0] =	vst v63  }
0x4a: {  	_ =	swait.ge [sflag:s22], $0x2080  }
0x4b: {  	[sflag:s22] =	ssyncset.done $0x0  }
0x4c: {  	[sflag:s22] =	ssyncadd.s32 $0xFFFFDF80  }
0x4d: {  	[bflag:$0x0] =	sbarrier.arrive $0xFFFF  }
0x4e: {  	s15 =	rddreg [dreg:$0x13]  }
0x4f: {  	[tilespmem:s23], [sflag:$0x7] =	stream.linear.gather [hbm4b:s15+s11], $0x50, $0x38;
	[tilespmem:$0x1B3D0] =	vst v63  }
0x50: {  	p0 =	por $0x1, $0x1;
	s16 =	rddreg [dreg:$0x14]  }
0x51: {  	[tilespmem:s24], [sflag:$0x8] =	stream.linear.gather [hbm4b:s16+s11], $0x50, $0x38;
	[tilespmem:$0x1B3D0] =	vst v63  }
0x52: {  	s13 =	simm.s32 @!p0 $0x3;
	s17 =	rddreg [dreg:$0x15]  }
0x53: {  	[tilespmem:s25], [sflag:$0x9] =	stream.linear.gather [hbm4b:s17+s11], $0x50, $0x38;
	[tilespmem:$0x1B3D0] =	vst v63  }
0x54: {  	_ =	swait.ge @!p0 [sflag:s13], $0x2800  }
0x55: {  	s14 =	simm.s32 @!p0 $0x50;
	[sflag:s13] =	ssyncset.done @!p0 $0x0  }
0x56: {  	s15 =	simm.s32 @!p0 $0x190;
	[sflag:s13] =	ssyncadd.s32 @!p0 $0xFFFFD800;
	s13 =	simm.s32 @!p0 $0x52D0  }
0x57: {  	[spmem:s1] =	stream.indirect.scatter.add.f32 @!p0 [tilespmem:s13], [sflag:$0x6], $0x80, s15, s14, $0xb8;
	[tilespmem:$0x1B3D0] =	vst v63  }
0x58: {  	_ =	swait.ge [sflag:s26], $0x50  }
0x59: {  	[sflag:s26] =	ssyncset.done $0x0  }
0x5a: {  	s13 =	simm.s32 @!p0 $0x4;
	[sflag:s26] =	ssyncadd.s32 $0xFFFFFFB0  }
0x5b: {  	_ =	swait.ge @!p0 [sflag:s13], $0x2800  }
0x5c: {  	[sflag:s13] =	ssyncset.done @!p0 $0x0  }
0x5d: {  	[sflag:s13] =	ssyncadd.s32 @!p0 $0xFFFFD800  }
0x5e: {  	v2 =	vld [tilespmem:$0x210]  }
0x5f: {  	v4 =	vld [tilespmem:$0x1F0]  }
0x60: {  	v3 =	vld [tilespmem:$0x200]  }
0x61: {  	s18 =	rddreg [dreg:$0xb]  }
0x62: {  	s13 =	sadd.s32 s18, s12  }
0x63: {  	s19 =	smul.u32 $0x2710, s13;
	v7 =	vld [tilespmem:$0x1E0];
	v5 =	vand.u32 $0x3FFF, v2  }
0x64: {  	v8 =	vand.u32 $0x3FFF, v4;
	[tilespmem:$0x120] =	vst v5  }
0x65: {  	v52 =	vld [tilespmem:$0x220];
	v1 =	vmov s19;
	v6 =	vshra.s32 v3, $0xE;
	v3 =	vand.u32 $0x3FFF, v3;
	[tilespmem:$0x100] =	vst v8  }
0x66: {  	v2 =	vshra.s32 v2, $0xE;
	v51 =	vadd.s32 v1, v6;
	[tilespmem:$0x110] =	vst v3  }
0x67: {  	v2 =	vadd.s32 v1, v2;
	[tilespmem:$0x20] =	vst v51  }
0x68: {  	v4 =	vshra.s32 v4, $0xE;
	v3 =	vand.u32 $0x3FFF, v7;
	[tilespmem:$0x30] =	vst v2  }
0x69: {  	v2 =	vadd.s32 v1, v4;
	[tilespmem:$0xF0] =	vst v3  }
0x6a: {  	v53 =	vshra.s32 v7, $0xE;
	v3 =	vand.u32 $0x3FFF, v52;
	[tilespmem:$0x10] =	vst v2  }
0x6b: {  	s16 =	smin.u32 s11, $0x4CE0;
	s15 =	rddreg [dreg:$0x3];
	v2 =	vshra.s32 v52, $0xE;
	[tilespmem:$0x130] =	vst v3;
	v3 =	vadd.s32 v1, v53  }
0x6c: {  	s14 =	sadd.s32 s16, s15;
	v2 =	vadd.s32 v1, v2;
	[tilespmem:$0x0] =	vst v3  }
0x6d: {  	s14 =	sshrl.u32 s14, $0x3;
	[tilespmem:$0x40] =	vst v2  }
0x6e: {  	[tilespmem:s21], [sflag:$0x1] =	stream.indirect.gather [hbm4b:s4+s28], $0x80, s3, s28, $0xb8;
	[tilespmem:$0x1B3D0] =	vst v63  }
0x6f: {  	s14 =	sadd.s32 s5, s14  }
0x70: {  	[tilespmem:s23], [sflag:$0x7] =	stream.linear.gather [hbm4b:s14+s3], $0x50, $0x38;
	[tilespmem:$0x1B3D0] =	vst v63  }
0x71: {  	_ =	swait.ge [sflag:s29], $0x2800  }
0x72: {  	[sflag:s29] =	ssyncset.done $0x0  }
0x73: {  	s17 =	rddreg [dreg:$0x6];
	[sflag:s29] =	ssyncadd.s32 $0xFFFFD800  }
0x74: {  	[spmem:s1] =	stream.indirect.scatter.add.f32 [tilespmem:s21], [sflag:$0x4], $0x80, s17, s28, $0xb8;
	[tilespmem:$0x1B3D0] =	vst v63  }
0x75: {  	_ =	swait.ge [sflag:s30], $0x50  }
0x76: {  	[sflag:s30] =	ssyncset.done $0x0  }
0x77: {  	s14 =	simm.s32 @!p0 $0x5;
	[sflag:s30] =	ssyncadd.s32 $0xFFFFFFB0  }
0x78: {  	_ =	swait.ge @!p0 [sflag:s14], $0x2800  }
0x79: {  	[sflag:s14] =	ssyncset.done @!p0 $0x0  }
0x7a: {  	[sflag:s14] =	ssyncadd.s32 @!p0 $0xFFFFD800  }
0x7b: {  	v2 =	vld [tilespmem:$0x250]  }
0x7c: {  	v3 =	vld [tilespmem:$0x260];
	_ =	sdelay $0x1  }
0x7d: {  	v54 =	vld [tilespmem:$0x240];
	_ =	sdelay $0x1  }
0x7e: {  	p1 =	por $0x1, $0x1;
	v57 =	vld [tilespmem:$0x270];
	v56 =	vand.u32 $0x3FFF, v2  }
0x7f: {  	p3 =	por $0x1, $0x1;
	v55 =	vld [tilespmem:$0x230];
	v58 =	vand.u32 $0x3FFF, v3;
	v6 =	vpsel !p1, $0x2710, v56  }
0x80: {  	v2 =	vshra.s32 v2, $0xE;
	v59 =	vpsel !p3, $0x2710, v58;
	[tilespmem:$0x160] =	vst v6  }
0x81: {  	v60 =	vshra.s32 v54, $0xE;
	v2 =	vadd.s32 v1, v2;
	[tilespmem:$0x170] =	vst v59  }
0x82: {  	v3 =	vshra.s32 v3, $0xE;
	v61 =	vadd.s32 v1, v60;
	[tilespmem:$0x70] =	vst v2  }
0x83: {  	p5 =	por $0x1, $0x1;
	v62 =	vand.u32 $0x3FFF, v57;
	v2 =	vadd.s32 v1, v3;
	[tilespmem:$0x60] =	vst v61  }
0x84: {  	p4 =	por $0x1, $0x1;
	v3 =	vand.u32 $0x3FFF, v55;
	v6 =	vpsel !p5, $0x2710, v62;
	[tilespmem:$0x80] =	vst v2  }
0x85: {  	s19 =	smin.u32 s11, $0x4C90;
	s18 =	rddreg [dreg:$0x4];
	v3 =	vpsel !p4, $0x2710, v3;
	v2 =	vshra.s32 v57, $0xE;
	[tilespmem:$0x180] =	vst v6  }
0x86: {  	p6 =	por $0x1, $0x1;
	s14 =	sadd.s32 s19, s18;
	[tilespmem:$0x140] =	vst v3;
	v3 =	vand.u32 $0x3FFF, v54;
	v2 =	vadd.s32 v1, v2  }
0x87: {  	s14 =	sshrl.u32 s14, $0x3;
	v63 =	vshra.s32 v55, $0xE;
	v3 =	vpsel !p6, $0x2710, v3;
	[tilespmem:$0x90] =	vst v2  }
0x88: {  	s15 =	simm.s32 $0xF0;
	s17 =	sadd.s32 s5, s14;
	s14 =	simm.s32 $0x0;
	v2 =	vadd.s32 v1, v63;
	[tilespmem:$0x150] =	vst v3  }
.LBB2_5:
0x89: {  	[tilespmem:$0x50] =	vst v2  }
0x8a: {  	[tilespmem:s31], [sflag:$0x2] =	stream.indirect.gather [hbm4b:s4+s28], $0x80, s28, s28, $0xb8;
	[tilespmem:$0x1B3D0] =	vst v63  }
0x8b: {  	_ = 	snop  }
0x8c: {  	[tilespmem:s24], [sflag:$0x8] =	stream.linear.gather [hbm4b:s17+s3], $0x50, $0x38;
	[tilespmem:$0x1B3D0] =	vst v63  }
0x8d: {  	_ =	swait.ge [sflag:s0], $0x2800  }
0x8e: {  	[sflag:s0] =	ssyncset.done $0x0  }
0x8f: {  	s18 =	rddreg [dreg:$0x7];
	[sflag:s0] =	ssyncadd.s32 $0xFFFFD800  }
0x90: {  	[spmem:s1] =	stream.indirect.scatter.add.f32 [tilespmem:s31], [sflag:$0x5], $0x80, s18, s28, $0xb8;
	[tilespmem:$0x1B3D0] =	vst v63  }
0x91: {  	_ =	swait.ge [sflag:s20], $0x50  }
0x92: {  	[sflag:s20] =	ssyncset.done $0x0  }
0x93: {  	s17 =	simm.s32 @!p0 $0x6;
	[sflag:s20] =	ssyncadd.s32 $0xFFFFFFB0  }
0x94: {  	_ =	swait.ge @!p0 [sflag:s17], $0x2800  }
0x95: {  	[sflag:s17] =	ssyncset.done @!p0 $0x0  }
0x96: {  	[sflag:s17] =	ssyncadd.s32 @!p0 $0xFFFFD800  }
0x97: {  	v2 =	vld [tilespmem:$0x280]  }
0x98: {  	v3 =	vld [tilespmem:$0x290]  }
0x99: {  	v4 =	vld [tilespmem:$0x2A0];
	_ =	sdelay $0x1  }
0x9a: {  	s19 =	smin.u32 s14, $0x4C40;
	s18 =	rddreg [dreg:$0x5];
	v6 =	vld [tilespmem:$0x2C0]  }
0x9b: {  	s17 =	sadd.s32 s19, s18;
	s19 =	sadd.s32 $0xB0, s14;
	v7 =	vshra.s32 v2, $0xE  }
0x9c: {  	s18 =	sadd.s32 $0xA0, s14;
	p3 =	slt.u32 s19, $0x4E20;
	s19 =	sadd.s32 $0xC0, s14;
	v8 =	vshra.s32 v3, $0xE;
	v3 =	vand.u32 $0x3FFF, v3;
	v7 =	vadd.s32 v1, v7  }
0x9d: {  	v5 =	vld [tilespmem:$0x2B0];
	p4 =	slt.u32 s19, $0x4E20;
	v46 =	vshra.s32 v4, $0xE;
	v4 =	vand.u32 $0x3FFF, v4;
	v3 =	vpsel !p3, $0x2710, v3;
	[tilespmem:$0xA0] =	vst v7  }
0x9e: {  	p5 =	slt.u32 s18, $0x4E20;
	v2 =	vand.u32 $0x3FFF, v2;
	v4 =	vpsel !p4, $0x2710, v4;
	[tilespmem:$0x1A0] =	vst v3  }
0x9f: {  	v48 =	vshra.s32 v6, $0xE;
	v2 =	vpsel !p5, $0x2710, v2;
	[tilespmem:$0x1B0] =	vst v4  }
0xa0: {  	v49 =	vadd.s32 v1, v48;
	[tilespmem:$0x190] =	vst v2  }
0xa1: {  	v8 =	vadd.s32 v1, v8;
	[tilespmem:$0xE0] =	vst v49  }
0xa2: {  	s19 =	sadd.s32 $0xD0, s14;
	s14 =	sadd.s32 $0xE0, s14;
	v47 =	vshra.s32 v5, $0xE;
	v3 =	vadd.s32 v1, v46;
	[tilespmem:$0xB0] =	vst v8  }
0xa3: {  	v6 =	vand.u32 $0x3FFF, v6;
	p3 =	slt.u32 s14, $0x4E20;
	[tilespmem:$0xC0] =	vst v3;
	v3 =	vadd.s32 v1, v47  }
0xa4: {  	s16 =	smov.u32 s15;
	p2 =	slt.u32 s19, $0x4E20;
	v50 =	vpsel !p3, $0x2710, v6;
	[tilespmem:$0xD0] =	vst v3;
	v3 =	vand.u32 $0x3FFF, v5  }
0xa5: {  	s14 =	smov.u32 s16;
	[tilespmem:$0x1D0] =	vst v50;
	v3 =	vpsel !p2, $0x2710, v3  }
0xa6: {  	s17 =	sshrl.u32 s17, $0x3;
	s16 =	rddreg [dreg:$0x8];
	p0 =	seq.s32 s14, $0x0;
	[tilespmem:$0x1C0] =	vst v3  }
0xa7: {  	[tilespmem:s2], [sflag:$0x3] =	stream.indirect.gather [hbm4b:s4+s28], $0x80, s16, s28, $0xb8;
	[tilespmem:$0x1B3D0] =	vst v63  }
0xa8: {  	s17 =	sadd.s32 s5, s17;
	s16 =	simm.s32 @!p0 $0x3  }
0xa9: {  	[tilespmem:s25], [sflag:$0x9] =	stream.linear.gather [hbm4b:s17+s3], $0x50, $0x38;
	[tilespmem:$0x1B3D0] =	vst v63  }
0xaa: {  	_ =	swait.ge @!p0 [sflag:s16], $0x2800  }
0xab: {  	s18 =	simm.s32 @!p0 $0x50;
	[sflag:s16] =	ssyncset.done @!p0 $0x0  }
0xac: {  	s19 =	simm.s32 @!p0 $0x190;
	[sflag:s16] =	ssyncadd.s32 @!p0 $0xFFFFD800;
	s16 =	simm.s32 @!p0 $0x52D0  }
0xad: {  	[spmem:s1] =	stream.indirect.scatter.add.f32 @!p0 [tilespmem:s16], [sflag:$0x6], $0x80, s19, s18, $0xb8;
	[tilespmem:$0x1B3D0] =	vst v63  }
0xae: {  	_ =	swait.ge [sflag:s26], $0x50  }
0xaf: {  	[sflag:s26] =	ssyncset.done $0x0  }
0xb0: {  	s16 =	simm.s32 @!p0 $0x4;
	[sflag:s26] =	ssyncadd.s32 $0xFFFFFFB0  }
0xb1: {  	_ =	swait.ge @!p0 [sflag:s16], $0x2800  }
0xb2: {  	[sflag:s16] =	ssyncset.done @!p0 $0x0  }
0xb3: {  	[sflag:s16] =	ssyncadd.s32 @!p0 $0xFFFFD800  }
0xb4: {  	v2 =	vld [tilespmem:$0x210]  }
0xb5: {  	v51 =	vld [tilespmem:$0x1F0]  }
0xb6: {  	v3 =	vld [tilespmem:$0x200];
	_ =	sdelay $0x2  }
0xb7: {  	v53 =	vshra.s32 v2, $0xE;
	v2 =	vand.u32 $0x3FFF, v2  }
0xb8: {  	v54 =	vld [tilespmem:$0x1E0];
	v4 =	vand.u32 $0x3FFF, v51;
	[tilespmem:$0x120] =	vst v2  }
0xb9: {  	v56 =	vld [tilespmem:$0x220];
	v52 =	vshra.s32 v3, $0xE;
	v3 =	vand.u32 $0x3FFF, v3;
	[tilespmem:$0x100] =	vst v4  }
0xba: {  	v2 =	vadd.s32 v1, v52;
	[tilespmem:$0x110] =	vst v3  }
0xbb: {  	v55 =	vshra.s32 v51, $0xE;
	v6 =	vadd.s32 v1, v53;
	[tilespmem:$0x20] =	vst v2  }
0xbc: {  	v57 =	vadd.s32 v1, v55;
	[tilespmem:$0x30] =	vst v6  }
0xbd: {  	v3 =	vand.u32 $0x3FFF, v54;
	[tilespmem:$0x10] =	vst v57  }
0xbe: {  	v4 =	vand.u32 $0x3FFF, v56;
	[tilespmem:$0xF0] =	vst v3;
	v3 =	vshra.s32 v56, $0xE  }
0xbf: {  	s19 =	smin.u32 s14, $0x4CE0;
	s18 =	rddreg [dreg:$0x3];
	v2 =	vshra.s32 v54, $0xE;
	[tilespmem:$0x130] =	vst v4;
	v3 =	vadd.s32 v1, v3  }
0xc0: {  	s16 =	sadd.s32 s19, s18;
	v2 =	vadd.s32 v1, v2;
	[tilespmem:$0x40] =	vst v3  }
0xc1: {  	s16 =	sshrl.u32 s16, $0x3;
	[tilespmem:$0x0] =	vst v2  }
0xc2: {  	[tilespmem:s21], [sflag:$0x1] =	stream.indirect.gather [hbm4b:s4+s28], $0x80, s3, s28, $0xb8;
	[tilespmem:$0x1B3D0] =	vst v63  }
0xc3: {  	s16 =	sadd.s32 s5, s16  }
0xc4: {  	[tilespmem:s23], [sflag:$0x7] =	stream.linear.gather [hbm4b:s16+s3], $0x50, $0x38;
	[tilespmem:$0x1B3D0] =	vst v63  }
0xc5: {  	_ =	swait.ge [sflag:s29], $0x2800  }
0xc6: {  	[sflag:s29] =	ssyncset.done $0x0  }
0xc7: {  	s18 =	rddreg [dreg:$0x6];
	[sflag:s29] =	ssyncadd.s32 $0xFFFFD800  }
0xc8: {  	[spmem:s1] =	stream.indirect.scatter.add.f32 [tilespmem:s21], [sflag:$0x4], $0x80, s18, s28, $0xb8;
	[tilespmem:$0x1B3D0] =	vst v63  }
0xc9: {  	_ =	swait.ge [sflag:s30], $0x50  }
0xca: {  	[sflag:s30] =	ssyncset.done $0x0  }
0xcb: {  	s16 =	simm.s32 @!p0 $0x5;
	[sflag:s30] =	ssyncadd.s32 $0xFFFFFFB0  }
0xcc: {  	_ =	swait.ge @!p0 [sflag:s16], $0x2800  }
0xcd: {  	[sflag:s16] =	ssyncset.done @!p0 $0x0  }
0xce: {  	[sflag:s16] =	ssyncadd.s32 @!p0 $0xFFFFD800  }
0xcf: {  	v2 =	vld [tilespmem:$0x250];
	_ =	sdelay $0x1  }
0xd0: {  	v59 =	vld [tilespmem:$0x240]  }
0xd1: {  	s18 =	smin.u32 s14, $0x4C90;
	s19 =	rddreg [dreg:$0x4];
	v3 =	vld [tilespmem:$0x260]  }
0xd2: {  	s16 =	sadd.s32 s18, s19;
	s19 =	sadd.s32 $0x70, s14;
	v60 =	vld [tilespmem:$0x230]  }
0xd3: {  	v58 =	vld [tilespmem:$0x270];
	p6 =	slt.u32 s19, $0x4E20;
	v61 =	vshra.s32 v2, $0xE;
	v2 =	vand.u32 $0x3FFF, v2  }
0xd4: {  	v2 =	vpsel !p6, $0x2710, v2  }
0xd5: {  	v9 =	vshra.s32 v59, $0xE;
	v7 =	vadd.s32 v1, v61;
	[tilespmem:$0x160] =	vst v2  }
0xd6: {  	s15 =	sadd.s32 $0xF0, s15;
	s18 =	sadd.s32 $0x80, s14;
	s19 =	sadd.s32 $0x50, s14;
	v62 =	vshra.s32 v3, $0xE;
	v9 =	vadd.s32 v1, v9;
	[tilespmem:$0x70] =	vst v7  }
0xd7: {  	p3 =	slt.u32 s18, $0x4E20;
	s18 =	sadd.s32 $0x90, s14;
	p4 =	slt.u32 s19, $0x4E20;
	v6 =	vand.u32 $0x3FFF, v60;
	v8 =	vadd.s32 v1, v62;
	[tilespmem:$0x60] =	vst v9  }
0xd8: {  	p1 =	sne.s32 s15, $0x4EC0;
	p5 =	slt.u32 s18, $0x4E20;
	v4 =	vand.u32 $0x3FFF, v58;
	v6 =	vpsel !p4, $0x2710, v6;
	[tilespmem:$0x80] =	vst v8  }
.Ltmp1:
0xd9: {  	s19 =	sadd.s32 $0x60, s14;
	v3 =	vand.u32 $0x3FFF, v3;
	v4 =	vpsel !p5, $0x2710, v4;
	[tilespmem:$0x140] =	vst v6;
	(pc) =	sbr.rel @p1 .LBB2_5-.Ltmp1, $4  }
0xda: {  	v5 =	vand.u32 $0x3FFF, v59;
	p6 =	slt.u32 s19, $0x4E20;
	v2 =	vpsel !p3, $0x2710, v3;
	[tilespmem:$0x180] =	vst v4  }
0xdb: {  	v3 =	vshra.s32 v58, $0xE;
	v63 =	vpsel !p6, $0x2710, v5;
	[tilespmem:$0x170] =	vst v2  }
0xdc: {  	s16 =	sshrl.u32 s16, $0x3;
	v2 =	vshra.s32 v60, $0xE;
	v3 =	vadd.s32 v1, v3;
	[tilespmem:$0x150] =	vst v63  }
0xdd: {  	s17 =	sadd.s32 s5, s16;
	v2 =	vadd.s32 v1, v2;
	[tilespmem:$0x90] =	vst v3  }
0xde: {  	[tilespmem:$0x50] =	vst v2  }
0xdf: {  	[tilespmem:s31], [sflag:$0x2] =	stream.indirect.gather [hbm4b:s4+s28], $0x80, s28, s28, $0xb8;
	[tilespmem:$0x1B3D0] =	vst v63  }
0xe0: {  	_ = 	snop  }
0xe1: {  	[tilespmem:s24], [sflag:$0x8] =	stream.linear.gather [hbm4b:s17+s3], $0x50, $0x38;
	[tilespmem:$0x1B3D0] =	vst v63  }
0xe2: {  	_ =	swait.ge [sflag:s0], $0x2800  }
0xe3: {  	[sflag:s0] =	ssyncset.done $0x0  }
0xe4: {  	s15 =	rddreg [dreg:$0x7];
	[sflag:s0] =	ssyncadd.s32 $0xFFFFD800  }
0xe5: {  	[spmem:s1] =	stream.indirect.scatter.add.f32 [tilespmem:s31], [sflag:$0x5], $0x80, s15, s28, $0xb8;
	[tilespmem:$0x1B3D0] =	vst v63  }
0xe6: {  	_ =	swait.ge [sflag:s20], $0x50  }
0xe7: {  	[sflag:s20] =	ssyncset.done $0x0  }
0xe8: {  	s15 =	simm.s32 @!p0 $0x6;
	[sflag:s20] =	ssyncadd.s32 $0xFFFFFFB0  }
0xe9: {  	_ =	swait.ge @!p0 [sflag:s15], $0x2800  }
0xea: {  	[sflag:s15] =	ssyncset.done @!p0 $0x0  }
0xeb: {  	[sflag:s15] =	ssyncadd.s32 @!p0 $0xFFFFD800  }
0xec: {  	v2 =	vld [tilespmem:$0x280]  }
0xed: {  	v3 =	vld [tilespmem:$0x290]  }
0xee: {  	v4 =	vld [tilespmem:$0x2A0]  }
0xef: {  	v5 =	vld [tilespmem:$0x2B0];
	_ =	sdelay $0x1  }
0xf0: {  	s17 =	sadd.s32 $0xB0, s14;
	v6 =	vshra.s32 v2, $0xE  }
0xf1: {  	p3 =	slt.u32 s17, $0x4E20;
	v7 =	vand.u32 $0x3FFF, v3;
	v6 =	vadd.s32 v1, v6  }
0xf2: {  	v8 =	vld [tilespmem:$0x2C0];
	v58 =	vshra.s32 v4, $0xE;
	v57 =	vpsel !p3, $0x2710, v7;
	[tilespmem:$0xA0] =	vst v6  }
0xf3: {  	s18 =	sadd.s32 $0xC0, s14;
	v60 =	vshra.s32 v5, $0xE;
	v59 =	vadd.s32 v1, v58;
	[tilespmem:$0x1A0] =	vst v57  }
0xf4: {  	s19 =	sadd.s32 $0xA0, s14;
	p4 =	slt.u32 s18, $0x4E20;
	v4 =	vand.u32 $0x3FFF, v4;
	v61 =	vadd.s32 v1, v60;
	[tilespmem:$0xC0] =	vst v59  }
0xf5: {  	s16 =	sadd.s32 $0xD0, s14;
	p5 =	slt.u32 s19, $0x4E20;
	v2 =	vand.u32 $0x3FFF, v2;
	v4 =	vpsel !p4, $0x2710, v4;
	[tilespmem:$0xD0] =	vst v61  }
0xf6: {  	p1 =	slt.u32 s16, $0x4E20;
	v5 =	vand.u32 $0x3FFF, v5;
	v2 =	vpsel !p5, $0x2710, v2;
	[tilespmem:$0x1B0] =	vst v4  }
0xf7: {  	s17 =	sadd.s32 $0xE0, s14;
	v62 =	vshra.s32 v8, $0xE;
	v5 =	vpsel !p1, $0x2710, v5;
	[tilespmem:$0x190] =	vst v2  }
0xf8: {  	p6 =	slt.u32 s17, $0x4E20;
	v63 =	vand.u32 $0x3FFF, v8;
	v2 =	vadd.s32 v1, v62;
	[tilespmem:$0x1C0] =	vst v5  }
0xf9: {  	s18 =	smin.u32 s14, $0x4C40;
	s15 =	rddreg [dreg:$0x5];
	v3 =	vshra.s32 v3, $0xE;
	v4 =	vpsel !p6, $0x2710, v63;
	[tilespmem:$0xE0] =	vst v2  }
0xfa: {  	s14 =	sadd.s32 s18, s15;
	v1 =	vadd.s32 v1, v3;
	[tilespmem:$0x1D0] =	vst v4  }
0xfb: {  	s19 =	rddreg [dreg:$0x8];
	s14 =	sshrl.u32 s14, $0x3;
	[tilespmem:$0xB0] =	vst v1  }
0xfc: {  	[tilespmem:s2], [sflag:$0x3] =	stream.indirect.gather [hbm4b:s4+s28], $0x80, s19, s28, $0xb8;
	[tilespmem:$0x1B3D0] =	vst v63  }
0xfd: {  	s14 =	sadd.s32 s5, s14  }
0xfe: {  	[tilespmem:s25], [sflag:$0x9] =	stream.linear.gather [hbm4b:s14+s3], $0x50, $0x38;
	[tilespmem:$0x1B3D0] =	vst v63  }
0xff: {  	_ =	swait.ge [sflag:s6], $0x2800  }
0x100: {  	[sflag:s6] =	ssyncset.done $0x0  }
0x101: {  	s15 =	simm.s32 $0x190;
	[sflag:s6] =	ssyncadd.s32 $0xFFFFD800  }
0x102: {  	[spmem:s1] =	stream.indirect.scatter.add.f32 [tilespmem:s2], [sflag:$0x6], $0x80, s15, s28, $0xb8;
	[tilespmem:$0x1B3D0] =	vst v63  }
0x103: {  	_ =	swait.ge [sflag:s7], $0x2800  }
0x104: {  	[sflag:s7] =	ssyncset.done $0x0  }
0x105: {  	[sflag:s7] =	ssyncadd.s32 $0xFFFFD800  }
0x106: {  	_ =	swait.ge [sflag:s8], $0x2800  }
0x107: {  	[sflag:s8] =	ssyncset.done $0x0  }
0x108: {  	[sflag:s8] =	ssyncadd.s32 $0xFFFFD800  }
0x109: {  	_ =	swait.ge [sflag:s10], $0x2800  }
0x10a: {  	[sflag:s10] =	ssyncset.done $0x0  }
0x10b: {  	[sflag:s10] =	ssyncadd.s32 $0xFFFFD800  }
0x10c: {  	_ =	swait.ge [sflag:s26], $0x50  }
0x10d: {  	[sflag:s26] =	ssyncset.done $0x0  }
0x10e: {  	[sflag:s26] =	ssyncadd.s32 $0xFFFFFFB0  }
0x10f: {  	_ =	swait.ge [sflag:s30], $0x50  }
0x110: {  	[sflag:s30] =	ssyncset.done $0x0  }
0x111: {  	[sflag:s30] =	ssyncadd.s32 $0xFFFFFFB0  }
0x112: {  	_ =	swait.ge [sflag:s20], $0x50  }
0x113: {  	s13 =	smul.u32 $0x138800, s13;
	[sflag:s20] =	ssyncset.done $0x0  }
0x114: {  	s16 =	rddreg [dreg:$0xa];
	[sflag:s20] =	ssyncadd.s32 $0xFFFFFFB0  }
0x115: {  	s17 =	stileid.u32;
	s13 =	sadd.s32 s16, s13;
	[bflag:$0x0] =	sbarrier.arrive $0xFFFF  }
0x116: {  	s14 =	sshll.u32 s17, $0x6;
	s13 =	sshrl.u32 s13, $0x3;
	s18 =	rddreg [dreg:$0x9]  }
0x117: {  	s19 =	sshrl.u32 s9, $0x3;
	s14 =	sor.u32 $0x1C0A, s14;
	s13 =	sadd.s32 s18, s13  }
0x118: {  	[hbm:s13], [sflag:s14] =	dma.local [spmem:s19], $0x2710  }
0x119: {  	_ =	swait.ge [sflag:s22], $0x2710  }
0x11a: {  	[sflag:s22] =	ssyncset.done $0x0  }
0x11b: {  	s13 =	simm.s32 $0x0;
	s14 =	simm.s32 $0x200;
	[sflag:s22] =	ssyncadd.s32 $0xFFFFD8F0  }
.LBB2_7:
0x11c: {  	p0 =	sne.s32 s14, $0x9E00;
	[tilespmem:s13+$0x340] =	vst v0  }
0x11d: {  	[tilespmem:s13+$0x2D0] =	vst v0  }
0x11e: {  	[tilespmem:s13+$0x2E0] =	vst v0  }
.Ltmp2:
0x11f: {  	[tilespmem:s13+$0x2F0] =	vst v0;
	(pc) =	sbr.rel @p0 .LBB2_7-.Ltmp2, $4  }
0x120: {  	[tilespmem:s13+$0x300] =	vst v0  }
0x121: {  	[tilespmem:s13+$0x310] =	vst v0  }
0x122: {  	[tilespmem:s13+$0x320] =	vst v0  }
0x123: {  	[tilespmem:s13+$0x330] =	vst v0;
	s13 =	sshra.s32 s14, $0x2;
	s14 =	sadd.s32 $0x200, s14  }
0x124: {  	[tilespmem:s13+$0x340] =	vst v0  }
0x125: {  	[tilespmem:s13+$0x2D0] =	vst v0;
	s12 =	sadd.s32 $0x1, s12  }
0x126: {  	[tilespmem:s13+$0x2E0] =	vst v0;
	p0 =	sne.s32 s12, $0x8  }
.Ltmp3:
0x127: {  	[tilespmem:s13+$0x2F0] =	vst v0;
	(pc) =	sbr.rel @p0 .LBB2_4-.Ltmp3, $4  }
0x128: {  	[tilespmem:s13+$0x300] =	vst v0  }
0x129: {  	[tilespmem:s13+$0x310] =	vst v0  }
0x12a: {  	[tilespmem:s13+$0x320] =	vst v0  }
0x12b: {  	[tilespmem:s13+$0x330] =	vst v0  }
0x12c: {  	s12 =	rddreg [dreg:$0x17]  }
0x12d: {  	s11 =	rddreg [dreg:$0x16];
	s12 =	sadd.s32 $0x1, s12  }
0x12e: {  	p0 =	sne.s32 s12, s11  }
.Ltmp4:
0x12f: {  	_ = 	snop;
	(pc) =	sbr.rel @p0 .LBB2_1-.Ltmp4, $1  }
0x130: {  	_ =	sdelay $0x3  }
0x131: {  	_ =	sfence.sel $0x180000  }
0x132: {  	[bflag:$0x0] =	sbarrier.arrive $0xFFFF  }
0x133: {  	_ =	strace $0x9000004D  }
0x134: {  	s0 =	stileid.u32;
	[bflag:$0x2] =	sbarrier.arrive $0xFFFF  }
0x135: {  	p0 =	sne.s32 s0, $0x0;
	s0 =	rddreg [dreg:$0x2]  }
0x136: {  	s0 =	sadd.s32 @!p0 $0x100000, s0  }
0x137: {  	[sflag:s0] =	ssyncadd.tile.s32 @!p0 $0x1;
	_ =	shalt  }
.Lfunc_end2:
_tile_overlayer_lowered:
.L_overlay_start_2:
0x138: {  	(tag) =	ssettag $0x2  }
0x139: {  	s0 =	rddreg [dreg:$0x0];
	s2 =	stileid.u32  }
0x13a: {  	s1 =	rddreg [dreg:$0x1];
	p0 =	sne.s32 s2, $0x0  }
0x13b: {  	s3 =	rddreg [dreg:$0x2];
	[bflag:$0x3] =	sbarrier.arrive $0xFFFF;
	s2 =	simm.s32 @!p0 $0x1C0A  }
0x13c: {  	[timem:s3], [sflag:s2] =	dma.local @!p0 [hbm:s0], s1  }
0x13d: {  	s0 =	simm.s32 @!p0 $0xA  }
0x13e: {  	_ =	swait.ge @!p0 [sflag:s0], s1  }
0x13f: {  	s1 =	ssub.s32 @!p0 $0x0, s1;
	[sflag:s0] =	ssyncset.done @!p0 $0x0  }
0x140: {  	[sflag:s0] =	ssyncadd.s32 @!p0 s1  }
0x141: {  	[bflag:$0x3] =	sbarrier.arrive $0xFFFF  }
0x142: {  	_ =	shalt  }

// kernel: kernel.7.cloned.1.call-start
scs
__scs_entry_jumppad:
0x0: {  	(pc) =	sbr.rel $0x88, $3  }
0x1: {  	(tag) =	ssettag $0x0;
	lr =	simm.s32 $0x1  }
0x2: {  	[smem:$0x3F93] =	sst lr;
	_ =	strace $0xD0000000  }
0x3: {  	_ = 	snop  }
0x4: {  	_ = 	snop  }
0x5: {  	_ = 	snop  }
0x6: {  	_ = 	snop  }
0x7: {  	_ = 	snop  }
__scs_overlays_trampoline_lowered:
0x8: {  	[smem:$0x3FA2] =	sst s0  }
0x9: {  	[smem:$0x3FA3] =	sst s1  }
0xa: {  	[smem:$0x3FA4] =	sst s2  }
0xb: {  	[smem:$0x3FA5] =	sst s3  }
0xc: {  	[smem:$0x3FA6] =	sst s4  }
0xd: {  	[smem:$0x3FA7] =	sst s5  }
0xe: {  	[smem:$0x3FA8] =	sst s6  }
0xf: {  	[smem:$0x3FA9] =	sst s7  }
0x10: {  	[smem:$0x3FAA] =	sst s8  }
0x11: {  	[smem:$0x3FAB] =	sst s9;
	s0 =	simm.s32 @!p0 $0x0  }
0x12: {  	s1 =	sld [smem:$0x3F91];
	s0 =	simm.s32 @p0 $0x1  }
0x13: {  	[smem:$0x3FAC] =	sst s0;
	s0 =	simm.s32 @!p1 $0x0  }
0x14: {  	s2 =	sld [smem:$0x3F90];
	s0 =	simm.s32 @p1 $0x1  }
0x15: {  	[smem:$0x3FAD] =	sst s0;
	s0 =	simm.s32 @!p2 $0x0  }
0x16: {  	s3 =	sld [smem:$0x3FDB];
	s0 =	simm.s32 @p2 $0x1  }
0x17: {  	s4 =	simm.s32 $0x1BF5;
	[smem:$0x3FAF] =	sst s0  }
0x18: {  	s0 =	sld [smem:$0x3F92];
	_ =	swait.ge [sflag:s4], $0x0  }
0x19: {  	s7 =	sld [smem:$0x3F93]  }
0x1a: {  	s8 =	sadd.s32 $0xFFFFE003, lr  }
0x1b: {  	s9 =	sadd.s32 $0xFFFFFEF7, lr;
	s5 =	simm.s32 $0xFFFFFFFF;
	p2 =	slt.u32 s8, $0xFFFFF086  }
0x1c: {  	p1 =	slt.u32 s9, $0xF7A;
	s5 =	simm.s32 @!p2 $0x0  }
0x1d: {  	s5 =	simm.s32 @p1 $0x1;
	p0 =	seq.s32 s7, s2  }
0x1e: {  	s7 =	smul.u32 @!p0 $0xF7A, s2;
	p2 =	seq.s32 @!p0 s5, $0x0  }
0x1f: {  	s9 =	smul.u32 $0xF7A, s1;
	s8 =	simm.s32 @!p0 $0x1BF5;
	p2 =	por !p2, p0  }
0x20: {  	[sflag:s8] =	ssyncset.s32 @!p0 $0xFFFFF086;
	s6 =	sadd.s32 @!p0 s3, s7;
	s7 =	simm.s32 @!p0 $0x108  }
0x21: {  	s3 =	sadd.s32 s3, s9;
	s6 =	sadd.s32 @!p0 $0x88, s6;
	s7 =	simm.s32 @p2 $0x1082  }
0x22: {  	[simem:s7], [sflag:s8] =	dma.local @!p0 [hbm:s6], $0xF7A  }
0x23: {  	s9 =	sor.u32 $0xD0000000, s2;
	s6 =	simm.s32 $0x108;
	_ =	swait.ge @!p0 [sflag:s8], $0x0  }
0x24: {  	s3 =	sadd.s32 $0x88, s3;
	s6 =	simm.s32 @!p1 $0x1082;
	[sflag:s4] =	ssyncset.s32 $0xFFFFF086  }
0x25: {  	[simem:s6], [sflag:s4] =	dma.local [hbm:s3], $0xF7A  }
0x26: {  	[smem:$0x3F93] =	sst s1;
	(tag) =	ssettag s2;
	_ =	strace s9  }
0x27: {  	s1 =	sld [smem:$0x3FA3]  }
0x28: {  	s2 =	sld [smem:$0x3FA4]  }
0x29: {  	s4 =	sld [smem:$0x3FA6]  }
0x2a: {  	p0 =	seq.s32 s5, $0x0;
	s5 =	sld [smem:$0x3FA7]  }
0x2b: {  	s6 =	sld [smem:$0x3FA8]  }
0x2c: {  	s7 =	sld [smem:$0x3FA9]  }
0x2d: {  	s3 =	simm.s32 $0x108;
	s8 =	sld [smem:$0x3FAA]  }
0x2e: {  	s3 =	simm.s32 @!p0 $0x1082;
	s9 =	sld [smem:$0x3FAB]  }
0x2f: {  	lr =	sadd.s32 s0, s3;
	s0 =	sld [smem:$0x3FA2]  }
0x30: {  	s3 =	sld [smem:$0x3FA5]  }
0x31: {  	[smem:$0x3FAE] =	sst s10  }
0x32: {  	s10 =	sld [smem:$0x3FAC];
	_ =	sdelay $0x3  }
0x33: {  	p0 =	seq.s32 s10, $0x1;
	s10 =	sld [smem:$0x3FAE];
	_ =	sdelay $0x3  }
0x34: {  	[smem:$0x3FAE] =	sst s10  }
0x35: {  	s10 =	sld [smem:$0x3FAD];
	_ =	sdelay $0x3  }
0x36: {  	p1 =	seq.s32 s10, $0x1;
	s10 =	sld [smem:$0x3FAE];
	_ =	sdelay $0x3  }
0x37: {  	[smem:$0x3FAE] =	sst s10  }
0x38: {  	s10 =	sld [smem:$0x3FAF]  }
0x39: {  	_ = 	snop;
	(pc) =	sbr.ind lr, $3  }
0x3a: {  	_ = 	snop  }
0x3b: {  	_ = 	snop  }
0x3c: {  	p2 =	seq.s32 s10, $0x1;
	s10 =	sld [smem:$0x3FAE]  }
0x3d: {  	_ =	shalt  }
0x3e: {  	_ =	shalt  }
0x3f: {  	_ =	shalt  }
0x40: {  	_ =	shalt  }
0x41: {  	_ =	shalt  }
0x42: {  	_ =	shalt  }
0x43: {  	_ =	shalt  }
0x44: {  	_ =	shalt  }
0x45: {  	_ =	shalt  }
0x46: {  	_ =	shalt  }
0x47: {  	_ =	shalt  }
0x48: {  	_ =	shalt  }
0x49: {  	_ =	shalt  }
0x4a: {  	_ =	shalt  }
0x4b: {  	_ =	shalt  }
0x4c: {  	_ =	shalt  }
0x4d: {  	_ =	shalt  }
0x4e: {  	_ =	shalt  }
0x4f: {  	_ =	shalt  }
0x50: {  	_ =	shalt  }
0x51: {  	_ =	shalt  }
0x52: {  	_ =	shalt  }
0x53: {  	_ =	shalt  }
0x54: {  	_ =	shalt  }
0x55: {  	_ =	shalt  }
0x56: {  	_ =	shalt  }
0x57: {  	_ =	shalt  }
0x58: {  	_ =	shalt  }
0x59: {  	_ =	shalt  }
0x5a: {  	_ =	shalt  }
0x5b: {  	_ =	shalt  }
0x5c: {  	_ =	shalt  }
0x5d: {  	_ =	shalt  }
0x5e: {  	_ =	shalt  }
0x5f: {  	_ =	shalt  }
0x60: {  	_ =	shalt  }
0x61: {  	_ =	shalt  }
0x62: {  	_ =	shalt  }
0x63: {  	_ =	shalt  }
0x64: {  	_ =	shalt  }
0x65: {  	_ =	shalt  }
0x66: {  	_ =	shalt  }
0x67: {  	_ =	shalt  }
0x68: {  	_ =	shalt  }
0x69: {  	_ =	shalt  }
0x6a: {  	_ =	shalt  }
0x6b: {  	_ =	shalt  }
0x6c: {  	_ =	shalt  }
0x6d: {  	_ =	shalt  }
0x6e: {  	_ =	shalt  }
0x6f: {  	_ =	shalt  }
0x70: {  	_ =	shalt  }
0x71: {  	_ =	shalt  }
0x72: {  	_ =	shalt  }
0x73: {  	_ =	shalt  }
0x74: {  	_ =	shalt  }
0x75: {  	_ =	shalt  }
0x76: {  	_ =	shalt  }
0x77: {  	_ =	shalt  }
0x78: {  	_ =	shalt  }
0x79: {  	_ =	shalt  }
0x7a: {  	_ =	shalt  }
0x7b: {  	_ =	shalt  }
0x7c: {  	_ =	shalt  }
0x7d: {  	_ =	shalt  }
0x7e: {  	_ =	shalt  }
0x7f: {  	_ =	shalt  }
0x80: {  	_ =	shalt  }
0x81: {  	_ =	shalt  }
0x82: {  	_ =	shalt  }
0x83: {  	_ =	shalt  }
0x84: {  	_ =	shalt  }
0x85: {  	_ =	shalt  }
0x86: {  	_ =	shalt  }
0x87: {  	_ =	shalt  }
.Lfunc_end0:
.L_simem_size_0:
called_computation_lowered:
.L_overlay_start_0:
0x88: {  	s2 =	sld [smem:$0x3FD9]  }
0x89: {  	s3 =	sld [smem:$0x3FFE];
	_ =	sdelay $0x1  }
0x8a: {  	s1 =	srdreg.scid  }
0x8b: {  	s0 =	sand.u32 $0x1, s1  }
0x8c: {  	s16 =	sshll.u32 s0, $0xA;
	s2 =	sadd.s32 s3, s2  }
0x8d: {  	s2 =	sadd.s32 s2, s16  }
0x8e: {  	[smem:$0x3FBA] =	sst s2  }
0x8f: {  	_ = 	snop  }
0x90: {  	(tm) =	ssettm $0x1  }
0x91: {  	s17 =	sld [smem:$0x3FFB];
	_ =	sdelay $0x3  }
0x92: {  	_ =	strace s17  }
0x93: {  	s2 =	sld [smem:$0x3FFC];
	_ =	sdelay $0x3  }
0x94: {  	_ =	strace s2  }
0x95: {  	s2 =	sld [smem:$0x3FFD];
	_ =	sdelay $0x3  }
0x96: {  	_ =	strace s2  }
0x97: {  	_ =	strace $0x8FFFFFFF  }
0x98: {  	s18 =	sld [smem:$0x3FDB];
	_ =	sdelay $0x1  }
0x99: {  	s19 =	simm.s32 $_scs_section_size  }
0x9a: {  	s4 =	simm.s32 $_size__tile_overlayer_lowered;
	s5 =	simm.s32 $_tile_overlayer_lowered  }
0x9b: {  	s22 =	simm.s32 $0x1BFF;
	s21 =	sshll.u32 s5, $0x1;
	s2 =	sadd.s32 s19, s18  }
0x9c: {  	s6 =	simm.s32 $0x0;
	s20 =	sshll.u32 s4, $0x1;
	s4 =	sadd.s32 s21, s2  }
0x9d: {  	[timem:s6], [sflag:s22] =	dma.local [hbm:s4], s20  }
0x9e: {  	_ =	swait.ge [sflag:s22], s20  }
0x9f: {  	s3 =	ssub.s32 $0x0, s20;
	[sflag:s22] =	ssyncset.done $0x0  }
0xa0: {  	[sflag:s22] =	ssyncadd.s32 s3;
	_ =	sdelay $0x1  }
0xa1: {  	s23 =	simm.s32 $0x1B8B  }
0xa2: {  	_ =	swait.ge [sflag:s23], $0x1  }
0xa3: {  	[sflag:s23] =	ssyncset.done $0x0  }
0xa4: {  	s25 =	simm.s32 $0x1B8E;
	s24 =	sld [smem:$0x3FFE];
	[sflag:s23] =	ssyncadd.s32 $0xFFFFFFFF  }
0xa5: {  	s26 =	simm.s32 $execute0_lowered;
	[smem:$0x3FD2] =	sst s25  }
0xa6: {  	s4 =	sshll.u32 s26, $0x1;
	_ =	strace $0x80000046;
	[dreg:$0x1] =	wrdreg $0xFFFFFFFF  }
0xa7: {  	s28 =	simm.s32 $_size_execute0_lowered;
	s2 =	sadd.s32 s2, s4;
	[dreg:$0x0] =	wrdreg $0x0  }
0xa8: {  	s4 =	sshll.u32 s28, $0x1;
	[dreg:$0x2] =	wrdreg s2  }
0xa9: {  	[dreg:$0x3] =	wrdreg s4  }
0xaa: {  	[dreg:$0x4] =	wrdreg $0xC0  }
0xab: {  	_ =	task [dreg:s6], $0x5FFFF  }
0xac: {  	[dreg:$0x1] =	wrdreg $0xFFFFFFFF  }
0xad: {  	[dreg:$0x0] =	wrdreg $0x60  }
0xae: {  	[dreg:$0x2] =	wrdreg s24  }
0xaf: {  	[dreg:$0x3] =	wrdreg $0x5DC00  }
0xb0: {  	[dreg:$0x4] =	wrdreg $0x9  }
0xb1: {  	_ =	task.clear_ibuf [dreg:s6], $0x5FFFF;
	_ =	strace $0x90000046  }
0xb2: {  	s29 =	simm.s32 $0x9;
	_ =	strace $0x80000048  }
0xb3: {  	_ =	swait.ge [sflag:s29], $0x1  }
0xb4: {  	[sflag:s29] =	ssyncadd.s32 $0xFFFFFFFF  }
0xb5: {  	_ =	strace $0x90000048  }
0xb6: {  	_ =	sfence  }
0xb7: {  	s30 =	sld [smem:$0x0];
	_ =	sdelay $0x2  }
0xb8: {  	s31 =	sshll.u32 s1, $0xD;
	s1 =	sshrl.u32 s1, $0x2  }
0xb9: {  	s3 =	sand.u32 $0x4000, s31;
	s1 =	sadd.s32 s1, s30  }
0xba: {  	s0 =	sor.u32 s3, s0;
	s1 =	sshll.u32 s1, $0x11  }
0xbb: {  	s0 =	sor.u32 s1, s0  }
0xbc: {  	s0 =	sadd.s32 $0x8F2B, s0  }
0xbd: {  	[sflag:s0] =	ssyncadd.remote.s32 $0x1  }
0xbe: {  	_ =	sfence.sel $0xFFFF  }
0xbf: {  	[dreg:$0x0] =	wrdreg $0xFFFFFFFF;
	(pc) =	sbr.abs _section_cstart, $3  }
0xc0: {  	[dreg:$0x1] =	wrdreg $0xFFFFFFFF  }
0xc1: {  	_ =	task.clear_ibuf [dreg:s6], $0x2FFFF;
	_ =	strace $0x9FFFFFFF  }
0xc2: {  	(tm) =	ssettm $0x7FFFFFFF  }
0xc3: {  	_ =	shalt  }
tec
execute0_lowered:
.L_overlay_start_1:
0x0: {  	(tag) =	ssettag $0x1  }
0x1: {  	s3 =	rddreg [dreg:$0x0];
	s0 =	srdreg.scid  }
0x2: {  	s5 =	rddreg [dreg:$0x1];
	s1 =	stileid.u32;
	s2 =	simm.s32 $0x0  }
0x3: {  	s11 =	simm.s32 $0x4E20;
	s4 =	sand.u32 $0x1, s0;
	s0 =	rddreg [dreg:$0x2]  }
0x4: {  	s12 =	simm.s32 $0x0;
	s7 =	smul.u32 $0x7D0, s1;
	[smem:$0x7FF] =	sst s2  }
0x5: {  	s9 =	smul.u32 $0x9C40, s1;
	p0 =	sgt.u32 s1, $0x4;
	s6 =	sshll.u32 s4, $0x4  }
0x6: {  	s8 =	smul.u32 $0x2710, s4;
	s4 =	ssub.s32 $0x2, s4;
	s6 =	sor.u32 s1, s6  }
0x7: {  	_ =	strace $0x80000047;
	s31 =	sshrl.u32 s4, $0x1;
	s6 =	smul.u32 $0x4E2, s6  }
.Ltmp0:
0x8: {  	s9 =	sshrl.u32 s9, $0x2;
	s8 =	sadd.s32 s7, s8;
	(pc) =	sbr.rel .LBB2_1-.Ltmp0, $4  }
0x9: {  	s10 =	ssub.s32 s4, s31;
	s4 =	sadd.s32 s9, s5;
	s5 =	sadd.s32 s7, s5  }
0xa: {  	s9 =	simm.s32 $0x2710;
	s8 =	sshrl.u32 s8, $0x3;
	s7 =	smax.u32 s10, $0x1  }
0xb: {  	s10 =	simm.s32 $0x55F0;
	s6 =	sadd.s32 s6, s3;
	s8 =	sadd.s32 s8, s3  }
0xc: {  	v0 =	vimm.f32 $0.0e+00;
	v1 =	vimm.f32 $1.000000000e+00;
	s3 =	sadd.s32 $0xBE00, s6;
	s6 =	sadd.s32 $0x15C00, s8;
	s8 =	simm.s32 $0x1  }
.LBB2_11:
0xd: {  	s12 =	sadd.s32 $0x1, s12  }
0xe: {  	p1 =	sne.s32 s12, s7  }
.Ltmp1:
0xf: {  	_ = 	snop;
	(pc) =	sbr.rel @!p1 .LBB2_12-.Ltmp1, $1  }
0x10: {  	_ =	sdelay $0x3  }
.LBB2_1:
0x11: {  	[tilespmem:s2], [sflag:$0x1] =	stream.linear.gather [hbm4b:s3+s2], $0x2710, $0x38;
	[tilespmem:$0x84D0] =	vst v63  }
0x12: {  	_ =	swait.ge [sflag:s8], $0x2710  }
0x13: {  	[sflag:s8] =	ssyncset.done $0x0  }
0x14: {  	s13 =	simm.s32 $0x0;
	[sflag:s8] =	ssyncadd.s32 $0xFFFFD8F0  }
.LBB2_2:
0x15: {  	p1 =	sne.s32 s13, $0x9C00  }
.Ltmp2:
0x16: {  	_ = 	snop;
	(pc) =	sbr.rel @p1 .LBB2_2-.Ltmp2, $3  }
0x17: {  	_ =	sdelay $0x1  }
0x18: {  	s14 =	sshra.s32 s13, $0x2  }
0x19: {  	s13 =	sadd.s32 $0x40, s13;
	[tilespmem:s14+$0x2710] =	vst v0  }
0x1a: {  	s14 =	simm.s32 $0x0;
	s13 =	simm.s32 $0x40  }
.LBB2_4:
0x1b: {  	p1 =	sne.s32 s13, $0x9C00;
	v2 =	vld [tilespmem:s14+$0x0];
	_ =	sdelay $0x3  }
.Ltmp3:
0x1c: {  	(pc) =	sbr.rel @p1 .LBB2_4-.Ltmp3, $2  }
0x1d: {  	_ =	sdelay $0x2  }
0x1e: {  	s14 =	sshra.s32 s13, $0x2;
	s13 =	sadd.s32 $0x40, s13;
	[tilespmem:v2+s9+$0x0] =	vst.idx.add.f32.msk $0xffff, v1  }
0x1f: {  	v2 =	vld [tilespmem:s14+$0x0];
	_ =	sdelay $0x7  }
0x20: {  	[tilespmem:v2+s9+$0x0] =	vst.idx.add.f32.msk $0xffff, v1  }
0x21: {  	[spmem:s4] =	stream.linear.scatter [tilespmem:s9], [sflag:$0x1], $0x2710, $0x38;
	[tilespmem:$0x84D0] =	vst v63  }
.Ltmp4:
0x22: {  	_ =	swait.ge [sflag:s8], $0x2710;
	(pc) =	sbr.rel @p0 .LBB2_11-.Ltmp4, $3  }
0x23: {  	[sflag:s8] =	ssyncset.done $0x0  }
0x24: {  	[sflag:s8] =	ssyncadd.s32 $0xFFFFD8F0  }
0x25: {  	[bflag:$0x0] =	sbarrier.arrive $0xFFFF;
	_ =	sdelay $0x1  }
0x26: {  	[tilespmem:s10], [sflag:$0x1] =	stream.linear.gather [spmem:s5], $0x7D0, $0x38;
	[tilespmem:$0x84D0] =	vst v63  }
0x27: {  	s13 =	simm.s32 $0x1  }
0x28: {  	_ =	swait.ge [sflag:s13], $0x7D0  }
0x29: {  	[sflag:s13] =	ssyncset.done $0x0  }
0x2a: {  	[sflag:s13] =	ssyncadd.s32 $0xFFFFF830  }
.LBB2_7:
0x2b: {  	s14 =	smul.u32 $0x9C40, s13;
	_ =	sdelay $0x1  }
0x2c: {  	s14 =	sshra.s32 s14, $0x2  }
0x2d: {  	s14 =	sadd.s32 s14, s5  }
0x2e: {  	[tilespmem:s11], [sflag:$0x1] =	stream.linear.gather [spmem:s14], $0x7D0, $0x38;
	[tilespmem:$0x84D0] =	vst v63  }
0x2f: {  	_ =	swait.ge [sflag:s8], $0x7D0  }
0x30: {  	[sflag:s8] =	ssyncset.done $0x0  }
0x31: {  	s14 =	simm.s32 $0x0;
	[sflag:s8] =	ssyncadd.s32 $0xFFFFF830  }
0x32: {  	s15 =	simm.s32 $0x40;
	v2 =	vld [tilespmem:s14+$0x4E20]  }
.LBB2_8:
0x33: {  	p1 =	sne.s32 s15, $0x1F00;
	v3 =	vld [tilespmem:s14+$0x55F0];
	_ =	sdelay $0x2  }
.Ltmp5:
0x34: {  	(pc) =	sbr.rel @p1 .LBB2_8-.Ltmp5, $4  }
0x35: {  	_ = 	snop  }
0x36: {  	v3 =	vadd.f32 v2, v3  }
0x37: {  	s16 =	sshra.s32 s15, $0x2  }
0x38: {  	s15 =	sadd.s32 $0x40, s15;
	v2 =	vld [tilespmem:s16+$0x4E20];
	[tilespmem:s14+$0x55F0] =	vst v3;
	s14 =	smov.u32 s16  }
0x39: {  	v3 =	vld [tilespmem:s14+$0x55F0]  }
0x3a: {  	s13 =	sadd.s32 $0x1, s13  }
0x3b: {  	p1 =	sne.s32 s13, $0x10  }
.Ltmp6:
0x3c: {  	_ = 	snop;
	(pc) =	sbr.rel @p1 .LBB2_7-.Ltmp6, $3  }
0x3d: {  	_ = 	snop  }
0x3e: {  	v2 =	vadd.f32 v2, v3;
	_ =	sdelay $0x1  }
0x3f: {  	[tilespmem:s14+$0x55F0] =	vst v2  }
.Ltmp7:
0x40: {  	(pc) =	sbr.rel .LBB2_11-.Ltmp7, $4  }
0x41: {  	[hbm4b:s6+s2] =	stream.linear.scatter [tilespmem:s10], [sflag:$0x1], $0x7D0, $0x38;
	[tilespmem:$0x84D0] =	vst v63  }
0x42: {  	_ =	swait.ge [sflag:s8], $0x7D0  }
0x43: {  	[sflag:s8] =	ssyncset.done $0x0  }
0x44: {  	[sflag:s8] =	ssyncadd.s32 $0xFFFFF830  }
.LBB2_12:
0x45: {  	_ =	sfence.sel $0x180000  }
0x46: {  	[bflag:$0x0] =	sbarrier.arrive $0xFFFF  }
0x47: {  	p0 =	sne.s32 s1, $0x0;
	_ =	strace $0x90000047  }
0x48: {  	s0 =	sadd.s32 @!p0 $0x100000, s0;
	[bflag:$0x2] =	sbarrier.arrive $0xFFFF  }
0x49: {  	[sflag:s0] =	ssyncadd.tile.s32 @!p0 $0x1;
	_ =	shalt  }
.Lfunc_end2:
_tile_overlayer_lowered:
.L_overlay_start_2:
0x4a: {  	(tag) =	ssettag $0x2  }
0x4b: {  	s0 =	rddreg [dreg:$0x0];
	s2 =	stileid.u32  }
0x4c: {  	s1 =	rddreg [dreg:$0x1];
	p0 =	sne.s32 s2, $0x0  }
0x4d: {  	s3 =	rddreg [dreg:$0x2];
	[bflag:$0x3] =	sbarrier.arrive $0xFFFF;
	s2 =	simm.s32 @!p0 $0x1C01  }
0x4e: {  	[timem:s3], [sflag:s2] =	dma.local @!p0 [hbm:s0], s1  }
0x4f: {  	s0 =	simm.s32 @!p0 $0x1  }
0x50: {  	_ =	swait.ge @!p0 [sflag:s0], s1  }
0x51: {  	s1 =	ssub.s32 @!p0 $0x0, s1;
	[sflag:s0] =	ssyncset.done @!p0 $0x0  }
0x52: {  	[sflag:s0] =	ssyncadd.s32 @!p0 s1  }
0x53: {  	[bflag:$0x3] =	sbarrier.arrive $0xFFFF  }
0x54: {  	_ =	shalt  }

</sc_bundles>
